<compile_context>
chip_gen: v7x
topology: tpu7x:2x2x1
jax: 0.10.2.dev20260603
libtpu: 0.0.44.dev20260713+nightly
codegen_flags: <defaults>
</compile_context>

<pallas_src>
import jax
import jax.numpy as jnp
from jax import lax
from jax.experimental import pallas as pl
from jax.experimental.pallas import tpu as pltpu
from jax.experimental.pallas import tpu_sc as plsc

DIM_ = 1024
NSTEPS_ = 3072
ROW_BLOCK = 512
NCORES = 2
NSUB = 16
COLS_PER = DIM_ // NSUB
STEPS_PER = NSTEPS_ // NCORES


def _cs_kernel(a_ref, o_ref):
    a = a_ref[...]
    o_ref[0, :, :] = jnp.cos(a)
    o_ref[1, :, :] = jnp.sin(a)


def _sc_build_body(pi_hbm, pj_hbm, cos_hbm, sin_hbm, out_hbm,
                   pi_v, pj_v, cos_v, sin_v, m0, m1, m2, m3):
    cid = lax.axis_index("c")
    sid = lax.axis_index("s")
    base = cid * STEPS_PER
    col0 = sid * COLS_PER
    slabs = (m0, m1, m2, m3)

    pltpu.sync_copy(pi_hbm.at[pl.ds(base, STEPS_PER)], pi_v)
    pltpu.sync_copy(pj_hbm.at[pl.ds(base, STEPS_PER)], pj_v)
    pltpu.sync_copy(cos_hbm, cos_v)
    pltpu.sync_copy(sin_hbm, sin_v)

    zeros = jnp.zeros((16,), jnp.float32)

    def zero_row(r, _):
        for m in slabs:
            m[r, :] = zeros
        return 0

    lax.fori_loop(0, DIM_, zero_row, 0)
    lanes = lax.iota(jnp.int32, 16)
    for q in range(COLS_PER):
        onehot = jnp.where(lanes == (q % 16), 1.0, 0.0).astype(jnp.float32)
        slabs[q // 16][col0 + q, :] = onehot

    def chunk_body(tc, _):
        t0 = tc * 16
        tm0 = lax.rem(base + t0, DIM_)
        pi_c = pi_v[pl.ds(t0, 16)]
        pj_c = pj_v[pl.ds(t0, 16)]
        cos_c = cos_v[pl.ds(tm0, 16)]
        sin_c = sin_v[pl.ds(tm0, 16)]
        for u in range(16):
            i = pi_c[u]
            j = pj_c[u]
            c = cos_c[u]
            s = sin_c[u]
            for m in slabs:
                mi = m[i, :]
                mj = m[j, :]
                m[i, :] = c * mi - s * mj
                m[j, :] = s * mi + c * mj
        return 0

    lax.fori_loop(0, STEPS_PER // 16, chunk_body, 0)

    for k, m in enumerate(slabs):
        pltpu.sync_copy(m, out_hbm.at[cid, :, pl.ds(col0 + 16 * k, 16)])


def _combine_kernel(a_ref, b_ref, o_ref):
    o_ref[...] = jnp.dot(
        b_ref[...], a_ref[...], preferred_element_type=jnp.float32
    )


def _matmul_kernel(x_ref, m_ref, o_ref):
    o_ref[...] = jax.lax.dot_general(
        x_ref[...], m_ref[...],
        dimension_numbers=(((1,), (1,)), ((), ())),
        preferred_element_type=jnp.float32,
    )


def kernel(x, angles, pairs_i, pairs_j):
    dim = angles.shape[0]
    x2d = x.reshape(-1, dim).astype(jnp.float32)
    n_rows = x2d.shape[0]

    cs = pl.pallas_call(
        _cs_kernel,
        out_shape=jax.ShapeDtypeStruct((2, 8, 128), jnp.float32),
    )(angles.reshape(8, 128).astype(jnp.float32))
    cs = cs.reshape(2, dim)

    mesh = plsc.VectorSubcoreMesh(
        core_axis_name="c", subcore_axis_name="s",
        num_cores=NCORES, num_subcores=NSUB,
    )
    sc_build = pl.kernel(
        _sc_build_body,
        out_type=jax.ShapeDtypeStruct((NCORES, dim, dim), jnp.float32),
        mesh=mesh,
        scratch_types=[
            pltpu.VMEM((STEPS_PER,), jnp.int32),
            pltpu.VMEM((STEPS_PER,), jnp.int32),
            pltpu.VMEM((dim,), jnp.float32),
            pltpu.VMEM((dim,), jnp.float32),
            pltpu.VMEM((dim, 16), jnp.float32),
            pltpu.VMEM((dim, 16), jnp.float32),
            pltpu.VMEM((dim, 16), jnp.float32),
            pltpu.VMEM((dim, 16), jnp.float32),
        ],
        compiler_params=pltpu.CompilerParams(use_tc_tiling_on_sc=False),
    )
    halves = sc_build(pairs_i, pairs_j, cs[0], cs[1])

    c = pl.pallas_call(
        _combine_kernel,
        out_shape=jax.ShapeDtypeStruct((dim, dim), jnp.float32),
    )(halves[0], halves[1])

    grid = (n_rows // ROW_BLOCK,)
    y2d = pl.pallas_call(
        _matmul_kernel,
        out_shape=jax.ShapeDtypeStruct((n_rows, dim), jnp.float32),
        grid=grid,
        in_specs=[
            pl.BlockSpec((ROW_BLOCK, dim), lambda r: (r, 0)),
            pl.BlockSpec((dim, dim), lambda r: (0, 0)),
        ],
        out_specs=pl.BlockSpec((ROW_BLOCK, dim), lambda r: (r, 0)),
    )(x2d, c)

    return y2d.reshape(x.shape).astype(x.dtype)

# --- scband reference (transcript-rebuilt; emitter-appended) ---
"""Pipeline reference for scband-parametric-kac-layer-72688026517802 (READ-ONLY COPY).

The authoritative reference and input builder live on the scoring server;
editing this copy changes nothing except your own understanding.
"""

import math
import jax, jax.numpy as jnp
import numpy as np

DIM = 1024
SEED = 2024
N_STEPS = math.ceil(math.log2(DIM) * 0.3) * DIM  # 3072


def setup_inputs(seed: int = 0) -> dict:
    key = jax.random.key(seed)
    kx, ka = jax.random.split(key)
    x = jax.random.normal(kx, (2, 4096, DIM), dtype=jnp.float32)
    # learned parameter (nn.Parameter angles); small nonzero values so rotations are nontrivial
    angles = jax.random.normal(ka, (DIM,), dtype=jnp.float32) * 0.1
    # deterministic pair schedule derived from seed*2, mimicking the seeded Kac random walk kernel
    rng = np.random.RandomState(SEED * 2)
    pi = rng.randint(0, DIM, size=N_STEPS)
    pj = rng.randint(0, DIM - 1, size=N_STEPS)
    pj = pj + (pj >= pi)  # ensure i != j
    return {
        "x": x,
        "angles": angles,
        "pairs_i": jnp.asarray(pi, dtype=jnp.int32),
        "pairs_j": jnp.asarray(pj, dtype=jnp.int32),
    }


def reference(x, angles, pairs_i, pairs_j):
    dim = angles.shape[0]
    x2d = x.reshape(-1, dim).astype(jnp.float32)
    n_steps = pairs_i.shape[0]
    # step t uses learnable angle angles[t % dim]
    thetas = angles[jnp.arange(n_steps) % dim]

    def body(carry, inp):
        i, j, th = inp
        c = jnp.cos(th)
        s = jnp.sin(th)
        xi = carry[:, i]
        xj = carry[:, j]
        carry = carry.at[:, i].set(c * xi - s * xj)
        carry = carry.at[:, j].set(s * xi + c * xj)
        return carry, None

    y2d, _ = jax.lax.scan(body, x2d, (pairs_i, pairs_j, thetas))
    return y2d.reshape(x.shape).astype(x.dtype)

if __name__ == "__main__":
    import jax
    _d = setup_inputs()
    print(jax.jit(kernel)(*tuple(_d.values())))

</pallas_src>

<mosaic_0001>
#map = affine_map<(d0, d1) -> (0)>
#map1 = affine_map<(d0, d1) -> (0, 0, 0)>
module attributes {stable_mosaic.version = 14 : i64} {
  func.func @_sc_build_body(%arg0: i32, %arg1: i32, %arg2: memref<3072xi32, #tpu.memory_space<hbm>>, %arg3: memref<3072xi32, #tpu.memory_space<hbm>>, %arg4: memref<1024xf32, #tpu.memory_space<hbm>>, %arg5: memref<1024xf32, #tpu.memory_space<hbm>>, %arg6: memref<2x1024x1024xf32, #tpu.memory_space<hbm>>, %arg7: memref<1536xi32, #tpu.memory_space<vmem>>, %arg8: memref<1536xi32, #tpu.memory_space<vmem>>, %arg9: memref<1024xf32, #tpu.memory_space<vmem>>, %arg10: memref<1024xf32, #tpu.memory_space<vmem>>, %arg11: memref<1024x16xf32, #tpu.memory_space<vmem>>, %arg12: memref<1024x16xf32, #tpu.memory_space<vmem>>, %arg13: memref<1024x16xf32, #tpu.memory_space<vmem>>, %arg14: memref<1024x16xf32, #tpu.memory_space<vmem>>) attributes {dimension_semantics = [#tpu.dimension_semantics<core_parallel>, #tpu.dimension_semantics<subcore_parallel>], iteration_bounds = array<i64: 2, 16>, scalar_prefetch = 0 : i64, scratch_operands = 8 : i64, tpu.core_type = #tpu.core_type<sc_vector_subcore>, window_params = [{transform_indices = #map}, {transform_indices = #map}, {transform_indices = #map}, {transform_indices = #map}, {transform_indices = #map1}]} {
    %mul3A = arith.constant 1536 : i32
    %mul3A_0 = arith.muli %arg0, %mul3A : i32
    %mul3A_1 = arith.constant 64 : i32
    %mul3A_2 = arith.muli %arg1, %mul3A_1 : i32
    "tpu.region"() ({
      %run_scoped3A = tpu.sem_alloc : memref<!tpu.dma_semaphore, #tpu.memory_space<semaphore_mem>>
      %dma_start3A = tpu.memref_slice %arg2[%mul3A_0] : memref<3072xi32, #tpu.memory_space<hbm>> -> memref<1536xi32, #tpu.memory_space<hbm>>
      %dma_start3A_980 = tpu.memref_slice %arg2[%mul3A_0] : memref<3072xi32, #tpu.memory_space<hbm>> -> memref<1536xi32, #tpu.memory_space<hbm>>
      tpu.enqueue_dma source(%dma_start3A_980 : memref<1536xi32, #tpu.memory_space<hbm>>) target(%arg7 : memref<1536xi32, #tpu.memory_space<vmem>>) target_semaphore(%run_scoped3A : memref<!tpu.dma_semaphore, #tpu.memory_space<semaphore_mem>>)
      %dma_wait3A = tpu.memref_slice %arg2[%mul3A_0] : memref<3072xi32, #tpu.memory_space<hbm>> -> memref<1536xi32, #tpu.memory_space<hbm>>
      %dma_wait3A_981 = tpu.memref_slice %arg2[%mul3A_0] : memref<3072xi32, #tpu.memory_space<hbm>> -> memref<1536xi32, #tpu.memory_space<hbm>>
      tpu.wait_dma2 semaphore(%run_scoped3A : memref<!tpu.dma_semaphore, #tpu.memory_space<semaphore_mem>>) src(%dma_wait3A_981 : memref<1536xi32, #tpu.memory_space<hbm>>) dst(%arg7 : memref<1536xi32, #tpu.memory_space<vmem>>)
      tpu.yield
    }) : () -> ()
    "tpu.region"() ({
      %run_scoped3A = tpu.sem_alloc : memref<!tpu.dma_semaphore, #tpu.memory_space<semaphore_mem>>
      %dma_start3A = tpu.memref_slice %arg3[%mul3A_0] : memref<3072xi32, #tpu.memory_space<hbm>> -> memref<1536xi32, #tpu.memory_space<hbm>>
      %dma_start3A_980 = tpu.memref_slice %arg3[%mul3A_0] : memref<3072xi32, #tpu.memory_space<hbm>> -> memref<1536xi32, #tpu.memory_space<hbm>>
      tpu.enqueue_dma source(%dma_start3A_980 : memref<1536xi32, #tpu.memory_space<hbm>>) target(%arg8 : memref<1536xi32, #tpu.memory_space<vmem>>) target_semaphore(%run_scoped3A : memref<!tpu.dma_semaphore, #tpu.memory_space<semaphore_mem>>)
      %dma_wait3A = tpu.memref_slice %arg3[%mul3A_0] : memref<3072xi32, #tpu.memory_space<hbm>> -> memref<1536xi32, #tpu.memory_space<hbm>>
      %dma_wait3A_981 = tpu.memref_slice %arg3[%mul3A_0] : memref<3072xi32, #tpu.memory_space<hbm>> -> memref<1536xi32, #tpu.memory_space<hbm>>
      tpu.wait_dma2 semaphore(%run_scoped3A : memref<!tpu.dma_semaphore, #tpu.memory_space<semaphore_mem>>) src(%dma_wait3A_981 : memref<1536xi32, #tpu.memory_space<hbm>>) dst(%arg8 : memref<1536xi32, #tpu.memory_space<vmem>>)
      tpu.yield
    }) : () -> ()
    "tpu.region"() ({
      %run_scoped3A = tpu.sem_alloc : memref<!tpu.dma_semaphore, #tpu.memory_space<semaphore_mem>>
      tpu.enqueue_dma source(%arg4 : memref<1024xf32, #tpu.memory_space<hbm>>) target(%arg9 : memref<1024xf32, #tpu.memory_space<vmem>>) target_semaphore(%run_scoped3A : memref<!tpu.dma_semaphore, #tpu.memory_space<semaphore_mem>>)
      tpu.wait_dma2 semaphore(%run_scoped3A : memref<!tpu.dma_semaphore, #tpu.memory_space<semaphore_mem>>) src(%arg4 : memref<1024xf32, #tpu.memory_space<hbm>>) dst(%arg9 : memref<1024xf32, #tpu.memory_space<vmem>>)
      tpu.yield
    }) : () -> ()
    "tpu.region"() ({
      %run_scoped3A = tpu.sem_alloc : memref<!tpu.dma_semaphore, #tpu.memory_space<semaphore_mem>>
      tpu.enqueue_dma source(%arg5 : memref<1024xf32, #tpu.memory_space<hbm>>) target(%arg10 : memref<1024xf32, #tpu.memory_space<vmem>>) target_semaphore(%run_scoped3A : memref<!tpu.dma_semaphore, #tpu.memory_space<semaphore_mem>>)
      tpu.wait_dma2 semaphore(%run_scoped3A : memref<!tpu.dma_semaphore, #tpu.memory_space<semaphore_mem>>) src(%arg5 : memref<1024xf32, #tpu.memory_space<hbm>>) dst(%arg10 : memref<1024xf32, #tpu.memory_space<vmem>>)
      tpu.yield
    }) : () -> ()
    %broadcast_in_dim3A = arith.constant 0.000000e+00 : f32
    %broadcast_in_dim3A_3 = vector.broadcast %broadcast_in_dim3A : f32 to vector<16xf32>
    %scan3A = arith.constant 0 : i32
    %scan3A_4 = arith.constant 0 : i32
    %scan3A_5 = arith.constant 1024 : i32
    %scan3A_6 = arith.addi %scan3A_4, %scan3A_5 : i32
    %scan3A_7 = arith.constant 1 : i32
    %scan3A_8 = scf.for %scan3A_980 = %scan3A_4 to %scan3A_6 step %scan3A_7 iter_args(%scan3A_981 = %scan3A) -> (i32)  : i32 {
      %swap3A_982 = arith.index_cast %scan3A_980 : i32 to index
      %swap3A_983 = arith.constant 0 : index
      %swap3A_984 = tpu.vector_load %arg11[%swap3A_982, %swap3A_983] {strides = array<i32>} : memref<1024x16xf32, #tpu.memory_space<vmem>>, vector<1x16xf32>,
      %swap3A_985 = vector.shape_cast %swap3A_984 : vector<1x16xf32> to vector<16xf32>
      %swap3A_986 = vector.shape_cast %broadcast_in_dim3A_3 : vector<16xf32> to vector<1x16xf32>
      tpu.vector_store %arg11[%swap3A_982, %swap3A_983], %swap3A_986 {strides = array<i32>} : memref<1024x16xf32, #tpu.memory_space<vmem>>, vector<1x16xf32>,
      %swap3A_987 = arith.index_cast %scan3A_980 : i32 to index
      %swap3A_988 = arith.constant 0 : index
      %swap3A_989 = tpu.vector_load %arg12[%swap3A_987, %swap3A_988] {strides = array<i32>} : memref<1024x16xf32, #tpu.memory_space<vmem>>, vector<1x16xf32>,
      %swap3A_990 = vector.shape_cast %swap3A_989 : vector<1x16xf32> to vector<16xf32>
      %swap3A_991 = vector.shape_cast %broadcast_in_dim3A_3 : vector<16xf32> to vector<1x16xf32>
      tpu.vector_store %arg12[%swap3A_987, %swap3A_988], %swap3A_991 {strides = array<i32>} : memref<1024x16xf32, #tpu.memory_space<vmem>>, vector<1x16xf32>,
      %swap3A_992 = arith.index_cast %scan3A_980 : i32 to index
      %swap3A_993 = arith.constant 0 : index
      %swap3A_994 = tpu.vector_load %arg13[%swap3A_992, %swap3A_993] {strides = array<i32>} : memref<1024x16xf32, #tpu.memory_space<vmem>>, vector<1x16xf32>,
      %swap3A_995 = vector.shape_cast %swap3A_994 : vector<1x16xf32> to vector<16xf32>
      %swap3A_996 = vector.shape_cast %broadcast_in_dim3A_3 : vector<16xf32> to vector<1x16xf32>
      tpu.vector_store %arg13[%swap3A_992, %swap3A_993], %swap3A_996 {strides = array<i32>} : memref<1024x16xf32, #tpu.memory_space<vmem>>, vector<1x16xf32>,
      %swap3A_997 = arith.index_cast %scan3A_980 : i32 to index
      %swap3A_998 = arith.constant 0 : index
      %swap3A_999 = tpu.vector_load %arg14[%swap3A_997, %swap3A_998] {strides = array<i32>} : memref<1024x16xf32, #tpu.memory_space<vmem>>, vector<1x16xf32>,
      %swap3A_1000 = vector.shape_cast %swap3A_999 : vector<1x16xf32> to vector<16xf32>
      %swap3A_1001 = vector.shape_cast %broadcast_in_dim3A_3 : vector<16xf32> to vector<1x16xf32>
      tpu.vector_store %arg14[%swap3A_997, %swap3A_998], %swap3A_1001 {strides = array<i32>} : memref<1024x16xf32, #tpu.memory_space<vmem>>, vector<1x16xf32>,
      %scan3A_1002 = arith.constant 0 : i32
      scf.yield %scan3A_1002 : i32
    }
    %scan3A_9 = arith.constant 1024 : i32
    %iota3A = tpu.iota {dimensions = array<i32: 0>} : vector<16xi32>
    %eq3A = arith.constant 0 : i32
    %eq3A_10 = vector.broadcast %eq3A : i32 to vector<16xi32>
    %eq3A_11 = arith.cmpi eq, %iota3A, %eq3A_10 : vector<16xi32>
    %jit3A = arith.constant 1.000000e+00 : f32
    %jit3A_12 = arith.constant 0.000000e+00 : f32
    %broadcast_in_dim3A_13 = vector.broadcast %jit3A : f32 to vector<16xf32>
    %broadcast_in_dim3A_14 = vector.broadcast %jit3A_12 : f32 to vector<16xf32>
    %select_n3A = arith.select %eq3A_11, %broadcast_in_dim3A_13, %broadcast_in_dim3A_14 : vector<16xi1>, vector<16xf32>
    %add3A = arith.constant 0 : i32
    %add3A_15 = arith.addi %mul3A_2, %add3A : i32
    %swap3A = arith.index_cast %add3A_15 : i32 to index
    %swap3A_16 = arith.constant 0 : index
    %swap3A_17 = tpu.vector_load %arg11[%swap3A, %swap3A_16] {strides = array<i32>} : memref<1024x16xf32, #tpu.memory_space<vmem>>, vector<1x16xf32>,
    %swap3A_18 = vector.shape_cast %swap3A_17 : vector<1x16xf32> to vector<16xf32>
    %swap3A_19 = vector.shape_cast %select_n3A : vector<16xf32> to vector<1x16xf32>
    tpu.vector_store %arg11[%swap3A, %swap3A_16], %swap3A_19 {strides = array<i32>} : memref<1024x16xf32, #tpu.memory_space<vmem>>, vector<1x16xf32>,
    %eq3A_20 = arith.constant 1 : i32
    %eq3A_21 = vector.broadcast %eq3A_20 : i32 to vector<16xi32>
    %eq3A_22 = arith.cmpi eq, %iota3A, %eq3A_21 : vector<16xi32>
    %jit3A_23 = arith.constant 1.000000e+00 : f32
    %jit3A_24 = arith.constant 0.000000e+00 : f32
    %broadcast_in_dim3A_25 = vector.broadcast %jit3A_23 : f32 to vector<16xf32>
    %broadcast_in_dim3A_26 = vector.broadcast %jit3A_24 : f32 to vector<16xf32>
    %select_n3A_27 = arith.select %eq3A_22, %broadcast_in_dim3A_25, %broadcast_in_dim3A_26 : vector<16xi1>, vector<16xf32>
    %add3A_28 = arith.constant 1 : i32
    %add3A_29 = arith.addi %mul3A_2, %add3A_28 : i32
    %swap3A_30 = arith.index_cast %add3A_29 : i32 to index
    %swap3A_31 = arith.constant 0 : index
    %swap3A_32 = tpu.vector_load %arg11[%swap3A_30, %swap3A_31] {strides = array<i32>} : memref<1024x16xf32, #tpu.memory_space<vmem>>, vector<1x16xf32>,
    %swap3A_33 = vector.shape_cast %swap3A_32 : vector<1x16xf32> to vector<16xf32>
    %swap3A_34 = vector.shape_cast %select_n3A_27 : vector<16xf32> to vector<1x16xf32>
    tpu.vector_store %arg11[%swap3A_30, %swap3A_31], %swap3A_34 {strides = array<i32>} : memref<1024x16xf32, #tpu.memory_space<vmem>>, vector<1x16xf32>,
    %eq3A_35 = arith.constant 2 : i32
    %eq3A_36 = vector.broadcast %eq3A_35 : i32 to vector<16xi32>
    %eq3A_37 = arith.cmpi eq, %iota3A, %eq3A_36 : vector<16xi32>
    %jit3A_38 = arith.constant 1.000000e+00 : f32
    %jit3A_39 = arith.constant 0.000000e+00 : f32
    %broadcast_in_dim3A_40 = vector.broadcast %jit3A_38 : f32 to vector<16xf32>
    %broadcast_in_dim3A_41 = vector.broadcast %jit3A_39 : f32 to vector<16xf32>
    %select_n3A_42 = arith.select %eq3A_37, %broadcast_in_dim3A_40, %broadcast_in_dim3A_41 : vector<16xi1>, vector<16xf32>
    %add3A_43 = arith.constant 2 : i32
    %add3A_44 = arith.addi %mul3A_2, %add3A_43 : i32
    %swap3A_45 = arith.index_cast %add3A_44 : i32 to index
    %swap3A_46 = arith.constant 0 : index
    %swap3A_47 = tpu.vector_load %arg11[%swap3A_45, %swap3A_46] {strides = array<i32>} : memref<1024x16xf32, #tpu.memory_space<vmem>>, vector<1x16xf32>,
    %swap3A_48 = vector.shape_cast %swap3A_47 : vector<1x16xf32> to vector<16xf32>
    %swap3A_49 = vector.shape_cast %select_n3A_42 : vector<16xf32> to vector<1x16xf32>
    tpu.vector_store %arg11[%swap3A_45, %swap3A_46], %swap3A_49 {strides = array<i32>} : memref<1024x16xf32, #tpu.memory_space<vmem>>, vector<1x16xf32>,
    %eq3A_50 = arith.constant 3 : i32
    %eq3A_51 = vector.broadcast %eq3A_50 : i32 to vector<16xi32>
    %eq3A_52 = arith.cmpi eq, %iota3A, %eq3A_51 : vector<16xi32>
    %jit3A_53 = arith.constant 1.000000e+00 : f32
    %jit3A_54 = arith.constant 0.000000e+00 : f32
    %broadcast_in_dim3A_55 = vector.broadcast %jit3A_53 : f32 to vector<16xf32>
    %broadcast_in_dim3A_56 = vector.broadcast %jit3A_54 : f32 to vector<16xf32>
    %select_n3A_57 = arith.select %eq3A_52, %broadcast_in_dim3A_55, %broadcast_in_dim3A_56 : vector<16xi1>, vector<16xf32>
    %add3A_58 = arith.constant 3 : i32
    %add3A_59 = arith.addi %mul3A_2, %add3A_58 : i32
    %swap3A_60 = arith.index_cast %add3A_59 : i32 to index
    %swap3A_61 = arith.constant 0 : index
    %swap3A_62 = tpu.vector_load %arg11[%swap3A_60, %swap3A_61] {strides = array<i32>} : memref<1024x16xf32, #tpu.memory_space<vmem>>, vector<1x16xf32>,
    %swap3A_63 = vector.shape_cast %swap3A_62 : vector<1x16xf32> to vector<16xf32>
    %swap3A_64 = vector.shape_cast %select_n3A_57 : vector<16xf32> to vector<1x16xf32>
    tpu.vector_store %arg11[%swap3A_60, %swap3A_61], %swap3A_64 {strides = array<i32>} : memref<1024x16xf32, #tpu.memory_space<vmem>>, vector<1x16xf32>,
    %eq3A_65 = arith.constant 4 : i32
    %eq3A_66 = vector.broadcast %eq3A_65 : i32 to vector<16xi32>
    %eq3A_67 = arith.cmpi eq, %iota3A, %eq3A_66 : vector<16xi32>
    %jit3A_68 = arith.constant 1.000000e+00 : f32
    %jit3A_69 = arith.constant 0.000000e+00 : f32
    %broadcast_in_dim3A_70 = vector.broadcast %jit3A_68 : f32 to vector<16xf32>
    %broadcast_in_dim3A_71 = vector.broadcast %jit3A_69 : f32 to vector<16xf32>
    %select_n3A_72 = arith.select %eq3A_67, %broadcast_in_dim3A_70, %broadcast_in_dim3A_71 : vector<16xi1>, vector<16xf32>
    %add3A_73 = arith.constant 4 : i32
    %add3A_74 = arith.addi %mul3A_2, %add3A_73 : i32
    %swap3A_75 = arith.index_cast %add3A_74 : i32 to index
    %swap3A_76 = arith.constant 0 : index
    %swap3A_77 = tpu.vector_load %arg11[%swap3A_75, %swap3A_76] {strides = array<i32>} : memref<1024x16xf32, #tpu.memory_space<vmem>>, vector<1x16xf32>,
    %swap3A_78 = vector.shape_cast %swap3A_77 : vector<1x16xf32> to vector<16xf32>
    %swap3A_79 = vector.shape_cast %select_n3A_72 : vector<16xf32> to vector<1x16xf32>
    tpu.vector_store %arg11[%swap3A_75, %swap3A_76], %swap3A_79 {strides = array<i32>} : memref<1024x16xf32, #tpu.memory_space<vmem>>, vector<1x16xf32>,
    %eq3A_80 = arith.constant 5 : i32
    %eq3A_81 = vector.broadcast %eq3A_80 : i32 to vector<16xi32>
    %eq3A_82 = arith.cmpi eq, %iota3A, %eq3A_81 : vector<16xi32>
    %jit3A_83 = arith.constant 1.000000e+00 : f32
    %jit3A_84 = arith.constant 0.000000e+00 : f32
    %broadcast_in_dim3A_85 = vector.broadcast %jit3A_83 : f32 to vector<16xf32>
    %broadcast_in_dim3A_86 = vector.broadcast %jit3A_84 : f32 to vector<16xf32>
    %select_n3A_87 = arith.select %eq3A_82, %broadcast_in_dim3A_85, %broadcast_in_dim3A_86 : vector<16xi1>, vector<16xf32>
    %add3A_88 = arith.constant 5 : i32
    %add3A_89 = arith.addi %mul3A_2, %add3A_88 : i32
    %swap3A_90 = arith.index_cast %add3A_89 : i32 to index
    %swap3A_91 = arith.constant 0 : index
    %swap3A_92 = tpu.vector_load %arg11[%swap3A_90, %swap3A_91] {strides = array<i32>} : memref<1024x16xf32, #tpu.memory_space<vmem>>, vector<1x16xf32>,
    %swap3A_93 = vector.shape_cast %swap3A_92 : vector<1x16xf32> to vector<16xf32>
    %swap3A_94 = vector.shape_cast %select_n3A_87 : vector<16xf32> to vector<1x16xf32>
    tpu.vector_store %arg11[%swap3A_90, %swap3A_91], %swap3A_94 {strides = array<i32>} : memref<1024x16xf32, #tpu.memory_space<vmem>>, vector<1x16xf32>,
    %eq3A_95 = arith.constant 6 : i32
    %eq3A_96 = vector.broadcast %eq3A_95 : i32 to vector<16xi32>
    %eq3A_97 = arith.cmpi eq, %iota3A, %eq3A_96 : vector<16xi32>
    %jit3A_98 = arith.constant 1.000000e+00 : f32
    %jit3A_99 = arith.constant 0.000000e+00 : f32
    %broadcast_in_dim3A_100 = vector.broadcast %jit3A_98 : f32 to vector<16xf32>
    %broadcast_in_dim3A_101 = vector.broadcast %jit3A_99 : f32 to vector<16xf32>
    %select_n3A_102 = arith.select %eq3A_97, %broadcast_in_dim3A_100, %broadcast_in_dim3A_101 : vector<16xi1>, vector<16xf32>
    %add3A_103 = arith.constant 6 : i32
    %add3A_104 = arith.addi %mul3A_2, %add3A_103 : i32
    %swap3A_105 = arith.index_cast %add3A_104 : i32 to index
    %swap3A_106 = arith.constant 0 : index
    %swap3A_107 = tpu.vector_load %arg11[%swap3A_105, %swap3A_106] {strides = array<i32>} : memref<1024x16xf32, #tpu.memory_space<vmem>>, vector<1x16xf32>,
    %swap3A_108 = vector.shape_cast %swap3A_107 : vector<1x16xf32> to vector<16xf32>
    %swap3A_109 = vector.shape_cast %select_n3A_102 : vector<16xf32> to vector<1x16xf32>
    tpu.vector_store %arg11[%swap3A_105, %swap3A_106], %swap3A_109 {strides = array<i32>} : memref<1024x16xf32, #tpu.memory_space<vmem>>, vector<1x16xf32>,
    %eq3A_110 = arith.constant 7 : i32
    %eq3A_111 = vector.broadcast %eq3A_110 : i32 to vector<16xi32>
    %eq3A_112 = arith.cmpi eq, %iota3A, %eq3A_111 : vector<16xi32>
    %jit3A_113 = arith.constant 1.000000e+00 : f32
    %jit3A_114 = arith.constant 0.000000e+00 : f32
    %broadcast_in_dim3A_115 = vector.broadcast %jit3A_113 : f32 to vector<16xf32>
    %broadcast_in_dim3A_116 = vector.broadcast %jit3A_114 : f32 to vector<16xf32>
    %select_n3A_117 = arith.select %eq3A_112, %broadcast_in_dim3A_115, %broadcast_in_dim3A_116 : vector<16xi1>, vector<16xf32>
    %add3A_118 = arith.constant 7 : i32
    %add3A_119 = arith.addi %mul3A_2, %add3A_118 : i32
    %swap3A_120 = arith.index_cast %add3A_119 : i32 to index
    %swap3A_121 = arith.constant 0 : index
    %swap3A_122 = tpu.vector_load %arg11[%swap3A_120, %swap3A_121] {strides = array<i32>} : memref<1024x16xf32, #tpu.memory_space<vmem>>, vector<1x16xf32>,
    %swap3A_123 = vector.shape_cast %swap3A_122 : vector<1x16xf32> to vector<16xf32>
    %swap3A_124 = vector.shape_cast %select_n3A_117 : vector<16xf32> to vector<1x16xf32>
    tpu.vector_store %arg11[%swap3A_120, %swap3A_121], %swap3A_124 {strides = array<i32>} : memref<1024x16xf32, #tpu.memory_space<vmem>>, vector<1x16xf32>,
    %eq3A_125 = arith.constant 8 : i32
    %eq3A_126 = vector.broadcast %eq3A_125 : i32 to vector<16xi32>
    %eq3A_127 = arith.cmpi eq, %iota3A, %eq3A_126 : vector<16xi32>
    %jit3A_128 = arith.constant 1.000000e+00 : f32
    %jit3A_129 = arith.constant 0.000000e+00 : f32
    %broadcast_in_dim3A_130 = vector.broadcast %jit3A_128 : f32 to vector<16xf32>
    %broadcast_in_dim3A_131 = vector.broadcast %jit3A_129 : f32 to vector<16xf32>
    %select_n3A_132 = arith.select %eq3A_127, %broadcast_in_dim3A_130, %broadcast_in_dim3A_131 : vector<16xi1>, vector<16xf32>
    %add3A_133 = arith.constant 8 : i32
    %add3A_134 = arith.addi %mul3A_2, %add3A_133 : i32
    %swap3A_135 = arith.index_cast %add3A_134 : i32 to index
    %swap3A_136 = arith.constant 0 : index
    %swap3A_137 = tpu.vector_load %arg11[%swap3A_135, %swap3A_136] {strides = array<i32>} : memref<1024x16xf32, #tpu.memory_space<vmem>>, vector<1x16xf32>,
    %swap3A_138 = vector.shape_cast %swap3A_137 : vector<1x16xf32> to vector<16xf32>
    %swap3A_139 = vector.shape_cast %select_n3A_132 : vector<16xf32> to vector<1x16xf32>
    tpu.vector_store %arg11[%swap3A_135, %swap3A_136], %swap3A_139 {strides = array<i32>} : memref<1024x16xf32, #tpu.memory_space<vmem>>, vector<1x16xf32>,
    %eq3A_140 = arith.constant 9 : i32
    %eq3A_141 = vector.broadcast %eq3A_140 : i32 to vector<16xi32>
    %eq3A_142 = arith.cmpi eq, %iota3A, %eq3A_141 : vector<16xi32>
    %jit3A_143 = arith.constant 1.000000e+00 : f32
    %jit3A_144 = arith.constant 0.000000e+00 : f32
    %broadcast_in_dim3A_145 = vector.broadcast %jit3A_143 : f32 to vector<16xf32>
    %broadcast_in_dim3A_146 = vector.broadcast %jit3A_144 : f32 to vector<16xf32>
    %select_n3A_147 = arith.select %eq3A_142, %broadcast_in_dim3A_145, %broadcast_in_dim3A_146 : vector<16xi1>, vector<16xf32>
    %add3A_148 = arith.constant 9 : i32
    %add3A_149 = arith.addi %mul3A_2, %add3A_148 : i32
    %swap3A_150 = arith.index_cast %add3A_149 : i32 to index
    %swap3A_151 = arith.constant 0 : index
    %swap3A_152 = tpu.vector_load %arg11[%swap3A_150, %swap3A_151] {strides = array<i32>} : memref<1024x16xf32, #tpu.memory_space<vmem>>, vector<1x16xf32>,
    %swap3A_153 = vector.shape_cast %swap3A_152 : vector<1x16xf32> to vector<16xf32>
    %swap3A_154 = vector.shape_cast %select_n3A_147 : vector<16xf32> to vector<1x16xf32>
    tpu.vector_store %arg11[%swap3A_150, %swap3A_151], %swap3A_154 {strides = array<i32>} : memref<1024x16xf32, #tpu.memory_space<vmem>>, vector<1x16xf32>,
    %eq3A_155 = arith.constant 10 : i32
    %eq3A_156 = vector.broadcast %eq3A_155 : i32 to vector<16xi32>
    %eq3A_157 = arith.cmpi eq, %iota3A, %eq3A_156 : vector<16xi32>
    %jit3A_158 = arith.constant 1.000000e+00 : f32
    %jit3A_159 = arith.constant 0.000000e+00 : f32
    %broadcast_in_dim3A_160 = vector.broadcast %jit3A_158 : f32 to vector<16xf32>
    %broadcast_in_dim3A_161 = vector.broadcast %jit3A_159 : f32 to vector<16xf32>
    %select_n3A_162 = arith.select %eq3A_157, %broadcast_in_dim3A_160, %broadcast_in_dim3A_161 : vector<16xi1>, vector<16xf32>
    %add3A_163 = arith.constant 10 : i32
    %add3A_164 = arith.addi %mul3A_2, %add3A_163 : i32
    %swap3A_165 = arith.index_cast %add3A_164 : i32 to index
    %swap3A_166 = arith.constant 0 : index
    %swap3A_167 = tpu.vector_load %arg11[%swap3A_165, %swap3A_166] {strides = array<i32>} : memref<1024x16xf32, #tpu.memory_space<vmem>>, vector<1x16xf32>,
    %swap3A_168 = vector.shape_cast %swap3A_167 : vector<1x16xf32> to vector<16xf32>
    %swap3A_169 = vector.shape_cast %select_n3A_162 : vector<16xf32> to vector<1x16xf32>
    tpu.vector_store %arg11[%swap3A_165, %swap3A_166], %swap3A_169 {strides = array<i32>} : memref<1024x16xf32, #tpu.memory_space<vmem>>, vector<1x16xf32>,
    %eq3A_170 = arith.constant 11 : i32
    %eq3A_171 = vector.broadcast %eq3A_170 : i32 to vector<16xi32>
    %eq3A_172 = arith.cmpi eq, %iota3A, %eq3A_171 : vector<16xi32>
    %jit3A_173 = arith.constant 1.000000e+00 : f32
    %jit3A_174 = arith.constant 0.000000e+00 : f32
    %broadcast_in_dim3A_175 = vector.broadcast %jit3A_173 : f32 to vector<16xf32>
    %broadcast_in_dim3A_176 = vector.broadcast %jit3A_174 : f32 to vector<16xf32>
    %select_n3A_177 = arith.select %eq3A_172, %broadcast_in_dim3A_175, %broadcast_in_dim3A_176 : vector<16xi1>, vector<16xf32>
    %add3A_178 = arith.constant 11 : i32
    %add3A_179 = arith.addi %mul3A_2, %add3A_178 : i32
    %swap3A_180 = arith.index_cast %add3A_179 : i32 to index
    %swap3A_181 = arith.constant 0 : index
    %swap3A_182 = tpu.vector_load %arg11[%swap3A_180, %swap3A_181] {strides = array<i32>} : memref<1024x16xf32, #tpu.memory_space<vmem>>, vector<1x16xf32>,
    %swap3A_183 = vector.shape_cast %swap3A_182 : vector<1x16xf32> to vector<16xf32>
    %swap3A_184 = vector.shape_cast %select_n3A_177 : vector<16xf32> to vector<1x16xf32>
    tpu.vector_store %arg11[%swap3A_180, %swap3A_181], %swap3A_184 {strides = array<i32>} : memref<1024x16xf32, #tpu.memory_space<vmem>>, vector<1x16xf32>,
    %eq3A_185 = arith.constant 12 : i32
    %eq3A_186 = vector.broadcast %eq3A_185 : i32 to vector<16xi32>
    %eq3A_187 = arith.cmpi eq, %iota3A, %eq3A_186 : vector<16xi32>
    %jit3A_188 = arith.constant 1.000000e+00 : f32
    %jit3A_189 = arith.constant 0.000000e+00 : f32
    %broadcast_in_dim3A_190 = vector.broadcast %jit3A_188 : f32 to vector<16xf32>
    %broadcast_in_dim3A_191 = vector.broadcast %jit3A_189 : f32 to vector<16xf32>
    %select_n3A_192 = arith.select %eq3A_187, %broadcast_in_dim3A_190, %broadcast_in_dim3A_191 : vector<16xi1>, vector<16xf32>
    %add3A_193 = arith.constant 12 : i32
    %add3A_194 = arith.addi %mul3A_2, %add3A_193 : i32
    %swap3A_195 = arith.index_cast %add3A_194 : i32 to index
    %swap3A_196 = arith.constant 0 : index
    %swap3A_197 = tpu.vector_load %arg11[%swap3A_195, %swap3A_196] {strides = array<i32>} : memref<1024x16xf32, #tpu.memory_space<vmem>>, vector<1x16xf32>,
    %swap3A_198 = vector.shape_cast %swap3A_197 : vector<1x16xf32> to vector<16xf32>
    %swap3A_199 = vector.shape_cast %select_n3A_192 : vector<16xf32> to vector<1x16xf32>
    tpu.vector_store %arg11[%swap3A_195, %swap3A_196], %swap3A_199 {strides = array<i32>} : memref<1024x16xf32, #tpu.memory_space<vmem>>, vector<1x16xf32>,
    %eq3A_200 = arith.constant 13 : i32
    %eq3A_201 = vector.broadcast %eq3A_200 : i32 to vector<16xi32>
    %eq3A_202 = arith.cmpi eq, %iota3A, %eq3A_201 : vector<16xi32>
    %jit3A_203 = arith.constant 1.000000e+00 : f32
    %jit3A_204 = arith.constant 0.000000e+00 : f32
    %broadcast_in_dim3A_205 = vector.broadcast %jit3A_203 : f32 to vector<16xf32>
    %broadcast_in_dim3A_206 = vector.broadcast %jit3A_204 : f32 to vector<16xf32>
    %select_n3A_207 = arith.select %eq3A_202, %broadcast_in_dim3A_205, %broadcast_in_dim3A_206 : vector<16xi1>, vector<16xf32>
    %add3A_208 = arith.constant 13 : i32
    %add3A_209 = arith.addi %mul3A_2, %add3A_208 : i32
    %swap3A_210 = arith.index_cast %add3A_209 : i32 to index
    %swap3A_211 = arith.constant 0 : index
    %swap3A_212 = tpu.vector_load %arg11[%swap3A_210, %swap3A_211] {strides = array<i32>} : memref<1024x16xf32, #tpu.memory_space<vmem>>, vector<1x16xf32>,
    %swap3A_213 = vector.shape_cast %swap3A_212 : vector<1x16xf32> to vector<16xf32>
    %swap3A_214 = vector.shape_cast %select_n3A_207 : vector<16xf32> to vector<1x16xf32>
    tpu.vector_store %arg11[%swap3A_210, %swap3A_211], %swap3A_214 {strides = array<i32>} : memref<1024x16xf32, #tpu.memory_space<vmem>>, vector<1x16xf32>,
    %eq3A_215 = arith.constant 14 : i32
    %eq3A_216 = vector.broadcast %eq3A_215 : i32 to vector<16xi32>
    %eq3A_217 = arith.cmpi eq, %iota3A, %eq3A_216 : vector<16xi32>
    %jit3A_218 = arith.constant 1.000000e+00 : f32
    %jit3A_219 = arith.constant 0.000000e+00 : f32
    %broadcast_in_dim3A_220 = vector.broadcast %jit3A_218 : f32 to vector<16xf32>
    %broadcast_in_dim3A_221 = vector.broadcast %jit3A_219 : f32 to vector<16xf32>
    %select_n3A_222 = arith.select %eq3A_217, %broadcast_in_dim3A_220, %broadcast_in_dim3A_221 : vector<16xi1>, vector<16xf32>
    %add3A_223 = arith.constant 14 : i32
    %add3A_224 = arith.addi %mul3A_2, %add3A_223 : i32
    %swap3A_225 = arith.index_cast %add3A_224 : i32 to index
    %swap3A_226 = arith.constant 0 : index
    %swap3A_227 = tpu.vector_load %arg11[%swap3A_225, %swap3A_226] {strides = array<i32>} : memref<1024x16xf32, #tpu.memory_space<vmem>>, vector<1x16xf32>,
    %swap3A_228 = vector.shape_cast %swap3A_227 : vector<1x16xf32> to vector<16xf32>
    %swap3A_229 = vector.shape_cast %select_n3A_222 : vector<16xf32> to vector<1x16xf32>
    tpu.vector_store %arg11[%swap3A_225, %swap3A_226], %swap3A_229 {strides = array<i32>} : memref<1024x16xf32, #tpu.memory_space<vmem>>, vector<1x16xf32>,
    %eq3A_230 = arith.constant 15 : i32
    %eq3A_231 = vector.broadcast %eq3A_230 : i32 to vector<16xi32>
    %eq3A_232 = arith.cmpi eq, %iota3A, %eq3A_231 : vector<16xi32>
    %jit3A_233 = arith.constant 1.000000e+00 : f32
    %jit3A_234 = arith.constant 0.000000e+00 : f32
    %broadcast_in_dim3A_235 = vector.broadcast %jit3A_233 : f32 to vector<16xf32>
    %broadcast_in_dim3A_236 = vector.broadcast %jit3A_234 : f32 to vector<16xf32>
    %select_n3A_237 = arith.select %eq3A_232, %broadcast_in_dim3A_235, %broadcast_in_dim3A_236 : vector<16xi1>, vector<16xf32>
    %add3A_238 = arith.constant 15 : i32
    %add3A_239 = arith.addi %mul3A_2, %add3A_238 : i32
    %swap3A_240 = arith.index_cast %add3A_239 : i32 to index
    %swap3A_241 = arith.constant 0 : index
    %swap3A_242 = tpu.vector_load %arg11[%swap3A_240, %swap3A_241] {strides = array<i32>} : memref<1024x16xf32, #tpu.memory_space<vmem>>, vector<1x16xf32>,
    %swap3A_243 = vector.shape_cast %swap3A_242 : vector<1x16xf32> to vector<16xf32>
    %swap3A_244 = vector.shape_cast %select_n3A_237 : vector<16xf32> to vector<1x16xf32>
    tpu.vector_store %arg11[%swap3A_240, %swap3A_241], %swap3A_244 {strides = array<i32>} : memref<1024x16xf32, #tpu.memory_space<vmem>>, vector<1x16xf32>,
    %eq3A_245 = arith.constant 0 : i32
    %eq3A_246 = vector.broadcast %eq3A_245 : i32 to vector<16xi32>
    %eq3A_247 = arith.cmpi eq, %iota3A, %eq3A_246 : vector<16xi32>
    %jit3A_248 = arith.constant 1.000000e+00 : f32
    %jit3A_249 = arith.constant 0.000000e+00 : f32
    %broadcast_in_dim3A_250 = vector.broadcast %jit3A_248 : f32 to vector<16xf32>
    %broadcast_in_dim3A_251 = vector.broadcast %jit3A_249 : f32 to vector<16xf32>
    %select_n3A_252 = arith.select %eq3A_247, %broadcast_in_dim3A_250, %broadcast_in_dim3A_251 : vector<16xi1>, vector<16xf32>
    %add3A_253 = arith.constant 16 : i32
    %add3A_254 = arith.addi %mul3A_2, %add3A_253 : i32
    %swap3A_255 = arith.index_cast %add3A_254 : i32 to index
    %swap3A_256 = arith.constant 0 : index
    %swap3A_257 = tpu.vector_load %arg12[%swap3A_255, %swap3A_256] {strides = array<i32>} : memref<1024x16xf32, #tpu.memory_space<vmem>>, vector<1x16xf32>,
    %swap3A_258 = vector.shape_cast %swap3A_257 : vector<1x16xf32> to vector<16xf32>
    %swap3A_259 = vector.shape_cast %select_n3A_252 : vector<16xf32> to vector<1x16xf32>
    tpu.vector_store %arg12[%swap3A_255, %swap3A_256], %swap3A_259 {strides = array<i32>} : memref<1024x16xf32, #tpu.memory_space<vmem>>, vector<1x16xf32>,
    %eq3A_260 = arith.constant 1 : i32
    %eq3A_261 = vector.broadcast %eq3A_260 : i32 to vector<16xi32>
    %eq3A_262 = arith.cmpi eq, %iota3A, %eq3A_261 : vector<16xi32>
    %jit3A_263 = arith.constant 1.000000e+00 : f32
    %jit3A_264 = arith.constant 0.000000e+00 : f32
    %broadcast_in_dim3A_265 = vector.broadcast %jit3A_263 : f32 to vector<16xf32>
    %broadcast_in_dim3A_266 = vector.broadcast %jit3A_264 : f32 to vector<16xf32>
    %select_n3A_267 = arith.select %eq3A_262, %broadcast_in_dim3A_265, %broadcast_in_dim3A_266 : vector<16xi1>, vector<16xf32>
    %add3A_268 = arith.constant 17 : i32
    %add3A_269 = arith.addi %mul3A_2, %add3A_268 : i32
    %swap3A_270 = arith.index_cast %add3A_269 : i32 to index
    %swap3A_271 = arith.constant 0 : index
    %swap3A_272 = tpu.vector_load %arg12[%swap3A_270, %swap3A_271] {strides = array<i32>} : memref<1024x16xf32, #tpu.memory_space<vmem>>, vector<1x16xf32>,
    %swap3A_273 = vector.shape_cast %swap3A_272 : vector<1x16xf32> to vector<16xf32>
    %swap3A_274 = vector.shape_cast %select_n3A_267 : vector<16xf32> to vector<1x16xf32>
    tpu.vector_store %arg12[%swap3A_270, %swap3A_271], %swap3A_274 {strides = array<i32>} : memref<1024x16xf32, #tpu.memory_space<vmem>>, vector<1x16xf32>,
    %eq3A_275 = arith.constant 2 : i32
    %eq3A_276 = vector.broadcast %eq3A_275 : i32 to vector<16xi32>
    %eq3A_277 = arith.cmpi eq, %iota3A, %eq3A_276 : vector<16xi32>
    %jit3A_278 = arith.constant 1.000000e+00 : f32
    %jit3A_279 = arith.constant 0.000000e+00 : f32
    %broadcast_in_dim3A_280 = vector.broadcast %jit3A_278 : f32 to vector<16xf32>
    %broadcast_in_dim3A_281 = vector.broadcast %jit3A_279 : f32 to vector<16xf32>
    %select_n3A_282 = arith.select %eq3A_277, %broadcast_in_dim3A_280, %broadcast_in_dim3A_281 : vector<16xi1>, vector<16xf32>
    %add3A_283 = arith.constant 18 : i32
    %add3A_284 = arith.addi %mul3A_2, %add3A_283 : i32
    %swap3A_285 = arith.index_cast %add3A_284 : i32 to index
    %swap3A_286 = arith.constant 0 : index
    %swap3A_287 = tpu.vector_load %arg12[%swap3A_285, %swap3A_286] {strides = array<i32>} : memref<1024x16xf32, #tpu.memory_space<vmem>>, vector<1x16xf32>,
    %swap3A_288 = vector.shape_cast %swap3A_287 : vector<1x16xf32> to vector<16xf32>
    %swap3A_289 = vector.shape_cast %select_n3A_282 : vector<16xf32> to vector<1x16xf32>
    tpu.vector_store %arg12[%swap3A_285, %swap3A_286], %swap3A_289 {strides = array<i32>} : memref<1024x16xf32, #tpu.memory_space<vmem>>, vector<1x16xf32>,
    %eq3A_290 = arith.constant 3 : i32
    %eq3A_291 = vector.broadcast %eq3A_290 : i32 to vector<16xi32>
    %eq3A_292 = arith.cmpi eq, %iota3A, %eq3A_291 : vector<16xi32>
    %jit3A_293 = arith.constant 1.000000e+00 : f32
    %jit3A_294 = arith.constant 0.000000e+00 : f32
    %broadcast_in_dim3A_295 = vector.broadcast %jit3A_293 : f32 to vector<16xf32>
    %broadcast_in_dim3A_296 = vector.broadcast %jit3A_294 : f32 to vector<16xf32>
    %select_n3A_297 = arith.select %eq3A_292, %broadcast_in_dim3A_295, %broadcast_in_dim3A_296 : vector<16xi1>, vector<16xf32>
    %add3A_298 = arith.constant 19 : i32
    %add3A_299 = arith.addi %mul3A_2, %add3A_298 : i32
    %swap3A_300 = arith.index_cast %add3A_299 : i32 to index
    %swap3A_301 = arith.constant 0 : index
    %swap3A_302 = tpu.vector_load %arg12[%swap3A_300, %swap3A_301] {strides = array<i32>} : memref<1024x16xf32, #tpu.memory_space<vmem>>, vector<1x16xf32>,
    %swap3A_303 = vector.shape_cast %swap3A_302 : vector<1x16xf32> to vector<16xf32>
    %swap3A_304 = vector.shape_cast %select_n3A_297 : vector<16xf32> to vector<1x16xf32>
    tpu.vector_store %arg12[%swap3A_300, %swap3A_301], %swap3A_304 {strides = array<i32>} : memref<1024x16xf32, #tpu.memory_space<vmem>>, vector<1x16xf32>,
    %eq3A_305 = arith.constant 4 : i32
    %eq3A_306 = vector.broadcast %eq3A_305 : i32 to vector<16xi32>
    %eq3A_307 = arith.cmpi eq, %iota3A, %eq3A_306 : vector<16xi32>
    %jit3A_308 = arith.constant 1.000000e+00 : f32
    %jit3A_309 = arith.constant 0.000000e+00 : f32
    %broadcast_in_dim3A_310 = vector.broadcast %jit3A_308 : f32 to vector<16xf32>
    %broadcast_in_dim3A_311 = vector.broadcast %jit3A_309 : f32 to vector<16xf32>
    %select_n3A_312 = arith.select %eq3A_307, %broadcast_in_dim3A_310, %broadcast_in_dim3A_311 : vector<16xi1>, vector<16xf32>
    %add3A_313 = arith.constant 20 : i32
    %add3A_314 = arith.addi %mul3A_2, %add3A_313 : i32
    %swap3A_315 = arith.index_cast %add3A_314 : i32 to index
    %swap3A_316 = arith.constant 0 : index
    %swap3A_317 = tpu.vector_load %arg12[%swap3A_315, %swap3A_316] {strides = array<i32>} : memref<1024x16xf32, #tpu.memory_space<vmem>>, vector<1x16xf32>,
    %swap3A_318 = vector.shape_cast %swap3A_317 : vector<1x16xf32> to vector<16xf32>
    %swap3A_319 = vector.shape_cast %select_n3A_312 : vector<16xf32> to vector<1x16xf32>
    tpu.vector_store %arg12[%swap3A_315, %swap3A_316], %swap3A_319 {strides = array<i32>} : memref<1024x16xf32, #tpu.memory_space<vmem>>, vector<1x16xf32>,
    %eq3A_320 = arith.constant 5 : i32
    %eq3A_321 = vector.broadcast %eq3A_320 : i32 to vector<16xi32>
    %eq3A_322 = arith.cmpi eq, %iota3A, %eq3A_321 : vector<16xi32>
    %jit3A_323 = arith.constant 1.000000e+00 : f32
    %jit3A_324 = arith.constant 0.000000e+00 : f32
    %broadcast_in_dim3A_325 = vector.broadcast %jit3A_323 : f32 to vector<16xf32>
    %broadcast_in_dim3A_326 = vector.broadcast %jit3A_324 : f32 to vector<16xf32>
    %select_n3A_327 = arith.select %eq3A_322, %broadcast_in_dim3A_325, %broadcast_in_dim3A_326 : vector<16xi1>, vector<16xf32>
    %add3A_328 = arith.constant 21 : i32
    %add3A_329 = arith.addi %mul3A_2, %add3A_328 : i32
    %swap3A_330 = arith.index_cast %add3A_329 : i32 to index
    %swap3A_331 = arith.constant 0 : index
    %swap3A_332 = tpu.vector_load %arg12[%swap3A_330, %swap3A_331] {strides = array<i32>} : memref<1024x16xf32, #tpu.memory_space<vmem>>, vector<1x16xf32>,
    %swap3A_333 = vector.shape_cast %swap3A_332 : vector<1x16xf32> to vector<16xf32>
    %swap3A_334 = vector.shape_cast %select_n3A_327 : vector<16xf32> to vector<1x16xf32>
    tpu.vector_store %arg12[%swap3A_330, %swap3A_331], %swap3A_334 {strides = array<i32>} : memref<1024x16xf32, #tpu.memory_space<vmem>>, vector<1x16xf32>,
    %eq3A_335 = arith.constant 6 : i32
    %eq3A_336 = vector.broadcast %eq3A_335 : i32 to vector<16xi32>
    %eq3A_337 = arith.cmpi eq, %iota3A, %eq3A_336 : vector<16xi32>
    %jit3A_338 = arith.constant 1.000000e+00 : f32
    %jit3A_339 = arith.constant 0.000000e+00 : f32
    %broadcast_in_dim3A_340 = vector.broadcast %jit3A_338 : f32 to vector<16xf32>
    %broadcast_in_dim3A_341 = vector.broadcast %jit3A_339 : f32 to vector<16xf32>
    %select_n3A_342 = arith.select %eq3A_337, %broadcast_in_dim3A_340, %broadcast_in_dim3A_341 : vector<16xi1>, vector<16xf32>
    %add3A_343 = arith.constant 22 : i32
    %add3A_344 = arith.addi %mul3A_2, %add3A_343 : i32
    %swap3A_345 = arith.index_cast %add3A_344 : i32 to index
    %swap3A_346 = arith.constant 0 : index
    %swap3A_347 = tpu.vector_load %arg12[%swap3A_345, %swap3A_346] {strides = array<i32>} : memref<1024x16xf32, #tpu.memory_space<vmem>>, vector<1x16xf32>,
    %swap3A_348 = vector.shape_cast %swap3A_347 : vector<1x16xf32> to vector<16xf32>
    %swap3A_349 = vector.shape_cast %select_n3A_342 : vector<16xf32> to vector<1x16xf32>
    tpu.vector_store %arg12[%swap3A_345, %swap3A_346], %swap3A_349 {strides = array<i32>} : memref<1024x16xf32, #tpu.memory_space<vmem>>, vector<1x16xf32>,
    %eq3A_350 = arith.constant 7 : i32
    %eq3A_351 = vector.broadcast %eq3A_350 : i32 to vector<16xi32>
    %eq3A_352 = arith.cmpi eq, %iota3A, %eq3A_351 : vector<16xi32>
    %jit3A_353 = arith.constant 1.000000e+00 : f32
    %jit3A_354 = arith.constant 0.000000e+00 : f32
    %broadcast_in_dim3A_355 = vector.broadcast %jit3A_353 : f32 to vector<16xf32>
    %broadcast_in_dim3A_356 = vector.broadcast %jit3A_354 : f32 to vector<16xf32>
    %select_n3A_357 = arith.select %eq3A_352, %broadcast_in_dim3A_355, %broadcast_in_dim3A_356 : vector<16xi1>, vector<16xf32>
    %add3A_358 = arith.constant 23 : i32
    %add3A_359 = arith.addi %mul3A_2, %add3A_358 : i32
    %swap3A_360 = arith.index_cast %add3A_359 : i32 to index
    %swap3A_361 = arith.constant 0 : index
    %swap3A_362 = tpu.vector_load %arg12[%swap3A_360, %swap3A_361] {strides = array<i32>} : memref<1024x16xf32, #tpu.memory_space<vmem>>, vector<1x16xf32>,
    %swap3A_363 = vector.shape_cast %swap3A_362 : vector<1x16xf32> to vector<16xf32>
    %swap3A_364 = vector.shape_cast %select_n3A_357 : vector<16xf32> to vector<1x16xf32>
    tpu.vector_store %arg12[%swap3A_360, %swap3A_361], %swap3A_364 {strides = array<i32>} : memref<1024x16xf32, #tpu.memory_space<vmem>>, vector<1x16xf32>,
    %eq3A_365 = arith.constant 8 : i32
    %eq3A_366 = vector.broadcast %eq3A_365 : i32 to vector<16xi32>
    %eq3A_367 = arith.cmpi eq, %iota3A, %eq3A_366 : vector<16xi32>
    %jit3A_368 = arith.constant 1.000000e+00 : f32
    %jit3A_369 = arith.constant 0.000000e+00 : f32
    %broadcast_in_dim3A_370 = vector.broadcast %jit3A_368 : f32 to vector<16xf32>
    %broadcast_in_dim3A_371 = vector.broadcast %jit3A_369 : f32 to vector<16xf32>
    %select_n3A_372 = arith.select %eq3A_367, %broadcast_in_dim3A_370, %broadcast_in_dim3A_371 : vector<16xi1>, vector<16xf32>
    %add3A_373 = arith.constant 24 : i32
    %add3A_374 = arith.addi %mul3A_2, %add3A_373 : i32
    %swap3A_375 = arith.index_cast %add3A_374 : i32 to index
    %swap3A_376 = arith.constant 0 : index
    %swap3A_377 = tpu.vector_load %arg12[%swap3A_375, %swap3A_376] {strides = array<i32>} : memref<1024x16xf32, #tpu.memory_space<vmem>>, vector<1x16xf32>,
    %swap3A_378 = vector.shape_cast %swap3A_377 : vector<1x16xf32> to vector<16xf32>
    %swap3A_379 = vector.shape_cast %select_n3A_372 : vector<16xf32> to vector<1x16xf32>
    tpu.vector_store %arg12[%swap3A_375, %swap3A_376], %swap3A_379 {strides = array<i32>} : memref<1024x16xf32, #tpu.memory_space<vmem>>, vector<1x16xf32>,
    %eq3A_380 = arith.constant 9 : i32
    %eq3A_381 = vector.broadcast %eq3A_380 : i32 to vector<16xi32>
    %eq3A_382 = arith.cmpi eq, %iota3A, %eq3A_381 : vector<16xi32>
    %jit3A_383 = arith.constant 1.000000e+00 : f32
    %jit3A_384 = arith.constant 0.000000e+00 : f32
    %broadcast_in_dim3A_385 = vector.broadcast %jit3A_383 : f32 to vector<16xf32>
    %broadcast_in_dim3A_386 = vector.broadcast %jit3A_384 : f32 to vector<16xf32>
    %select_n3A_387 = arith.select %eq3A_382, %broadcast_in_dim3A_385, %broadcast_in_dim3A_386 : vector<16xi1>, vector<16xf32>
    %add3A_388 = arith.constant 25 : i32
    %add3A_389 = arith.addi %mul3A_2, %add3A_388 : i32
    %swap3A_390 = arith.index_cast %add3A_389 : i32 to index
    %swap3A_391 = arith.constant 0 : index
    %swap3A_392 = tpu.vector_load %arg12[%swap3A_390, %swap3A_391] {strides = array<i32>} : memref<1024x16xf32, #tpu.memory_space<vmem>>, vector<1x16xf32>,
    %swap3A_393 = vector.shape_cast %swap3A_392 : vector<1x16xf32> to vector<16xf32>
    %swap3A_394 = vector.shape_cast %select_n3A_387 : vector<16xf32> to vector<1x16xf32>
    tpu.vector_store %arg12[%swap3A_390, %swap3A_391], %swap3A_394 {strides = array<i32>} : memref<1024x16xf32, #tpu.memory_space<vmem>>, vector<1x16xf32>,
    %eq3A_395 = arith.constant 10 : i32
    %eq3A_396 = vector.broadcast %eq3A_395 : i32 to vector<16xi32>
    %eq3A_397 = arith.cmpi eq, %iota3A, %eq3A_396 : vector<16xi32>
    %jit3A_398 = arith.constant 1.000000e+00 : f32
    %jit3A_399 = arith.constant 0.000000e+00 : f32
    %broadcast_in_dim3A_400 = vector.broadcast %jit3A_398 : f32 to vector<16xf32>
    %broadcast_in_dim3A_401 = vector.broadcast %jit3A_399 : f32 to vector<16xf32>
    %select_n3A_402 = arith.select %eq3A_397, %broadcast_in_dim3A_400, %broadcast_in_dim3A_401 : vector<16xi1>, vector<16xf32>
    %add3A_403 = arith.constant 26 : i32
    %add3A_404 = arith.addi %mul3A_2, %add3A_403 : i32
    %swap3A_405 = arith.index_cast %add3A_404 : i32 to index
    %swap3A_406 = arith.constant 0 : index
    %swap3A_407 = tpu.vector_load %arg12[%swap3A_405, %swap3A_406] {strides = array<i32>} : memref<1024x16xf32, #tpu.memory_space<vmem>>, vector<1x16xf32>,
    %swap3A_408 = vector.shape_cast %swap3A_407 : vector<1x16xf32> to vector<16xf32>
    %swap3A_409 = vector.shape_cast %select_n3A_402 : vector<16xf32> to vector<1x16xf32>
    tpu.vector_store %arg12[%swap3A_405, %swap3A_406], %swap3A_409 {strides = array<i32>} : memref<1024x16xf32, #tpu.memory_space<vmem>>, vector<1x16xf32>,
    %eq3A_410 = arith.constant 11 : i32
    %eq3A_411 = vector.broadcast %eq3A_410 : i32 to vector<16xi32>
    %eq3A_412 = arith.cmpi eq, %iota3A, %eq3A_411 : vector<16xi32>
    %jit3A_413 = arith.constant 1.000000e+00 : f32
    %jit3A_414 = arith.constant 0.000000e+00 : f32
    %broadcast_in_dim3A_415 = vector.broadcast %jit3A_413 : f32 to vector<16xf32>
    %broadcast_in_dim3A_416 = vector.broadcast %jit3A_414 : f32 to vector<16xf32>
    %select_n3A_417 = arith.select %eq3A_412, %broadcast_in_dim3A_415, %broadcast_in_dim3A_416 : vector<16xi1>, vector<16xf32>
    %add3A_418 = arith.constant 27 : i32
    %add3A_419 = arith.addi %mul3A_2, %add3A_418 : i32
    %swap3A_420 = arith.index_cast %add3A_419 : i32 to index
    %swap3A_421 = arith.constant 0 : index
    %swap3A_422 = tpu.vector_load %arg12[%swap3A_420, %swap3A_421] {strides = array<i32>} : memref<1024x16xf32, #tpu.memory_space<vmem>>, vector<1x16xf32>,
    %swap3A_423 = vector.shape_cast %swap3A_422 : vector<1x16xf32> to vector<16xf32>
    %swap3A_424 = vector.shape_cast %select_n3A_417 : vector<16xf32> to vector<1x16xf32>
    tpu.vector_store %arg12[%swap3A_420, %swap3A_421], %swap3A_424 {strides = array<i32>} : memref<1024x16xf32, #tpu.memory_space<vmem>>, vector<1x16xf32>,
    %eq3A_425 = arith.constant 12 : i32
    %eq3A_426 = vector.broadcast %eq3A_425 : i32 to vector<16xi32>
    %eq3A_427 = arith.cmpi eq, %iota3A, %eq3A_426 : vector<16xi32>
    %jit3A_428 = arith.constant 1.000000e+00 : f32
    %jit3A_429 = arith.constant 0.000000e+00 : f32
    %broadcast_in_dim3A_430 = vector.broadcast %jit3A_428 : f32 to vector<16xf32>
    %broadcast_in_dim3A_431 = vector.broadcast %jit3A_429 : f32 to vector<16xf32>
    %select_n3A_432 = arith.select %eq3A_427, %broadcast_in_dim3A_430, %broadcast_in_dim3A_431 : vector<16xi1>, vector<16xf32>
    %add3A_433 = arith.constant 28 : i32
    %add3A_434 = arith.addi %mul3A_2, %add3A_433 : i32
    %swap3A_435 = arith.index_cast %add3A_434 : i32 to index
    %swap3A_436 = arith.constant 0 : index
    %swap3A_437 = tpu.vector_load %arg12[%swap3A_435, %swap3A_436] {strides = array<i32>} : memref<1024x16xf32, #tpu.memory_space<vmem>>, vector<1x16xf32>,
    %swap3A_438 = vector.shape_cast %swap3A_437 : vector<1x16xf32> to vector<16xf32>
    %swap3A_439 = vector.shape_cast %select_n3A_432 : vector<16xf32> to vector<1x16xf32>
    tpu.vector_store %arg12[%swap3A_435, %swap3A_436], %swap3A_439 {strides = array<i32>} : memref<1024x16xf32, #tpu.memory_space<vmem>>, vector<1x16xf32>,
    %eq3A_440 = arith.constant 13 : i32
    %eq3A_441 = vector.broadcast %eq3A_440 : i32 to vector<16xi32>
    %eq3A_442 = arith.cmpi eq, %iota3A, %eq3A_441 : vector<16xi32>
    %jit3A_443 = arith.constant 1.000000e+00 : f32
    %jit3A_444 = arith.constant 0.000000e+00 : f32
    %broadcast_in_dim3A_445 = vector.broadcast %jit3A_443 : f32 to vector<16xf32>
    %broadcast_in_dim3A_446 = vector.broadcast %jit3A_444 : f32 to vector<16xf32>
    %select_n3A_447 = arith.select %eq3A_442, %broadcast_in_dim3A_445, %broadcast_in_dim3A_446 : vector<16xi1>, vector<16xf32>
    %add3A_448 = arith.constant 29 : i32
    %add3A_449 = arith.addi %mul3A_2, %add3A_448 : i32
    %swap3A_450 = arith.index_cast %add3A_449 : i32 to index
    %swap3A_451 = arith.constant 0 : index
    %swap3A_452 = tpu.vector_load %arg12[%swap3A_450, %swap3A_451] {strides = array<i32>} : memref<1024x16xf32, #tpu.memory_space<vmem>>, vector<1x16xf32>,
    %swap3A_453 = vector.shape_cast %swap3A_452 : vector<1x16xf32> to vector<16xf32>
    %swap3A_454 = vector.shape_cast %select_n3A_447 : vector<16xf32> to vector<1x16xf32>
    tpu.vector_store %arg12[%swap3A_450, %swap3A_451], %swap3A_454 {strides = array<i32>} : memref<1024x16xf32, #tpu.memory_space<vmem>>, vector<1x16xf32>,
    %eq3A_455 = arith.constant 14 : i32
    %eq3A_456 = vector.broadcast %eq3A_455 : i32 to vector<16xi32>
    %eq3A_457 = arith.cmpi eq, %iota3A, %eq3A_456 : vector<16xi32>
    %jit3A_458 = arith.constant 1.000000e+00 : f32
    %jit3A_459 = arith.constant 0.000000e+00 : f32
    %broadcast_in_dim3A_460 = vector.broadcast %jit3A_458 : f32 to vector<16xf32>
    %broadcast_in_dim3A_461 = vector.broadcast %jit3A_459 : f32 to vector<16xf32>
    %select_n3A_462 = arith.select %eq3A_457, %broadcast_in_dim3A_460, %broadcast_in_dim3A_461 : vector<16xi1>, vector<16xf32>
    %add3A_463 = arith.constant 30 : i32
    %add3A_464 = arith.addi %mul3A_2, %add3A_463 : i32
    %swap3A_465 = arith.index_cast %add3A_464 : i32 to index
    %swap3A_466 = arith.constant 0 : index
    %swap3A_467 = tpu.vector_load %arg12[%swap3A_465, %swap3A_466] {strides = array<i32>} : memref<1024x16xf32, #tpu.memory_space<vmem>>, vector<1x16xf32>,
    %swap3A_468 = vector.shape_cast %swap3A_467 : vector<1x16xf32> to vector<16xf32>
    %swap3A_469 = vector.shape_cast %select_n3A_462 : vector<16xf32> to vector<1x16xf32>
    tpu.vector_store %arg12[%swap3A_465, %swap3A_466], %swap3A_469 {strides = array<i32>} : memref<1024x16xf32, #tpu.memory_space<vmem>>, vector<1x16xf32>,
    %eq3A_470 = arith.constant 15 : i32
    %eq3A_471 = vector.broadcast %eq3A_470 : i32 to vector<16xi32>
    %eq3A_472 = arith.cmpi eq, %iota3A, %eq3A_471 : vector<16xi32>
    %jit3A_473 = arith.constant 1.000000e+00 : f32
    %jit3A_474 = arith.constant 0.000000e+00 : f32
    %broadcast_in_dim3A_475 = vector.broadcast %jit3A_473 : f32 to vector<16xf32>
    %broadcast_in_dim3A_476 = vector.broadcast %jit3A_474 : f32 to vector<16xf32>
    %select_n3A_477 = arith.select %eq3A_472, %broadcast_in_dim3A_475, %broadcast_in_dim3A_476 : vector<16xi1>, vector<16xf32>
    %add3A_478 = arith.constant 31 : i32
    %add3A_479 = arith.addi %mul3A_2, %add3A_478 : i32
    %swap3A_480 = arith.index_cast %add3A_479 : i32 to index
    %swap3A_481 = arith.constant 0 : index
    %swap3A_482 = tpu.vector_load %arg12[%swap3A_480, %swap3A_481] {strides = array<i32>} : memref<1024x16xf32, #tpu.memory_space<vmem>>, vector<1x16xf32>,
    %swap3A_483 = vector.shape_cast %swap3A_482 : vector<1x16xf32> to vector<16xf32>
    %swap3A_484 = vector.shape_cast %select_n3A_477 : vector<16xf32> to vector<1x16xf32>
    tpu.vector_store %arg12[%swap3A_480, %swap3A_481], %swap3A_484 {strides = array<i32>} : memref<1024x16xf32, #tpu.memory_space<vmem>>, vector<1x16xf32>,
    %eq3A_485 = arith.constant 0 : i32
    %eq3A_486 = vector.broadcast %eq3A_485 : i32 to vector<16xi32>
    %eq3A_487 = arith.cmpi eq, %iota3A, %eq3A_486 : vector<16xi32>
    %jit3A_488 = arith.constant 1.000000e+00 : f32
    %jit3A_489 = arith.constant 0.000000e+00 : f32
    %broadcast_in_dim3A_490 = vector.broadcast %jit3A_488 : f32 to vector<16xf32>
    %broadcast_in_dim3A_491 = vector.broadcast %jit3A_489 : f32 to vector<16xf32>
    %select_n3A_492 = arith.select %eq3A_487, %broadcast_in_dim3A_490, %broadcast_in_dim3A_491 : vector<16xi1>, vector<16xf32>
    %add3A_493 = arith.constant 32 : i32
    %add3A_494 = arith.addi %mul3A_2, %add3A_493 : i32
    %swap3A_495 = arith.index_cast %add3A_494 : i32 to index
    %swap3A_496 = arith.constant 0 : index
    %swap3A_497 = tpu.vector_load %arg13[%swap3A_495, %swap3A_496] {strides = array<i32>} : memref<1024x16xf32, #tpu.memory_space<vmem>>, vector<1x16xf32>,
    %swap3A_498 = vector.shape_cast %swap3A_497 : vector<1x16xf32> to vector<16xf32>
    %swap3A_499 = vector.shape_cast %select_n3A_492 : vector<16xf32> to vector<1x16xf32>
    tpu.vector_store %arg13[%swap3A_495, %swap3A_496], %swap3A_499 {strides = array<i32>} : memref<1024x16xf32, #tpu.memory_space<vmem>>, vector<1x16xf32>,
    %eq3A_500 = arith.constant 1 : i32
    %eq3A_501 = vector.broadcast %eq3A_500 : i32 to vector<16xi32>
    %eq3A_502 = arith.cmpi eq, %iota3A, %eq3A_501 : vector<16xi32>
    %jit3A_503 = arith.constant 1.000000e+00 : f32
    %jit3A_504 = arith.constant 0.000000e+00 : f32
    %broadcast_in_dim3A_505 = vector.broadcast %jit3A_503 : f32 to vector<16xf32>
    %broadcast_in_dim3A_506 = vector.broadcast %jit3A_504 : f32 to vector<16xf32>
    %select_n3A_507 = arith.select %eq3A_502, %broadcast_in_dim3A_505, %broadcast_in_dim3A_506 : vector<16xi1>, vector<16xf32>
    %add3A_508 = arith.constant 33 : i32
    %add3A_509 = arith.addi %mul3A_2, %add3A_508 : i32
    %swap3A_510 = arith.index_cast %add3A_509 : i32 to index
    %swap3A_511 = arith.constant 0 : index
    %swap3A_512 = tpu.vector_load %arg13[%swap3A_510, %swap3A_511] {strides = array<i32>} : memref<1024x16xf32, #tpu.memory_space<vmem>>, vector<1x16xf32>,
    %swap3A_513 = vector.shape_cast %swap3A_512 : vector<1x16xf32> to vector<16xf32>
    %swap3A_514 = vector.shape_cast %select_n3A_507 : vector<16xf32> to vector<1x16xf32>
    tpu.vector_store %arg13[%swap3A_510, %swap3A_511], %swap3A_514 {strides = array<i32>} : memref<1024x16xf32, #tpu.memory_space<vmem>>, vector<1x16xf32>,
    %eq3A_515 = arith.constant 2 : i32
    %eq3A_516 = vector.broadcast %eq3A_515 : i32 to vector<16xi32>
    %eq3A_517 = arith.cmpi eq, %iota3A, %eq3A_516 : vector<16xi32>
    %jit3A_518 = arith.constant 1.000000e+00 : f32
    %jit3A_519 = arith.constant 0.000000e+00 : f32
    %broadcast_in_dim3A_520 = vector.broadcast %jit3A_518 : f32 to vector<16xf32>
    %broadcast_in_dim3A_521 = vector.broadcast %jit3A_519 : f32 to vector<16xf32>
    %select_n3A_522 = arith.select %eq3A_517, %broadcast_in_dim3A_520, %broadcast_in_dim3A_521 : vector<16xi1>, vector<16xf32>
    %add3A_523 = arith.constant 34 : i32
    %add3A_524 = arith.addi %mul3A_2, %add3A_523 : i32
    %swap3A_525 = arith.index_cast %add3A_524 : i32 to index
    %swap3A_526 = arith.constant 0 : index
    %swap3A_527 = tpu.vector_load %arg13[%swap3A_525, %swap3A_526] {strides = array<i32>} : memref<1024x16xf32, #tpu.memory_space<vmem>>, vector<1x16xf32>,
    %swap3A_528 = vector.shape_cast %swap3A_527 : vector<1x16xf32> to vector<16xf32>
    %swap3A_529 = vector.shape_cast %select_n3A_522 : vector<16xf32> to vector<1x16xf32>
    tpu.vector_store %arg13[%swap3A_525, %swap3A_526], %swap3A_529 {strides = array<i32>} : memref<1024x16xf32, #tpu.memory_space<vmem>>, vector<1x16xf32>,
    %eq3A_530 = arith.constant 3 : i32
    %eq3A_531 = vector.broadcast %eq3A_530 : i32 to vector<16xi32>
    %eq3A_532 = arith.cmpi eq, %iota3A, %eq3A_531 : vector<16xi32>
    %jit3A_533 = arith.constant 1.000000e+00 : f32
    %jit3A_534 = arith.constant 0.000000e+00 : f32
    %broadcast_in_dim3A_535 = vector.broadcast %jit3A_533 : f32 to vector<16xf32>
    %broadcast_in_dim3A_536 = vector.broadcast %jit3A_534 : f32 to vector<16xf32>
    %select_n3A_537 = arith.select %eq3A_532, %broadcast_in_dim3A_535, %broadcast_in_dim3A_536 : vector<16xi1>, vector<16xf32>
    %add3A_538 = arith.constant 35 : i32
    %add3A_539 = arith.addi %mul3A_2, %add3A_538 : i32
    %swap3A_540 = arith.index_cast %add3A_539 : i32 to index
    %swap3A_541 = arith.constant 0 : index
    %swap3A_542 = tpu.vector_load %arg13[%swap3A_540, %swap3A_541] {strides = array<i32>} : memref<1024x16xf32, #tpu.memory_space<vmem>>, vector<1x16xf32>,
    %swap3A_543 = vector.shape_cast %swap3A_542 : vector<1x16xf32> to vector<16xf32>
    %swap3A_544 = vector.shape_cast %select_n3A_537 : vector<16xf32> to vector<1x16xf32>
    tpu.vector_store %arg13[%swap3A_540, %swap3A_541], %swap3A_544 {strides = array<i32>} : memref<1024x16xf32, #tpu.memory_space<vmem>>, vector<1x16xf32>,
    %eq3A_545 = arith.constant 4 : i32
    %eq3A_546 = vector.broadcast %eq3A_545 : i32 to vector<16xi32>
    %eq3A_547 = arith.cmpi eq, %iota3A, %eq3A_546 : vector<16xi32>
    %jit3A_548 = arith.constant 1.000000e+00 : f32
    %jit3A_549 = arith.constant 0.000000e+00 : f32
    %broadcast_in_dim3A_550 = vector.broadcast %jit3A_548 : f32 to vector<16xf32>
    %broadcast_in_dim3A_551 = vector.broadcast %jit3A_549 : f32 to vector<16xf32>
    %select_n3A_552 = arith.select %eq3A_547, %broadcast_in_dim3A_550, %broadcast_in_dim3A_551 : vector<16xi1>, vector<16xf32>
    %add3A_553 = arith.constant 36 : i32
    %add3A_554 = arith.addi %mul3A_2, %add3A_553 : i32
    %swap3A_555 = arith.index_cast %add3A_554 : i32 to index
    %swap3A_556 = arith.constant 0 : index
    %swap3A_557 = tpu.vector_load %arg13[%swap3A_555, %swap3A_556] {strides = array<i32>} : memref<1024x16xf32, #tpu.memory_space<vmem>>, vector<1x16xf32>,
    %swap3A_558 = vector.shape_cast %swap3A_557 : vector<1x16xf32> to vector<16xf32>
    %swap3A_559 = vector.shape_cast %select_n3A_552 : vector<16xf32> to vector<1x16xf32>
    tpu.vector_store %arg13[%swap3A_555, %swap3A_556], %swap3A_559 {strides = array<i32>} : memref<1024x16xf32, #tpu.memory_space<vmem>>, vector<1x16xf32>,
    %eq3A_560 = arith.constant 5 : i32
    %eq3A_561 = vector.broadcast %eq3A_560 : i32 to vector<16xi32>
    %eq3A_562 = arith.cmpi eq, %iota3A, %eq3A_561 : vector<16xi32>
    %jit3A_563 = arith.constant 1.000000e+00 : f32
    %jit3A_564 = arith.constant 0.000000e+00 : f32
    %broadcast_in_dim3A_565 = vector.broadcast %jit3A_563 : f32 to vector<16xf32>
    %broadcast_in_dim3A_566 = vector.broadcast %jit3A_564 : f32 to vector<16xf32>
    %select_n3A_567 = arith.select %eq3A_562, %broadcast_in_dim3A_565, %broadcast_in_dim3A_566 : vector<16xi1>, vector<16xf32>
    %add3A_568 = arith.constant 37 : i32
    %add3A_569 = arith.addi %mul3A_2, %add3A_568 : i32
    %swap3A_570 = arith.index_cast %add3A_569 : i32 to index
    %swap3A_571 = arith.constant 0 : index
    %swap3A_572 = tpu.vector_load %arg13[%swap3A_570, %swap3A_571] {strides = array<i32>} : memref<1024x16xf32, #tpu.memory_space<vmem>>, vector<1x16xf32>,
    %swap3A_573 = vector.shape_cast %swap3A_572 : vector<1x16xf32> to vector<16xf32>
    %swap3A_574 = vector.shape_cast %select_n3A_567 : vector<16xf32> to vector<1x16xf32>
    tpu.vector_store %arg13[%swap3A_570, %swap3A_571], %swap3A_574 {strides = array<i32>} : memref<1024x16xf32, #tpu.memory_space<vmem>>, vector<1x16xf32>,
    %eq3A_575 = arith.constant 6 : i32
    %eq3A_576 = vector.broadcast %eq3A_575 : i32 to vector<16xi32>
    %eq3A_577 = arith.cmpi eq, %iota3A, %eq3A_576 : vector<16xi32>
    %jit3A_578 = arith.constant 1.000000e+00 : f32
    %jit3A_579 = arith.constant 0.000000e+00 : f32
    %broadcast_in_dim3A_580 = vector.broadcast %jit3A_578 : f32 to vector<16xf32>
    %broadcast_in_dim3A_581 = vector.broadcast %jit3A_579 : f32 to vector<16xf32>
    %select_n3A_582 = arith.select %eq3A_577, %broadcast_in_dim3A_580, %broadcast_in_dim3A_581 : vector<16xi1>, vector<16xf32>
    %add3A_583 = arith.constant 38 : i32
    %add3A_584 = arith.addi %mul3A_2, %add3A_583 : i32
    %swap3A_585 = arith.index_cast %add3A_584 : i32 to index
    %swap3A_586 = arith.constant 0 : index
    %swap3A_587 = tpu.vector_load %arg13[%swap3A_585, %swap3A_586] {strides = array<i32>} : memref<1024x16xf32, #tpu.memory_space<vmem>>, vector<1x16xf32>,
    %swap3A_588 = vector.shape_cast %swap3A_587 : vector<1x16xf32> to vector<16xf32>
    %swap3A_589 = vector.shape_cast %select_n3A_582 : vector<16xf32> to vector<1x16xf32>
    tpu.vector_store %arg13[%swap3A_585, %swap3A_586], %swap3A_589 {strides = array<i32>} : memref<1024x16xf32, #tpu.memory_space<vmem>>, vector<1x16xf32>,
    %eq3A_590 = arith.constant 7 : i32
    %eq3A_591 = vector.broadcast %eq3A_590 : i32 to vector<16xi32>
    %eq3A_592 = arith.cmpi eq, %iota3A, %eq3A_591 : vector<16xi32>
    %jit3A_593 = arith.constant 1.000000e+00 : f32
    %jit3A_594 = arith.constant 0.000000e+00 : f32
    %broadcast_in_dim3A_595 = vector.broadcast %jit3A_593 : f32 to vector<16xf32>
    %broadcast_in_dim3A_596 = vector.broadcast %jit3A_594 : f32 to vector<16xf32>
    %select_n3A_597 = arith.select %eq3A_592, %broadcast_in_dim3A_595, %broadcast_in_dim3A_596 : vector<16xi1>, vector<16xf32>
    %add3A_598 = arith.constant 39 : i32
    %add3A_599 = arith.addi %mul3A_2, %add3A_598 : i32
    %swap3A_600 = arith.index_cast %add3A_599 : i32 to index
    %swap3A_601 = arith.constant 0 : index
    %swap3A_602 = tpu.vector_load %arg13[%swap3A_600, %swap3A_601] {strides = array<i32>} : memref<1024x16xf32, #tpu.memory_space<vmem>>, vector<1x16xf32>,
    %swap3A_603 = vector.shape_cast %swap3A_602 : vector<1x16xf32> to vector<16xf32>
    %swap3A_604 = vector.shape_cast %select_n3A_597 : vector<16xf32> to vector<1x16xf32>
    tpu.vector_store %arg13[%swap3A_600, %swap3A_601], %swap3A_604 {strides = array<i32>} : memref<1024x16xf32, #tpu.memory_space<vmem>>, vector<1x16xf32>,
    %eq3A_605 = arith.constant 8 : i32
    %eq3A_606 = vector.broadcast %eq3A_605 : i32 to vector<16xi32>
    %eq3A_607 = arith.cmpi eq, %iota3A, %eq3A_606 : vector<16xi32>
    %jit3A_608 = arith.constant 1.000000e+00 : f32
    %jit3A_609 = arith.constant 0.000000e+00 : f32
    %broadcast_in_dim3A_610 = vector.broadcast %jit3A_608 : f32 to vector<16xf32>
    %broadcast_in_dim3A_611 = vector.broadcast %jit3A_609 : f32 to vector<16xf32>
    %select_n3A_612 = arith.select %eq3A_607, %broadcast_in_dim3A_610, %broadcast_in_dim3A_611 : vector<16xi1>, vector<16xf32>
    %add3A_613 = arith.constant 40 : i32
    %add3A_614 = arith.addi %mul3A_2, %add3A_613 : i32
    %swap3A_615 = arith.index_cast %add3A_614 : i32 to index
    %swap3A_616 = arith.constant 0 : index
    %swap3A_617 = tpu.vector_load %arg13[%swap3A_615, %swap3A_616] {strides = array<i32>} : memref<1024x16xf32, #tpu.memory_space<vmem>>, vector<1x16xf32>,
    %swap3A_618 = vector.shape_cast %swap3A_617 : vector<1x16xf32> to vector<16xf32>
    %swap3A_619 = vector.shape_cast %select_n3A_612 : vector<16xf32> to vector<1x16xf32>
    tpu.vector_store %arg13[%swap3A_615, %swap3A_616], %swap3A_619 {strides = array<i32>} : memref<1024x16xf32, #tpu.memory_space<vmem>>, vector<1x16xf32>,
    %eq3A_620 = arith.constant 9 : i32
    %eq3A_621 = vector.broadcast %eq3A_620 : i32 to vector<16xi32>
    %eq3A_622 = arith.cmpi eq, %iota3A, %eq3A_621 : vector<16xi32>
    %jit3A_623 = arith.constant 1.000000e+00 : f32
    %jit3A_624 = arith.constant 0.000000e+00 : f32
    %broadcast_in_dim3A_625 = vector.broadcast %jit3A_623 : f32 to vector<16xf32>
    %broadcast_in_dim3A_626 = vector.broadcast %jit3A_624 : f32 to vector<16xf32>
    %select_n3A_627 = arith.select %eq3A_622, %broadcast_in_dim3A_625, %broadcast_in_dim3A_626 : vector<16xi1>, vector<16xf32>
    %add3A_628 = arith.constant 41 : i32
    %add3A_629 = arith.addi %mul3A_2, %add3A_628 : i32
    %swap3A_630 = arith.index_cast %add3A_629 : i32 to index
    %swap3A_631 = arith.constant 0 : index
    %swap3A_632 = tpu.vector_load %arg13[%swap3A_630, %swap3A_631] {strides = array<i32>} : memref<1024x16xf32, #tpu.memory_space<vmem>>, vector<1x16xf32>,
    %swap3A_633 = vector.shape_cast %swap3A_632 : vector<1x16xf32> to vector<16xf32>
    %swap3A_634 = vector.shape_cast %select_n3A_627 : vector<16xf32> to vector<1x16xf32>
    tpu.vector_store %arg13[%swap3A_630, %swap3A_631], %swap3A_634 {strides = array<i32>} : memref<1024x16xf32, #tpu.memory_space<vmem>>, vector<1x16xf32>,
    %eq3A_635 = arith.constant 10 : i32
    %eq3A_636 = vector.broadcast %eq3A_635 : i32 to vector<16xi32>
    %eq3A_637 = arith.cmpi eq, %iota3A, %eq3A_636 : vector<16xi32>
    %jit3A_638 = arith.constant 1.000000e+00 : f32
    %jit3A_639 = arith.constant 0.000000e+00 : f32
    %broadcast_in_dim3A_640 = vector.broadcast %jit3A_638 : f32 to vector<16xf32>
    %broadcast_in_dim3A_641 = vector.broadcast %jit3A_639 : f32 to vector<16xf32>
    %select_n3A_642 = arith.select %eq3A_637, %broadcast_in_dim3A_640, %broadcast_in_dim3A_641 : vector<16xi1>, vector<16xf32>
    %add3A_643 = arith.constant 42 : i32
    %add3A_644 = arith.addi %mul3A_2, %add3A_643 : i32
    %swap3A_645 = arith.index_cast %add3A_644 : i32 to index
    %swap3A_646 = arith.constant 0 : index
    %swap3A_647 = tpu.vector_load %arg13[%swap3A_645, %swap3A_646] {strides = array<i32>} : memref<1024x16xf32, #tpu.memory_space<vmem>>, vector<1x16xf32>,
    %swap3A_648 = vector.shape_cast %swap3A_647 : vector<1x16xf32> to vector<16xf32>
    %swap3A_649 = vector.shape_cast %select_n3A_642 : vector<16xf32> to vector<1x16xf32>
    tpu.vector_store %arg13[%swap3A_645, %swap3A_646], %swap3A_649 {strides = array<i32>} : memref<1024x16xf32, #tpu.memory_space<vmem>>, vector<1x16xf32>,
    %eq3A_650 = arith.constant 11 : i32
    %eq3A_651 = vector.broadcast %eq3A_650 : i32 to vector<16xi32>
    %eq3A_652 = arith.cmpi eq, %iota3A, %eq3A_651 : vector<16xi32>
    %jit3A_653 = arith.constant 1.000000e+00 : f32
    %jit3A_654 = arith.constant 0.000000e+00 : f32
    %broadcast_in_dim3A_655 = vector.broadcast %jit3A_653 : f32 to vector<16xf32>
    %broadcast_in_dim3A_656 = vector.broadcast %jit3A_654 : f32 to vector<16xf32>
    %select_n3A_657 = arith.select %eq3A_652, %broadcast_in_dim3A_655, %broadcast_in_dim3A_656 : vector<16xi1>, vector<16xf32>
    %add3A_658 = arith.constant 43 : i32
    %add3A_659 = arith.addi %mul3A_2, %add3A_658 : i32
    %swap3A_660 = arith.index_cast %add3A_659 : i32 to index
    %swap3A_661 = arith.constant 0 : index
    %swap3A_662 = tpu.vector_load %arg13[%swap3A_660, %swap3A_661] {strides = array<i32>} : memref<1024x16xf32, #tpu.memory_space<vmem>>, vector<1x16xf32>,
    %swap3A_663 = vector.shape_cast %swap3A_662 : vector<1x16xf32> to vector<16xf32>
    %swap3A_664 = vector.shape_cast %select_n3A_657 : vector<16xf32> to vector<1x16xf32>
    tpu.vector_store %arg13[%swap3A_660, %swap3A_661], %swap3A_664 {strides = array<i32>} : memref<1024x16xf32, #tpu.memory_space<vmem>>, vector<1x16xf32>,
    %eq3A_665 = arith.constant 12 : i32
    %eq3A_666 = vector.broadcast %eq3A_665 : i32 to vector<16xi32>
    %eq3A_667 = arith.cmpi eq, %iota3A, %eq3A_666 : vector<16xi32>
    %jit3A_668 = arith.constant 1.000000e+00 : f32
    %jit3A_669 = arith.constant 0.000000e+00 : f32
    %broadcast_in_dim3A_670 = vector.broadcast %jit3A_668 : f32 to vector<16xf32>
    %broadcast_in_dim3A_671 = vector.broadcast %jit3A_669 : f32 to vector<16xf32>
    %select_n3A_672 = arith.select %eq3A_667, %broadcast_in_dim3A_670, %broadcast_in_dim3A_671 : vector<16xi1>, vector<16xf32>
    %add3A_673 = arith.constant 44 : i32
    %add3A_674 = arith.addi %mul3A_2, %add3A_673 : i32
    %swap3A_675 = arith.index_cast %add3A_674 : i32 to index
    %swap3A_676 = arith.constant 0 : index
    %swap3A_677 = tpu.vector_load %arg13[%swap3A_675, %swap3A_676] {strides = array<i32>} : memref<1024x16xf32, #tpu.memory_space<vmem>>, vector<1x16xf32>,
    %swap3A_678 = vector.shape_cast %swap3A_677 : vector<1x16xf32> to vector<16xf32>
    %swap3A_679 = vector.shape_cast %select_n3A_672 : vector<16xf32> to vector<1x16xf32>
    tpu.vector_store %arg13[%swap3A_675, %swap3A_676], %swap3A_679 {strides = array<i32>} : memref<1024x16xf32, #tpu.memory_space<vmem>>, vector<1x16xf32>,
    %eq3A_680 = arith.constant 13 : i32
    %eq3A_681 = vector.broadcast %eq3A_680 : i32 to vector<16xi32>
    %eq3A_682 = arith.cmpi eq, %iota3A, %eq3A_681 : vector<16xi32>
    %jit3A_683 = arith.constant 1.000000e+00 : f32
    %jit3A_684 = arith.constant 0.000000e+00 : f32
    %broadcast_in_dim3A_685 = vector.broadcast %jit3A_683 : f32 to vector<16xf32>
    %broadcast_in_dim3A_686 = vector.broadcast %jit3A_684 : f32 to vector<16xf32>
    %select_n3A_687 = arith.select %eq3A_682, %broadcast_in_dim3A_685, %broadcast_in_dim3A_686 : vector<16xi1>, vector<16xf32>
    %add3A_688 = arith.constant 45 : i32
    %add3A_689 = arith.addi %mul3A_2, %add3A_688 : i32
    %swap3A_690 = arith.index_cast %add3A_689 : i32 to index
    %swap3A_691 = arith.constant 0 : index
    %swap3A_692 = tpu.vector_load %arg13[%swap3A_690, %swap3A_691] {strides = array<i32>} : memref<1024x16xf32, #tpu.memory_space<vmem>>, vector<1x16xf32>,
    %swap3A_693 = vector.shape_cast %swap3A_692 : vector<1x16xf32> to vector<16xf32>
    %swap3A_694 = vector.shape_cast %select_n3A_687 : vector<16xf32> to vector<1x16xf32>
    tpu.vector_store %arg13[%swap3A_690, %swap3A_691], %swap3A_694 {strides = array<i32>} : memref<1024x16xf32, #tpu.memory_space<vmem>>, vector<1x16xf32>,
    %eq3A_695 = arith.constant 14 : i32
    %eq3A_696 = vector.broadcast %eq3A_695 : i32 to vector<16xi32>
    %eq3A_697 = arith.cmpi eq, %iota3A, %eq3A_696 : vector<16xi32>
    %jit3A_698 = arith.constant 1.000000e+00 : f32
    %jit3A_699 = arith.constant 0.000000e+00 : f32
    %broadcast_in_dim3A_700 = vector.broadcast %jit3A_698 : f32 to vector<16xf32>
    %broadcast_in_dim3A_701 = vector.broadcast %jit3A_699 : f32 to vector<16xf32>
    %select_n3A_702 = arith.select %eq3A_697, %broadcast_in_dim3A_700, %broadcast_in_dim3A_701 : vector<16xi1>, vector<16xf32>
    %add3A_703 = arith.constant 46 : i32
    %add3A_704 = arith.addi %mul3A_2, %add3A_703 : i32
    %swap3A_705 = arith.index_cast %add3A_704 : i32 to index
    %swap3A_706 = arith.constant 0 : index
    %swap3A_707 = tpu.vector_load %arg13[%swap3A_705, %swap3A_706] {strides = array<i32>} : memref<1024x16xf32, #tpu.memory_space<vmem>>, vector<1x16xf32>,
    %swap3A_708 = vector.shape_cast %swap3A_707 : vector<1x16xf32> to vector<16xf32>
    %swap3A_709 = vector.shape_cast %select_n3A_702 : vector<16xf32> to vector<1x16xf32>
    tpu.vector_store %arg13[%swap3A_705, %swap3A_706], %swap3A_709 {strides = array<i32>} : memref<1024x16xf32, #tpu.memory_space<vmem>>, vector<1x16xf32>,
    %eq3A_710 = arith.constant 15 : i32
    %eq3A_711 = vector.broadcast %eq3A_710 : i32 to vector<16xi32>
    %eq3A_712 = arith.cmpi eq, %iota3A, %eq3A_711 : vector<16xi32>
    %jit3A_713 = arith.constant 1.000000e+00 : f32
    %jit3A_714 = arith.constant 0.000000e+00 : f32
    %broadcast_in_dim3A_715 = vector.broadcast %jit3A_713 : f32 to vector<16xf32>
    %broadcast_in_dim3A_716 = vector.broadcast %jit3A_714 : f32 to vector<16xf32>
    %select_n3A_717 = arith.select %eq3A_712, %broadcast_in_dim3A_715, %broadcast_in_dim3A_716 : vector<16xi1>, vector<16xf32>
    %add3A_718 = arith.constant 47 : i32
    %add3A_719 = arith.addi %mul3A_2, %add3A_718 : i32
    %swap3A_720 = arith.index_cast %add3A_719 : i32 to index
    %swap3A_721 = arith.constant 0 : index
    %swap3A_722 = tpu.vector_load %arg13[%swap3A_720, %swap3A_721] {strides = array<i32>} : memref<1024x16xf32, #tpu.memory_space<vmem>>, vector<1x16xf32>,
    %swap3A_723 = vector.shape_cast %swap3A_722 : vector<1x16xf32> to vector<16xf32>
    %swap3A_724 = vector.shape_cast %select_n3A_717 : vector<16xf32> to vector<1x16xf32>
    tpu.vector_store %arg13[%swap3A_720, %swap3A_721], %swap3A_724 {strides = array<i32>} : memref<1024x16xf32, #tpu.memory_space<vmem>>, vector<1x16xf32>,
    %eq3A_725 = arith.constant 0 : i32
    %eq3A_726 = vector.broadcast %eq3A_725 : i32 to vector<16xi32>
    %eq3A_727 = arith.cmpi eq, %iota3A, %eq3A_726 : vector<16xi32>
    %jit3A_728 = arith.constant 1.000000e+00 : f32
    %jit3A_729 = arith.constant 0.000000e+00 : f32
    %broadcast_in_dim3A_730 = vector.broadcast %jit3A_728 : f32 to vector<16xf32>
    %broadcast_in_dim3A_731 = vector.broadcast %jit3A_729 : f32 to vector<16xf32>
    %select_n3A_732 = arith.select %eq3A_727, %broadcast_in_dim3A_730, %broadcast_in_dim3A_731 : vector<16xi1>, vector<16xf32>
    %add3A_733 = arith.constant 48 : i32
    %add3A_734 = arith.addi %mul3A_2, %add3A_733 : i32
    %swap3A_735 = arith.index_cast %add3A_734 : i32 to index
    %swap3A_736 = arith.constant 0 : index
    %swap3A_737 = tpu.vector_load %arg14[%swap3A_735, %swap3A_736] {strides = array<i32>} : memref<1024x16xf32, #tpu.memory_space<vmem>>, vector<1x16xf32>,
    %swap3A_738 = vector.shape_cast %swap3A_737 : vector<1x16xf32> to vector<16xf32>
    %swap3A_739 = vector.shape_cast %select_n3A_732 : vector<16xf32> to vector<1x16xf32>
    tpu.vector_store %arg14[%swap3A_735, %swap3A_736], %swap3A_739 {strides = array<i32>} : memref<1024x16xf32, #tpu.memory_space<vmem>>, vector<1x16xf32>,
    %eq3A_740 = arith.constant 1 : i32
    %eq3A_741 = vector.broadcast %eq3A_740 : i32 to vector<16xi32>
    %eq3A_742 = arith.cmpi eq, %iota3A, %eq3A_741 : vector<16xi32>
    %jit3A_743 = arith.constant 1.000000e+00 : f32
    %jit3A_744 = arith.constant 0.000000e+00 : f32
    %broadcast_in_dim3A_745 = vector.broadcast %jit3A_743 : f32 to vector<16xf32>
    %broadcast_in_dim3A_746 = vector.broadcast %jit3A_744 : f32 to vector<16xf32>
    %select_n3A_747 = arith.select %eq3A_742, %broadcast_in_dim3A_745, %broadcast_in_dim3A_746 : vector<16xi1>, vector<16xf32>
    %add3A_748 = arith.constant 49 : i32
    %add3A_749 = arith.addi %mul3A_2, %add3A_748 : i32
    %swap3A_750 = arith.index_cast %add3A_749 : i32 to index
    %swap3A_751 = arith.constant 0 : index
    %swap3A_752 = tpu.vector_load %arg14[%swap3A_750, %swap3A_751] {strides = array<i32>} : memref<1024x16xf32, #tpu.memory_space<vmem>>, vector<1x16xf32>,
    %swap3A_753 = vector.shape_cast %swap3A_752 : vector<1x16xf32> to vector<16xf32>
    %swap3A_754 = vector.shape_cast %select_n3A_747 : vector<16xf32> to vector<1x16xf32>
    tpu.vector_store %arg14[%swap3A_750, %swap3A_751], %swap3A_754 {strides = array<i32>} : memref<1024x16xf32, #tpu.memory_space<vmem>>, vector<1x16xf32>,
    %eq3A_755 = arith.constant 2 : i32
    %eq3A_756 = vector.broadcast %eq3A_755 : i32 to vector<16xi32>
    %eq3A_757 = arith.cmpi eq, %iota3A, %eq3A_756 : vector<16xi32>
    %jit3A_758 = arith.constant 1.000000e+00 : f32
    %jit3A_759 = arith.constant 0.000000e+00 : f32
    %broadcast_in_dim3A_760 = vector.broadcast %jit3A_758 : f32 to vector<16xf32>
    %broadcast_in_dim3A_761 = vector.broadcast %jit3A_759 : f32 to vector<16xf32>
    %select_n3A_762 = arith.select %eq3A_757, %broadcast_in_dim3A_760, %broadcast_in_dim3A_761 : vector<16xi1>, vector<16xf32>
    %add3A_763 = arith.constant 50 : i32
    %add3A_764 = arith.addi %mul3A_2, %add3A_763 : i32
    %swap3A_765 = arith.index_cast %add3A_764 : i32 to index
    %swap3A_766 = arith.constant 0 : index
    %swap3A_767 = tpu.vector_load %arg14[%swap3A_765, %swap3A_766] {strides = array<i32>} : memref<1024x16xf32, #tpu.memory_space<vmem>>, vector<1x16xf32>,
    %swap3A_768 = vector.shape_cast %swap3A_767 : vector<1x16xf32> to vector<16xf32>
    %swap3A_769 = vector.shape_cast %select_n3A_762 : vector<16xf32> to vector<1x16xf32>
    tpu.vector_store %arg14[%swap3A_765, %swap3A_766], %swap3A_769 {strides = array<i32>} : memref<1024x16xf32, #tpu.memory_space<vmem>>, vector<1x16xf32>,
    %eq3A_770 = arith.constant 3 : i32
    %eq3A_771 = vector.broadcast %eq3A_770 : i32 to vector<16xi32>
    %eq3A_772 = arith.cmpi eq, %iota3A, %eq3A_771 : vector<16xi32>
    %jit3A_773 = arith.constant 1.000000e+00 : f32
    %jit3A_774 = arith.constant 0.000000e+00 : f32
    %broadcast_in_dim3A_775 = vector.broadcast %jit3A_773 : f32 to vector<16xf32>
    %broadcast_in_dim3A_776 = vector.broadcast %jit3A_774 : f32 to vector<16xf32>
    %select_n3A_777 = arith.select %eq3A_772, %broadcast_in_dim3A_775, %broadcast_in_dim3A_776 : vector<16xi1>, vector<16xf32>
    %add3A_778 = arith.constant 51 : i32
    %add3A_779 = arith.addi %mul3A_2, %add3A_778 : i32
    %swap3A_780 = arith.index_cast %add3A_779 : i32 to index
    %swap3A_781 = arith.constant 0 : index
    %swap3A_782 = tpu.vector_load %arg14[%swap3A_780, %swap3A_781] {strides = array<i32>} : memref<1024x16xf32, #tpu.memory_space<vmem>>, vector<1x16xf32>,
    %swap3A_783 = vector.shape_cast %swap3A_782 : vector<1x16xf32> to vector<16xf32>
    %swap3A_784 = vector.shape_cast %select_n3A_777 : vector<16xf32> to vector<1x16xf32>
    tpu.vector_store %arg14[%swap3A_780, %swap3A_781], %swap3A_784 {strides = array<i32>} : memref<1024x16xf32, #tpu.memory_space<vmem>>, vector<1x16xf32>,
    %eq3A_785 = arith.constant 4 : i32
    %eq3A_786 = vector.broadcast %eq3A_785 : i32 to vector<16xi32>
    %eq3A_787 = arith.cmpi eq, %iota3A, %eq3A_786 : vector<16xi32>
    %jit3A_788 = arith.constant 1.000000e+00 : f32
    %jit3A_789 = arith.constant 0.000000e+00 : f32
    %broadcast_in_dim3A_790 = vector.broadcast %jit3A_788 : f32 to vector<16xf32>
    %broadcast_in_dim3A_791 = vector.broadcast %jit3A_789 : f32 to vector<16xf32>
    %select_n3A_792 = arith.select %eq3A_787, %broadcast_in_dim3A_790, %broadcast_in_dim3A_791 : vector<16xi1>, vector<16xf32>
    %add3A_793 = arith.constant 52 : i32
    %add3A_794 = arith.addi %mul3A_2, %add3A_793 : i32
    %swap3A_795 = arith.index_cast %add3A_794 : i32 to index
    %swap3A_796 = arith.constant 0 : index
    %swap3A_797 = tpu.vector_load %arg14[%swap3A_795, %swap3A_796] {strides = array<i32>} : memref<1024x16xf32, #tpu.memory_space<vmem>>, vector<1x16xf32>,
    %swap3A_798 = vector.shape_cast %swap3A_797 : vector<1x16xf32> to vector<16xf32>
    %swap3A_799 = vector.shape_cast %select_n3A_792 : vector<16xf32> to vector<1x16xf32>
    tpu.vector_store %arg14[%swap3A_795, %swap3A_796], %swap3A_799 {strides = array<i32>} : memref<1024x16xf32, #tpu.memory_space<vmem>>, vector<1x16xf32>,
    %eq3A_800 = arith.constant 5 : i32
    %eq3A_801 = vector.broadcast %eq3A_800 : i32 to vector<16xi32>
    %eq3A_802 = arith.cmpi eq, %iota3A, %eq3A_801 : vector<16xi32>
    %jit3A_803 = arith.constant 1.000000e+00 : f32
    %jit3A_804 = arith.constant 0.000000e+00 : f32
    %broadcast_in_dim3A_805 = vector.broadcast %jit3A_803 : f32 to vector<16xf32>
    %broadcast_in_dim3A_806 = vector.broadcast %jit3A_804 : f32 to vector<16xf32>
    %select_n3A_807 = arith.select %eq3A_802, %broadcast_in_dim3A_805, %broadcast_in_dim3A_806 : vector<16xi1>, vector<16xf32>
    %add3A_808 = arith.constant 53 : i32
    %add3A_809 = arith.addi %mul3A_2, %add3A_808 : i32
    %swap3A_810 = arith.index_cast %add3A_809 : i32 to index
    %swap3A_811 = arith.constant 0 : index
    %swap3A_812 = tpu.vector_load %arg14[%swap3A_810, %swap3A_811] {strides = array<i32>} : memref<1024x16xf32, #tpu.memory_space<vmem>>, vector<1x16xf32>,
    %swap3A_813 = vector.shape_cast %swap3A_812 : vector<1x16xf32> to vector<16xf32>
    %swap3A_814 = vector.shape_cast %select_n3A_807 : vector<16xf32> to vector<1x16xf32>
    tpu.vector_store %arg14[%swap3A_810, %swap3A_811], %swap3A_814 {strides = array<i32>} : memref<1024x16xf32, #tpu.memory_space<vmem>>, vector<1x16xf32>,
    %eq3A_815 = arith.constant 6 : i32
    %eq3A_816 = vector.broadcast %eq3A_815 : i32 to vector<16xi32>
    %eq3A_817 = arith.cmpi eq, %iota3A, %eq3A_816 : vector<16xi32>
    %jit3A_818 = arith.constant 1.000000e+00 : f32
    %jit3A_819 = arith.constant 0.000000e+00 : f32
    %broadcast_in_dim3A_820 = vector.broadcast %jit3A_818 : f32 to vector<16xf32>
    %broadcast_in_dim3A_821 = vector.broadcast %jit3A_819 : f32 to vector<16xf32>
    %select_n3A_822 = arith.select %eq3A_817, %broadcast_in_dim3A_820, %broadcast_in_dim3A_821 : vector<16xi1>, vector<16xf32>
    %add3A_823 = arith.constant 54 : i32
    %add3A_824 = arith.addi %mul3A_2, %add3A_823 : i32
    %swap3A_825 = arith.index_cast %add3A_824 : i32 to index
    %swap3A_826 = arith.constant 0 : index
    %swap3A_827 = tpu.vector_load %arg14[%swap3A_825, %swap3A_826] {strides = array<i32>} : memref<1024x16xf32, #tpu.memory_space<vmem>>, vector<1x16xf32>,
    %swap3A_828 = vector.shape_cast %swap3A_827 : vector<1x16xf32> to vector<16xf32>
    %swap3A_829 = vector.shape_cast %select_n3A_822 : vector<16xf32> to vector<1x16xf32>
    tpu.vector_store %arg14[%swap3A_825, %swap3A_826], %swap3A_829 {strides = array<i32>} : memref<1024x16xf32, #tpu.memory_space<vmem>>, vector<1x16xf32>,
    %eq3A_830 = arith.constant 7 : i32
    %eq3A_831 = vector.broadcast %eq3A_830 : i32 to vector<16xi32>
    %eq3A_832 = arith.cmpi eq, %iota3A, %eq3A_831 : vector<16xi32>
    %jit3A_833 = arith.constant 1.000000e+00 : f32
    %jit3A_834 = arith.constant 0.000000e+00 : f32
    %broadcast_in_dim3A_835 = vector.broadcast %jit3A_833 : f32 to vector<16xf32>
    %broadcast_in_dim3A_836 = vector.broadcast %jit3A_834 : f32 to vector<16xf32>
    %select_n3A_837 = arith.select %eq3A_832, %broadcast_in_dim3A_835, %broadcast_in_dim3A_836 : vector<16xi1>, vector<16xf32>
    %add3A_838 = arith.constant 55 : i32
    %add3A_839 = arith.addi %mul3A_2, %add3A_838 : i32
    %swap3A_840 = arith.index_cast %add3A_839 : i32 to index
    %swap3A_841 = arith.constant 0 : index
    %swap3A_842 = tpu.vector_load %arg14[%swap3A_840, %swap3A_841] {strides = array<i32>} : memref<1024x16xf32, #tpu.memory_space<vmem>>, vector<1x16xf32>,
    %swap3A_843 = vector.shape_cast %swap3A_842 : vector<1x16xf32> to vector<16xf32>
    %swap3A_844 = vector.shape_cast %select_n3A_837 : vector<16xf32> to vector<1x16xf32>
    tpu.vector_store %arg14[%swap3A_840, %swap3A_841], %swap3A_844 {strides = array<i32>} : memref<1024x16xf32, #tpu.memory_space<vmem>>, vector<1x16xf32>,
    %eq3A_845 = arith.constant 8 : i32
    %eq3A_846 = vector.broadcast %eq3A_845 : i32 to vector<16xi32>
    %eq3A_847 = arith.cmpi eq, %iota3A, %eq3A_846 : vector<16xi32>
    %jit3A_848 = arith.constant 1.000000e+00 : f32
    %jit3A_849 = arith.constant 0.000000e+00 : f32
    %broadcast_in_dim3A_850 = vector.broadcast %jit3A_848 : f32 to vector<16xf32>
    %broadcast_in_dim3A_851 = vector.broadcast %jit3A_849 : f32 to vector<16xf32>
    %select_n3A_852 = arith.select %eq3A_847, %broadcast_in_dim3A_850, %broadcast_in_dim3A_851 : vector<16xi1>, vector<16xf32>
    %add3A_853 = arith.constant 56 : i32
    %add3A_854 = arith.addi %mul3A_2, %add3A_853 : i32
    %swap3A_855 = arith.index_cast %add3A_854 : i32 to index
    %swap3A_856 = arith.constant 0 : index
    %swap3A_857 = tpu.vector_load %arg14[%swap3A_855, %swap3A_856] {strides = array<i32>} : memref<1024x16xf32, #tpu.memory_space<vmem>>, vector<1x16xf32>,
    %swap3A_858 = vector.shape_cast %swap3A_857 : vector<1x16xf32> to vector<16xf32>
    %swap3A_859 = vector.shape_cast %select_n3A_852 : vector<16xf32> to vector<1x16xf32>
    tpu.vector_store %arg14[%swap3A_855, %swap3A_856], %swap3A_859 {strides = array<i32>} : memref<1024x16xf32, #tpu.memory_space<vmem>>, vector<1x16xf32>,
    %eq3A_860 = arith.constant 9 : i32
    %eq3A_861 = vector.broadcast %eq3A_860 : i32 to vector<16xi32>
    %eq3A_862 = arith.cmpi eq, %iota3A, %eq3A_861 : vector<16xi32>
    %jit3A_863 = arith.constant 1.000000e+00 : f32
    %jit3A_864 = arith.constant 0.000000e+00 : f32
    %broadcast_in_dim3A_865 = vector.broadcast %jit3A_863 : f32 to vector<16xf32>
    %broadcast_in_dim3A_866 = vector.broadcast %jit3A_864 : f32 to vector<16xf32>
    %select_n3A_867 = arith.select %eq3A_862, %broadcast_in_dim3A_865, %broadcast_in_dim3A_866 : vector<16xi1>, vector<16xf32>
    %add3A_868 = arith.constant 57 : i32
    %add3A_869 = arith.addi %mul3A_2, %add3A_868 : i32
    %swap3A_870 = arith.index_cast %add3A_869 : i32 to index
    %swap3A_871 = arith.constant 0 : index
    %swap3A_872 = tpu.vector_load %arg14[%swap3A_870, %swap3A_871] {strides = array<i32>} : memref<1024x16xf32, #tpu.memory_space<vmem>>, vector<1x16xf32>,
    %swap3A_873 = vector.shape_cast %swap3A_872 : vector<1x16xf32> to vector<16xf32>
    %swap3A_874 = vector.shape_cast %select_n3A_867 : vector<16xf32> to vector<1x16xf32>
    tpu.vector_store %arg14[%swap3A_870, %swap3A_871], %swap3A_874 {strides = array<i32>} : memref<1024x16xf32, #tpu.memory_space<vmem>>, vector<1x16xf32>,
    %eq3A_875 = arith.constant 10 : i32
    %eq3A_876 = vector.broadcast %eq3A_875 : i32 to vector<16xi32>
    %eq3A_877 = arith.cmpi eq, %iota3A, %eq3A_876 : vector<16xi32>
    %jit3A_878 = arith.constant 1.000000e+00 : f32
    %jit3A_879 = arith.constant 0.000000e+00 : f32
    %broadcast_in_dim3A_880 = vector.broadcast %jit3A_878 : f32 to vector<16xf32>
    %broadcast_in_dim3A_881 = vector.broadcast %jit3A_879 : f32 to vector<16xf32>
    %select_n3A_882 = arith.select %eq3A_877, %broadcast_in_dim3A_880, %broadcast_in_dim3A_881 : vector<16xi1>, vector<16xf32>
    %add3A_883 = arith.constant 58 : i32
    %add3A_884 = arith.addi %mul3A_2, %add3A_883 : i32
    %swap3A_885 = arith.index_cast %add3A_884 : i32 to index
    %swap3A_886 = arith.constant 0 : index
    %swap3A_887 = tpu.vector_load %arg14[%swap3A_885, %swap3A_886] {strides = array<i32>} : memref<1024x16xf32, #tpu.memory_space<vmem>>, vector<1x16xf32>,
    %swap3A_888 = vector.shape_cast %swap3A_887 : vector<1x16xf32> to vector<16xf32>
    %swap3A_889 = vector.shape_cast %select_n3A_882 : vector<16xf32> to vector<1x16xf32>
    tpu.vector_store %arg14[%swap3A_885, %swap3A_886], %swap3A_889 {strides = array<i32>} : memref<1024x16xf32, #tpu.memory_space<vmem>>, vector<1x16xf32>,
    %eq3A_890 = arith.constant 11 : i32
    %eq3A_891 = vector.broadcast %eq3A_890 : i32 to vector<16xi32>
    %eq3A_892 = arith.cmpi eq, %iota3A, %eq3A_891 : vector<16xi32>
    %jit3A_893 = arith.constant 1.000000e+00 : f32
    %jit3A_894 = arith.constant 0.000000e+00 : f32
    %broadcast_in_dim3A_895 = vector.broadcast %jit3A_893 : f32 to vector<16xf32>
    %broadcast_in_dim3A_896 = vector.broadcast %jit3A_894 : f32 to vector<16xf32>
    %select_n3A_897 = arith.select %eq3A_892, %broadcast_in_dim3A_895, %broadcast_in_dim3A_896 : vector<16xi1>, vector<16xf32>
    %add3A_898 = arith.constant 59 : i32
    %add3A_899 = arith.addi %mul3A_2, %add3A_898 : i32
    %swap3A_900 = arith.index_cast %add3A_899 : i32 to index
    %swap3A_901 = arith.constant 0 : index
    %swap3A_902 = tpu.vector_load %arg14[%swap3A_900, %swap3A_901] {strides = array<i32>} : memref<1024x16xf32, #tpu.memory_space<vmem>>, vector<1x16xf32>,
    %swap3A_903 = vector.shape_cast %swap3A_902 : vector<1x16xf32> to vector<16xf32>
    %swap3A_904 = vector.shape_cast %select_n3A_897 : vector<16xf32> to vector<1x16xf32>
    tpu.vector_store %arg14[%swap3A_900, %swap3A_901], %swap3A_904 {strides = array<i32>} : memref<1024x16xf32, #tpu.memory_space<vmem>>, vector<1x16xf32>,
    %eq3A_905 = arith.constant 12 : i32
    %eq3A_906 = vector.broadcast %eq3A_905 : i32 to vector<16xi32>
    %eq3A_907 = arith.cmpi eq, %iota3A, %eq3A_906 : vector<16xi32>
    %jit3A_908 = arith.constant 1.000000e+00 : f32
    %jit3A_909 = arith.constant 0.000000e+00 : f32
    %broadcast_in_dim3A_910 = vector.broadcast %jit3A_908 : f32 to vector<16xf32>
    %broadcast_in_dim3A_911 = vector.broadcast %jit3A_909 : f32 to vector<16xf32>
    %select_n3A_912 = arith.select %eq3A_907, %broadcast_in_dim3A_910, %broadcast_in_dim3A_911 : vector<16xi1>, vector<16xf32>
    %add3A_913 = arith.constant 60 : i32
    %add3A_914 = arith.addi %mul3A_2, %add3A_913 : i32
    %swap3A_915 = arith.index_cast %add3A_914 : i32 to index
    %swap3A_916 = arith.constant 0 : index
    %swap3A_917 = tpu.vector_load %arg14[%swap3A_915, %swap3A_916] {strides = array<i32>} : memref<1024x16xf32, #tpu.memory_space<vmem>>, vector<1x16xf32>,
    %swap3A_918 = vector.shape_cast %swap3A_917 : vector<1x16xf32> to vector<16xf32>
    %swap3A_919 = vector.shape_cast %select_n3A_912 : vector<16xf32> to vector<1x16xf32>
    tpu.vector_store %arg14[%swap3A_915, %swap3A_916], %swap3A_919 {strides = array<i32>} : memref<1024x16xf32, #tpu.memory_space<vmem>>, vector<1x16xf32>,
    %eq3A_920 = arith.constant 13 : i32
    %eq3A_921 = vector.broadcast %eq3A_920 : i32 to vector<16xi32>
    %eq3A_922 = arith.cmpi eq, %iota3A, %eq3A_921 : vector<16xi32>
    %jit3A_923 = arith.constant 1.000000e+00 : f32
    %jit3A_924 = arith.constant 0.000000e+00 : f32
    %broadcast_in_dim3A_925 = vector.broadcast %jit3A_923 : f32 to vector<16xf32>
    %broadcast_in_dim3A_926 = vector.broadcast %jit3A_924 : f32 to vector<16xf32>
    %select_n3A_927 = arith.select %eq3A_922, %broadcast_in_dim3A_925, %broadcast_in_dim3A_926 : vector<16xi1>, vector<16xf32>
    %add3A_928 = arith.constant 61 : i32
    %add3A_929 = arith.addi %mul3A_2, %add3A_928 : i32
    %swap3A_930 = arith.index_cast %add3A_929 : i32 to index
    %swap3A_931 = arith.constant 0 : index
    %swap3A_932 = tpu.vector_load %arg14[%swap3A_930, %swap3A_931] {strides = array<i32>} : memref<1024x16xf32, #tpu.memory_space<vmem>>, vector<1x16xf32>,
    %swap3A_933 = vector.shape_cast %swap3A_932 : vector<1x16xf32> to vector<16xf32>
    %swap3A_934 = vector.shape_cast %select_n3A_927 : vector<16xf32> to vector<1x16xf32>
    tpu.vector_store %arg14[%swap3A_930, %swap3A_931], %swap3A_934 {strides = array<i32>} : memref<1024x16xf32, #tpu.memory_space<vmem>>, vector<1x16xf32>,
    %eq3A_935 = arith.constant 14 : i32
    %eq3A_936 = vector.broadcast %eq3A_935 : i32 to vector<16xi32>
    %eq3A_937 = arith.cmpi eq, %iota3A, %eq3A_936 : vector<16xi32>
    %jit3A_938 = arith.constant 1.000000e+00 : f32
    %jit3A_939 = arith.constant 0.000000e+00 : f32
    %broadcast_in_dim3A_940 = vector.broadcast %jit3A_938 : f32 to vector<16xf32>
    %broadcast_in_dim3A_941 = vector.broadcast %jit3A_939 : f32 to vector<16xf32>
    %select_n3A_942 = arith.select %eq3A_937, %broadcast_in_dim3A_940, %broadcast_in_dim3A_941 : vector<16xi1>, vector<16xf32>
    %add3A_943 = arith.constant 62 : i32
    %add3A_944 = arith.addi %mul3A_2, %add3A_943 : i32
    %swap3A_945 = arith.index_cast %add3A_944 : i32 to index
    %swap3A_946 = arith.constant 0 : index
    %swap3A_947 = tpu.vector_load %arg14[%swap3A_945, %swap3A_946] {strides = array<i32>} : memref<1024x16xf32, #tpu.memory_space<vmem>>, vector<1x16xf32>,
    %swap3A_948 = vector.shape_cast %swap3A_947 : vector<1x16xf32> to vector<16xf32>
    %swap3A_949 = vector.shape_cast %select_n3A_942 : vector<16xf32> to vector<1x16xf32>
    tpu.vector_store %arg14[%swap3A_945, %swap3A_946], %swap3A_949 {strides = array<i32>} : memref<1024x16xf32, #tpu.memory_space<vmem>>, vector<1x16xf32>,
    %eq3A_950 = arith.constant 15 : i32
    %eq3A_951 = vector.broadcast %eq3A_950 : i32 to vector<16xi32>
    %eq3A_952 = arith.cmpi eq, %iota3A, %eq3A_951 : vector<16xi32>
    %jit3A_953 = arith.constant 1.000000e+00 : f32
    %jit3A_954 = arith.constant 0.000000e+00 : f32
    %broadcast_in_dim3A_955 = vector.broadcast %jit3A_953 : f32 to vector<16xf32>
    %broadcast_in_dim3A_956 = vector.broadcast %jit3A_954 : f32 to vector<16xf32>
    %select_n3A_957 = arith.select %eq3A_952, %broadcast_in_dim3A_955, %broadcast_in_dim3A_956 : vector<16xi1>, vector<16xf32>
    %add3A_958 = arith.constant 63 : i32
    %add3A_959 = arith.addi %mul3A_2, %add3A_958 : i32
    %swap3A_960 = arith.index_cast %add3A_959 : i32 to index
    %swap3A_961 = arith.constant 0 : index
    %swap3A_962 = tpu.vector_load %arg14[%swap3A_960, %swap3A_961] {strides = array<i32>} : memref<1024x16xf32, #tpu.memory_space<vmem>>, vector<1x16xf32>,
    %swap3A_963 = vector.shape_cast %swap3A_962 : vector<1x16xf32> to vector<16xf32>
    %swap3A_964 = vector.shape_cast %select_n3A_957 : vector<16xf32> to vector<1x16xf32>
    tpu.vector_store %arg14[%swap3A_960, %swap3A_961], %swap3A_964 {strides = array<i32>} : memref<1024x16xf32, #tpu.memory_space<vmem>>, vector<1x16xf32>,
    %scan3A_965 = arith.constant 0 : i32
    %scan3A_966 = arith.constant 0 : i32
    %scan3A_967 = arith.constant 96 : i32
    %scan3A_968 = arith.addi %scan3A_966, %scan3A_967 : i32
    %scan3A_969 = arith.constant 1 : i32
    %scan3A_970 = scf.for %scan3A_980 = %scan3A_966 to %scan3A_968 step %scan3A_969 iter_args(%scan3A_981 = %scan3A_965) -> (i32)  : i32 {
      %mul3A_982 = arith.constant 16 : i32
      %mul3A_983 = arith.muli %scan3A_980, %mul3A_982 : i32
      %add3A_984 = arith.addi %mul3A_0, %mul3A_983 : i32
      %rem3A = arith.constant 1024 : i32
      %rem3A_985 = arith.remsi %add3A_984, %rem3A : i32
      %get3A = arith.index_cast %mul3A_983 : i32 to index
      %get3A_986 = tpu.vector_load %arg7[%get3A] {strides = array<i32>} : memref<1536xi32, #tpu.memory_space<vmem>>, vector<16xi32>,
      %get3A_987 = vector.shape_cast %get3A_986 : vector<16xi32> to vector<16xi32>
      %get3A_988 = arith.index_cast %mul3A_983 : i32 to index
      %get3A_989 = tpu.vector_load %arg8[%get3A_988] {strides = array<i32>} : memref<1536xi32, #tpu.memory_space<vmem>>, vector<16xi32>,
      %get3A_990 = vector.shape_cast %get3A_989 : vector<16xi32> to vector<16xi32>
      %get3A_991 = arith.index_cast %rem3A_985 : i32 to index
      %get3A_992 = tpu.vector_load %arg9[%get3A_991] {strides = array<i32>} : memref<1024xf32, #tpu.memory_space<vmem>>, vector<16xf32>,
      %get3A_993 = vector.shape_cast %get3A_992 : vector<16xf32> to vector<16xf32>
      %get3A_994 = arith.index_cast %rem3A_985 : i32 to index
      %get3A_995 = tpu.vector_load %arg10[%get3A_994] {strides = array<i32>} : memref<1024xf32, #tpu.memory_space<vmem>>, vector<16xf32>,
      %get3A_996 = vector.shape_cast %get3A_995 : vector<16xf32> to vector<16xf32>
      %slice3A = vector.extract_strided_slice %get3A_987 {offsets = [0], sizes = [1], strides = [1]} : vector<16xi32> to vector<1xi32>
      %squeeze3A = vector.extract %slice3A[0] : i32 from vector<1xi32>
      %slice3A_997 = vector.extract_strided_slice %get3A_990 {offsets = [0], sizes = [1], strides = [1]} : vector<16xi32> to vector<1xi32>
      %squeeze3A_998 = vector.extract %slice3A_997[0] : i32 from vector<1xi32>
      %slice3A_999 = vector.extract_strided_slice %get3A_993 {offsets = [0], sizes = [1], strides = [1]} : vector<16xf32> to vector<1xf32>
      %squeeze3A_1000 = vector.extract %slice3A_999[0] : f32 from vector<1xf32>
      %slice3A_1001 = vector.extract_strided_slice %get3A_996 {offsets = [0], sizes = [1], strides = [1]} : vector<16xf32> to vector<1xf32>
      %squeeze3A_1002 = vector.extract %slice3A_1001[0] : f32 from vector<1xf32>
      %get3A_1003 = arith.index_cast %squeeze3A : i32 to index
      %get3A_1004 = arith.constant 0 : index
      %get3A_1005 = tpu.vector_load %arg11[%get3A_1003, %get3A_1004] {strides = array<i32>} : memref<1024x16xf32, #tpu.memory_space<vmem>>, vector<1x16xf32>,
      %get3A_1006 = vector.shape_cast %get3A_1005 : vector<1x16xf32> to vector<16xf32>
      %get3A_1007 = arith.index_cast %squeeze3A_998 : i32 to index
      %get3A_1008 = arith.constant 0 : index
      %get3A_1009 = tpu.vector_load %arg11[%get3A_1007, %get3A_1008] {strides = array<i32>} : memref<1024x16xf32, #tpu.memory_space<vmem>>, vector<1x16xf32>,
      %get3A_1010 = vector.shape_cast %get3A_1009 : vector<1x16xf32> to vector<16xf32>
      %mul3A_1011 = vector.broadcast %squeeze3A_1000 : f32 to vector<16xf32>
      %mul3A_1012 = arith.mulf %mul3A_1011, %get3A_1006 : vector<16xf32>
      %mul3A_1013 = vector.broadcast %squeeze3A_1002 : f32 to vector<16xf32>
      %mul3A_1014 = arith.mulf %mul3A_1013, %get3A_1010 : vector<16xf32>
      %sub3A = arith.subf %mul3A_1012, %mul3A_1014 : vector<16xf32>
      %swap3A_1015 = arith.index_cast %squeeze3A : i32 to index
      %swap3A_1016 = arith.constant 0 : index
      %swap3A_1017 = tpu.vector_load %arg11[%swap3A_1015, %swap3A_1016] {strides = array<i32>} : memref<1024x16xf32, #tpu.memory_space<vmem>>, vector<1x16xf32>,
      %swap3A_1018 = vector.shape_cast %swap3A_1017 : vector<1x16xf32> to vector<16xf32>
      %swap3A_1019 = vector.shape_cast %sub3A : vector<16xf32> to vector<1x16xf32>
      tpu.vector_store %arg11[%swap3A_1015, %swap3A_1016], %swap3A_1019 {strides = array<i32>} : memref<1024x16xf32, #tpu.memory_space<vmem>>, vector<1x16xf32>,
      %mul3A_1020 = vector.broadcast %squeeze3A_1002 : f32 to vector<16xf32>
      %mul3A_1021 = arith.mulf %mul3A_1020, %get3A_1006 : vector<16xf32>
      %mul3A_1022 = vector.broadcast %squeeze3A_1000 : f32 to vector<16xf32>
      %mul3A_1023 = arith.mulf %mul3A_1022, %get3A_1010 : vector<16xf32>
      %add3A_1024 = arith.addf %mul3A_1021, %mul3A_1023 : vector<16xf32>
      %swap3A_1025 = arith.index_cast %squeeze3A_998 : i32 to index
      %swap3A_1026 = arith.constant 0 : index
      %swap3A_1027 = tpu.vector_load %arg11[%swap3A_1025, %swap3A_1026] {strides = array<i32>} : memref<1024x16xf32, #tpu.memory_space<vmem>>, vector<1x16xf32>,
      %swap3A_1028 = vector.shape_cast %swap3A_1027 : vector<1x16xf32> to vector<16xf32>
      %swap3A_1029 = vector.shape_cast %add3A_1024 : vector<16xf32> to vector<1x16xf32>
      tpu.vector_store %arg11[%swap3A_1025, %swap3A_1026], %swap3A_1029 {strides = array<i32>} : memref<1024x16xf32, #tpu.memory_space<vmem>>, vector<1x16xf32>,
      %get3A_1030 = arith.index_cast %squeeze3A : i32 to index
      %get3A_1031 = arith.constant 0 : index
      %get3A_1032 = tpu.vector_load %arg12[%get3A_1030, %get3A_1031] {strides = array<i32>} : memref<1024x16xf32, #tpu.memory_space<vmem>>, vector<1x16xf32>,
      %get3A_1033 = vector.shape_cast %get3A_1032 : vector<1x16xf32> to vector<16xf32>
      %get3A_1034 = arith.index_cast %squeeze3A_998 : i32 to index
      %get3A_1035 = arith.constant 0 : index
      %get3A_1036 = tpu.vector_load %arg12[%get3A_1034, %get3A_1035] {strides = array<i32>} : memref<1024x16xf32, #tpu.memory_space<vmem>>, vector<1x16xf32>,
      %get3A_1037 = vector.shape_cast %get3A_1036 : vector<1x16xf32> to vector<16xf32>
      %mul3A_1038 = vector.broadcast %squeeze3A_1000 : f32 to vector<16xf32>
      %mul3A_1039 = arith.mulf %mul3A_1038, %get3A_1033 : vector<16xf32>
      %mul3A_1040 = vector.broadcast %squeeze3A_1002 : f32 to vector<16xf32>
      %mul3A_1041 = arith.mulf %mul3A_1040, %get3A_1037 : vector<16xf32>
      %sub3A_1042 = arith.subf %mul3A_1039, %mul3A_1041 : vector<16xf32>
      %swap3A_1043 = arith.index_cast %squeeze3A : i32 to index
      %swap3A_1044 = arith.constant 0 : index
      %swap3A_1045 = tpu.vector_load %arg12[%swap3A_1043, %swap3A_1044] {strides = array<i32>} : memref<1024x16xf32, #tpu.memory_space<vmem>>, vector<1x16xf32>,
      %swap3A_1046 = vector.shape_cast %swap3A_1045 : vector<1x16xf32> to vector<16xf32>
      %swap3A_1047 = vector.shape_cast %sub3A_1042 : vector<16xf32> to vector<1x16xf32>
      tpu.vector_store %arg12[%swap3A_1043, %swap3A_1044], %swap3A_1047 {strides = array<i32>} : memref<1024x16xf32, #tpu.memory_space<vmem>>, vector<1x16xf32>,
      %mul3A_1048 = vector.broadcast %squeeze3A_1002 : f32 to vector<16xf32>
      %mul3A_1049 = arith.mulf %mul3A_1048, %get3A_1033 : vector<16xf32>
      %mul3A_1050 = vector.broadcast %squeeze3A_1000 : f32 to vector<16xf32>
      %mul3A_1051 = arith.mulf %mul3A_1050, %get3A_1037 : vector<16xf32>
      %add3A_1052 = arith.addf %mul3A_1049, %mul3A_1051 : vector<16xf32>
      %swap3A_1053 = arith.index_cast %squeeze3A_998 : i32 to index
      %swap3A_1054 = arith.constant 0 : index
      %swap3A_1055 = tpu.vector_load %arg12[%swap3A_1053, %swap3A_1054] {strides = array<i32>} : memref<1024x16xf32, #tpu.memory_space<vmem>>, vector<1x16xf32>,
      %swap3A_1056 = vector.shape_cast %swap3A_1055 : vector<1x16xf32> to vector<16xf32>
      %swap3A_1057 = vector.shape_cast %add3A_1052 : vector<16xf32> to vector<1x16xf32>
      tpu.vector_store %arg12[%swap3A_1053, %swap3A_1054], %swap3A_1057 {strides = array<i32>} : memref<1024x16xf32, #tpu.memory_space<vmem>>, vector<1x16xf32>,
      %get3A_1058 = arith.index_cast %squeeze3A : i32 to index
      %get3A_1059 = arith.constant 0 : index
      %get3A_1060 = tpu.vector_load %arg13[%get3A_1058, %get3A_1059] {strides = array<i32>} : memref<1024x16xf32, #tpu.memory_space<vmem>>, vector<1x16xf32>,
      %get3A_1061 = vector.shape_cast %get3A_1060 : vector<1x16xf32> to vector<16xf32>
      %get3A_1062 = arith.index_cast %squeeze3A_998 : i32 to index
      %get3A_1063 = arith.constant 0 : index
      %get3A_1064 = tpu.vector_load %arg13[%get3A_1062, %get3A_1063] {strides = array<i32>} : memref<1024x16xf32, #tpu.memory_space<vmem>>, vector<1x16xf32>,
      %get3A_1065 = vector.shape_cast %get3A_1064 : vector<1x16xf32> to vector<16xf32>
      %mul3A_1066 = vector.broadcast %squeeze3A_1000 : f32 to vector<16xf32>
      %mul3A_1067 = arith.mulf %mul3A_1066, %get3A_1061 : vector<16xf32>
      %mul3A_1068 = vector.broadcast %squeeze3A_1002 : f32 to vector<16xf32>
      %mul3A_1069 = arith.mulf %mul3A_1068, %get3A_1065 : vector<16xf32>
      %sub3A_1070 = arith.subf %mul3A_1067, %mul3A_1069 : vector<16xf32>
      %swap3A_1071 = arith.index_cast %squeeze3A : i32 to index
      %swap3A_1072 = arith.constant 0 : index
      %swap3A_1073 = tpu.vector_load %arg13[%swap3A_1071, %swap3A_1072] {strides = array<i32>} : memref<1024x16xf32, #tpu.memory_space<vmem>>, vector<1x16xf32>,
      %swap3A_1074 = vector.shape_cast %swap3A_1073 : vector<1x16xf32> to vector<16xf32>
      %swap3A_1075 = vector.shape_cast %sub3A_1070 : vector<16xf32> to vector<1x16xf32>
      tpu.vector_store %arg13[%swap3A_1071, %swap3A_1072], %swap3A_1075 {strides = array<i32>} : memref<1024x16xf32, #tpu.memory_space<vmem>>, vector<1x16xf32>,
      %mul3A_1076 = vector.broadcast %squeeze3A_1002 : f32 to vector<16xf32>
      %mul3A_1077 = arith.mulf %mul3A_1076, %get3A_1061 : vector<16xf32>
      %mul3A_1078 = vector.broadcast %squeeze3A_1000 : f32 to vector<16xf32>
      %mul3A_1079 = arith.mulf %mul3A_1078, %get3A_1065 : vector<16xf32>
      %add3A_1080 = arith.addf %mul3A_1077, %mul3A_1079 : vector<16xf32>
      %swap3A_1081 = arith.index_cast %squeeze3A_998 : i32 to index
      %swap3A_1082 = arith.constant 0 : index
      %swap3A_1083 = tpu.vector_load %arg13[%swap3A_1081, %swap3A_1082] {strides = array<i32>} : memref<1024x16xf32, #tpu.memory_space<vmem>>, vector<1x16xf32>,
      %swap3A_1084 = vector.shape_cast %swap3A_1083 : vector<1x16xf32> to vector<16xf32>
      %swap3A_1085 = vector.shape_cast %add3A_1080 : vector<16xf32> to vector<1x16xf32>
      tpu.vector_store %arg13[%swap3A_1081, %swap3A_1082], %swap3A_1085 {strides = array<i32>} : memref<1024x16xf32, #tpu.memory_space<vmem>>, vector<1x16xf32>,
      %get3A_1086 = arith.index_cast %squeeze3A : i32 to index
      %get3A_1087 = arith.constant 0 : index
      %get3A_1088 = tpu.vector_load %arg14[%get3A_1086, %get3A_1087] {strides = array<i32>} : memref<1024x16xf32, #tpu.memory_space<vmem>>, vector<1x16xf32>,
      %get3A_1089 = vector.shape_cast %get3A_1088 : vector<1x16xf32> to vector<16xf32>
      %get3A_1090 = arith.index_cast %squeeze3A_998 : i32 to index
      %get3A_1091 = arith.constant 0 : index
      %get3A_1092 = tpu.vector_load %arg14[%get3A_1090, %get3A_1091] {strides = array<i32>} : memref<1024x16xf32, #tpu.memory_space<vmem>>, vector<1x16xf32>,
      %get3A_1093 = vector.shape_cast %get3A_1092 : vector<1x16xf32> to vector<16xf32>
      %mul3A_1094 = vector.broadcast %squeeze3A_1000 : f32 to vector<16xf32>
      %mul3A_1095 = arith.mulf %mul3A_1094, %get3A_1089 : vector<16xf32>
      %mul3A_1096 = vector.broadcast %squeeze3A_1002 : f32 to vector<16xf32>
      %mul3A_1097 = arith.mulf %mul3A_1096, %get3A_1093 : vector<16xf32>
      %sub3A_1098 = arith.subf %mul3A_1095, %mul3A_1097 : vector<16xf32>
      %swap3A_1099 = arith.index_cast %squeeze3A : i32 to index
      %swap3A_1100 = arith.constant 0 : index
      %swap3A_1101 = tpu.vector_load %arg14[%swap3A_1099, %swap3A_1100] {strides = array<i32>} : memref<1024x16xf32, #tpu.memory_space<vmem>>, vector<1x16xf32>,
      %swap3A_1102 = vector.shape_cast %swap3A_1101 : vector<1x16xf32> to vector<16xf32>
      %swap3A_1103 = vector.shape_cast %sub3A_1098 : vector<16xf32> to vector<1x16xf32>
      tpu.vector_store %arg14[%swap3A_1099, %swap3A_1100], %swap3A_1103 {strides = array<i32>} : memref<1024x16xf32, #tpu.memory_space<vmem>>, vector<1x16xf32>,
      %mul3A_1104 = vector.broadcast %squeeze3A_1002 : f32 to vector<16xf32>
      %mul3A_1105 = arith.mulf %mul3A_1104, %get3A_1089 : vector<16xf32>
      %mul3A_1106 = vector.broadcast %squeeze3A_1000 : f32 to vector<16xf32>
      %mul3A_1107 = arith.mulf %mul3A_1106, %get3A_1093 : vector<16xf32>
      %add3A_1108 = arith.addf %mul3A_1105, %mul3A_1107 : vector<16xf32>
      %swap3A_1109 = arith.index_cast %squeeze3A_998 : i32 to index
      %swap3A_1110 = arith.constant 0 : index
      %swap3A_1111 = tpu.vector_load %arg14[%swap3A_1109, %swap3A_1110] {strides = array<i32>} : memref<1024x16xf32, #tpu.memory_space<vmem>>, vector<1x16xf32>,
      %swap3A_1112 = vector.shape_cast %swap3A_1111 : vector<1x16xf32> to vector<16xf32>
      %swap3A_1113 = vector.shape_cast %add3A_1108 : vector<16xf32> to vector<1x16xf32>
      tpu.vector_store %arg14[%swap3A_1109, %swap3A_1110], %swap3A_1113 {strides = array<i32>} : memref<1024x16xf32, #tpu.memory_space<vmem>>, vector<1x16xf32>,
      %slice3A_1114 = vector.extract_strided_slice %get3A_987 {offsets = [1], sizes = [1], strides = [1]} : vector<16xi32> to vector<1xi32>
      %squeeze3A_1115 = vector.extract %slice3A_1114[0] : i32 from vector<1xi32>
      %slice3A_1116 = vector.extract_strided_slice %get3A_990 {offsets = [1], sizes = [1], strides = [1]} : vector<16xi32> to vector<1xi32>
      %squeeze3A_1117 = vector.extract %slice3A_1116[0] : i32 from vector<1xi32>
      %slice3A_1118 = vector.extract_strided_slice %get3A_993 {offsets = [1], sizes = [1], strides = [1]} : vector<16xf32> to vector<1xf32>
      %squeeze3A_1119 = vector.extract %slice3A_1118[0] : f32 from vector<1xf32>
      %slice3A_1120 = vector.extract_strided_slice %get3A_996 {offsets = [1], sizes = [1], strides = [1]} : vector<16xf32> to vector<1xf32>
      %squeeze3A_1121 = vector.extract %slice3A_1120[0] : f32 from vector<1xf32>
      %get3A_1122 = arith.index_cast %squeeze3A_1115 : i32 to index
      %get3A_1123 = arith.constant 0 : index
      %get3A_1124 = tpu.vector_load %arg11[%get3A_1122, %get3A_1123] {strides = array<i32>} : memref<1024x16xf32, #tpu.memory_space<vmem>>, vector<1x16xf32>,
      %get3A_1125 = vector.shape_cast %get3A_1124 : vector<1x16xf32> to vector<16xf32>
      %get3A_1126 = arith.index_cast %squeeze3A_1117 : i32 to index
      %get3A_1127 = arith.constant 0 : index
      %get3A_1128 = tpu.vector_load %arg11[%get3A_1126, %get3A_1127] {strides = array<i32>} : memref<1024x16xf32, #tpu.memory_space<vmem>>, vector<1x16xf32>,
      %get3A_1129 = vector.shape_cast %get3A_1128 : vector<1x16xf32> to vector<16xf32>
      %mul3A_1130 = vector.broadcast %squeeze3A_1119 : f32 to vector<16xf32>
      %mul3A_1131 = arith.mulf %mul3A_1130, %get3A_1125 : vector<16xf32>
      %mul3A_1132 = vector.broadcast %squeeze3A_1121 : f32 to vector<16xf32>
      %mul3A_1133 = arith.mulf %mul3A_1132, %get3A_1129 : vector<16xf32>
      %sub3A_1134 = arith.subf %mul3A_1131, %mul3A_1133 : vector<16xf32>
      %swap3A_1135 = arith.index_cast %squeeze3A_1115 : i32 to index
      %swap3A_1136 = arith.constant 0 : index
      %swap3A_1137 = tpu.vector_load %arg11[%swap3A_1135, %swap3A_1136] {strides = array<i32>} : memref<1024x16xf32, #tpu.memory_space<vmem>>, vector<1x16xf32>,
      %swap3A_1138 = vector.shape_cast %swap3A_1137 : vector<1x16xf32> to vector<16xf32>
      %swap3A_1139 = vector.shape_cast %sub3A_1134 : vector<16xf32> to vector<1x16xf32>
      tpu.vector_store %arg11[%swap3A_1135, %swap3A_1136], %swap3A_1139 {strides = array<i32>} : memref<1024x16xf32, #tpu.memory_space<vmem>>, vector<1x16xf32>,
      %mul3A_1140 = vector.broadcast %squeeze3A_1121 : f32 to vector<16xf32>
      %mul3A_1141 = arith.mulf %mul3A_1140, %get3A_1125 : vector<16xf32>
      %mul3A_1142 = vector.broadcast %squeeze3A_1119 : f32 to vector<16xf32>
      %mul3A_1143 = arith.mulf %mul3A_1142, %get3A_1129 : vector<16xf32>
      %add3A_1144 = arith.addf %mul3A_1141, %mul3A_1143 : vector<16xf32>
      %swap3A_1145 = arith.index_cast %squeeze3A_1117 : i32 to index
      %swap3A_1146 = arith.constant 0 : index
      %swap3A_1147 = tpu.vector_load %arg11[%swap3A_1145, %swap3A_1146] {strides = array<i32>} : memref<1024x16xf32, #tpu.memory_space<vmem>>, vector<1x16xf32>,
      %swap3A_1148 = vector.shape_cast %swap3A_1147 : vector<1x16xf32> to vector<16xf32>
      %swap3A_1149 = vector.shape_cast %add3A_1144 : vector<16xf32> to vector<1x16xf32>
      tpu.vector_store %arg11[%swap3A_1145, %swap3A_1146], %swap3A_1149 {strides = array<i32>} : memref<1024x16xf32, #tpu.memory_space<vmem>>, vector<1x16xf32>,
      %get3A_1150 = arith.index_cast %squeeze3A_1115 : i32 to index
      %get3A_1151 = arith.constant 0 : index
      %get3A_1152 = tpu.vector_load %arg12[%get3A_1150, %get3A_1151] {strides = array<i32>} : memref<1024x16xf32, #tpu.memory_space<vmem>>, vector<1x16xf32>,
      %get3A_1153 = vector.shape_cast %get3A_1152 : vector<1x16xf32> to vector<16xf32>
      %get3A_1154 = arith.index_cast %squeeze3A_1117 : i32 to index
      %get3A_1155 = arith.constant 0 : index
      %get3A_1156 = tpu.vector_load %arg12[%get3A_1154, %get3A_1155] {strides = array<i32>} : memref<1024x16xf32, #tpu.memory_space<vmem>>, vector<1x16xf32>,
      %get3A_1157 = vector.shape_cast %get3A_1156 : vector<1x16xf32> to vector<16xf32>
      %mul3A_1158 = vector.broadcast %squeeze3A_1119 : f32 to vector<16xf32>
      %mul3A_1159 = arith.mulf %mul3A_1158, %get3A_1153 : vector<16xf32>
      %mul3A_1160 = vector.broadcast %squeeze3A_1121 : f32 to vector<16xf32>
      %mul3A_1161 = arith.mulf %mul3A_1160, %get3A_1157 : vector<16xf32>
      %sub3A_1162 = arith.subf %mul3A_1159, %mul3A_1161 : vector<16xf32>
      %swap3A_1163 = arith.index_cast %squeeze3A_1115 : i32 to index
      %swap3A_1164 = arith.constant 0 : index
      %swap3A_1165 = tpu.vector_load %arg12[%swap3A_1163, %swap3A_1164] {strides = array<i32>} : memref<1024x16xf32, #tpu.memory_space<vmem>>, vector<1x16xf32>,
      %swap3A_1166 = vector.shape_cast %swap3A_1165 : vector<1x16xf32> to vector<16xf32>
      %swap3A_1167 = vector.shape_cast %sub3A_1162 : vector<16xf32> to vector<1x16xf32>
      tpu.vector_store %arg12[%swap3A_1163, %swap3A_1164], %swap3A_1167 {strides = array<i32>} : memref<1024x16xf32, #tpu.memory_space<vmem>>, vector<1x16xf32>,
      %mul3A_1168 = vector.broadcast %squeeze3A_1121 : f32 to vector<16xf32>
      %mul3A_1169 = arith.mulf %mul3A_1168, %get3A_1153 : vector<16xf32>
      %mul3A_1170 = vector.broadcast %squeeze3A_1119 : f32 to vector<16xf32>
      %mul3A_1171 = arith.mulf %mul3A_1170, %get3A_1157 : vector<16xf32>
      %add3A_1172 = arith.addf %mul3A_1169, %mul3A_1171 : vector<16xf32>
      %swap3A_1173 = arith.index_cast %squeeze3A_1117 : i32 to index
      %swap3A_1174 = arith.constant 0 : index
      %swap3A_1175 = tpu.vector_load %arg12[%swap3A_1173, %swap3A_1174] {strides = array<i32>} : memref<1024x16xf32, #tpu.memory_space<vmem>>, vector<1x16xf32>,
      %swap3A_1176 = vector.shape_cast %swap3A_1175 : vector<1x16xf32> to vector<16xf32>
      %swap3A_1177 = vector.shape_cast %add3A_1172 : vector<16xf32> to vector<1x16xf32>
      tpu.vector_store %arg12[%swap3A_1173, %swap3A_1174], %swap3A_1177 {strides = array<i32>} : memref<1024x16xf32, #tpu.memory_space<vmem>>, vector<1x16xf32>,
      %get3A_1178 = arith.index_cast %squeeze3A_1115 : i32 to index
      %get3A_1179 = arith.constant 0 : index
      %get3A_1180 = tpu.vector_load %arg13[%get3A_1178, %get3A_1179] {strides = array<i32>} : memref<1024x16xf32, #tpu.memory_space<vmem>>, vector<1x16xf32>,
      %get3A_1181 = vector.shape_cast %get3A_1180 : vector<1x16xf32> to vector<16xf32>
      %get3A_1182 = arith.index_cast %squeeze3A_1117 : i32 to index
      %get3A_1183 = arith.constant 0 : index
      %get3A_1184 = tpu.vector_load %arg13[%get3A_1182, %get3A_1183] {strides = array<i32>} : memref<1024x16xf32, #tpu.memory_space<vmem>>, vector<1x16xf32>,
      %get3A_1185 = vector.shape_cast %get3A_1184 : vector<1x16xf32> to vector<16xf32>
      %mul3A_1186 = vector.broadcast %squeeze3A_1119 : f32 to vector<16xf32>
      %mul3A_1187 = arith.mulf %mul3A_1186, %get3A_1181 : vector<16xf32>
      %mul3A_1188 = vector.broadcast %squeeze3A_1121 : f32 to vector<16xf32>
      %mul3A_1189 = arith.mulf %mul3A_1188, %get3A_1185 : vector<16xf32>
      %sub3A_1190 = arith.subf %mul3A_1187, %mul3A_1189 : vector<16xf32>
      %swap3A_1191 = arith.index_cast %squeeze3A_1115 : i32 to index
      %swap3A_1192 = arith.constant 0 : index
      %swap3A_1193 = tpu.vector_load %arg13[%swap3A_1191, %swap3A_1192] {strides = array<i32>} : memref<1024x16xf32, #tpu.memory_space<vmem>>, vector<1x16xf32>,
      %swap3A_1194 = vector.shape_cast %swap3A_1193 : vector<1x16xf32> to vector<16xf32>
      %swap3A_1195 = vector.shape_cast %sub3A_1190 : vector<16xf32> to vector<1x16xf32>
      tpu.vector_store %arg13[%swap3A_1191, %swap3A_1192], %swap3A_1195 {strides = array<i32>} : memref<1024x16xf32, #tpu.memory_space<vmem>>, vector<1x16xf32>,
      %mul3A_1196 = vector.broadcast %squeeze3A_1121 : f32 to vector<16xf32>
      %mul3A_1197 = arith.mulf %mul3A_1196, %get3A_1181 : vector<16xf32>
      %mul3A_1198 = vector.broadcast %squeeze3A_1119 : f32 to vector<16xf32>
      %mul3A_1199 = arith.mulf %mul3A_1198, %get3A_1185 : vector<16xf32>
      %add3A_1200 = arith.addf %mul3A_1197, %mul3A_1199 : vector<16xf32>
      %swap3A_1201 = arith.index_cast %squeeze3A_1117 : i32 to index
      %swap3A_1202 = arith.constant 0 : index
      %swap3A_1203 = tpu.vector_load %arg13[%swap3A_1201, %swap3A_1202] {strides = array<i32>} : memref<1024x16xf32, #tpu.memory_space<vmem>>, vector<1x16xf32>,
      %swap3A_1204 = vector.shape_cast %swap3A_1203 : vector<1x16xf32> to vector<16xf32>
      %swap3A_1205 = vector.shape_cast %add3A_1200 : vector<16xf32> to vector<1x16xf32>
      tpu.vector_store %arg13[%swap3A_1201, %swap3A_1202], %swap3A_1205 {strides = array<i32>} : memref<1024x16xf32, #tpu.memory_space<vmem>>, vector<1x16xf32>,
      %get3A_1206 = arith.index_cast %squeeze3A_1115 : i32 to index
      %get3A_1207 = arith.constant 0 : index
      %get3A_1208 = tpu.vector_load %arg14[%get3A_1206, %get3A_1207] {strides = array<i32>} : memref<1024x16xf32, #tpu.memory_space<vmem>>, vector<1x16xf32>,
      %get3A_1209 = vector.shape_cast %get3A_1208 : vector<1x16xf32> to vector<16xf32>
      %get3A_1210 = arith.index_cast %squeeze3A_1117 : i32 to index
      %get3A_1211 = arith.constant 0 : index
      %get3A_1212 = tpu.vector_load %arg14[%get3A_1210, %get3A_1211] {strides = array<i32>} : memref<1024x16xf32, #tpu.memory_space<vmem>>, vector<1x16xf32>,
      %get3A_1213 = vector.shape_cast %get3A_1212 : vector<1x16xf32> to vector<16xf32>
      %mul3A_1214 = vector.broadcast %squeeze3A_1119 : f32 to vector<16xf32>
      %mul3A_1215 = arith.mulf %mul3A_1214, %get3A_1209 : vector<16xf32>
      %mul3A_1216 = vector.broadcast %squeeze3A_1121 : f32 to vector<16xf32>
      %mul3A_1217 = arith.mulf %mul3A_1216, %get3A_1213 : vector<16xf32>
      %sub3A_1218 = arith.subf %mul3A_1215, %mul3A_1217 : vector<16xf32>
      %swap3A_1219 = arith.index_cast %squeeze3A_1115 : i32 to index
      %swap3A_1220 = arith.constant 0 : index
      %swap3A_1221 = tpu.vector_load %arg14[%swap3A_1219, %swap3A_1220] {strides = array<i32>} : memref<1024x16xf32, #tpu.memory_space<vmem>>, vector<1x16xf32>,
      %swap3A_1222 = vector.shape_cast %swap3A_1221 : vector<1x16xf32> to vector<16xf32>
      %swap3A_1223 = vector.shape_cast %sub3A_1218 : vector<16xf32> to vector<1x16xf32>
      tpu.vector_store %arg14[%swap3A_1219, %swap3A_1220], %swap3A_1223 {strides = array<i32>} : memref<1024x16xf32, #tpu.memory_space<vmem>>, vector<1x16xf32>,
      %mul3A_1224 = vector.broadcast %squeeze3A_1121 : f32 to vector<16xf32>
      %mul3A_1225 = arith.mulf %mul3A_1224, %get3A_1209 : vector<16xf32>
      %mul3A_1226 = vector.broadcast %squeeze3A_1119 : f32 to vector<16xf32>
      %mul3A_1227 = arith.mulf %mul3A_1226, %get3A_1213 : vector<16xf32>
      %add3A_1228 = arith.addf %mul3A_1225, %mul3A_1227 : vector<16xf32>
      %swap3A_1229 = arith.index_cast %squeeze3A_1117 : i32 to index
      %swap3A_1230 = arith.constant 0 : index
      %swap3A_1231 = tpu.vector_load %arg14[%swap3A_1229, %swap3A_1230] {strides = array<i32>} : memref<1024x16xf32, #tpu.memory_space<vmem>>, vector<1x16xf32>,
      %swap3A_1232 = vector.shape_cast %swap3A_1231 : vector<1x16xf32> to vector<16xf32>
      %swap3A_1233 = vector.shape_cast %add3A_1228 : vector<16xf32> to vector<1x16xf32>
      tpu.vector_store %arg14[%swap3A_1229, %swap3A_1230], %swap3A_1233 {strides = array<i32>} : memref<1024x16xf32, #tpu.memory_space<vmem>>, vector<1x16xf32>,
      %slice3A_1234 = vector.extract_strided_slice %get3A_987 {offsets = [2], sizes = [1], strides = [1]} : vector<16xi32> to vector<1xi32>
      %squeeze3A_1235 = vector.extract %slice3A_1234[0] : i32 from vector<1xi32>
      %slice3A_1236 = vector.extract_strided_slice %get3A_990 {offsets = [2], sizes = [1], strides = [1]} : vector<16xi32> to vector<1xi32>
      %squeeze3A_1237 = vector.extract %slice3A_1236[0] : i32 from vector<1xi32>
      %slice3A_1238 = vector.extract_strided_slice %get3A_993 {offsets = [2], sizes = [1], strides = [1]} : vector<16xf32> to vector<1xf32>
      %squeeze3A_1239 = vector.extract %slice3A_1238[0] : f32 from vector<1xf32>
      %slice3A_1240 = vector.extract_strided_slice %get3A_996 {offsets = [2], sizes = [1], strides = [1]} : vector<16xf32> to vector<1xf32>
      %squeeze3A_1241 = vector.extract %slice3A_1240[0] : f32 from vector<1xf32>
      %get3A_1242 = arith.index_cast %squeeze3A_1235 : i32 to index
      %get3A_1243 = arith.constant 0 : index
      %get3A_1244 = tpu.vector_load %arg11[%get3A_1242, %get3A_1243] {strides = array<i32>} : memref<1024x16xf32, #tpu.memory_space<vmem>>, vector<1x16xf32>,
      %get3A_1245 = vector.shape_cast %get3A_1244 : vector<1x16xf32> to vector<16xf32>
      %get3A_1246 = arith.index_cast %squeeze3A_1237 : i32 to index
      %get3A_1247 = arith.constant 0 : index
      %get3A_1248 = tpu.vector_load %arg11[%get3A_1246, %get3A_1247] {strides = array<i32>} : memref<1024x16xf32, #tpu.memory_space<vmem>>, vector<1x16xf32>,
      %get3A_1249 = vector.shape_cast %get3A_1248 : vector<1x16xf32> to vector<16xf32>
      %mul3A_1250 = vector.broadcast %squeeze3A_1239 : f32 to vector<16xf32>
      %mul3A_1251 = arith.mulf %mul3A_1250, %get3A_1245 : vector<16xf32>
      %mul3A_1252 = vector.broadcast %squeeze3A_1241 : f32 to vector<16xf32>
      %mul3A_1253 = arith.mulf %mul3A_1252, %get3A_1249 : vector<16xf32>
      %sub3A_1254 = arith.subf %mul3A_1251, %mul3A_1253 : vector<16xf32>
      %swap3A_1255 = arith.index_cast %squeeze3A_1235 : i32 to index
      %swap3A_1256 = arith.constant 0 : index
      %swap3A_1257 = tpu.vector_load %arg11[%swap3A_1255, %swap3A_1256] {strides = array<i32>} : memref<1024x16xf32, #tpu.memory_space<vmem>>, vector<1x16xf32>,
      %swap3A_1258 = vector.shape_cast %swap3A_1257 : vector<1x16xf32> to vector<16xf32>
      %swap3A_1259 = vector.shape_cast %sub3A_1254 : vector<16xf32> to vector<1x16xf32>
      tpu.vector_store %arg11[%swap3A_1255, %swap3A_1256], %swap3A_1259 {strides = array<i32>} : memref<1024x16xf32, #tpu.memory_space<vmem>>, vector<1x16xf32>,
      %mul3A_1260 = vector.broadcast %squeeze3A_1241 : f32 to vector<16xf32>
      %mul3A_1261 = arith.mulf %mul3A_1260, %get3A_1245 : vector<16xf32>
      %mul3A_1262 = vector.broadcast %squeeze3A_1239 : f32 to vector<16xf32>
      %mul3A_1263 = arith.mulf %mul3A_1262, %get3A_1249 : vector<16xf32>
      %add3A_1264 = arith.addf %mul3A_1261, %mul3A_1263 : vector<16xf32>
      %swap3A_1265 = arith.index_cast %squeeze3A_1237 : i32 to index
      %swap3A_1266 = arith.constant 0 : index
      %swap3A_1267 = tpu.vector_load %arg11[%swap3A_1265, %swap3A_1266] {strides = array<i32>} : memref<1024x16xf32, #tpu.memory_space<vmem>>, vector<1x16xf32>,
      %swap3A_1268 = vector.shape_cast %swap3A_1267 : vector<1x16xf32> to vector<16xf32>
      %swap3A_1269 = vector.shape_cast %add3A_1264 : vector<16xf32> to vector<1x16xf32>
      tpu.vector_store %arg11[%swap3A_1265, %swap3A_1266], %swap3A_1269 {strides = array<i32>} : memref<1024x16xf32, #tpu.memory_space<vmem>>, vector<1x16xf32>,
      %get3A_1270 = arith.index_cast %squeeze3A_1235 : i32 to index
      %get3A_1271 = arith.constant 0 : index
      %get3A_1272 = tpu.vector_load %arg12[%get3A_1270, %get3A_1271] {strides = array<i32>} : memref<1024x16xf32, #tpu.memory_space<vmem>>, vector<1x16xf32>,
      %get3A_1273 = vector.shape_cast %get3A_1272 : vector<1x16xf32> to vector<16xf32>
      %get3A_1274 = arith.index_cast %squeeze3A_1237 : i32 to index
      %get3A_1275 = arith.constant 0 : index
      %get3A_1276 = tpu.vector_load %arg12[%get3A_1274, %get3A_1275] {strides = array<i32>} : memref<1024x16xf32, #tpu.memory_space<vmem>>, vector<1x16xf32>,
      %get3A_1277 = vector.shape_cast %get3A_1276 : vector<1x16xf32> to vector<16xf32>
      %mul3A_1278 = vector.broadcast %squeeze3A_1239 : f32 to vector<16xf32>
      %mul3A_1279 = arith.mulf %mul3A_1278, %get3A_1273 : vector<16xf32>
      %mul3A_1280 = vector.broadcast %squeeze3A_1241 : f32 to vector<16xf32>
      %mul3A_1281 = arith.mulf %mul3A_1280, %get3A_1277 : vector<16xf32>
      %sub3A_1282 = arith.subf %mul3A_1279, %mul3A_1281 : vector<16xf32>
      %swap3A_1283 = arith.index_cast %squeeze3A_1235 : i32 to index
      %swap3A_1284 = arith.constant 0 : index
      %swap3A_1285 = tpu.vector_load %arg12[%swap3A_1283, %swap3A_1284] {strides = array<i32>} : memref<1024x16xf32, #tpu.memory_space<vmem>>, vector<1x16xf32>,
      %swap3A_1286 = vector.shape_cast %swap3A_1285 : vector<1x16xf32> to vector<16xf32>
      %swap3A_1287 = vector.shape_cast %sub3A_1282 : vector<16xf32> to vector<1x16xf32>
      tpu.vector_store %arg12[%swap3A_1283, %swap3A_1284], %swap3A_1287 {strides = array<i32>} : memref<1024x16xf32, #tpu.memory_space<vmem>>, vector<1x16xf32>,
      %mul3A_1288 = vector.broadcast %squeeze3A_1241 : f32 to vector<16xf32>
      %mul3A_1289 = arith.mulf %mul3A_1288, %get3A_1273 : vector<16xf32>
      %mul3A_1290 = vector.broadcast %squeeze3A_1239 : f32 to vector<16xf32>
      %mul3A_1291 = arith.mulf %mul3A_1290, %get3A_1277 : vector<16xf32>
      %add3A_1292 = arith.addf %mul3A_1289, %mul3A_1291 : vector<16xf32>
      %swap3A_1293 = arith.index_cast %squeeze3A_1237 : i32 to index
      %swap3A_1294 = arith.constant 0 : index
      %swap3A_1295 = tpu.vector_load %arg12[%swap3A_1293, %swap3A_1294] {strides = array<i32>} : memref<1024x16xf32, #tpu.memory_space<vmem>>, vector<1x16xf32>,
      %swap3A_1296 = vector.shape_cast %swap3A_1295 : vector<1x16xf32> to vector<16xf32>
      %swap3A_1297 = vector.shape_cast %add3A_1292 : vector<16xf32> to vector<1x16xf32>
      tpu.vector_store %arg12[%swap3A_1293, %swap3A_1294], %swap3A_1297 {strides = array<i32>} : memref<1024x16xf32, #tpu.memory_space<vmem>>, vector<1x16xf32>,
      %get3A_1298 = arith.index_cast %squeeze3A_1235 : i32 to index
      %get3A_1299 = arith.constant 0 : index
      %get3A_1300 = tpu.vector_load %arg13[%get3A_1298, %get3A_1299] {strides = array<i32>} : memref<1024x16xf32, #tpu.memory_space<vmem>>, vector<1x16xf32>,
      %get3A_1301 = vector.shape_cast %get3A_1300 : vector<1x16xf32> to vector<16xf32>
      %get3A_1302 = arith.index_cast %squeeze3A_1237 : i32 to index
      %get3A_1303 = arith.constant 0 : index
      %get3A_1304 = tpu.vector_load %arg13[%get3A_1302, %get3A_1303] {strides = array<i32>} : memref<1024x16xf32, #tpu.memory_space<vmem>>, vector<1x16xf32>,
      %get3A_1305 = vector.shape_cast %get3A_1304 : vector<1x16xf32> to vector<16xf32>
      %mul3A_1306 = vector.broadcast %squeeze3A_1239 : f32 to vector<16xf32>
      %mul3A_1307 = arith.mulf %mul3A_1306, %get3A_1301 : vector<16xf32>
      %mul3A_1308 = vector.broadcast %squeeze3A_1241 : f32 to vector<16xf32>
      %mul3A_1309 = arith.mulf %mul3A_1308, %get3A_1305 : vector<16xf32>
      %sub3A_1310 = arith.subf %mul3A_1307, %mul3A_1309 : vector<16xf32>
      %swap3A_1311 = arith.index_cast %squeeze3A_1235 : i32 to index
      %swap3A_1312 = arith.constant 0 : index
      %swap3A_1313 = tpu.vector_load %arg13[%swap3A_1311, %swap3A_1312] {strides = array<i32>} : memref<1024x16xf32, #tpu.memory_space<vmem>>, vector<1x16xf32>,
      %swap3A_1314 = vector.shape_cast %swap3A_1313 : vector<1x16xf32> to vector<16xf32>
      %swap3A_1315 = vector.shape_cast %sub3A_1310 : vector<16xf32> to vector<1x16xf32>
      tpu.vector_store %arg13[%swap3A_1311, %swap3A_1312], %swap3A_1315 {strides = array<i32>} : memref<1024x16xf32, #tpu.memory_space<vmem>>, vector<1x16xf32>,
      %mul3A_1316 = vector.broadcast %squeeze3A_1241 : f32 to vector<16xf32>
      %mul3A_1317 = arith.mulf %mul3A_1316, %get3A_1301 : vector<16xf32>
      %mul3A_1318 = vector.broadcast %squeeze3A_1239 : f32 to vector<16xf32>
      %mul3A_1319 = arith.mulf %mul3A_1318, %get3A_1305 : vector<16xf32>
      %add3A_1320 = arith.addf %mul3A_1317, %mul3A_1319 : vector<16xf32>
      %swap3A_1321 = arith.index_cast %squeeze3A_1237 : i32 to index
      %swap3A_1322 = arith.constant 0 : index
      %swap3A_1323 = tpu.vector_load %arg13[%swap3A_1321, %swap3A_1322] {strides = array<i32>} : memref<1024x16xf32, #tpu.memory_space<vmem>>, vector<1x16xf32>,
      %swap3A_1324 = vector.shape_cast %swap3A_1323 : vector<1x16xf32> to vector<16xf32>
      %swap3A_1325 = vector.shape_cast %add3A_1320 : vector<16xf32> to vector<1x16xf32>
      tpu.vector_store %arg13[%swap3A_1321, %swap3A_1322], %swap3A_1325 {strides = array<i32>} : memref<1024x16xf32, #tpu.memory_space<vmem>>, vector<1x16xf32>,
      %get3A_1326 = arith.index_cast %squeeze3A_1235 : i32 to index
      %get3A_1327 = arith.constant 0 : index
      %get3A_1328 = tpu.vector_load %arg14[%get3A_1326, %get3A_1327] {strides = array<i32>} : memref<1024x16xf32, #tpu.memory_space<vmem>>, vector<1x16xf32>,
      %get3A_1329 = vector.shape_cast %get3A_1328 : vector<1x16xf32> to vector<16xf32>
      %get3A_1330 = arith.index_cast %squeeze3A_1237 : i32 to index
      %get3A_1331 = arith.constant 0 : index
      %get3A_1332 = tpu.vector_load %arg14[%get3A_1330, %get3A_1331] {strides = array<i32>} : memref<1024x16xf32, #tpu.memory_space<vmem>>, vector<1x16xf32>,
      %get3A_1333 = vector.shape_cast %get3A_1332 : vector<1x16xf32> to vector<16xf32>
      %mul3A_1334 = vector.broadcast %squeeze3A_1239 : f32 to vector<16xf32>
      %mul3A_1335 = arith.mulf %mul3A_1334, %get3A_1329 : vector<16xf32>
      %mul3A_1336 = vector.broadcast %squeeze3A_1241 : f32 to vector<16xf32>
      %mul3A_1337 = arith.mulf %mul3A_1336, %get3A_1333 : vector<16xf32>
      %sub3A_1338 = arith.subf %mul3A_1335, %mul3A_1337 : vector<16xf32>
      %swap3A_1339 = arith.index_cast %squeeze3A_1235 : i32 to index
      %swap3A_1340 = arith.constant 0 : index
      %swap3A_1341 = tpu.vector_load %arg14[%swap3A_1339, %swap3A_1340] {strides = array<i32>} : memref<1024x16xf32, #tpu.memory_space<vmem>>, vector<1x16xf32>,
      %swap3A_1342 = vector.shape_cast %swap3A_1341 : vector<1x16xf32> to vector<16xf32>
      %swap3A_1343 = vector.shape_cast %sub3A_1338 : vector<16xf32> to vector<1x16xf32>
      tpu.vector_store %arg14[%swap3A_1339, %swap3A_1340], %swap3A_1343 {strides = array<i32>} : memref<1024x16xf32, #tpu.memory_space<vmem>>, vector<1x16xf32>,
      %mul3A_1344 = vector.broadcast %squeeze3A_1241 : f32 to vector<16xf32>
      %mul3A_1345 = arith.mulf %mul3A_1344, %get3A_1329 : vector<16xf32>
      %mul3A_1346 = vector.broadcast %squeeze3A_1239 : f32 to vector<16xf32>
      %mul3A_1347 = arith.mulf %mul3A_1346, %get3A_1333 : vector<16xf32>
      %add3A_1348 = arith.addf %mul3A_1345, %mul3A_1347 : vector<16xf32>
      %swap3A_1349 = arith.index_cast %squeeze3A_1237 : i32 to index
      %swap3A_1350 = arith.constant 0 : index
      %swap3A_1351 = tpu.vector_load %arg14[%swap3A_1349, %swap3A_1350] {strides = array<i32>} : memref<1024x16xf32, #tpu.memory_space<vmem>>, vector<1x16xf32>,
      %swap3A_1352 = vector.shape_cast %swap3A_1351 : vector<1x16xf32> to vector<16xf32>
      %swap3A_1353 = vector.shape_cast %add3A_1348 : vector<16xf32> to vector<1x16xf32>
      tpu.vector_store %arg14[%swap3A_1349, %swap3A_1350], %swap3A_1353 {strides = array<i32>} : memref<1024x16xf32, #tpu.memory_space<vmem>>, vector<1x16xf32>,
      %slice3A_1354 = vector.extract_strided_slice %get3A_987 {offsets = [3], sizes = [1], strides = [1]} : vector<16xi32> to vector<1xi32>
      %squeeze3A_1355 = vector.extract %slice3A_1354[0] : i32 from vector<1xi32>
      %slice3A_1356 = vector.extract_strided_slice %get3A_990 {offsets = [3], sizes = [1], strides = [1]} : vector<16xi32> to vector<1xi32>
      %squeeze3A_1357 = vector.extract %slice3A_1356[0] : i32 from vector<1xi32>
      %slice3A_1358 = vector.extract_strided_slice %get3A_993 {offsets = [3], sizes = [1], strides = [1]} : vector<16xf32> to vector<1xf32>
      %squeeze3A_1359 = vector.extract %slice3A_1358[0] : f32 from vector<1xf32>
      %slice3A_1360 = vector.extract_strided_slice %get3A_996 {offsets = [3], sizes = [1], strides = [1]} : vector<16xf32> to vector<1xf32>
      %squeeze3A_1361 = vector.extract %slice3A_1360[0] : f32 from vector<1xf32>
      %get3A_1362 = arith.index_cast %squeeze3A_1355 : i32 to index
      %get3A_1363 = arith.constant 0 : index
      %get3A_1364 = tpu.vector_load %arg11[%get3A_1362, %get3A_1363] {strides = array<i32>} : memref<1024x16xf32, #tpu.memory_space<vmem>>, vector<1x16xf32>,
      %get3A_1365 = vector.shape_cast %get3A_1364 : vector<1x16xf32> to vector<16xf32>
      %get3A_1366 = arith.index_cast %squeeze3A_1357 : i32 to index
      %get3A_1367 = arith.constant 0 : index
      %get3A_1368 = tpu.vector_load %arg11[%get3A_1366, %get3A_1367] {strides = array<i32>} : memref<1024x16xf32, #tpu.memory_space<vmem>>, vector<1x16xf32>,
      %get3A_1369 = vector.shape_cast %get3A_1368 : vector<1x16xf32> to vector<16xf32>
      %mul3A_1370 = vector.broadcast %squeeze3A_1359 : f32 to vector<16xf32>
      %mul3A_1371 = arith.mulf %mul3A_1370, %get3A_1365 : vector<16xf32>
      %mul3A_1372 = vector.broadcast %squeeze3A_1361 : f32 to vector<16xf32>
      %mul3A_1373 = arith.mulf %mul3A_1372, %get3A_1369 : vector<16xf32>
      %sub3A_1374 = arith.subf %mul3A_1371, %mul3A_1373 : vector<16xf32>
      %swap3A_1375 = arith.index_cast %squeeze3A_1355 : i32 to index
      %swap3A_1376 = arith.constant 0 : index
      %swap3A_1377 = tpu.vector_load %arg11[%swap3A_1375, %swap3A_1376] {strides = array<i32>} : memref<1024x16xf32, #tpu.memory_space<vmem>>, vector<1x16xf32>,
      %swap3A_1378 = vector.shape_cast %swap3A_1377 : vector<1x16xf32> to vector<16xf32>
      %swap3A_1379 = vector.shape_cast %sub3A_1374 : vector<16xf32> to vector<1x16xf32>
      tpu.vector_store %arg11[%swap3A_1375, %swap3A_1376], %swap3A_1379 {strides = array<i32>} : memref<1024x16xf32, #tpu.memory_space<vmem>>, vector<1x16xf32>,
      %mul3A_1380 = vector.broadcast %squeeze3A_1361 : f32 to vector<16xf32>
      %mul3A_1381 = arith.mulf %mul3A_1380, %get3A_1365 : vector<16xf32>
      %mul3A_1382 = vector.broadcast %squeeze3A_1359 : f32 to vector<16xf32>
      %mul3A_1383 = arith.mulf %mul3A_1382, %get3A_1369 : vector<16xf32>
      %add3A_1384 = arith.addf %mul3A_1381, %mul3A_1383 : vector<16xf32>
      %swap3A_1385 = arith.index_cast %squeeze3A_1357 : i32 to index
      %swap3A_1386 = arith.constant 0 : index
      %swap3A_1387 = tpu.vector_load %arg11[%swap3A_1385, %swap3A_1386] {strides = array<i32>} : memref<1024x16xf32, #tpu.memory_space<vmem>>, vector<1x16xf32>,
      %swap3A_1388 = vector.shape_cast %swap3A_1387 : vector<1x16xf32> to vector<16xf32>
      %swap3A_1389 = vector.shape_cast %add3A_1384 : vector<16xf32> to vector<1x16xf32>
      tpu.vector_store %arg11[%swap3A_1385, %swap3A_1386], %swap3A_1389 {strides = array<i32>} : memref<1024x16xf32, #tpu.memory_space<vmem>>, vector<1x16xf32>,
      %get3A_1390 = arith.index_cast %squeeze3A_1355 : i32 to index
      %get3A_1391 = arith.constant 0 : index
      %get3A_1392 = tpu.vector_load %arg12[%get3A_1390, %get3A_1391] {strides = array<i32>} : memref<1024x16xf32, #tpu.memory_space<vmem>>, vector<1x16xf32>,
      %get3A_1393 = vector.shape_cast %get3A_1392 : vector<1x16xf32> to vector<16xf32>
      %get3A_1394 = arith.index_cast %squeeze3A_1357 : i32 to index
      %get3A_1395 = arith.constant 0 : index
      %get3A_1396 = tpu.vector_load %arg12[%get3A_1394, %get3A_1395] {strides = array<i32>} : memref<1024x16xf32, #tpu.memory_space<vmem>>, vector<1x16xf32>,
      %get3A_1397 = vector.shape_cast %get3A_1396 : vector<1x16xf32> to vector<16xf32>
      %mul3A_1398 = vector.broadcast %squeeze3A_1359 : f32 to vector<16xf32>
      %mul3A_1399 = arith.mulf %mul3A_1398, %get3A_1393 : vector<16xf32>
      %mul3A_1400 = vector.broadcast %squeeze3A_1361 : f32 to vector<16xf32>
      %mul3A_1401 = arith.mulf %mul3A_1400, %get3A_1397 : vector<16xf32>
      %sub3A_1402 = arith.subf %mul3A_1399, %mul3A_1401 : vector<16xf32>
      %swap3A_1403 = arith.index_cast %squeeze3A_1355 : i32 to index
      %swap3A_1404 = arith.constant 0 : index
      %swap3A_1405 = tpu.vector_load %arg12[%swap3A_1403, %swap3A_1404] {strides = array<i32>} : memref<1024x16xf32, #tpu.memory_space<vmem>>, vector<1x16xf32>,
      %swap3A_1406 = vector.shape_cast %swap3A_1405 : vector<1x16xf32> to vector<16xf32>
      %swap3A_1407 = vector.shape_cast %sub3A_1402 : vector<16xf32> to vector<1x16xf32>
      tpu.vector_store %arg12[%swap3A_1403, %swap3A_1404], %swap3A_1407 {strides = array<i32>} : memref<1024x16xf32, #tpu.memory_space<vmem>>, vector<1x16xf32>,
      %mul3A_1408 = vector.broadcast %squeeze3A_1361 : f32 to vector<16xf32>
      %mul3A_1409 = arith.mulf %mul3A_1408, %get3A_1393 : vector<16xf32>
      %mul3A_1410 = vector.broadcast %squeeze3A_1359 : f32 to vector<16xf32>
      %mul3A_1411 = arith.mulf %mul3A_1410, %get3A_1397 : vector<16xf32>
      %add3A_1412 = arith.addf %mul3A_1409, %mul3A_1411 : vector<16xf32>
      %swap3A_1413 = arith.index_cast %squeeze3A_1357 : i32 to index
      %swap3A_1414 = arith.constant 0 : index
      %swap3A_1415 = tpu.vector_load %arg12[%swap3A_1413, %swap3A_1414] {strides = array<i32>} : memref<1024x16xf32, #tpu.memory_space<vmem>>, vector<1x16xf32>,
      %swap3A_1416 = vector.shape_cast %swap3A_1415 : vector<1x16xf32> to vector<16xf32>
      %swap3A_1417 = vector.shape_cast %add3A_1412 : vector<16xf32> to vector<1x16xf32>
      tpu.vector_store %arg12[%swap3A_1413, %swap3A_1414], %swap3A_1417 {strides = array<i32>} : memref<1024x16xf32, #tpu.memory_space<vmem>>, vector<1x16xf32>,
      %get3A_1418 = arith.index_cast %squeeze3A_1355 : i32 to index
      %get3A_1419 = arith.constant 0 : index
      %get3A_1420 = tpu.vector_load %arg13[%get3A_1418, %get3A_1419] {strides = array<i32>} : memref<1024x16xf32, #tpu.memory_space<vmem>>, vector<1x16xf32>,
      %get3A_1421 = vector.shape_cast %get3A_1420 : vector<1x16xf32> to vector<16xf32>
      %get3A_1422 = arith.index_cast %squeeze3A_1357 : i32 to index
      %get3A_1423 = arith.constant 0 : index
      %get3A_1424 = tpu.vector_load %arg13[%get3A_1422, %get3A_1423] {strides = array<i32>} : memref<1024x16xf32, #tpu.memory_space<vmem>>, vector<1x16xf32>,
      %get3A_1425 = vector.shape_cast %get3A_1424 : vector<1x16xf32> to vector<16xf32>
      %mul3A_1426 = vector.broadcast %squeeze3A_1359 : f32 to vector<16xf32>
      %mul3A_1427 = arith.mulf %mul3A_1426, %get3A_1421 : vector<16xf32>
      %mul3A_1428 = vector.broadcast %squeeze3A_1361 : f32 to vector<16xf32>
      %mul3A_1429 = arith.mulf %mul3A_1428, %get3A_1425 : vector<16xf32>
      %sub3A_1430 = arith.subf %mul3A_1427, %mul3A_1429 : vector<16xf32>
      %swap3A_1431 = arith.index_cast %squeeze3A_1355 : i32 to index
      %swap3A_1432 = arith.constant 0 : index
      %swap3A_1433 = tpu.vector_load %arg13[%swap3A_1431, %swap3A_1432] {strides = array<i32>} : memref<1024x16xf32, #tpu.memory_space<vmem>>, vector<1x16xf32>,
      %swap3A_1434 = vector.shape_cast %swap3A_1433 : vector<1x16xf32> to vector<16xf32>
      %swap3A_1435 = vector.shape_cast %sub3A_1430 : vector<16xf32> to vector<1x16xf32>
      tpu.vector_store %arg13[%swap3A_1431, %swap3A_1432], %swap3A_1435 {strides = array<i32>} : memref<1024x16xf32, #tpu.memory_space<vmem>>, vector<1x16xf32>,
      %mul3A_1436 = vector.broadcast %squeeze3A_1361 : f32 to vector<16xf32>
      %mul3A_1437 = arith.mulf %mul3A_1436, %get3A_1421 : vector<16xf32>
      %mul3A_1438 = vector.broadcast %squeeze3A_1359 : f32 to vector<16xf32>
      %mul3A_1439 = arith.mulf %mul3A_1438, %get3A_1425 : vector<16xf32>
      %add3A_1440 = arith.addf %mul3A_1437, %mul3A_1439 : vector<16xf32>
      %swap3A_1441 = arith.index_cast %squeeze3A_1357 : i32 to index
      %swap3A_1442 = arith.constant 0 : index
      %swap3A_1443 = tpu.vector_load %arg13[%swap3A_1441, %swap3A_1442] {strides = array<i32>} : memref<1024x16xf32, #tpu.memory_space<vmem>>, vector<1x16xf32>,
      %swap3A_1444 = vector.shape_cast %swap3A_1443 : vector<1x16xf32> to vector<16xf32>
      %swap3A_1445 = vector.shape_cast %add3A_1440 : vector<16xf32> to vector<1x16xf32>
      tpu.vector_store %arg13[%swap3A_1441, %swap3A_1442], %swap3A_1445 {strides = array<i32>} : memref<1024x16xf32, #tpu.memory_space<vmem>>, vector<1x16xf32>,
      %get3A_1446 = arith.index_cast %squeeze3A_1355 : i32 to index
      %get3A_1447 = arith.constant 0 : index
      %get3A_1448 = tpu.vector_load %arg14[%get3A_1446, %get3A_1447] {strides = array<i32>} : memref<1024x16xf32, #tpu.memory_space<vmem>>, vector<1x16xf32>,
      %get3A_1449 = vector.shape_cast %get3A_1448 : vector<1x16xf32> to vector<16xf32>
      %get3A_1450 = arith.index_cast %squeeze3A_1357 : i32 to index
      %get3A_1451 = arith.constant 0 : index
      %get3A_1452 = tpu.vector_load %arg14[%get3A_1450, %get3A_1451] {strides = array<i32>} : memref<1024x16xf32, #tpu.memory_space<vmem>>, vector<1x16xf32>,
      %get3A_1453 = vector.shape_cast %get3A_1452 : vector<1x16xf32> to vector<16xf32>
      %mul3A_1454 = vector.broadcast %squeeze3A_1359 : f32 to vector<16xf32>
      %mul3A_1455 = arith.mulf %mul3A_1454, %get3A_1449 : vector<16xf32>
      %mul3A_1456 = vector.broadcast %squeeze3A_1361 : f32 to vector<16xf32>
      %mul3A_1457 = arith.mulf %mul3A_1456, %get3A_1453 : vector<16xf32>
      %sub3A_1458 = arith.subf %mul3A_1455, %mul3A_1457 : vector<16xf32>
      %swap3A_1459 = arith.index_cast %squeeze3A_1355 : i32 to index
      %swap3A_1460 = arith.constant 0 : index
      %swap3A_1461 = tpu.vector_load %arg14[%swap3A_1459, %swap3A_1460] {strides = array<i32>} : memref<1024x16xf32, #tpu.memory_space<vmem>>, vector<1x16xf32>,
      %swap3A_1462 = vector.shape_cast %swap3A_1461 : vector<1x16xf32> to vector<16xf32>
      %swap3A_1463 = vector.shape_cast %sub3A_1458 : vector<16xf32> to vector<1x16xf32>
      tpu.vector_store %arg14[%swap3A_1459, %swap3A_1460], %swap3A_1463 {strides = array<i32>} : memref<1024x16xf32, #tpu.memory_space<vmem>>, vector<1x16xf32>,
      %mul3A_1464 = vector.broadcast %squeeze3A_1361 : f32 to vector<16xf32>
      %mul3A_1465 = arith.mulf %mul3A_1464, %get3A_1449 : vector<16xf32>
      %mul3A_1466 = vector.broadcast %squeeze3A_1359 : f32 to vector<16xf32>
      %mul3A_1467 = arith.mulf %mul3A_1466, %get3A_1453 : vector<16xf32>
      %add3A_1468 = arith.addf %mul3A_1465, %mul3A_1467 : vector<16xf32>
      %swap3A_1469 = arith.index_cast %squeeze3A_1357 : i32 to index
      %swap3A_1470 = arith.constant 0 : index
      %swap3A_1471 = tpu.vector_load %arg14[%swap3A_1469, %swap3A_1470] {strides = array<i32>} : memref<1024x16xf32, #tpu.memory_space<vmem>>, vector<1x16xf32>,
      %swap3A_1472 = vector.shape_cast %swap3A_1471 : vector<1x16xf32> to vector<16xf32>
      %swap3A_1473 = vector.shape_cast %add3A_1468 : vector<16xf32> to vector<1x16xf32>
      tpu.vector_store %arg14[%swap3A_1469, %swap3A_1470], %swap3A_1473 {strides = array<i32>} : memref<1024x16xf32, #tpu.memory_space<vmem>>, vector<1x16xf32>,
      %slice3A_1474 = vector.extract_strided_slice %get3A_987 {offsets = [4], sizes = [1], strides = [1]} : vector<16xi32> to vector<1xi32>
      %squeeze3A_1475 = vector.extract %slice3A_1474[0] : i32 from vector<1xi32>
      %slice3A_1476 = vector.extract_strided_slice %get3A_990 {offsets = [4], sizes = [1], strides = [1]} : vector<16xi32> to vector<1xi32>
      %squeeze3A_1477 = vector.extract %slice3A_1476[0] : i32 from vector<1xi32>
      %slice3A_1478 = vector.extract_strided_slice %get3A_993 {offsets = [4], sizes = [1], strides = [1]} : vector<16xf32> to vector<1xf32>
      %squeeze3A_1479 = vector.extract %slice3A_1478[0] : f32 from vector<1xf32>
      %slice3A_1480 = vector.extract_strided_slice %get3A_996 {offsets = [4], sizes = [1], strides = [1]} : vector<16xf32> to vector<1xf32>
      %squeeze3A_1481 = vector.extract %slice3A_1480[0] : f32 from vector<1xf32>
      %get3A_1482 = arith.index_cast %squeeze3A_1475 : i32 to index
      %get3A_1483 = arith.constant 0 : index
      %get3A_1484 = tpu.vector_load %arg11[%get3A_1482, %get3A_1483] {strides = array<i32>} : memref<1024x16xf32, #tpu.memory_space<vmem>>, vector<1x16xf32>,
      %get3A_1485 = vector.shape_cast %get3A_1484 : vector<1x16xf32> to vector<16xf32>
      %get3A_1486 = arith.index_cast %squeeze3A_1477 : i32 to index
      %get3A_1487 = arith.constant 0 : index
      %get3A_1488 = tpu.vector_load %arg11[%get3A_1486, %get3A_1487] {strides = array<i32>} : memref<1024x16xf32, #tpu.memory_space<vmem>>, vector<1x16xf32>,
      %get3A_1489 = vector.shape_cast %get3A_1488 : vector<1x16xf32> to vector<16xf32>
      %mul3A_1490 = vector.broadcast %squeeze3A_1479 : f32 to vector<16xf32>
      %mul3A_1491 = arith.mulf %mul3A_1490, %get3A_1485 : vector<16xf32>
      %mul3A_1492 = vector.broadcast %squeeze3A_1481 : f32 to vector<16xf32>
      %mul3A_1493 = arith.mulf %mul3A_1492, %get3A_1489 : vector<16xf32>
      %sub3A_1494 = arith.subf %mul3A_1491, %mul3A_1493 : vector<16xf32>
      %swap3A_1495 = arith.index_cast %squeeze3A_1475 : i32 to index
      %swap3A_1496 = arith.constant 0 : index
      %swap3A_1497 = tpu.vector_load %arg11[%swap3A_1495, %swap3A_1496] {strides = array<i32>} : memref<1024x16xf32, #tpu.memory_space<vmem>>, vector<1x16xf32>,
      %swap3A_1498 = vector.shape_cast %swap3A_1497 : vector<1x16xf32> to vector<16xf32>
      %swap3A_1499 = vector.shape_cast %sub3A_1494 : vector<16xf32> to vector<1x16xf32>
      tpu.vector_store %arg11[%swap3A_1495, %swap3A_1496], %swap3A_1499 {strides = array<i32>} : memref<1024x16xf32, #tpu.memory_space<vmem>>, vector<1x16xf32>,
      %mul3A_1500 = vector.broadcast %squeeze3A_1481 : f32 to vector<16xf32>
      %mul3A_1501 = arith.mulf %mul3A_1500, %get3A_1485 : vector<16xf32>
      %mul3A_1502 = vector.broadcast %squeeze3A_1479 : f32 to vector<16xf32>
      %mul3A_1503 = arith.mulf %mul3A_1502, %get3A_1489 : vector<16xf32>
      %add3A_1504 = arith.addf %mul3A_1501, %mul3A_1503 : vector<16xf32>
      %swap3A_1505 = arith.index_cast %squeeze3A_1477 : i32 to index
      %swap3A_1506 = arith.constant 0 : index
      %swap3A_1507 = tpu.vector_load %arg11[%swap3A_1505, %swap3A_1506] {strides = array<i32>} : memref<1024x16xf32, #tpu.memory_space<vmem>>, vector<1x16xf32>,
      %swap3A_1508 = vector.shape_cast %swap3A_1507 : vector<1x16xf32> to vector<16xf32>
      %swap3A_1509 = vector.shape_cast %add3A_1504 : vector<16xf32> to vector<1x16xf32>
      tpu.vector_store %arg11[%swap3A_1505, %swap3A_1506], %swap3A_1509 {strides = array<i32>} : memref<1024x16xf32, #tpu.memory_space<vmem>>, vector<1x16xf32>,
      %get3A_1510 = arith.index_cast %squeeze3A_1475 : i32 to index
      %get3A_1511 = arith.constant 0 : index
      %get3A_1512 = tpu.vector_load %arg12[%get3A_1510, %get3A_1511] {strides = array<i32>} : memref<1024x16xf32, #tpu.memory_space<vmem>>, vector<1x16xf32>,
      %get3A_1513 = vector.shape_cast %get3A_1512 : vector<1x16xf32> to vector<16xf32>
      %get3A_1514 = arith.index_cast %squeeze3A_1477 : i32 to index
      %get3A_1515 = arith.constant 0 : index
      %get3A_1516 = tpu.vector_load %arg12[%get3A_1514, %get3A_1515] {strides = array<i32>} : memref<1024x16xf32, #tpu.memory_space<vmem>>, vector<1x16xf32>,
      %get3A_1517 = vector.shape_cast %get3A_1516 : vector<1x16xf32> to vector<16xf32>
      %mul3A_1518 = vector.broadcast %squeeze3A_1479 : f32 to vector<16xf32>
      %mul3A_1519 = arith.mulf %mul3A_1518, %get3A_1513 : vector<16xf32>
      %mul3A_1520 = vector.broadcast %squeeze3A_1481 : f32 to vector<16xf32>
      %mul3A_1521 = arith.mulf %mul3A_1520, %get3A_1517 : vector<16xf32>
      %sub3A_1522 = arith.subf %mul3A_1519, %mul3A_1521 : vector<16xf32>
      %swap3A_1523 = arith.index_cast %squeeze3A_1475 : i32 to index
      %swap3A_1524 = arith.constant 0 : index
      %swap3A_1525 = tpu.vector_load %arg12[%swap3A_1523, %swap3A_1524] {strides = array<i32>} : memref<1024x16xf32, #tpu.memory_space<vmem>>, vector<1x16xf32>,
      %swap3A_1526 = vector.shape_cast %swap3A_1525 : vector<1x16xf32> to vector<16xf32>
      %swap3A_1527 = vector.shape_cast %sub3A_1522 : vector<16xf32> to vector<1x16xf32>
      tpu.vector_store %arg12[%swap3A_1523, %swap3A_1524], %swap3A_1527 {strides = array<i32>} : memref<1024x16xf32, #tpu.memory_space<vmem>>, vector<1x16xf32>,
      %mul3A_1528 = vector.broadcast %squeeze3A_1481 : f32 to vector<16xf32>
      %mul3A_1529 = arith.mulf %mul3A_1528, %get3A_1513 : vector<16xf32>
      %mul3A_1530 = vector.broadcast %squeeze3A_1479 : f32 to vector<16xf32>
      %mul3A_1531 = arith.mulf %mul3A_1530, %get3A_1517 : vector<16xf32>
      %add3A_1532 = arith.addf %mul3A_1529, %mul3A_1531 : vector<16xf32>
      %swap3A_1533 = arith.index_cast %squeeze3A_1477 : i32 to index
      %swap3A_1534 = arith.constant 0 : index
      %swap3A_1535 = tpu.vector_load %arg12[%swap3A_1533, %swap3A_1534] {strides = array<i32>} : memref<1024x16xf32, #tpu.memory_space<vmem>>, vector<1x16xf32>,
      %swap3A_1536 = vector.shape_cast %swap3A_1535 : vector<1x16xf32> to vector<16xf32>
      %swap3A_1537 = vector.shape_cast %add3A_1532 : vector<16xf32> to vector<1x16xf32>
      tpu.vector_store %arg12[%swap3A_1533, %swap3A_1534], %swap3A_1537 {strides = array<i32>} : memref<1024x16xf32, #tpu.memory_space<vmem>>, vector<1x16xf32>,
      %get3A_1538 = arith.index_cast %squeeze3A_1475 : i32 to index
      %get3A_1539 = arith.constant 0 : index
      %get3A_1540 = tpu.vector_load %arg13[%get3A_1538, %get3A_1539] {strides = array<i32>} : memref<1024x16xf32, #tpu.memory_space<vmem>>, vector<1x16xf32>,
      %get3A_1541 = vector.shape_cast %get3A_1540 : vector<1x16xf32> to vector<16xf32>
      %get3A_1542 = arith.index_cast %squeeze3A_1477 : i32 to index
      %get3A_1543 = arith.constant 0 : index
      %get3A_1544 = tpu.vector_load %arg13[%get3A_1542, %get3A_1543] {strides = array<i32>} : memref<1024x16xf32, #tpu.memory_space<vmem>>, vector<1x16xf32>,
      %get3A_1545 = vector.shape_cast %get3A_1544 : vector<1x16xf32> to vector<16xf32>
      %mul3A_1546 = vector.broadcast %squeeze3A_1479 : f32 to vector<16xf32>
      %mul3A_1547 = arith.mulf %mul3A_1546, %get3A_1541 : vector<16xf32>
      %mul3A_1548 = vector.broadcast %squeeze3A_1481 : f32 to vector<16xf32>
      %mul3A_1549 = arith.mulf %mul3A_1548, %get3A_1545 : vector<16xf32>
      %sub3A_1550 = arith.subf %mul3A_1547, %mul3A_1549 : vector<16xf32>
      %swap3A_1551 = arith.index_cast %squeeze3A_1475 : i32 to index
      %swap3A_1552 = arith.constant 0 : index
      %swap3A_1553 = tpu.vector_load %arg13[%swap3A_1551, %swap3A_1552] {strides = array<i32>} : memref<1024x16xf32, #tpu.memory_space<vmem>>, vector<1x16xf32>,
      %swap3A_1554 = vector.shape_cast %swap3A_1553 : vector<1x16xf32> to vector<16xf32>
      %swap3A_1555 = vector.shape_cast %sub3A_1550 : vector<16xf32> to vector<1x16xf32>
      tpu.vector_store %arg13[%swap3A_1551, %swap3A_1552], %swap3A_1555 {strides = array<i32>} : memref<1024x16xf32, #tpu.memory_space<vmem>>, vector<1x16xf32>,
      %mul3A_1556 = vector.broadcast %squeeze3A_1481 : f32 to vector<16xf32>
      %mul3A_1557 = arith.mulf %mul3A_1556, %get3A_1541 : vector<16xf32>
      %mul3A_1558 = vector.broadcast %squeeze3A_1479 : f32 to vector<16xf32>
      %mul3A_1559 = arith.mulf %mul3A_1558, %get3A_1545 : vector<16xf32>
      %add3A_1560 = arith.addf %mul3A_1557, %mul3A_1559 : vector<16xf32>
      %swap3A_1561 = arith.index_cast %squeeze3A_1477 : i32 to index
      %swap3A_1562 = arith.constant 0 : index
      %swap3A_1563 = tpu.vector_load %arg13[%swap3A_1561, %swap3A_1562] {strides = array<i32>} : memref<1024x16xf32, #tpu.memory_space<vmem>>, vector<1x16xf32>,
      %swap3A_1564 = vector.shape_cast %swap3A_1563 : vector<1x16xf32> to vector<16xf32>
      %swap3A_1565 = vector.shape_cast %add3A_1560 : vector<16xf32> to vector<1x16xf32>
      tpu.vector_store %arg13[%swap3A_1561, %swap3A_1562], %swap3A_1565 {strides = array<i32>} : memref<1024x16xf32, #tpu.memory_space<vmem>>, vector<1x16xf32>,
      %get3A_1566 = arith.index_cast %squeeze3A_1475 : i32 to index
      %get3A_1567 = arith.constant 0 : index
      %get3A_1568 = tpu.vector_load %arg14[%get3A_1566, %get3A_1567] {strides = array<i32>} : memref<1024x16xf32, #tpu.memory_space<vmem>>, vector<1x16xf32>,
      %get3A_1569 = vector.shape_cast %get3A_1568 : vector<1x16xf32> to vector<16xf32>
      %get3A_1570 = arith.index_cast %squeeze3A_1477 : i32 to index
      %get3A_1571 = arith.constant 0 : index
      %get3A_1572 = tpu.vector_load %arg14[%get3A_1570, %get3A_1571] {strides = array<i32>} : memref<1024x16xf32, #tpu.memory_space<vmem>>, vector<1x16xf32>,
      %get3A_1573 = vector.shape_cast %get3A_1572 : vector<1x16xf32> to vector<16xf32>
      %mul3A_1574 = vector.broadcast %squeeze3A_1479 : f32 to vector<16xf32>
      %mul3A_1575 = arith.mulf %mul3A_1574, %get3A_1569 : vector<16xf32>
      %mul3A_1576 = vector.broadcast %squeeze3A_1481 : f32 to vector<16xf32>
      %mul3A_1577 = arith.mulf %mul3A_1576, %get3A_1573 : vector<16xf32>
      %sub3A_1578 = arith.subf %mul3A_1575, %mul3A_1577 : vector<16xf32>
      %swap3A_1579 = arith.index_cast %squeeze3A_1475 : i32 to index
      %swap3A_1580 = arith.constant 0 : index
      %swap3A_1581 = tpu.vector_load %arg14[%swap3A_1579, %swap3A_1580] {strides = array<i32>} : memref<1024x16xf32, #tpu.memory_space<vmem>>, vector<1x16xf32>,
      %swap3A_1582 = vector.shape_cast %swap3A_1581 : vector<1x16xf32> to vector<16xf32>
      %swap3A_1583 = vector.shape_cast %sub3A_1578 : vector<16xf32> to vector<1x16xf32>
      tpu.vector_store %arg14[%swap3A_1579, %swap3A_1580], %swap3A_1583 {strides = array<i32>} : memref<1024x16xf32, #tpu.memory_space<vmem>>, vector<1x16xf32>,
      %mul3A_1584 = vector.broadcast %squeeze3A_1481 : f32 to vector<16xf32>
      %mul3A_1585 = arith.mulf %mul3A_1584, %get3A_1569 : vector<16xf32>
      %mul3A_1586 = vector.broadcast %squeeze3A_1479 : f32 to vector<16xf32>
      %mul3A_1587 = arith.mulf %mul3A_1586, %get3A_1573 : vector<16xf32>
      %add3A_1588 = arith.addf %mul3A_1585, %mul3A_1587 : vector<16xf32>
      %swap3A_1589 = arith.index_cast %squeeze3A_1477 : i32 to index
      %swap3A_1590 = arith.constant 0 : index
      %swap3A_1591 = tpu.vector_load %arg14[%swap3A_1589, %swap3A_1590] {strides = array<i32>} : memref<1024x16xf32, #tpu.memory_space<vmem>>, vector<1x16xf32>,
      %swap3A_1592 = vector.shape_cast %swap3A_1591 : vector<1x16xf32> to vector<16xf32>
      %swap3A_1593 = vector.shape_cast %add3A_1588 : vector<16xf32> to vector<1x16xf32>
      tpu.vector_store %arg14[%swap3A_1589, %swap3A_1590], %swap3A_1593 {strides = array<i32>} : memref<1024x16xf32, #tpu.memory_space<vmem>>, vector<1x16xf32>,
      %slice3A_1594 = vector.extract_strided_slice %get3A_987 {offsets = [5], sizes = [1], strides = [1]} : vector<16xi32> to vector<1xi32>
      %squeeze3A_1595 = vector.extract %slice3A_1594[0] : i32 from vector<1xi32>
      %slice3A_1596 = vector.extract_strided_slice %get3A_990 {offsets = [5], sizes = [1], strides = [1]} : vector<16xi32> to vector<1xi32>
      %squeeze3A_1597 = vector.extract %slice3A_1596[0] : i32 from vector<1xi32>
      %slice3A_1598 = vector.extract_strided_slice %get3A_993 {offsets = [5], sizes = [1], strides = [1]} : vector<16xf32> to vector<1xf32>
      %squeeze3A_1599 = vector.extract %slice3A_1598[0] : f32 from vector<1xf32>
      %slice3A_1600 = vector.extract_strided_slice %get3A_996 {offsets = [5], sizes = [1], strides = [1]} : vector<16xf32> to vector<1xf32>
      %squeeze3A_1601 = vector.extract %slice3A_1600[0] : f32 from vector<1xf32>
      %get3A_1602 = arith.index_cast %squeeze3A_1595 : i32 to index
      %get3A_1603 = arith.constant 0 : index
      %get3A_1604 = tpu.vector_load %arg11[%get3A_1602, %get3A_1603] {strides = array<i32>} : memref<1024x16xf32, #tpu.memory_space<vmem>>, vector<1x16xf32>,
      %get3A_1605 = vector.shape_cast %get3A_1604 : vector<1x16xf32> to vector<16xf32>
      %get3A_1606 = arith.index_cast %squeeze3A_1597 : i32 to index
      %get3A_1607 = arith.constant 0 : index
      %get3A_1608 = tpu.vector_load %arg11[%get3A_1606, %get3A_1607] {strides = array<i32>} : memref<1024x16xf32, #tpu.memory_space<vmem>>, vector<1x16xf32>,
      %get3A_1609 = vector.shape_cast %get3A_1608 : vector<1x16xf32> to vector<16xf32>
      %mul3A_1610 = vector.broadcast %squeeze3A_1599 : f32 to vector<16xf32>
      %mul3A_1611 = arith.mulf %mul3A_1610, %get3A_1605 : vector<16xf32>
      %mul3A_1612 = vector.broadcast %squeeze3A_1601 : f32 to vector<16xf32>
      %mul3A_1613 = arith.mulf %mul3A_1612, %get3A_1609 : vector<16xf32>
      %sub3A_1614 = arith.subf %mul3A_1611, %mul3A_1613 : vector<16xf32>
      %swap3A_1615 = arith.index_cast %squeeze3A_1595 : i32 to index
      %swap3A_1616 = arith.constant 0 : index
      %swap3A_1617 = tpu.vector_load %arg11[%swap3A_1615, %swap3A_1616] {strides = array<i32>} : memref<1024x16xf32, #tpu.memory_space<vmem>>, vector<1x16xf32>,
      %swap3A_1618 = vector.shape_cast %swap3A_1617 : vector<1x16xf32> to vector<16xf32>
      %swap3A_1619 = vector.shape_cast %sub3A_1614 : vector<16xf32> to vector<1x16xf32>
      tpu.vector_store %arg11[%swap3A_1615, %swap3A_1616], %swap3A_1619 {strides = array<i32>} : memref<1024x16xf32, #tpu.memory_space<vmem>>, vector<1x16xf32>,
      %mul3A_1620 = vector.broadcast %squeeze3A_1601 : f32 to vector<16xf32>
      %mul3A_1621 = arith.mulf %mul3A_1620, %get3A_1605 : vector<16xf32>
      %mul3A_1622 = vector.broadcast %squeeze3A_1599 : f32 to vector<16xf32>
      %mul3A_1623 = arith.mulf %mul3A_1622, %get3A_1609 : vector<16xf32>
      %add3A_1624 = arith.addf %mul3A_1621, %mul3A_1623 : vector<16xf32>
      %swap3A_1625 = arith.index_cast %squeeze3A_1597 : i32 to index
      %swap3A_1626 = arith.constant 0 : index
      %swap3A_1627 = tpu.vector_load %arg11[%swap3A_1625, %swap3A_1626] {strides = array<i32>} : memref<1024x16xf32, #tpu.memory_space<vmem>>, vector<1x16xf32>,
      %swap3A_1628 = vector.shape_cast %swap3A_1627 : vector<1x16xf32> to vector<16xf32>
      %swap3A_1629 = vector.shape_cast %add3A_1624 : vector<16xf32> to vector<1x16xf32>
      tpu.vector_store %arg11[%swap3A_1625, %swap3A_1626], %swap3A_1629 {strides = array<i32>} : memref<1024x16xf32, #tpu.memory_space<vmem>>, vector<1x16xf32>,
      %get3A_1630 = arith.index_cast %squeeze3A_1595 : i32 to index
      %get3A_1631 = arith.constant 0 : index
      %get3A_1632 = tpu.vector_load %arg12[%get3A_1630, %get3A_1631] {strides = array<i32>} : memref<1024x16xf32, #tpu.memory_space<vmem>>, vector<1x16xf32>,
      %get3A_1633 = vector.shape_cast %get3A_1632 : vector<1x16xf32> to vector<16xf32>
      %get3A_1634 = arith.index_cast %squeeze3A_1597 : i32 to index
      %get3A_1635 = arith.constant 0 : index
      %get3A_1636 = tpu.vector_load %arg12[%get3A_1634, %get3A_1635] {strides = array<i32>} : memref<1024x16xf32, #tpu.memory_space<vmem>>, vector<1x16xf32>,
      %get3A_1637 = vector.shape_cast %get3A_1636 : vector<1x16xf32> to vector<16xf32>
      %mul3A_1638 = vector.broadcast %squeeze3A_1599 : f32 to vector<16xf32>
      %mul3A_1639 = arith.mulf %mul3A_1638, %get3A_1633 : vector<16xf32>
      %mul3A_1640 = vector.broadcast %squeeze3A_1601 : f32 to vector<16xf32>
      %mul3A_1641 = arith.mulf %mul3A_1640, %get3A_1637 : vector<16xf32>
      %sub3A_1642 = arith.subf %mul3A_1639, %mul3A_1641 : vector<16xf32>
      %swap3A_1643 = arith.index_cast %squeeze3A_1595 : i32 to index
      %swap3A_1644 = arith.constant 0 : index
      %swap3A_1645 = tpu.vector_load %arg12[%swap3A_1643, %swap3A_1644] {strides = array<i32>} : memref<1024x16xf32, #tpu.memory_space<vmem>>, vector<1x16xf32>,
      %swap3A_1646 = vector.shape_cast %swap3A_1645 : vector<1x16xf32> to vector<16xf32>
      %swap3A_1647 = vector.shape_cast %sub3A_1642 : vector<16xf32> to vector<1x16xf32>
      tpu.vector_store %arg12[%swap3A_1643, %swap3A_1644], %swap3A_1647 {strides = array<i32>} : memref<1024x16xf32, #tpu.memory_space<vmem>>, vector<1x16xf32>,
      %mul3A_1648 = vector.broadcast %squeeze3A_1601 : f32 to vector<16xf32>
      %mul3A_1649 = arith.mulf %mul3A_1648, %get3A_1633 : vector<16xf32>
      %mul3A_1650 = vector.broadcast %squeeze3A_1599 : f32 to vector<16xf32>
      %mul3A_1651 = arith.mulf %mul3A_1650, %get3A_1637 : vector<16xf32>
      %add3A_1652 = arith.addf %mul3A_1649, %mul3A_1651 : vector<16xf32>
      %swap3A_1653 = arith.index_cast %squeeze3A_1597 : i32 to index
      %swap3A_1654 = arith.constant 0 : index
      %swap3A_1655 = tpu.vector_load %arg12[%swap3A_1653, %swap3A_1654] {strides = array<i32>} : memref<1024x16xf32, #tpu.memory_space<vmem>>, vector<1x16xf32>,
      %swap3A_1656 = vector.shape_cast %swap3A_1655 : vector<1x16xf32> to vector<16xf32>
      %swap3A_1657 = vector.shape_cast %add3A_1652 : vector<16xf32> to vector<1x16xf32>
      tpu.vector_store %arg12[%swap3A_1653, %swap3A_1654], %swap3A_1657 {strides = array<i32>} : memref<1024x16xf32, #tpu.memory_space<vmem>>, vector<1x16xf32>,
      %get3A_1658 = arith.index_cast %squeeze3A_1595 : i32 to index
      %get3A_1659 = arith.constant 0 : index
      %get3A_1660 = tpu.vector_load %arg13[%get3A_1658, %get3A_1659] {strides = array<i32>} : memref<1024x16xf32, #tpu.memory_space<vmem>>, vector<1x16xf32>,
      %get3A_1661 = vector.shape_cast %get3A_1660 : vector<1x16xf32> to vector<16xf32>
      %get3A_1662 = arith.index_cast %squeeze3A_1597 : i32 to index
      %get3A_1663 = arith.constant 0 : index
      %get3A_1664 = tpu.vector_load %arg13[%get3A_1662, %get3A_1663] {strides = array<i32>} : memref<1024x16xf32, #tpu.memory_space<vmem>>, vector<1x16xf32>,
      %get3A_1665 = vector.shape_cast %get3A_1664 : vector<1x16xf32> to vector<16xf32>
      %mul3A_1666 = vector.broadcast %squeeze3A_1599 : f32 to vector<16xf32>
      %mul3A_1667 = arith.mulf %mul3A_1666, %get3A_1661 : vector<16xf32>
      %mul3A_1668 = vector.broadcast %squeeze3A_1601 : f32 to vector<16xf32>
      %mul3A_1669 = arith.mulf %mul3A_1668, %get3A_1665 : vector<16xf32>
      %sub3A_1670 = arith.subf %mul3A_1667, %mul3A_1669 : vector<16xf32>
      %swap3A_1671 = arith.index_cast %squeeze3A_1595 : i32 to index
      %swap3A_1672 = arith.constant 0 : index
      %swap3A_1673 = tpu.vector_load %arg13[%swap3A_1671, %swap3A_1672] {strides = array<i32>} : memref<1024x16xf32, #tpu.memory_space<vmem>>, vector<1x16xf32>,
      %swap3A_1674 = vector.shape_cast %swap3A_1673 : vector<1x16xf32> to vector<16xf32>
      %swap3A_1675 = vector.shape_cast %sub3A_1670 : vector<16xf32> to vector<1x16xf32>
      tpu.vector_store %arg13[%swap3A_1671, %swap3A_1672], %swap3A_1675 {strides = array<i32>} : memref<1024x16xf32, #tpu.memory_space<vmem>>, vector<1x16xf32>,
      %mul3A_1676 = vector.broadcast %squeeze3A_1601 : f32 to vector<16xf32>
      %mul3A_1677 = arith.mulf %mul3A_1676, %get3A_1661 : vector<16xf32>
      %mul3A_1678 = vector.broadcast %squeeze3A_1599 : f32 to vector<16xf32>
      %mul3A_1679 = arith.mulf %mul3A_1678, %get3A_1665 : vector<16xf32>
      %add3A_1680 = arith.addf %mul3A_1677, %mul3A_1679 : vector<16xf32>
      %swap3A_1681 = arith.index_cast %squeeze3A_1597 : i32 to index
      %swap3A_1682 = arith.constant 0 : index
      %swap3A_1683 = tpu.vector_load %arg13[%swap3A_1681, %swap3A_1682] {strides = array<i32>} : memref<1024x16xf32, #tpu.memory_space<vmem>>, vector<1x16xf32>,
      %swap3A_1684 = vector.shape_cast %swap3A_1683 : vector<1x16xf32> to vector<16xf32>
      %swap3A_1685 = vector.shape_cast %add3A_1680 : vector<16xf32> to vector<1x16xf32>
      tpu.vector_store %arg13[%swap3A_1681, %swap3A_1682], %swap3A_1685 {strides = array<i32>} : memref<1024x16xf32, #tpu.memory_space<vmem>>, vector<1x16xf32>,
      %get3A_1686 = arith.index_cast %squeeze3A_1595 : i32 to index
      %get3A_1687 = arith.constant 0 : index
      %get3A_1688 = tpu.vector_load %arg14[%get3A_1686, %get3A_1687] {strides = array<i32>} : memref<1024x16xf32, #tpu.memory_space<vmem>>, vector<1x16xf32>,
      %get3A_1689 = vector.shape_cast %get3A_1688 : vector<1x16xf32> to vector<16xf32>
      %get3A_1690 = arith.index_cast %squeeze3A_1597 : i32 to index
      %get3A_1691 = arith.constant 0 : index
      %get3A_1692 = tpu.vector_load %arg14[%get3A_1690, %get3A_1691] {strides = array<i32>} : memref<1024x16xf32, #tpu.memory_space<vmem>>, vector<1x16xf32>,
      %get3A_1693 = vector.shape_cast %get3A_1692 : vector<1x16xf32> to vector<16xf32>
      %mul3A_1694 = vector.broadcast %squeeze3A_1599 : f32 to vector<16xf32>
      %mul3A_1695 = arith.mulf %mul3A_1694, %get3A_1689 : vector<16xf32>
      %mul3A_1696 = vector.broadcast %squeeze3A_1601 : f32 to vector<16xf32>
      %mul3A_1697 = arith.mulf %mul3A_1696, %get3A_1693 : vector<16xf32>
      %sub3A_1698 = arith.subf %mul3A_1695, %mul3A_1697 : vector<16xf32>
      %swap3A_1699 = arith.index_cast %squeeze3A_1595 : i32 to index
      %swap3A_1700 = arith.constant 0 : index
      %swap3A_1701 = tpu.vector_load %arg14[%swap3A_1699, %swap3A_1700] {strides = array<i32>} : memref<1024x16xf32, #tpu.memory_space<vmem>>, vector<1x16xf32>,
      %swap3A_1702 = vector.shape_cast %swap3A_1701 : vector<1x16xf32> to vector<16xf32>
      %swap3A_1703 = vector.shape_cast %sub3A_1698 : vector<16xf32> to vector<1x16xf32>
      tpu.vector_store %arg14[%swap3A_1699, %swap3A_1700], %swap3A_1703 {strides = array<i32>} : memref<1024x16xf32, #tpu.memory_space<vmem>>, vector<1x16xf32>,
      %mul3A_1704 = vector.broadcast %squeeze3A_1601 : f32 to vector<16xf32>
      %mul3A_1705 = arith.mulf %mul3A_1704, %get3A_1689 : vector<16xf32>
      %mul3A_1706 = vector.broadcast %squeeze3A_1599 : f32 to vector<16xf32>
      %mul3A_1707 = arith.mulf %mul3A_1706, %get3A_1693 : vector<16xf32>
      %add3A_1708 = arith.addf %mul3A_1705, %mul3A_1707 : vector<16xf32>
      %swap3A_1709 = arith.index_cast %squeeze3A_1597 : i32 to index
      %swap3A_1710 = arith.constant 0 : index
      %swap3A_1711 = tpu.vector_load %arg14[%swap3A_1709, %swap3A_1710] {strides = array<i32>} : memref<1024x16xf32, #tpu.memory_space<vmem>>, vector<1x16xf32>,
      %swap3A_1712 = vector.shape_cast %swap3A_1711 : vector<1x16xf32> to vector<16xf32>
      %swap3A_1713 = vector.shape_cast %add3A_1708 : vector<16xf32> to vector<1x16xf32>
      tpu.vector_store %arg14[%swap3A_1709, %swap3A_1710], %swap3A_1713 {strides = array<i32>} : memref<1024x16xf32, #tpu.memory_space<vmem>>, vector<1x16xf32>,
      %slice3A_1714 = vector.extract_strided_slice %get3A_987 {offsets = [6], sizes = [1], strides = [1]} : vector<16xi32> to vector<1xi32>
      %squeeze3A_1715 = vector.extract %slice3A_1714[0] : i32 from vector<1xi32>
      %slice3A_1716 = vector.extract_strided_slice %get3A_990 {offsets = [6], sizes = [1], strides = [1]} : vector<16xi32> to vector<1xi32>
      %squeeze3A_1717 = vector.extract %slice3A_1716[0] : i32 from vector<1xi32>
      %slice3A_1718 = vector.extract_strided_slice %get3A_993 {offsets = [6], sizes = [1], strides = [1]} : vector<16xf32> to vector<1xf32>
      %squeeze3A_1719 = vector.extract %slice3A_1718[0] : f32 from vector<1xf32>
      %slice3A_1720 = vector.extract_strided_slice %get3A_996 {offsets = [6], sizes = [1], strides = [1]} : vector<16xf32> to vector<1xf32>
      %squeeze3A_1721 = vector.extract %slice3A_1720[0] : f32 from vector<1xf32>
      %get3A_1722 = arith.index_cast %squeeze3A_1715 : i32 to index
      %get3A_1723 = arith.constant 0 : index
      %get3A_1724 = tpu.vector_load %arg11[%get3A_1722, %get3A_1723] {strides = array<i32>} : memref<1024x16xf32, #tpu.memory_space<vmem>>, vector<1x16xf32>,
      %get3A_1725 = vector.shape_cast %get3A_1724 : vector<1x16xf32> to vector<16xf32>
      %get3A_1726 = arith.index_cast %squeeze3A_1717 : i32 to index
      %get3A_1727 = arith.constant 0 : index
      %get3A_1728 = tpu.vector_load %arg11[%get3A_1726, %get3A_1727] {strides = array<i32>} : memref<1024x16xf32, #tpu.memory_space<vmem>>, vector<1x16xf32>,
      %get3A_1729 = vector.shape_cast %get3A_1728 : vector<1x16xf32> to vector<16xf32>
      %mul3A_1730 = vector.broadcast %squeeze3A_1719 : f32 to vector<16xf32>
      %mul3A_1731 = arith.mulf %mul3A_1730, %get3A_1725 : vector<16xf32>
      %mul3A_1732 = vector.broadcast %squeeze3A_1721 : f32 to vector<16xf32>
      %mul3A_1733 = arith.mulf %mul3A_1732, %get3A_1729 : vector<16xf32>
      %sub3A_1734 = arith.subf %mul3A_1731, %mul3A_1733 : vector<16xf32>
      %swap3A_1735 = arith.index_cast %squeeze3A_1715 : i32 to index
      %swap3A_1736 = arith.constant 0 : index
      %swap3A_1737 = tpu.vector_load %arg11[%swap3A_1735, %swap3A_1736] {strides = array<i32>} : memref<1024x16xf32, #tpu.memory_space<vmem>>, vector<1x16xf32>,
      %swap3A_1738 = vector.shape_cast %swap3A_1737 : vector<1x16xf32> to vector<16xf32>
      %swap3A_1739 = vector.shape_cast %sub3A_1734 : vector<16xf32> to vector<1x16xf32>
      tpu.vector_store %arg11[%swap3A_1735, %swap3A_1736], %swap3A_1739 {strides = array<i32>} : memref<1024x16xf32, #tpu.memory_space<vmem>>, vector<1x16xf32>,
      %mul3A_1740 = vector.broadcast %squeeze3A_1721 : f32 to vector<16xf32>
      %mul3A_1741 = arith.mulf %mul3A_1740, %get3A_1725 : vector<16xf32>
      %mul3A_1742 = vector.broadcast %squeeze3A_1719 : f32 to vector<16xf32>
      %mul3A_1743 = arith.mulf %mul3A_1742, %get3A_1729 : vector<16xf32>
      %add3A_1744 = arith.addf %mul3A_1741, %mul3A_1743 : vector<16xf32>
      %swap3A_1745 = arith.index_cast %squeeze3A_1717 : i32 to index
      %swap3A_1746 = arith.constant 0 : index
      %swap3A_1747 = tpu.vector_load %arg11[%swap3A_1745, %swap3A_1746] {strides = array<i32>} : memref<1024x16xf32, #tpu.memory_space<vmem>>, vector<1x16xf32>,
      %swap3A_1748 = vector.shape_cast %swap3A_1747 : vector<1x16xf32> to vector<16xf32>
      %swap3A_1749 = vector.shape_cast %add3A_1744 : vector<16xf32> to vector<1x16xf32>
      tpu.vector_store %arg11[%swap3A_1745, %swap3A_1746], %swap3A_1749 {strides = array<i32>} : memref<1024x16xf32, #tpu.memory_space<vmem>>, vector<1x16xf32>,
      %get3A_1750 = arith.index_cast %squeeze3A_1715 : i32 to index
      %get3A_1751 = arith.constant 0 : index
      %get3A_1752 = tpu.vector_load %arg12[%get3A_1750, %get3A_1751] {strides = array<i32>} : memref<1024x16xf32, #tpu.memory_space<vmem>>, vector<1x16xf32>,
      %get3A_1753 = vector.shape_cast %get3A_1752 : vector<1x16xf32> to vector<16xf32>
      %get3A_1754 = arith.index_cast %squeeze3A_1717 : i32 to index
      %get3A_1755 = arith.constant 0 : index
      %get3A_1756 = tpu.vector_load %arg12[%get3A_1754, %get3A_1755] {strides = array<i32>} : memref<1024x16xf32, #tpu.memory_space<vmem>>, vector<1x16xf32>,
      %get3A_1757 = vector.shape_cast %get3A_1756 : vector<1x16xf32> to vector<16xf32>
      %mul3A_1758 = vector.broadcast %squeeze3A_1719 : f32 to vector<16xf32>
      %mul3A_1759 = arith.mulf %mul3A_1758, %get3A_1753 : vector<16xf32>
      %mul3A_1760 = vector.broadcast %squeeze3A_1721 : f32 to vector<16xf32>
      %mul3A_1761 = arith.mulf %mul3A_1760, %get3A_1757 : vector<16xf32>
      %sub3A_1762 = arith.subf %mul3A_1759, %mul3A_1761 : vector<16xf32>
      %swap3A_1763 = arith.index_cast %squeeze3A_1715 : i32 to index
      %swap3A_1764 = arith.constant 0 : index
      %swap3A_1765 = tpu.vector_load %arg12[%swap3A_1763, %swap3A_1764] {strides = array<i32>} : memref<1024x16xf32, #tpu.memory_space<vmem>>, vector<1x16xf32>,
      %swap3A_1766 = vector.shape_cast %swap3A_1765 : vector<1x16xf32> to vector<16xf32>
      %swap3A_1767 = vector.shape_cast %sub3A_1762 : vector<16xf32> to vector<1x16xf32>
      tpu.vector_store %arg12[%swap3A_1763, %swap3A_1764], %swap3A_1767 {strides = array<i32>} : memref<1024x16xf32, #tpu.memory_space<vmem>>, vector<1x16xf32>,
      %mul3A_1768 = vector.broadcast %squeeze3A_1721 : f32 to vector<16xf32>
      %mul3A_1769 = arith.mulf %mul3A_1768, %get3A_1753 : vector<16xf32>
      %mul3A_1770 = vector.broadcast %squeeze3A_1719 : f32 to vector<16xf32>
      %mul3A_1771 = arith.mulf %mul3A_1770, %get3A_1757 : vector<16xf32>
      %add3A_1772 = arith.addf %mul3A_1769, %mul3A_1771 : vector<16xf32>
      %swap3A_1773 = arith.index_cast %squeeze3A_1717 : i32 to index
      %swap3A_1774 = arith.constant 0 : index
      %swap3A_1775 = tpu.vector_load %arg12[%swap3A_1773, %swap3A_1774] {strides = array<i32>} : memref<1024x16xf32, #tpu.memory_space<vmem>>, vector<1x16xf32>,
      %swap3A_1776 = vector.shape_cast %swap3A_1775 : vector<1x16xf32> to vector<16xf32>
      %swap3A_1777 = vector.shape_cast %add3A_1772 : vector<16xf32> to vector<1x16xf32>
      tpu.vector_store %arg12[%swap3A_1773, %swap3A_1774], %swap3A_1777 {strides = array<i32>} : memref<1024x16xf32, #tpu.memory_space<vmem>>, vector<1x16xf32>,
      %get3A_1778 = arith.index_cast %squeeze3A_1715 : i32 to index
      %get3A_1779 = arith.constant 0 : index
      %get3A_1780 = tpu.vector_load %arg13[%get3A_1778, %get3A_1779] {strides = array<i32>} : memref<1024x16xf32, #tpu.memory_space<vmem>>, vector<1x16xf32>,
      %get3A_1781 = vector.shape_cast %get3A_1780 : vector<1x16xf32> to vector<16xf32>
      %get3A_1782 = arith.index_cast %squeeze3A_1717 : i32 to index
      %get3A_1783 = arith.constant 0 : index
      %get3A_1784 = tpu.vector_load %arg13[%get3A_1782, %get3A_1783] {strides = array<i32>} : memref<1024x16xf32, #tpu.memory_space<vmem>>, vector<1x16xf32>,
      %get3A_1785 = vector.shape_cast %get3A_1784 : vector<1x16xf32> to vector<16xf32>
      %mul3A_1786 = vector.broadcast %squeeze3A_1719 : f32 to vector<16xf32>
      %mul3A_1787 = arith.mulf %mul3A_1786, %get3A_1781 : vector<16xf32>
      %mul3A_1788 = vector.broadcast %squeeze3A_1721 : f32 to vector<16xf32>
      %mul3A_1789 = arith.mulf %mul3A_1788, %get3A_1785 : vector<16xf32>
      %sub3A_1790 = arith.subf %mul3A_1787, %mul3A_1789 : vector<16xf32>
      %swap3A_1791 = arith.index_cast %squeeze3A_1715 : i32 to index
      %swap3A_1792 = arith.constant 0 : index
      %swap3A_1793 = tpu.vector_load %arg13[%swap3A_1791, %swap3A_1792] {strides = array<i32>} : memref<1024x16xf32, #tpu.memory_space<vmem>>, vector<1x16xf32>,
      %swap3A_1794 = vector.shape_cast %swap3A_1793 : vector<1x16xf32> to vector<16xf32>
      %swap3A_1795 = vector.shape_cast %sub3A_1790 : vector<16xf32> to vector<1x16xf32>
      tpu.vector_store %arg13[%swap3A_1791, %swap3A_1792], %swap3A_1795 {strides = array<i32>} : memref<1024x16xf32, #tpu.memory_space<vmem>>, vector<1x16xf32>,
      %mul3A_1796 = vector.broadcast %squeeze3A_1721 : f32 to vector<16xf32>
      %mul3A_1797 = arith.mulf %mul3A_1796, %get3A_1781 : vector<16xf32>
      %mul3A_1798 = vector.broadcast %squeeze3A_1719 : f32 to vector<16xf32>
      %mul3A_1799 = arith.mulf %mul3A_1798, %get3A_1785 : vector<16xf32>
      %add3A_1800 = arith.addf %mul3A_1797, %mul3A_1799 : vector<16xf32>
      %swap3A_1801 = arith.index_cast %squeeze3A_1717 : i32 to index
      %swap3A_1802 = arith.constant 0 : index
      %swap3A_1803 = tpu.vector_load %arg13[%swap3A_1801, %swap3A_1802] {strides = array<i32>} : memref<1024x16xf32, #tpu.memory_space<vmem>>, vector<1x16xf32>,
      %swap3A_1804 = vector.shape_cast %swap3A_1803 : vector<1x16xf32> to vector<16xf32>
      %swap3A_1805 = vector.shape_cast %add3A_1800 : vector<16xf32> to vector<1x16xf32>
      tpu.vector_store %arg13[%swap3A_1801, %swap3A_1802], %swap3A_1805 {strides = array<i32>} : memref<1024x16xf32, #tpu.memory_space<vmem>>, vector<1x16xf32>,
      %get3A_1806 = arith.index_cast %squeeze3A_1715 : i32 to index
      %get3A_1807 = arith.constant 0 : index
      %get3A_1808 = tpu.vector_load %arg14[%get3A_1806, %get3A_1807] {strides = array<i32>} : memref<1024x16xf32, #tpu.memory_space<vmem>>, vector<1x16xf32>,
      %get3A_1809 = vector.shape_cast %get3A_1808 : vector<1x16xf32> to vector<16xf32>
      %get3A_1810 = arith.index_cast %squeeze3A_1717 : i32 to index
      %get3A_1811 = arith.constant 0 : index
      %get3A_1812 = tpu.vector_load %arg14[%get3A_1810, %get3A_1811] {strides = array<i32>} : memref<1024x16xf32, #tpu.memory_space<vmem>>, vector<1x16xf32>,
      %get3A_1813 = vector.shape_cast %get3A_1812 : vector<1x16xf32> to vector<16xf32>
      %mul3A_1814 = vector.broadcast %squeeze3A_1719 : f32 to vector<16xf32>
      %mul3A_1815 = arith.mulf %mul3A_1814, %get3A_1809 : vector<16xf32>
      %mul3A_1816 = vector.broadcast %squeeze3A_1721 : f32 to vector<16xf32>
      %mul3A_1817 = arith.mulf %mul3A_1816, %get3A_1813 : vector<16xf32>
      %sub3A_1818 = arith.subf %mul3A_1815, %mul3A_1817 : vector<16xf32>
      %swap3A_1819 = arith.index_cast %squeeze3A_1715 : i32 to index
      %swap3A_1820 = arith.constant 0 : index
      %swap3A_1821 = tpu.vector_load %arg14[%swap3A_1819, %swap3A_1820] {strides = array<i32>} : memref<1024x16xf32, #tpu.memory_space<vmem>>, vector<1x16xf32>,
      %swap3A_1822 = vector.shape_cast %swap3A_1821 : vector<1x16xf32> to vector<16xf32>
      %swap3A_1823 = vector.shape_cast %sub3A_1818 : vector<16xf32> to vector<1x16xf32>
      tpu.vector_store %arg14[%swap3A_1819, %swap3A_1820], %swap3A_1823 {strides = array<i32>} : memref<1024x16xf32, #tpu.memory_space<vmem>>, vector<1x16xf32>,
      %mul3A_1824 = vector.broadcast %squeeze3A_1721 : f32 to vector<16xf32>
      %mul3A_1825 = arith.mulf %mul3A_1824, %get3A_1809 : vector<16xf32>
      %mul3A_1826 = vector.broadcast %squeeze3A_1719 : f32 to vector<16xf32>
      %mul3A_1827 = arith.mulf %mul3A_1826, %get3A_1813 : vector<16xf32>
      %add3A_1828 = arith.addf %mul3A_1825, %mul3A_1827 : vector<16xf32>
      %swap3A_1829 = arith.index_cast %squeeze3A_1717 : i32 to index
      %swap3A_1830 = arith.constant 0 : index
      %swap3A_1831 = tpu.vector_load %arg14[%swap3A_1829, %swap3A_1830] {strides = array<i32>} : memref<1024x16xf32, #tpu.memory_space<vmem>>, vector<1x16xf32>,
      %swap3A_1832 = vector.shape_cast %swap3A_1831 : vector<1x16xf32> to vector<16xf32>
      %swap3A_1833 = vector.shape_cast %add3A_1828 : vector<16xf32> to vector<1x16xf32>
      tpu.vector_store %arg14[%swap3A_1829, %swap3A_1830], %swap3A_1833 {strides = array<i32>} : memref<1024x16xf32, #tpu.memory_space<vmem>>, vector<1x16xf32>,
      %slice3A_1834 = vector.extract_strided_slice %get3A_987 {offsets = [7], sizes = [1], strides = [1]} : vector<16xi32> to vector<1xi32>
      %squeeze3A_1835 = vector.extract %slice3A_1834[0] : i32 from vector<1xi32>
      %slice3A_1836 = vector.extract_strided_slice %get3A_990 {offsets = [7], sizes = [1], strides = [1]} : vector<16xi32> to vector<1xi32>
      %squeeze3A_1837 = vector.extract %slice3A_1836[0] : i32 from vector<1xi32>
      %slice3A_1838 = vector.extract_strided_slice %get3A_993 {offsets = [7], sizes = [1], strides = [1]} : vector<16xf32> to vector<1xf32>
      %squeeze3A_1839 = vector.extract %slice3A_1838[0] : f32 from vector<1xf32>
      %slice3A_1840 = vector.extract_strided_slice %get3A_996 {offsets = [7], sizes = [1], strides = [1]} : vector<16xf32> to vector<1xf32>
      %squeeze3A_1841 = vector.extract %slice3A_1840[0] : f32 from vector<1xf32>
      %get3A_1842 = arith.index_cast %squeeze3A_1835 : i32 to index
      %get3A_1843 = arith.constant 0 : index
      %get3A_1844 = tpu.vector_load %arg11[%get3A_1842, %get3A_1843] {strides = array<i32>} : memref<1024x16xf32, #tpu.memory_space<vmem>>, vector<1x16xf32>,
      %get3A_1845 = vector.shape_cast %get3A_1844 : vector<1x16xf32> to vector<16xf32>
      %get3A_1846 = arith.index_cast %squeeze3A_1837 : i32 to index
      %get3A_1847 = arith.constant 0 : index
      %get3A_1848 = tpu.vector_load %arg11[%get3A_1846, %get3A_1847] {strides = array<i32>} : memref<1024x16xf32, #tpu.memory_space<vmem>>, vector<1x16xf32>,
      %get3A_1849 = vector.shape_cast %get3A_1848 : vector<1x16xf32> to vector<16xf32>
      %mul3A_1850 = vector.broadcast %squeeze3A_1839 : f32 to vector<16xf32>
      %mul3A_1851 = arith.mulf %mul3A_1850, %get3A_1845 : vector<16xf32>
      %mul3A_1852 = vector.broadcast %squeeze3A_1841 : f32 to vector<16xf32>
      %mul3A_1853 = arith.mulf %mul3A_1852, %get3A_1849 : vector<16xf32>
      %sub3A_1854 = arith.subf %mul3A_1851, %mul3A_1853 : vector<16xf32>
      %swap3A_1855 = arith.index_cast %squeeze3A_1835 : i32 to index
      %swap3A_1856 = arith.constant 0 : index
      %swap3A_1857 = tpu.vector_load %arg11[%swap3A_1855, %swap3A_1856] {strides = array<i32>} : memref<1024x16xf32, #tpu.memory_space<vmem>>, vector<1x16xf32>,
      %swap3A_1858 = vector.shape_cast %swap3A_1857 : vector<1x16xf32> to vector<16xf32>
      %swap3A_1859 = vector.shape_cast %sub3A_1854 : vector<16xf32> to vector<1x16xf32>
      tpu.vector_store %arg11[%swap3A_1855, %swap3A_1856], %swap3A_1859 {strides = array<i32>} : memref<1024x16xf32, #tpu.memory_space<vmem>>, vector<1x16xf32>,
      %mul3A_1860 = vector.broadcast %squeeze3A_1841 : f32 to vector<16xf32>
      %mul3A_1861 = arith.mulf %mul3A_1860, %get3A_1845 : vector<16xf32>
      %mul3A_1862 = vector.broadcast %squeeze3A_1839 : f32 to vector<16xf32>
      %mul3A_1863 = arith.mulf %mul3A_1862, %get3A_1849 : vector<16xf32>
      %add3A_1864 = arith.addf %mul3A_1861, %mul3A_1863 : vector<16xf32>
      %swap3A_1865 = arith.index_cast %squeeze3A_1837 : i32 to index
      %swap3A_1866 = arith.constant 0 : index
      %swap3A_1867 = tpu.vector_load %arg11[%swap3A_1865, %swap3A_1866] {strides = array<i32>} : memref<1024x16xf32, #tpu.memory_space<vmem>>, vector<1x16xf32>,
      %swap3A_1868 = vector.shape_cast %swap3A_1867 : vector<1x16xf32> to vector<16xf32>
      %swap3A_1869 = vector.shape_cast %add3A_1864 : vector<16xf32> to vector<1x16xf32>
      tpu.vector_store %arg11[%swap3A_1865, %swap3A_1866], %swap3A_1869 {strides = array<i32>} : memref<1024x16xf32, #tpu.memory_space<vmem>>, vector<1x16xf32>,
      %get3A_1870 = arith.index_cast %squeeze3A_1835 : i32 to index
      %get3A_1871 = arith.constant 0 : index
      %get3A_1872 = tpu.vector_load %arg12[%get3A_1870, %get3A_1871] {strides = array<i32>} : memref<1024x16xf32, #tpu.memory_space<vmem>>, vector<1x16xf32>,
      %get3A_1873 = vector.shape_cast %get3A_1872 : vector<1x16xf32> to vector<16xf32>
      %get3A_1874 = arith.index_cast %squeeze3A_1837 : i32 to index
      %get3A_1875 = arith.constant 0 : index
      %get3A_1876 = tpu.vector_load %arg12[%get3A_1874, %get3A_1875] {strides = array<i32>} : memref<1024x16xf32, #tpu.memory_space<vmem>>, vector<1x16xf32>,
      %get3A_1877 = vector.shape_cast %get3A_1876 : vector<1x16xf32> to vector<16xf32>
      %mul3A_1878 = vector.broadcast %squeeze3A_1839 : f32 to vector<16xf32>
      %mul3A_1879 = arith.mulf %mul3A_1878, %get3A_1873 : vector<16xf32>
      %mul3A_1880 = vector.broadcast %squeeze3A_1841 : f32 to vector<16xf32>
      %mul3A_1881 = arith.mulf %mul3A_1880, %get3A_1877 : vector<16xf32>
      %sub3A_1882 = arith.subf %mul3A_1879, %mul3A_1881 : vector<16xf32>
      %swap3A_1883 = arith.index_cast %squeeze3A_1835 : i32 to index
      %swap3A_1884 = arith.constant 0 : index
      %swap3A_1885 = tpu.vector_load %arg12[%swap3A_1883, %swap3A_1884] {strides = array<i32>} : memref<1024x16xf32, #tpu.memory_space<vmem>>, vector<1x16xf32>,
      %swap3A_1886 = vector.shape_cast %swap3A_1885 : vector<1x16xf32> to vector<16xf32>
      %swap3A_1887 = vector.shape_cast %sub3A_1882 : vector<16xf32> to vector<1x16xf32>
      tpu.vector_store %arg12[%swap3A_1883, %swap3A_1884], %swap3A_1887 {strides = array<i32>} : memref<1024x16xf32, #tpu.memory_space<vmem>>, vector<1x16xf32>,
      %mul3A_1888 = vector.broadcast %squeeze3A_1841 : f32 to vector<16xf32>
      %mul3A_1889 = arith.mulf %mul3A_1888, %get3A_1873 : vector<16xf32>
      %mul3A_1890 = vector.broadcast %squeeze3A_1839 : f32 to vector<16xf32>
      %mul3A_1891 = arith.mulf %mul3A_1890, %get3A_1877 : vector<16xf32>
      %add3A_1892 = arith.addf %mul3A_1889, %mul3A_1891 : vector<16xf32>
      %swap3A_1893 = arith.index_cast %squeeze3A_1837 : i32 to index
      %swap3A_1894 = arith.constant 0 : index
      %swap3A_1895 = tpu.vector_load %arg12[%swap3A_1893, %swap3A_1894] {strides = array<i32>} : memref<1024x16xf32, #tpu.memory_space<vmem>>, vector<1x16xf32>,
      %swap3A_1896 = vector.shape_cast %swap3A_1895 : vector<1x16xf32> to vector<16xf32>
      %swap3A_1897 = vector.shape_cast %add3A_1892 : vector<16xf32> to vector<1x16xf32>
      tpu.vector_store %arg12[%swap3A_1893, %swap3A_1894], %swap3A_1897 {strides = array<i32>} : memref<1024x16xf32, #tpu.memory_space<vmem>>, vector<1x16xf32>,
      %get3A_1898 = arith.index_cast %squeeze3A_1835 : i32 to index
      %get3A_1899 = arith.constant 0 : index
      %get3A_1900 = tpu.vector_load %arg13[%get3A_1898, %get3A_1899] {strides = array<i32>} : memref<1024x16xf32, #tpu.memory_space<vmem>>, vector<1x16xf32>,
      %get3A_1901 = vector.shape_cast %get3A_1900 : vector<1x16xf32> to vector<16xf32>
      %get3A_1902 = arith.index_cast %squeeze3A_1837 : i32 to index
      %get3A_1903 = arith.constant 0 : index
      %get3A_1904 = tpu.vector_load %arg13[%get3A_1902, %get3A_1903] {strides = array<i32>} : memref<1024x16xf32, #tpu.memory_space<vmem>>, vector<1x16xf32>,
      %get3A_1905 = vector.shape_cast %get3A_1904 : vector<1x16xf32> to vector<16xf32>
      %mul3A_1906 = vector.broadcast %squeeze3A_1839 : f32 to vector<16xf32>
      %mul3A_1907 = arith.mulf %mul3A_1906, %get3A_1901 : vector<16xf32>
      %mul3A_1908 = vector.broadcast %squeeze3A_1841 : f32 to vector<16xf32>
      %mul3A_1909 = arith.mulf %mul3A_1908, %get3A_1905 : vector<16xf32>
      %sub3A_1910 = arith.subf %mul3A_1907, %mul3A_1909 : vector<16xf32>
      %swap3A_1911 = arith.index_cast %squeeze3A_1835 : i32 to index
      %swap3A_1912 = arith.constant 0 : index
      %swap3A_1913 = tpu.vector_load %arg13[%swap3A_1911, %swap3A_1912] {strides = array<i32>} : memref<1024x16xf32, #tpu.memory_space<vmem>>, vector<1x16xf32>,
      %swap3A_1914 = vector.shape_cast %swap3A_1913 : vector<1x16xf32> to vector<16xf32>
      %swap3A_1915 = vector.shape_cast %sub3A_1910 : vector<16xf32> to vector<1x16xf32>
      tpu.vector_store %arg13[%swap3A_1911, %swap3A_1912], %swap3A_1915 {strides = array<i32>} : memref<1024x16xf32, #tpu.memory_space<vmem>>, vector<1x16xf32>,
      %mul3A_1916 = vector.broadcast %squeeze3A_1841 : f32 to vector<16xf32>
      %mul3A_1917 = arith.mulf %mul3A_1916, %get3A_1901 : vector<16xf32>
      %mul3A_1918 = vector.broadcast %squeeze3A_1839 : f32 to vector<16xf32>
      %mul3A_1919 = arith.mulf %mul3A_1918, %get3A_1905 : vector<16xf32>
      %add3A_1920 = arith.addf %mul3A_1917, %mul3A_1919 : vector<16xf32>
      %swap3A_1921 = arith.index_cast %squeeze3A_1837 : i32 to index
      %swap3A_1922 = arith.constant 0 : index
      %swap3A_1923 = tpu.vector_load %arg13[%swap3A_1921, %swap3A_1922] {strides = array<i32>} : memref<1024x16xf32, #tpu.memory_space<vmem>>, vector<1x16xf32>,
      %swap3A_1924 = vector.shape_cast %swap3A_1923 : vector<1x16xf32> to vector<16xf32>
      %swap3A_1925 = vector.shape_cast %add3A_1920 : vector<16xf32> to vector<1x16xf32>
      tpu.vector_store %arg13[%swap3A_1921, %swap3A_1922], %swap3A_1925 {strides = array<i32>} : memref<1024x16xf32, #tpu.memory_space<vmem>>, vector<1x16xf32>,
      %get3A_1926 = arith.index_cast %squeeze3A_1835 : i32 to index
      %get3A_1927 = arith.constant 0 : index
      %get3A_1928 = tpu.vector_load %arg14[%get3A_1926, %get3A_1927] {strides = array<i32>} : memref<1024x16xf32, #tpu.memory_space<vmem>>, vector<1x16xf32>,
      %get3A_1929 = vector.shape_cast %get3A_1928 : vector<1x16xf32> to vector<16xf32>
      %get3A_1930 = arith.index_cast %squeeze3A_1837 : i32 to index
      %get3A_1931 = arith.constant 0 : index
      %get3A_1932 = tpu.vector_load %arg14[%get3A_1930, %get3A_1931] {strides = array<i32>} : memref<1024x16xf32, #tpu.memory_space<vmem>>, vector<1x16xf32>,
      %get3A_1933 = vector.shape_cast %get3A_1932 : vector<1x16xf32> to vector<16xf32>
      %mul3A_1934 = vector.broadcast %squeeze3A_1839 : f32 to vector<16xf32>
      %mul3A_1935 = arith.mulf %mul3A_1934, %get3A_1929 : vector<16xf32>
      %mul3A_1936 = vector.broadcast %squeeze3A_1841 : f32 to vector<16xf32>
      %mul3A_1937 = arith.mulf %mul3A_1936, %get3A_1933 : vector<16xf32>
      %sub3A_1938 = arith.subf %mul3A_1935, %mul3A_1937 : vector<16xf32>
      %swap3A_1939 = arith.index_cast %squeeze3A_1835 : i32 to index
      %swap3A_1940 = arith.constant 0 : index
      %swap3A_1941 = tpu.vector_load %arg14[%swap3A_1939, %swap3A_1940] {strides = array<i32>} : memref<1024x16xf32, #tpu.memory_space<vmem>>, vector<1x16xf32>,
      %swap3A_1942 = vector.shape_cast %swap3A_1941 : vector<1x16xf32> to vector<16xf32>
      %swap3A_1943 = vector.shape_cast %sub3A_1938 : vector<16xf32> to vector<1x16xf32>
      tpu.vector_store %arg14[%swap3A_1939, %swap3A_1940], %swap3A_1943 {strides = array<i32>} : memref<1024x16xf32, #tpu.memory_space<vmem>>, vector<1x16xf32>,
      %mul3A_1944 = vector.broadcast %squeeze3A_1841 : f32 to vector<16xf32>
      %mul3A_1945 = arith.mulf %mul3A_1944, %get3A_1929 : vector<16xf32>
      %mul3A_1946 = vector.broadcast %squeeze3A_1839 : f32 to vector<16xf32>
      %mul3A_1947 = arith.mulf %mul3A_1946, %get3A_1933 : vector<16xf32>
      %add3A_1948 = arith.addf %mul3A_1945, %mul3A_1947 : vector<16xf32>
      %swap3A_1949 = arith.index_cast %squeeze3A_1837 : i32 to index
      %swap3A_1950 = arith.constant 0 : index
      %swap3A_1951 = tpu.vector_load %arg14[%swap3A_1949, %swap3A_1950] {strides = array<i32>} : memref<1024x16xf32, #tpu.memory_space<vmem>>, vector<1x16xf32>,
      %swap3A_1952 = vector.shape_cast %swap3A_1951 : vector<1x16xf32> to vector<16xf32>
      %swap3A_1953 = vector.shape_cast %add3A_1948 : vector<16xf32> to vector<1x16xf32>
      tpu.vector_store %arg14[%swap3A_1949, %swap3A_1950], %swap3A_1953 {strides = array<i32>} : memref<1024x16xf32, #tpu.memory_space<vmem>>, vector<1x16xf32>,
      %slice3A_1954 = vector.extract_strided_slice %get3A_987 {offsets = [8], sizes = [1], strides = [1]} : vector<16xi32> to vector<1xi32>
      %squeeze3A_1955 = vector.extract %slice3A_1954[0] : i32 from vector<1xi32>
      %slice3A_1956 = vector.extract_strided_slice %get3A_990 {offsets = [8], sizes = [1], strides = [1]} : vector<16xi32> to vector<1xi32>
      %squeeze3A_1957 = vector.extract %slice3A_1956[0] : i32 from vector<1xi32>
      %slice3A_1958 = vector.extract_strided_slice %get3A_993 {offsets = [8], sizes = [1], strides = [1]} : vector<16xf32> to vector<1xf32>
      %squeeze3A_1959 = vector.extract %slice3A_1958[0] : f32 from vector<1xf32>
      %slice3A_1960 = vector.extract_strided_slice %get3A_996 {offsets = [8], sizes = [1], strides = [1]} : vector<16xf32> to vector<1xf32>
      %squeeze3A_1961 = vector.extract %slice3A_1960[0] : f32 from vector<1xf32>
      %get3A_1962 = arith.index_cast %squeeze3A_1955 : i32 to index
      %get3A_1963 = arith.constant 0 : index
      %get3A_1964 = tpu.vector_load %arg11[%get3A_1962, %get3A_1963] {strides = array<i32>} : memref<1024x16xf32, #tpu.memory_space<vmem>>, vector<1x16xf32>,
      %get3A_1965 = vector.shape_cast %get3A_1964 : vector<1x16xf32> to vector<16xf32>
      %get3A_1966 = arith.index_cast %squeeze3A_1957 : i32 to index
      %get3A_1967 = arith.constant 0 : index
      %get3A_1968 = tpu.vector_load %arg11[%get3A_1966, %get3A_1967] {strides = array<i32>} : memref<1024x16xf32, #tpu.memory_space<vmem>>, vector<1x16xf32>,
      %get3A_1969 = vector.shape_cast %get3A_1968 : vector<1x16xf32> to vector<16xf32>
      %mul3A_1970 = vector.broadcast %squeeze3A_1959 : f32 to vector<16xf32>
      %mul3A_1971 = arith.mulf %mul3A_1970, %get3A_1965 : vector<16xf32>
      %mul3A_1972 = vector.broadcast %squeeze3A_1961 : f32 to vector<16xf32>
      %mul3A_1973 = arith.mulf %mul3A_1972, %get3A_1969 : vector<16xf32>
      %sub3A_1974 = arith.subf %mul3A_1971, %mul3A_1973 : vector<16xf32>
      %swap3A_1975 = arith.index_cast %squeeze3A_1955 : i32 to index
      %swap3A_1976 = arith.constant 0 : index
      %swap3A_1977 = tpu.vector_load %arg11[%swap3A_1975, %swap3A_1976] {strides = array<i32>} : memref<1024x16xf32, #tpu.memory_space<vmem>>, vector<1x16xf32>,
      %swap3A_1978 = vector.shape_cast %swap3A_1977 : vector<1x16xf32> to vector<16xf32>
      %swap3A_1979 = vector.shape_cast %sub3A_1974 : vector<16xf32> to vector<1x16xf32>
      tpu.vector_store %arg11[%swap3A_1975, %swap3A_1976], %swap3A_1979 {strides = array<i32>} : memref<1024x16xf32, #tpu.memory_space<vmem>>, vector<1x16xf32>,
      %mul3A_1980 = vector.broadcast %squeeze3A_1961 : f32 to vector<16xf32>
      %mul3A_1981 = arith.mulf %mul3A_1980, %get3A_1965 : vector<16xf32>
      %mul3A_1982 = vector.broadcast %squeeze3A_1959 : f32 to vector<16xf32>
      %mul3A_1983 = arith.mulf %mul3A_1982, %get3A_1969 : vector<16xf32>
      %add3A_1984 = arith.addf %mul3A_1981, %mul3A_1983 : vector<16xf32>
      %swap3A_1985 = arith.index_cast %squeeze3A_1957 : i32 to index
      %swap3A_1986 = arith.constant 0 : index
      %swap3A_1987 = tpu.vector_load %arg11[%swap3A_1985, %swap3A_1986] {strides = array<i32>} : memref<1024x16xf32, #tpu.memory_space<vmem>>, vector<1x16xf32>,
      %swap3A_1988 = vector.shape_cast %swap3A_1987 : vector<1x16xf32> to vector<16xf32>
      %swap3A_1989 = vector.shape_cast %add3A_1984 : vector<16xf32> to vector<1x16xf32>
      tpu.vector_store %arg11[%swap3A_1985, %swap3A_1986], %swap3A_1989 {strides = array<i32>} : memref<1024x16xf32, #tpu.memory_space<vmem>>, vector<1x16xf32>,
      %get3A_1990 = arith.index_cast %squeeze3A_1955 : i32 to index
      %get3A_1991 = arith.constant 0 : index
      %get3A_1992 = tpu.vector_load %arg12[%get3A_1990, %get3A_1991] {strides = array<i32>} : memref<1024x16xf32, #tpu.memory_space<vmem>>, vector<1x16xf32>,
      %get3A_1993 = vector.shape_cast %get3A_1992 : vector<1x16xf32> to vector<16xf32>
      %get3A_1994 = arith.index_cast %squeeze3A_1957 : i32 to index
      %get3A_1995 = arith.constant 0 : index
      %get3A_1996 = tpu.vector_load %arg12[%get3A_1994, %get3A_1995] {strides = array<i32>} : memref<1024x16xf32, #tpu.memory_space<vmem>>, vector<1x16xf32>,
      %get3A_1997 = vector.shape_cast %get3A_1996 : vector<1x16xf32> to vector<16xf32>
      %mul3A_1998 = vector.broadcast %squeeze3A_1959 : f32 to vector<16xf32>
      %mul3A_1999 = arith.mulf %mul3A_1998, %get3A_1993 : vector<16xf32>
      %mul3A_2000 = vector.broadcast %squeeze3A_1961 : f32 to vector<16xf32>
      %mul3A_2001 = arith.mulf %mul3A_2000, %get3A_1997 : vector<16xf32>
      %sub3A_2002 = arith.subf %mul3A_1999, %mul3A_2001 : vector<16xf32>
      %swap3A_2003 = arith.index_cast %squeeze3A_1955 : i32 to index
      %swap3A_2004 = arith.constant 0 : index
      %swap3A_2005 = tpu.vector_load %arg12[%swap3A_2003, %swap3A_2004] {strides = array<i32>} : memref<1024x16xf32, #tpu.memory_space<vmem>>, vector<1x16xf32>,
      %swap3A_2006 = vector.shape_cast %swap3A_2005 : vector<1x16xf32> to vector<16xf32>
      %swap3A_2007 = vector.shape_cast %sub3A_2002 : vector<16xf32> to vector<1x16xf32>
      tpu.vector_store %arg12[%swap3A_2003, %swap3A_2004], %swap3A_2007 {strides = array<i32>} : memref<1024x16xf32, #tpu.memory_space<vmem>>, vector<1x16xf32>,
      %mul3A_2008 = vector.broadcast %squeeze3A_1961 : f32 to vector<16xf32>
      %mul3A_2009 = arith.mulf %mul3A_2008, %get3A_1993 : vector<16xf32>
      %mul3A_2010 = vector.broadcast %squeeze3A_1959 : f32 to vector<16xf32>
      %mul3A_2011 = arith.mulf %mul3A_2010, %get3A_1997 : vector<16xf32>
      %add3A_2012 = arith.addf %mul3A_2009, %mul3A_2011 : vector<16xf32>
      %swap3A_2013 = arith.index_cast %squeeze3A_1957 : i32 to index
      %swap3A_2014 = arith.constant 0 : index
      %swap3A_2015 = tpu.vector_load %arg12[%swap3A_2013, %swap3A_2014] {strides = array<i32>} : memref<1024x16xf32, #tpu.memory_space<vmem>>, vector<1x16xf32>,
      %swap3A_2016 = vector.shape_cast %swap3A_2015 : vector<1x16xf32> to vector<16xf32>
      %swap3A_2017 = vector.shape_cast %add3A_2012 : vector<16xf32> to vector<1x16xf32>
      tpu.vector_store %arg12[%swap3A_2013, %swap3A_2014], %swap3A_2017 {strides = array<i32>} : memref<1024x16xf32, #tpu.memory_space<vmem>>, vector<1x16xf32>,
      %get3A_2018 = arith.index_cast %squeeze3A_1955 : i32 to index
      %get3A_2019 = arith.constant 0 : index
      %get3A_2020 = tpu.vector_load %arg13[%get3A_2018, %get3A_2019] {strides = array<i32>} : memref<1024x16xf32, #tpu.memory_space<vmem>>, vector<1x16xf32>,
      %get3A_2021 = vector.shape_cast %get3A_2020 : vector<1x16xf32> to vector<16xf32>
      %get3A_2022 = arith.index_cast %squeeze3A_1957 : i32 to index
      %get3A_2023 = arith.constant 0 : index
      %get3A_2024 = tpu.vector_load %arg13[%get3A_2022, %get3A_2023] {strides = array<i32>} : memref<1024x16xf32, #tpu.memory_space<vmem>>, vector<1x16xf32>,
      %get3A_2025 = vector.shape_cast %get3A_2024 : vector<1x16xf32> to vector<16xf32>
      %mul3A_2026 = vector.broadcast %squeeze3A_1959 : f32 to vector<16xf32>
      %mul3A_2027 = arith.mulf %mul3A_2026, %get3A_2021 : vector<16xf32>
      %mul3A_2028 = vector.broadcast %squeeze3A_1961 : f32 to vector<16xf32>
      %mul3A_2029 = arith.mulf %mul3A_2028, %get3A_2025 : vector<16xf32>
      %sub3A_2030 = arith.subf %mul3A_2027, %mul3A_2029 : vector<16xf32>
      %swap3A_2031 = arith.index_cast %squeeze3A_1955 : i32 to index
      %swap3A_2032 = arith.constant 0 : index
      %swap3A_2033 = tpu.vector_load %arg13[%swap3A_2031, %swap3A_2032] {strides = array<i32>} : memref<1024x16xf32, #tpu.memory_space<vmem>>, vector<1x16xf32>,
      %swap3A_2034 = vector.shape_cast %swap3A_2033 : vector<1x16xf32> to vector<16xf32>
      %swap3A_2035 = vector.shape_cast %sub3A_2030 : vector<16xf32> to vector<1x16xf32>
      tpu.vector_store %arg13[%swap3A_2031, %swap3A_2032], %swap3A_2035 {strides = array<i32>} : memref<1024x16xf32, #tpu.memory_space<vmem>>, vector<1x16xf32>,
      %mul3A_2036 = vector.broadcast %squeeze3A_1961 : f32 to vector<16xf32>
      %mul3A_2037 = arith.mulf %mul3A_2036, %get3A_2021 : vector<16xf32>
      %mul3A_2038 = vector.broadcast %squeeze3A_1959 : f32 to vector<16xf32>
      %mul3A_2039 = arith.mulf %mul3A_2038, %get3A_2025 : vector<16xf32>
      %add3A_2040 = arith.addf %mul3A_2037, %mul3A_2039 : vector<16xf32>
      %swap3A_2041 = arith.index_cast %squeeze3A_1957 : i32 to index
      %swap3A_2042 = arith.constant 0 : index
      %swap3A_2043 = tpu.vector_load %arg13[%swap3A_2041, %swap3A_2042] {strides = array<i32>} : memref<1024x16xf32, #tpu.memory_space<vmem>>, vector<1x16xf32>,
      %swap3A_2044 = vector.shape_cast %swap3A_2043 : vector<1x16xf32> to vector<16xf32>
      %swap3A_2045 = vector.shape_cast %add3A_2040 : vector<16xf32> to vector<1x16xf32>
      tpu.vector_store %arg13[%swap3A_2041, %swap3A_2042], %swap3A_2045 {strides = array<i32>} : memref<1024x16xf32, #tpu.memory_space<vmem>>, vector<1x16xf32>,
      %get3A_2046 = arith.index_cast %squeeze3A_1955 : i32 to index
      %get3A_2047 = arith.constant 0 : index
      %get3A_2048 = tpu.vector_load %arg14[%get3A_2046, %get3A_2047] {strides = array<i32>} : memref<1024x16xf32, #tpu.memory_space<vmem>>, vector<1x16xf32>,
      %get3A_2049 = vector.shape_cast %get3A_2048 : vector<1x16xf32> to vector<16xf32>
      %get3A_2050 = arith.index_cast %squeeze3A_1957 : i32 to index
      %get3A_2051 = arith.constant 0 : index
      %get3A_2052 = tpu.vector_load %arg14[%get3A_2050, %get3A_2051] {strides = array<i32>} : memref<1024x16xf32, #tpu.memory_space<vmem>>, vector<1x16xf32>,
      %get3A_2053 = vector.shape_cast %get3A_2052 : vector<1x16xf32> to vector<16xf32>
      %mul3A_2054 = vector.broadcast %squeeze3A_1959 : f32 to vector<16xf32>
      %mul3A_2055 = arith.mulf %mul3A_2054, %get3A_2049 : vector<16xf32>
      %mul3A_2056 = vector.broadcast %squeeze3A_1961 : f32 to vector<16xf32>
      %mul3A_2057 = arith.mulf %mul3A_2056, %get3A_2053 : vector<16xf32>
      %sub3A_2058 = arith.subf %mul3A_2055, %mul3A_2057 : vector<16xf32>
      %swap3A_2059 = arith.index_cast %squeeze3A_1955 : i32 to index
      %swap3A_2060 = arith.constant 0 : index
      %swap3A_2061 = tpu.vector_load %arg14[%swap3A_2059, %swap3A_2060] {strides = array<i32>} : memref<1024x16xf32, #tpu.memory_space<vmem>>, vector<1x16xf32>,
      %swap3A_2062 = vector.shape_cast %swap3A_2061 : vector<1x16xf32> to vector<16xf32>
      %swap3A_2063 = vector.shape_cast %sub3A_2058 : vector<16xf32> to vector<1x16xf32>
      tpu.vector_store %arg14[%swap3A_2059, %swap3A_2060], %swap3A_2063 {strides = array<i32>} : memref<1024x16xf32, #tpu.memory_space<vmem>>, vector<1x16xf32>,
      %mul3A_2064 = vector.broadcast %squeeze3A_1961 : f32 to vector<16xf32>
      %mul3A_2065 = arith.mulf %mul3A_2064, %get3A_2049 : vector<16xf32>
      %mul3A_2066 = vector.broadcast %squeeze3A_1959 : f32 to vector<16xf32>
      %mul3A_2067 = arith.mulf %mul3A_2066, %get3A_2053 : vector<16xf32>
      %add3A_2068 = arith.addf %mul3A_2065, %mul3A_2067 : vector<16xf32>
      %swap3A_2069 = arith.index_cast %squeeze3A_1957 : i32 to index
      %swap3A_2070 = arith.constant 0 : index
      %swap3A_2071 = tpu.vector_load %arg14[%swap3A_2069, %swap3A_2070] {strides = array<i32>} : memref<1024x16xf32, #tpu.memory_space<vmem>>, vector<1x16xf32>,
      %swap3A_2072 = vector.shape_cast %swap3A_2071 : vector<1x16xf32> to vector<16xf32>
      %swap3A_2073 = vector.shape_cast %add3A_2068 : vector<16xf32> to vector<1x16xf32>
      tpu.vector_store %arg14[%swap3A_2069, %swap3A_2070], %swap3A_2073 {strides = array<i32>} : memref<1024x16xf32, #tpu.memory_space<vmem>>, vector<1x16xf32>,
      %slice3A_2074 = vector.extract_strided_slice %get3A_987 {offsets = [9], sizes = [1], strides = [1]} : vector<16xi32> to vector<1xi32>
      %squeeze3A_2075 = vector.extract %slice3A_2074[0] : i32 from vector<1xi32>
      %slice3A_2076 = vector.extract_strided_slice %get3A_990 {offsets = [9], sizes = [1], strides = [1]} : vector<16xi32> to vector<1xi32>
      %squeeze3A_2077 = vector.extract %slice3A_2076[0] : i32 from vector<1xi32>
      %slice3A_2078 = vector.extract_strided_slice %get3A_993 {offsets = [9], sizes = [1], strides = [1]} : vector<16xf32> to vector<1xf32>
      %squeeze3A_2079 = vector.extract %slice3A_2078[0] : f32 from vector<1xf32>
      %slice3A_2080 = vector.extract_strided_slice %get3A_996 {offsets = [9], sizes = [1], strides = [1]} : vector<16xf32> to vector<1xf32>
      %squeeze3A_2081 = vector.extract %slice3A_2080[0] : f32 from vector<1xf32>
      %get3A_2082 = arith.index_cast %squeeze3A_2075 : i32 to index
      %get3A_2083 = arith.constant 0 : index
      %get3A_2084 = tpu.vector_load %arg11[%get3A_2082, %get3A_2083] {strides = array<i32>} : memref<1024x16xf32, #tpu.memory_space<vmem>>, vector<1x16xf32>,
      %get3A_2085 = vector.shape_cast %get3A_2084 : vector<1x16xf32> to vector<16xf32>
      %get3A_2086 = arith.index_cast %squeeze3A_2077 : i32 to index
      %get3A_2087 = arith.constant 0 : index
      %get3A_2088 = tpu.vector_load %arg11[%get3A_2086, %get3A_2087] {strides = array<i32>} : memref<1024x16xf32, #tpu.memory_space<vmem>>, vector<1x16xf32>,
      %get3A_2089 = vector.shape_cast %get3A_2088 : vector<1x16xf32> to vector<16xf32>
      %mul3A_2090 = vector.broadcast %squeeze3A_2079 : f32 to vector<16xf32>
      %mul3A_2091 = arith.mulf %mul3A_2090, %get3A_2085 : vector<16xf32>
      %mul3A_2092 = vector.broadcast %squeeze3A_2081 : f32 to vector<16xf32>
      %mul3A_2093 = arith.mulf %mul3A_2092, %get3A_2089 : vector<16xf32>
      %sub3A_2094 = arith.subf %mul3A_2091, %mul3A_2093 : vector<16xf32>
      %swap3A_2095 = arith.index_cast %squeeze3A_2075 : i32 to index
      %swap3A_2096 = arith.constant 0 : index
      %swap3A_2097 = tpu.vector_load %arg11[%swap3A_2095, %swap3A_2096] {strides = array<i32>} : memref<1024x16xf32, #tpu.memory_space<vmem>>, vector<1x16xf32>,
      %swap3A_2098 = vector.shape_cast %swap3A_2097 : vector<1x16xf32> to vector<16xf32>
      %swap3A_2099 = vector.shape_cast %sub3A_2094 : vector<16xf32> to vector<1x16xf32>
      tpu.vector_store %arg11[%swap3A_2095, %swap3A_2096], %swap3A_2099 {strides = array<i32>} : memref<1024x16xf32, #tpu.memory_space<vmem>>, vector<1x16xf32>,
      %mul3A_2100 = vector.broadcast %squeeze3A_2081 : f32 to vector<16xf32>
      %mul3A_2101 = arith.mulf %mul3A_2100, %get3A_2085 : vector<16xf32>
      %mul3A_2102 = vector.broadcast %squeeze3A_2079 : f32 to vector<16xf32>
      %mul3A_2103 = arith.mulf %mul3A_2102, %get3A_2089 : vector<16xf32>
      %add3A_2104 = arith.addf %mul3A_2101, %mul3A_2103 : vector<16xf32>
      %swap3A_2105 = arith.index_cast %squeeze3A_2077 : i32 to index
      %swap3A_2106 = arith.constant 0 : index
      %swap3A_2107 = tpu.vector_load %arg11[%swap3A_2105, %swap3A_2106] {strides = array<i32>} : memref<1024x16xf32, #tpu.memory_space<vmem>>, vector<1x16xf32>,
      %swap3A_2108 = vector.shape_cast %swap3A_2107 : vector<1x16xf32> to vector<16xf32>
      %swap3A_2109 = vector.shape_cast %add3A_2104 : vector<16xf32> to vector<1x16xf32>
      tpu.vector_store %arg11[%swap3A_2105, %swap3A_2106], %swap3A_2109 {strides = array<i32>} : memref<1024x16xf32, #tpu.memory_space<vmem>>, vector<1x16xf32>,
      %get3A_2110 = arith.index_cast %squeeze3A_2075 : i32 to index
      %get3A_2111 = arith.constant 0 : index
      %get3A_2112 = tpu.vector_load %arg12[%get3A_2110, %get3A_2111] {strides = array<i32>} : memref<1024x16xf32, #tpu.memory_space<vmem>>, vector<1x16xf32>,
      %get3A_2113 = vector.shape_cast %get3A_2112 : vector<1x16xf32> to vector<16xf32>
      %get3A_2114 = arith.index_cast %squeeze3A_2077 : i32 to index
      %get3A_2115 = arith.constant 0 : index
      %get3A_2116 = tpu.vector_load %arg12[%get3A_2114, %get3A_2115] {strides = array<i32>} : memref<1024x16xf32, #tpu.memory_space<vmem>>, vector<1x16xf32>,
      %get3A_2117 = vector.shape_cast %get3A_2116 : vector<1x16xf32> to vector<16xf32>
      %mul3A_2118 = vector.broadcast %squeeze3A_2079 : f32 to vector<16xf32>
      %mul3A_2119 = arith.mulf %mul3A_2118, %get3A_2113 : vector<16xf32>
      %mul3A_2120 = vector.broadcast %squeeze3A_2081 : f32 to vector<16xf32>
      %mul3A_2121 = arith.mulf %mul3A_2120, %get3A_2117 : vector<16xf32>
      %sub3A_2122 = arith.subf %mul3A_2119, %mul3A_2121 : vector<16xf32>
      %swap3A_2123 = arith.index_cast %squeeze3A_2075 : i32 to index
      %swap3A_2124 = arith.constant 0 : index
      %swap3A_2125 = tpu.vector_load %arg12[%swap3A_2123, %swap3A_2124] {strides = array<i32>} : memref<1024x16xf32, #tpu.memory_space<vmem>>, vector<1x16xf32>,
      %swap3A_2126 = vector.shape_cast %swap3A_2125 : vector<1x16xf32> to vector<16xf32>
      %swap3A_2127 = vector.shape_cast %sub3A_2122 : vector<16xf32> to vector<1x16xf32>
      tpu.vector_store %arg12[%swap3A_2123, %swap3A_2124], %swap3A_2127 {strides = array<i32>} : memref<1024x16xf32, #tpu.memory_space<vmem>>, vector<1x16xf32>,
      %mul3A_2128 = vector.broadcast %squeeze3A_2081 : f32 to vector<16xf32>
      %mul3A_2129 = arith.mulf %mul3A_2128, %get3A_2113 : vector<16xf32>
      %mul3A_2130 = vector.broadcast %squeeze3A_2079 : f32 to vector<16xf32>
      %mul3A_2131 = arith.mulf %mul3A_2130, %get3A_2117 : vector<16xf32>
      %add3A_2132 = arith.addf %mul3A_2129, %mul3A_2131 : vector<16xf32>
      %swap3A_2133 = arith.index_cast %squeeze3A_2077 : i32 to index
      %swap3A_2134 = arith.constant 0 : index
      %swap3A_2135 = tpu.vector_load %arg12[%swap3A_2133, %swap3A_2134] {strides = array<i32>} : memref<1024x16xf32, #tpu.memory_space<vmem>>, vector<1x16xf32>,
      %swap3A_2136 = vector.shape_cast %swap3A_2135 : vector<1x16xf32> to vector<16xf32>
      %swap3A_2137 = vector.shape_cast %add3A_2132 : vector<16xf32> to vector<1x16xf32>
      tpu.vector_store %arg12[%swap3A_2133, %swap3A_2134], %swap3A_2137 {strides = array<i32>} : memref<1024x16xf32, #tpu.memory_space<vmem>>, vector<1x16xf32>,
      %get3A_2138 = arith.index_cast %squeeze3A_2075 : i32 to index
      %get3A_2139 = arith.constant 0 : index
      %get3A_2140 = tpu.vector_load %arg13[%get3A_2138, %get3A_2139] {strides = array<i32>} : memref<1024x16xf32, #tpu.memory_space<vmem>>, vector<1x16xf32>,
      %get3A_2141 = vector.shape_cast %get3A_2140 : vector<1x16xf32> to vector<16xf32>
      %get3A_2142 = arith.index_cast %squeeze3A_2077 : i32 to index
      %get3A_2143 = arith.constant 0 : index
      %get3A_2144 = tpu.vector_load %arg13[%get3A_2142, %get3A_2143] {strides = array<i32>} : memref<1024x16xf32, #tpu.memory_space<vmem>>, vector<1x16xf32>,
      %get3A_2145 = vector.shape_cast %get3A_2144 : vector<1x16xf32> to vector<16xf32>
      %mul3A_2146 = vector.broadcast %squeeze3A_2079 : f32 to vector<16xf32>
      %mul3A_2147 = arith.mulf %mul3A_2146, %get3A_2141 : vector<16xf32>
      %mul3A_2148 = vector.broadcast %squeeze3A_2081 : f32 to vector<16xf32>
      %mul3A_2149 = arith.mulf %mul3A_2148, %get3A_2145 : vector<16xf32>
      %sub3A_2150 = arith.subf %mul3A_2147, %mul3A_2149 : vector<16xf32>
      %swap3A_2151 = arith.index_cast %squeeze3A_2075 : i32 to index
      %swap3A_2152 = arith.constant 0 : index
      %swap3A_2153 = tpu.vector_load %arg13[%swap3A_2151, %swap3A_2152] {strides = array<i32>} : memref<1024x16xf32, #tpu.memory_space<vmem>>, vector<1x16xf32>,
      %swap3A_2154 = vector.shape_cast %swap3A_2153 : vector<1x16xf32> to vector<16xf32>
      %swap3A_2155 = vector.shape_cast %sub3A_2150 : vector<16xf32> to vector<1x16xf32>
      tpu.vector_store %arg13[%swap3A_2151, %swap3A_2152], %swap3A_2155 {strides = array<i32>} : memref<1024x16xf32, #tpu.memory_space<vmem>>, vector<1x16xf32>,
      %mul3A_2156 = vector.broadcast %squeeze3A_2081 : f32 to vector<16xf32>
      %mul3A_2157 = arith.mulf %mul3A_2156, %get3A_2141 : vector<16xf32>
      %mul3A_2158 = vector.broadcast %squeeze3A_2079 : f32 to vector<16xf32>
      %mul3A_2159 = arith.mulf %mul3A_2158, %get3A_2145 : vector<16xf32>
      %add3A_2160 = arith.addf %mul3A_2157, %mul3A_2159 : vector<16xf32>
      %swap3A_2161 = arith.index_cast %squeeze3A_2077 : i32 to index
      %swap3A_2162 = arith.constant 0 : index
      %swap3A_2163 = tpu.vector_load %arg13[%swap3A_2161, %swap3A_2162] {strides = array<i32>} : memref<1024x16xf32, #tpu.memory_space<vmem>>, vector<1x16xf32>,
      %swap3A_2164 = vector.shape_cast %swap3A_2163 : vector<1x16xf32> to vector<16xf32>
      %swap3A_2165 = vector.shape_cast %add3A_2160 : vector<16xf32> to vector<1x16xf32>
      tpu.vector_store %arg13[%swap3A_2161, %swap3A_2162], %swap3A_2165 {strides = array<i32>} : memref<1024x16xf32, #tpu.memory_space<vmem>>, vector<1x16xf32>,
      %get3A_2166 = arith.index_cast %squeeze3A_2075 : i32 to index
      %get3A_2167 = arith.constant 0 : index
      %get3A_2168 = tpu.vector_load %arg14[%get3A_2166, %get3A_2167] {strides = array<i32>} : memref<1024x16xf32, #tpu.memory_space<vmem>>, vector<1x16xf32>,
      %get3A_2169 = vector.shape_cast %get3A_2168 : vector<1x16xf32> to vector<16xf32>
      %get3A_2170 = arith.index_cast %squeeze3A_2077 : i32 to index
      %get3A_2171 = arith.constant 0 : index
      %get3A_2172 = tpu.vector_load %arg14[%get3A_2170, %get3A_2171] {strides = array<i32>} : memref<1024x16xf32, #tpu.memory_space<vmem>>, vector<1x16xf32>,
      %get3A_2173 = vector.shape_cast %get3A_2172 : vector<1x16xf32> to vector<16xf32>
      %mul3A_2174 = vector.broadcast %squeeze3A_2079 : f32 to vector<16xf32>
      %mul3A_2175 = arith.mulf %mul3A_2174, %get3A_2169 : vector<16xf32>
      %mul3A_2176 = vector.broadcast %squeeze3A_2081 : f32 to vector<16xf32>
      %mul3A_2177 = arith.mulf %mul3A_2176, %get3A_2173 : vector<16xf32>
      %sub3A_2178 = arith.subf %mul3A_2175, %mul3A_2177 : vector<16xf32>
      %swap3A_2179 = arith.index_cast %squeeze3A_2075 : i32 to index
      %swap3A_2180 = arith.constant 0 : index
      %swap3A_2181 = tpu.vector_load %arg14[%swap3A_2179, %swap3A_2180] {strides = array<i32>} : memref<1024x16xf32, #tpu.memory_space<vmem>>, vector<1x16xf32>,
      %swap3A_2182 = vector.shape_cast %swap3A_2181 : vector<1x16xf32> to vector<16xf32>
      %swap3A_2183 = vector.shape_cast %sub3A_2178 : vector<16xf32> to vector<1x16xf32>
      tpu.vector_store %arg14[%swap3A_2179, %swap3A_2180], %swap3A_2183 {strides = array<i32>} : memref<1024x16xf32, #tpu.memory_space<vmem>>, vector<1x16xf32>,
      %mul3A_2184 = vector.broadcast %squeeze3A_2081 : f32 to vector<16xf32>
      %mul3A_2185 = arith.mulf %mul3A_2184, %get3A_2169 : vector<16xf32>
      %mul3A_2186 = vector.broadcast %squeeze3A_2079 : f32 to vector<16xf32>
      %mul3A_2187 = arith.mulf %mul3A_2186, %get3A_2173 : vector<16xf32>
      %add3A_2188 = arith.addf %mul3A_2185, %mul3A_2187 : vector<16xf32>
      %swap3A_2189 = arith.index_cast %squeeze3A_2077 : i32 to index
      %swap3A_2190 = arith.constant 0 : index
      %swap3A_2191 = tpu.vector_load %arg14[%swap3A_2189, %swap3A_2190] {strides = array<i32>} : memref<1024x16xf32, #tpu.memory_space<vmem>>, vector<1x16xf32>,
      %swap3A_2192 = vector.shape_cast %swap3A_2191 : vector<1x16xf32> to vector<16xf32>
      %swap3A_2193 = vector.shape_cast %add3A_2188 : vector<16xf32> to vector<1x16xf32>
      tpu.vector_store %arg14[%swap3A_2189, %swap3A_2190], %swap3A_2193 {strides = array<i32>} : memref<1024x16xf32, #tpu.memory_space<vmem>>, vector<1x16xf32>,
      %slice3A_2194 = vector.extract_strided_slice %get3A_987 {offsets = [10], sizes = [1], strides = [1]} : vector<16xi32> to vector<1xi32>
      %squeeze3A_2195 = vector.extract %slice3A_2194[0] : i32 from vector<1xi32>
      %slice3A_2196 = vector.extract_strided_slice %get3A_990 {offsets = [10], sizes = [1], strides = [1]} : vector<16xi32> to vector<1xi32>
      %squeeze3A_2197 = vector.extract %slice3A_2196[0] : i32 from vector<1xi32>
      %slice3A_2198 = vector.extract_strided_slice %get3A_993 {offsets = [10], sizes = [1], strides = [1]} : vector<16xf32> to vector<1xf32>
      %squeeze3A_2199 = vector.extract %slice3A_2198[0] : f32 from vector<1xf32>
      %slice3A_2200 = vector.extract_strided_slice %get3A_996 {offsets = [10], sizes = [1], strides = [1]} : vector<16xf32> to vector<1xf32>
      %squeeze3A_2201 = vector.extract %slice3A_2200[0] : f32 from vector<1xf32>
      %get3A_2202 = arith.index_cast %squeeze3A_2195 : i32 to index
      %get3A_2203 = arith.constant 0 : index
      %get3A_2204 = tpu.vector_load %arg11[%get3A_2202, %get3A_2203] {strides = array<i32>} : memref<1024x16xf32, #tpu.memory_space<vmem>>, vector<1x16xf32>,
      %get3A_2205 = vector.shape_cast %get3A_2204 : vector<1x16xf32> to vector<16xf32>
      %get3A_2206 = arith.index_cast %squeeze3A_2197 : i32 to index
      %get3A_2207 = arith.constant 0 : index
      %get3A_2208 = tpu.vector_load %arg11[%get3A_2206, %get3A_2207] {strides = array<i32>} : memref<1024x16xf32, #tpu.memory_space<vmem>>, vector<1x16xf32>,
      %get3A_2209 = vector.shape_cast %get3A_2208 : vector<1x16xf32> to vector<16xf32>
      %mul3A_2210 = vector.broadcast %squeeze3A_2199 : f32 to vector<16xf32>
      %mul3A_2211 = arith.mulf %mul3A_2210, %get3A_2205 : vector<16xf32>
      %mul3A_2212 = vector.broadcast %squeeze3A_2201 : f32 to vector<16xf32>
      %mul3A_2213 = arith.mulf %mul3A_2212, %get3A_2209 : vector<16xf32>
      %sub3A_2214 = arith.subf %mul3A_2211, %mul3A_2213 : vector<16xf32>
      %swap3A_2215 = arith.index_cast %squeeze3A_2195 : i32 to index
      %swap3A_2216 = arith.constant 0 : index
      %swap3A_2217 = tpu.vector_load %arg11[%swap3A_2215, %swap3A_2216] {strides = array<i32>} : memref<1024x16xf32, #tpu.memory_space<vmem>>, vector<1x16xf32>,
      %swap3A_2218 = vector.shape_cast %swap3A_2217 : vector<1x16xf32> to vector<16xf32>
      %swap3A_2219 = vector.shape_cast %sub3A_2214 : vector<16xf32> to vector<1x16xf32>
      tpu.vector_store %arg11[%swap3A_2215, %swap3A_2216], %swap3A_2219 {strides = array<i32>} : memref<1024x16xf32, #tpu.memory_space<vmem>>, vector<1x16xf32>,
      %mul3A_2220 = vector.broadcast %squeeze3A_2201 : f32 to vector<16xf32>
      %mul3A_2221 = arith.mulf %mul3A_2220, %get3A_2205 : vector<16xf32>
      %mul3A_2222 = vector.broadcast %squeeze3A_2199 : f32 to vector<16xf32>
      %mul3A_2223 = arith.mulf %mul3A_2222, %get3A_2209 : vector<16xf32>
      %add3A_2224 = arith.addf %mul3A_2221, %mul3A_2223 : vector<16xf32>
      %swap3A_2225 = arith.index_cast %squeeze3A_2197 : i32 to index
      %swap3A_2226 = arith.constant 0 : index
      %swap3A_2227 = tpu.vector_load %arg11[%swap3A_2225, %swap3A_2226] {strides = array<i32>} : memref<1024x16xf32, #tpu.memory_space<vmem>>, vector<1x16xf32>,
      %swap3A_2228 = vector.shape_cast %swap3A_2227 : vector<1x16xf32> to vector<16xf32>
      %swap3A_2229 = vector.shape_cast %add3A_2224 : vector<16xf32> to vector<1x16xf32>
      tpu.vector_store %arg11[%swap3A_2225, %swap3A_2226], %swap3A_2229 {strides = array<i32>} : memref<1024x16xf32, #tpu.memory_space<vmem>>, vector<1x16xf32>,
      %get3A_2230 = arith.index_cast %squeeze3A_2195 : i32 to index
      %get3A_2231 = arith.constant 0 : index
      %get3A_2232 = tpu.vector_load %arg12[%get3A_2230, %get3A_2231] {strides = array<i32>} : memref<1024x16xf32, #tpu.memory_space<vmem>>, vector<1x16xf32>,
      %get3A_2233 = vector.shape_cast %get3A_2232 : vector<1x16xf32> to vector<16xf32>
      %get3A_2234 = arith.index_cast %squeeze3A_2197 : i32 to index
      %get3A_2235 = arith.constant 0 : index
      %get3A_2236 = tpu.vector_load %arg12[%get3A_2234, %get3A_2235] {strides = array<i32>} : memref<1024x16xf32, #tpu.memory_space<vmem>>, vector<1x16xf32>,
      %get3A_2237 = vector.shape_cast %get3A_2236 : vector<1x16xf32> to vector<16xf32>
      %mul3A_2238 = vector.broadcast %squeeze3A_2199 : f32 to vector<16xf32>
      %mul3A_2239 = arith.mulf %mul3A_2238, %get3A_2233 : vector<16xf32>
      %mul3A_2240 = vector.broadcast %squeeze3A_2201 : f32 to vector<16xf32>
      %mul3A_2241 = arith.mulf %mul3A_2240, %get3A_2237 : vector<16xf32>
      %sub3A_2242 = arith.subf %mul3A_2239, %mul3A_2241 : vector<16xf32>
      %swap3A_2243 = arith.index_cast %squeeze3A_2195 : i32 to index
      %swap3A_2244 = arith.constant 0 : index
      %swap3A_2245 = tpu.vector_load %arg12[%swap3A_2243, %swap3A_2244] {strides = array<i32>} : memref<1024x16xf32, #tpu.memory_space<vmem>>, vector<1x16xf32>,
      %swap3A_2246 = vector.shape_cast %swap3A_2245 : vector<1x16xf32> to vector<16xf32>
      %swap3A_2247 = vector.shape_cast %sub3A_2242 : vector<16xf32> to vector<1x16xf32>
      tpu.vector_store %arg12[%swap3A_2243, %swap3A_2244], %swap3A_2247 {strides = array<i32>} : memref<1024x16xf32, #tpu.memory_space<vmem>>, vector<1x16xf32>,
      %mul3A_2248 = vector.broadcast %squeeze3A_2201 : f32 to vector<16xf32>
      %mul3A_2249 = arith.mulf %mul3A_2248, %get3A_2233 : vector<16xf32>
      %mul3A_2250 = vector.broadcast %squeeze3A_2199 : f32 to vector<16xf32>
      %mul3A_2251 = arith.mulf %mul3A_2250, %get3A_2237 : vector<16xf32>
      %add3A_2252 = arith.addf %mul3A_2249, %mul3A_2251 : vector<16xf32>
      %swap3A_2253 = arith.index_cast %squeeze3A_2197 : i32 to index
      %swap3A_2254 = arith.constant 0 : index
      %swap3A_2255 = tpu.vector_load %arg12[%swap3A_2253, %swap3A_2254] {strides = array<i32>} : memref<1024x16xf32, #tpu.memory_space<vmem>>, vector<1x16xf32>,
      %swap3A_2256 = vector.shape_cast %swap3A_2255 : vector<1x16xf32> to vector<16xf32>
      %swap3A_2257 = vector.shape_cast %add3A_2252 : vector<16xf32> to vector<1x16xf32>
      tpu.vector_store %arg12[%swap3A_2253, %swap3A_2254], %swap3A_2257 {strides = array<i32>} : memref<1024x16xf32, #tpu.memory_space<vmem>>, vector<1x16xf32>,
      %get3A_2258 = arith.index_cast %squeeze3A_2195 : i32 to index
      %get3A_2259 = arith.constant 0 : index
      %get3A_2260 = tpu.vector_load %arg13[%get3A_2258, %get3A_2259] {strides = array<i32>} : memref<1024x16xf32, #tpu.memory_space<vmem>>, vector<1x16xf32>,
      %get3A_2261 = vector.shape_cast %get3A_2260 : vector<1x16xf32> to vector<16xf32>
      %get3A_2262 = arith.index_cast %squeeze3A_2197 : i32 to index
      %get3A_2263 = arith.constant 0 : index
      %get3A_2264 = tpu.vector_load %arg13[%get3A_2262, %get3A_2263] {strides = array<i32>} : memref<1024x16xf32, #tpu.memory_space<vmem>>, vector<1x16xf32>,
      %get3A_2265 = vector.shape_cast %get3A_2264 : vector<1x16xf32> to vector<16xf32>
      %mul3A_2266 = vector.broadcast %squeeze3A_2199 : f32 to vector<16xf32>
      %mul3A_2267 = arith.mulf %mul3A_2266, %get3A_2261 : vector<16xf32>
      %mul3A_2268 = vector.broadcast %squeeze3A_2201 : f32 to vector<16xf32>
      %mul3A_2269 = arith.mulf %mul3A_2268, %get3A_2265 : vector<16xf32>
      %sub3A_2270 = arith.subf %mul3A_2267, %mul3A_2269 : vector<16xf32>
      %swap3A_2271 = arith.index_cast %squeeze3A_2195 : i32 to index
      %swap3A_2272 = arith.constant 0 : index
      %swap3A_2273 = tpu.vector_load %arg13[%swap3A_2271, %swap3A_2272] {strides = array<i32>} : memref<1024x16xf32, #tpu.memory_space<vmem>>, vector<1x16xf32>,
      %swap3A_2274 = vector.shape_cast %swap3A_2273 : vector<1x16xf32> to vector<16xf32>
      %swap3A_2275 = vector.shape_cast %sub3A_2270 : vector<16xf32> to vector<1x16xf32>
      tpu.vector_store %arg13[%swap3A_2271, %swap3A_2272], %swap3A_2275 {strides = array<i32>} : memref<1024x16xf32, #tpu.memory_space<vmem>>, vector<1x16xf32>,
      %mul3A_2276 = vector.broadcast %squeeze3A_2201 : f32 to vector<16xf32>
      %mul3A_2277 = arith.mulf %mul3A_2276, %get3A_2261 : vector<16xf32>
      %mul3A_2278 = vector.broadcast %squeeze3A_2199 : f32 to vector<16xf32>
      %mul3A_2279 = arith.mulf %mul3A_2278, %get3A_2265 : vector<16xf32>
      %add3A_2280 = arith.addf %mul3A_2277, %mul3A_2279 : vector<16xf32>
      %swap3A_2281 = arith.index_cast %squeeze3A_2197 : i32 to index
      %swap3A_2282 = arith.constant 0 : index
      %swap3A_2283 = tpu.vector_load %arg13[%swap3A_2281, %swap3A_2282] {strides = array<i32>} : memref<1024x16xf32, #tpu.memory_space<vmem>>, vector<1x16xf32>,
      %swap3A_2284 = vector.shape_cast %swap3A_2283 : vector<1x16xf32> to vector<16xf32>
      %swap3A_2285 = vector.shape_cast %add3A_2280 : vector<16xf32> to vector<1x16xf32>
      tpu.vector_store %arg13[%swap3A_2281, %swap3A_2282], %swap3A_2285 {strides = array<i32>} : memref<1024x16xf32, #tpu.memory_space<vmem>>, vector<1x16xf32>,
      %get3A_2286 = arith.index_cast %squeeze3A_2195 : i32 to index
      %get3A_2287 = arith.constant 0 : index
      %get3A_2288 = tpu.vector_load %arg14[%get3A_2286, %get3A_2287] {strides = array<i32>} : memref<1024x16xf32, #tpu.memory_space<vmem>>, vector<1x16xf32>,
      %get3A_2289 = vector.shape_cast %get3A_2288 : vector<1x16xf32> to vector<16xf32>
      %get3A_2290 = arith.index_cast %squeeze3A_2197 : i32 to index
      %get3A_2291 = arith.constant 0 : index
      %get3A_2292 = tpu.vector_load %arg14[%get3A_2290, %get3A_2291] {strides = array<i32>} : memref<1024x16xf32, #tpu.memory_space<vmem>>, vector<1x16xf32>,
      %get3A_2293 = vector.shape_cast %get3A_2292 : vector<1x16xf32> to vector<16xf32>
      %mul3A_2294 = vector.broadcast %squeeze3A_2199 : f32 to vector<16xf32>
      %mul3A_2295 = arith.mulf %mul3A_2294, %get3A_2289 : vector<16xf32>
      %mul3A_2296 = vector.broadcast %squeeze3A_2201 : f32 to vector<16xf32>
      %mul3A_2297 = arith.mulf %mul3A_2296, %get3A_2293 : vector<16xf32>
      %sub3A_2298 = arith.subf %mul3A_2295, %mul3A_2297 : vector<16xf32>
      %swap3A_2299 = arith.index_cast %squeeze3A_2195 : i32 to index
      %swap3A_2300 = arith.constant 0 : index
      %swap3A_2301 = tpu.vector_load %arg14[%swap3A_2299, %swap3A_2300] {strides = array<i32>} : memref<1024x16xf32, #tpu.memory_space<vmem>>, vector<1x16xf32>,
      %swap3A_2302 = vector.shape_cast %swap3A_2301 : vector<1x16xf32> to vector<16xf32>
      %swap3A_2303 = vector.shape_cast %sub3A_2298 : vector<16xf32> to vector<1x16xf32>
      tpu.vector_store %arg14[%swap3A_2299, %swap3A_2300], %swap3A_2303 {strides = array<i32>} : memref<1024x16xf32, #tpu.memory_space<vmem>>, vector<1x16xf32>,
      %mul3A_2304 = vector.broadcast %squeeze3A_2201 : f32 to vector<16xf32>
      %mul3A_2305 = arith.mulf %mul3A_2304, %get3A_2289 : vector<16xf32>
      %mul3A_2306 = vector.broadcast %squeeze3A_2199 : f32 to vector<16xf32>
      %mul3A_2307 = arith.mulf %mul3A_2306, %get3A_2293 : vector<16xf32>
      %add3A_2308 = arith.addf %mul3A_2305, %mul3A_2307 : vector<16xf32>
      %swap3A_2309 = arith.index_cast %squeeze3A_2197 : i32 to index
      %swap3A_2310 = arith.constant 0 : index
      %swap3A_2311 = tpu.vector_load %arg14[%swap3A_2309, %swap3A_2310] {strides = array<i32>} : memref<1024x16xf32, #tpu.memory_space<vmem>>, vector<1x16xf32>,
      %swap3A_2312 = vector.shape_cast %swap3A_2311 : vector<1x16xf32> to vector<16xf32>
      %swap3A_2313 = vector.shape_cast %add3A_2308 : vector<16xf32> to vector<1x16xf32>
      tpu.vector_store %arg14[%swap3A_2309, %swap3A_2310], %swap3A_2313 {strides = array<i32>} : memref<1024x16xf32, #tpu.memory_space<vmem>>, vector<1x16xf32>,
      %slice3A_2314 = vector.extract_strided_slice %get3A_987 {offsets = [11], sizes = [1], strides = [1]} : vector<16xi32> to vector<1xi32>
      %squeeze3A_2315 = vector.extract %slice3A_2314[0] : i32 from vector<1xi32>
      %slice3A_2316 = vector.extract_strided_slice %get3A_990 {offsets = [11], sizes = [1], strides = [1]} : vector<16xi32> to vector<1xi32>
      %squeeze3A_2317 = vector.extract %slice3A_2316[0] : i32 from vector<1xi32>
      %slice3A_2318 = vector.extract_strided_slice %get3A_993 {offsets = [11], sizes = [1], strides = [1]} : vector<16xf32> to vector<1xf32>
      %squeeze3A_2319 = vector.extract %slice3A_2318[0] : f32 from vector<1xf32>
      %slice3A_2320 = vector.extract_strided_slice %get3A_996 {offsets = [11], sizes = [1], strides = [1]} : vector<16xf32> to vector<1xf32>
      %squeeze3A_2321 = vector.extract %slice3A_2320[0] : f32 from vector<1xf32>
      %get3A_2322 = arith.index_cast %squeeze3A_2315 : i32 to index
      %get3A_2323 = arith.constant 0 : index
      %get3A_2324 = tpu.vector_load %arg11[%get3A_2322, %get3A_2323] {strides = array<i32>} : memref<1024x16xf32, #tpu.memory_space<vmem>>, vector<1x16xf32>,
      %get3A_2325 = vector.shape_cast %get3A_2324 : vector<1x16xf32> to vector<16xf32>
      %get3A_2326 = arith.index_cast %squeeze3A_2317 : i32 to index
      %get3A_2327 = arith.constant 0 : index
      %get3A_2328 = tpu.vector_load %arg11[%get3A_2326, %get3A_2327] {strides = array<i32>} : memref<1024x16xf32, #tpu.memory_space<vmem>>, vector<1x16xf32>,
      %get3A_2329 = vector.shape_cast %get3A_2328 : vector<1x16xf32> to vector<16xf32>
      %mul3A_2330 = vector.broadcast %squeeze3A_2319 : f32 to vector<16xf32>
      %mul3A_2331 = arith.mulf %mul3A_2330, %get3A_2325 : vector<16xf32>
      %mul3A_2332 = vector.broadcast %squeeze3A_2321 : f32 to vector<16xf32>
      %mul3A_2333 = arith.mulf %mul3A_2332, %get3A_2329 : vector<16xf32>
      %sub3A_2334 = arith.subf %mul3A_2331, %mul3A_2333 : vector<16xf32>
      %swap3A_2335 = arith.index_cast %squeeze3A_2315 : i32 to index
      %swap3A_2336 = arith.constant 0 : index
      %swap3A_2337 = tpu.vector_load %arg11[%swap3A_2335, %swap3A_2336] {strides = array<i32>} : memref<1024x16xf32, #tpu.memory_space<vmem>>, vector<1x16xf32>,
      %swap3A_2338 = vector.shape_cast %swap3A_2337 : vector<1x16xf32> to vector<16xf32>
      %swap3A_2339 = vector.shape_cast %sub3A_2334 : vector<16xf32> to vector<1x16xf32>
      tpu.vector_store %arg11[%swap3A_2335, %swap3A_2336], %swap3A_2339 {strides = array<i32>} : memref<1024x16xf32, #tpu.memory_space<vmem>>, vector<1x16xf32>,
      %mul3A_2340 = vector.broadcast %squeeze3A_2321 : f32 to vector<16xf32>
      %mul3A_2341 = arith.mulf %mul3A_2340, %get3A_2325 : vector<16xf32>
      %mul3A_2342 = vector.broadcast %squeeze3A_2319 : f32 to vector<16xf32>
      %mul3A_2343 = arith.mulf %mul3A_2342, %get3A_2329 : vector<16xf32>
      %add3A_2344 = arith.addf %mul3A_2341, %mul3A_2343 : vector<16xf32>
      %swap3A_2345 = arith.index_cast %squeeze3A_2317 : i32 to index
      %swap3A_2346 = arith.constant 0 : index
      %swap3A_2347 = tpu.vector_load %arg11[%swap3A_2345, %swap3A_2346] {strides = array<i32>} : memref<1024x16xf32, #tpu.memory_space<vmem>>, vector<1x16xf32>,
      %swap3A_2348 = vector.shape_cast %swap3A_2347 : vector<1x16xf32> to vector<16xf32>
      %swap3A_2349 = vector.shape_cast %add3A_2344 : vector<16xf32> to vector<1x16xf32>
      tpu.vector_store %arg11[%swap3A_2345, %swap3A_2346], %swap3A_2349 {strides = array<i32>} : memref<1024x16xf32, #tpu.memory_space<vmem>>, vector<1x16xf32>,
      %get3A_2350 = arith.index_cast %squeeze3A_2315 : i32 to index
      %get3A_2351 = arith.constant 0 : index
      %get3A_2352 = tpu.vector_load %arg12[%get3A_2350, %get3A_2351] {strides = array<i32>} : memref<1024x16xf32, #tpu.memory_space<vmem>>, vector<1x16xf32>,
      %get3A_2353 = vector.shape_cast %get3A_2352 : vector<1x16xf32> to vector<16xf32>
      %get3A_2354 = arith.index_cast %squeeze3A_2317 : i32 to index
      %get3A_2355 = arith.constant 0 : index
      %get3A_2356 = tpu.vector_load %arg12[%get3A_2354, %get3A_2355] {strides = array<i32>} : memref<1024x16xf32, #tpu.memory_space<vmem>>, vector<1x16xf32>,
      %get3A_2357 = vector.shape_cast %get3A_2356 : vector<1x16xf32> to vector<16xf32>
      %mul3A_2358 = vector.broadcast %squeeze3A_2319 : f32 to vector<16xf32>
      %mul3A_2359 = arith.mulf %mul3A_2358, %get3A_2353 : vector<16xf32>
      %mul3A_2360 = vector.broadcast %squeeze3A_2321 : f32 to vector<16xf32>
      %mul3A_2361 = arith.mulf %mul3A_2360, %get3A_2357 : vector<16xf32>
      %sub3A_2362 = arith.subf %mul3A_2359, %mul3A_2361 : vector<16xf32>
      %swap3A_2363 = arith.index_cast %squeeze3A_2315 : i32 to index
      %swap3A_2364 = arith.constant 0 : index
      %swap3A_2365 = tpu.vector_load %arg12[%swap3A_2363, %swap3A_2364] {strides = array<i32>} : memref<1024x16xf32, #tpu.memory_space<vmem>>, vector<1x16xf32>,
      %swap3A_2366 = vector.shape_cast %swap3A_2365 : vector<1x16xf32> to vector<16xf32>
      %swap3A_2367 = vector.shape_cast %sub3A_2362 : vector<16xf32> to vector<1x16xf32>
      tpu.vector_store %arg12[%swap3A_2363, %swap3A_2364], %swap3A_2367 {strides = array<i32>} : memref<1024x16xf32, #tpu.memory_space<vmem>>, vector<1x16xf32>,
      %mul3A_2368 = vector.broadcast %squeeze3A_2321 : f32 to vector<16xf32>
      %mul3A_2369 = arith.mulf %mul3A_2368, %get3A_2353 : vector<16xf32>
      %mul3A_2370 = vector.broadcast %squeeze3A_2319 : f32 to vector<16xf32>
      %mul3A_2371 = arith.mulf %mul3A_2370, %get3A_2357 : vector<16xf32>
      %add3A_2372 = arith.addf %mul3A_2369, %mul3A_2371 : vector<16xf32>
      %swap3A_2373 = arith.index_cast %squeeze3A_2317 : i32 to index
      %swap3A_2374 = arith.constant 0 : index
      %swap3A_2375 = tpu.vector_load %arg12[%swap3A_2373, %swap3A_2374] {strides = array<i32>} : memref<1024x16xf32, #tpu.memory_space<vmem>>, vector<1x16xf32>,
      %swap3A_2376 = vector.shape_cast %swap3A_2375 : vector<1x16xf32> to vector<16xf32>
      %swap3A_2377 = vector.shape_cast %add3A_2372 : vector<16xf32> to vector<1x16xf32>
      tpu.vector_store %arg12[%swap3A_2373, %swap3A_2374], %swap3A_2377 {strides = array<i32>} : memref<1024x16xf32, #tpu.memory_space<vmem>>, vector<1x16xf32>,
      %get3A_2378 = arith.index_cast %squeeze3A_2315 : i32 to index
      %get3A_2379 = arith.constant 0 : index
      %get3A_2380 = tpu.vector_load %arg13[%get3A_2378, %get3A_2379] {strides = array<i32>} : memref<1024x16xf32, #tpu.memory_space<vmem>>, vector<1x16xf32>,
      %get3A_2381 = vector.shape_cast %get3A_2380 : vector<1x16xf32> to vector<16xf32>
      %get3A_2382 = arith.index_cast %squeeze3A_2317 : i32 to index
      %get3A_2383 = arith.constant 0 : index
      %get3A_2384 = tpu.vector_load %arg13[%get3A_2382, %get3A_2383] {strides = array<i32>} : memref<1024x16xf32, #tpu.memory_space<vmem>>, vector<1x16xf32>,
      %get3A_2385 = vector.shape_cast %get3A_2384 : vector<1x16xf32> to vector<16xf32>
      %mul3A_2386 = vector.broadcast %squeeze3A_2319 : f32 to vector<16xf32>
      %mul3A_2387 = arith.mulf %mul3A_2386, %get3A_2381 : vector<16xf32>
      %mul3A_2388 = vector.broadcast %squeeze3A_2321 : f32 to vector<16xf32>
      %mul3A_2389 = arith.mulf %mul3A_2388, %get3A_2385 : vector<16xf32>
      %sub3A_2390 = arith.subf %mul3A_2387, %mul3A_2389 : vector<16xf32>
      %swap3A_2391 = arith.index_cast %squeeze3A_2315 : i32 to index
      %swap3A_2392 = arith.constant 0 : index
      %swap3A_2393 = tpu.vector_load %arg13[%swap3A_2391, %swap3A_2392] {strides = array<i32>} : memref<1024x16xf32, #tpu.memory_space<vmem>>, vector<1x16xf32>,
      %swap3A_2394 = vector.shape_cast %swap3A_2393 : vector<1x16xf32> to vector<16xf32>
      %swap3A_2395 = vector.shape_cast %sub3A_2390 : vector<16xf32> to vector<1x16xf32>
      tpu.vector_store %arg13[%swap3A_2391, %swap3A_2392], %swap3A_2395 {strides = array<i32>} : memref<1024x16xf32, #tpu.memory_space<vmem>>, vector<1x16xf32>,
      %mul3A_2396 = vector.broadcast %squeeze3A_2321 : f32 to vector<16xf32>
      %mul3A_2397 = arith.mulf %mul3A_2396, %get3A_2381 : vector<16xf32>
      %mul3A_2398 = vector.broadcast %squeeze3A_2319 : f32 to vector<16xf32>
      %mul3A_2399 = arith.mulf %mul3A_2398, %get3A_2385 : vector<16xf32>
      %add3A_2400 = arith.addf %mul3A_2397, %mul3A_2399 : vector<16xf32>
      %swap3A_2401 = arith.index_cast %squeeze3A_2317 : i32 to index
      %swap3A_2402 = arith.constant 0 : index
      %swap3A_2403 = tpu.vector_load %arg13[%swap3A_2401, %swap3A_2402] {strides = array<i32>} : memref<1024x16xf32, #tpu.memory_space<vmem>>, vector<1x16xf32>,
      %swap3A_2404 = vector.shape_cast %swap3A_2403 : vector<1x16xf32> to vector<16xf32>
      %swap3A_2405 = vector.shape_cast %add3A_2400 : vector<16xf32> to vector<1x16xf32>
      tpu.vector_store %arg13[%swap3A_2401, %swap3A_2402], %swap3A_2405 {strides = array<i32>} : memref<1024x16xf32, #tpu.memory_space<vmem>>, vector<1x16xf32>,
      %get3A_2406 = arith.index_cast %squeeze3A_2315 : i32 to index
      %get3A_2407 = arith.constant 0 : index
      %get3A_2408 = tpu.vector_load %arg14[%get3A_2406, %get3A_2407] {strides = array<i32>} : memref<1024x16xf32, #tpu.memory_space<vmem>>, vector<1x16xf32>,
      %get3A_2409 = vector.shape_cast %get3A_2408 : vector<1x16xf32> to vector<16xf32>
      %get3A_2410 = arith.index_cast %squeeze3A_2317 : i32 to index
      %get3A_2411 = arith.constant 0 : index
      %get3A_2412 = tpu.vector_load %arg14[%get3A_2410, %get3A_2411] {strides = array<i32>} : memref<1024x16xf32, #tpu.memory_space<vmem>>, vector<1x16xf32>,
      %get3A_2413 = vector.shape_cast %get3A_2412 : vector<1x16xf32> to vector<16xf32>
      %mul3A_2414 = vector.broadcast %squeeze3A_2319 : f32 to vector<16xf32>
      %mul3A_2415 = arith.mulf %mul3A_2414, %get3A_2409 : vector<16xf32>
      %mul3A_2416 = vector.broadcast %squeeze3A_2321 : f32 to vector<16xf32>
      %mul3A_2417 = arith.mulf %mul3A_2416, %get3A_2413 : vector<16xf32>
      %sub3A_2418 = arith.subf %mul3A_2415, %mul3A_2417 : vector<16xf32>
      %swap3A_2419 = arith.index_cast %squeeze3A_2315 : i32 to index
      %swap3A_2420 = arith.constant 0 : index
      %swap3A_2421 = tpu.vector_load %arg14[%swap3A_2419, %swap3A_2420] {strides = array<i32>} : memref<1024x16xf32, #tpu.memory_space<vmem>>, vector<1x16xf32>,
      %swap3A_2422 = vector.shape_cast %swap3A_2421 : vector<1x16xf32> to vector<16xf32>
      %swap3A_2423 = vector.shape_cast %sub3A_2418 : vector<16xf32> to vector<1x16xf32>
      tpu.vector_store %arg14[%swap3A_2419, %swap3A_2420], %swap3A_2423 {strides = array<i32>} : memref<1024x16xf32, #tpu.memory_space<vmem>>, vector<1x16xf32>,
      %mul3A_2424 = vector.broadcast %squeeze3A_2321 : f32 to vector<16xf32>
      %mul3A_2425 = arith.mulf %mul3A_2424, %get3A_2409 : vector<16xf32>
      %mul3A_2426 = vector.broadcast %squeeze3A_2319 : f32 to vector<16xf32>
      %mul3A_2427 = arith.mulf %mul3A_2426, %get3A_2413 : vector<16xf32>
      %add3A_2428 = arith.addf %mul3A_2425, %mul3A_2427 : vector<16xf32>
      %swap3A_2429 = arith.index_cast %squeeze3A_2317 : i32 to index
      %swap3A_2430 = arith.constant 0 : index
      %swap3A_2431 = tpu.vector_load %arg14[%swap3A_2429, %swap3A_2430] {strides = array<i32>} : memref<1024x16xf32, #tpu.memory_space<vmem>>, vector<1x16xf32>,
      %swap3A_2432 = vector.shape_cast %swap3A_2431 : vector<1x16xf32> to vector<16xf32>
      %swap3A_2433 = vector.shape_cast %add3A_2428 : vector<16xf32> to vector<1x16xf32>
      tpu.vector_store %arg14[%swap3A_2429, %swap3A_2430], %swap3A_2433 {strides = array<i32>} : memref<1024x16xf32, #tpu.memory_space<vmem>>, vector<1x16xf32>,
      %slice3A_2434 = vector.extract_strided_slice %get3A_987 {offsets = [12], sizes = [1], strides = [1]} : vector<16xi32> to vector<1xi32>
      %squeeze3A_2435 = vector.extract %slice3A_2434[0] : i32 from vector<1xi32>
      %slice3A_2436 = vector.extract_strided_slice %get3A_990 {offsets = [12], sizes = [1], strides = [1]} : vector<16xi32> to vector<1xi32>
      %squeeze3A_2437 = vector.extract %slice3A_2436[0] : i32 from vector<1xi32>
      %slice3A_2438 = vector.extract_strided_slice %get3A_993 {offsets = [12], sizes = [1], strides = [1]} : vector<16xf32> to vector<1xf32>
      %squeeze3A_2439 = vector.extract %slice3A_2438[0] : f32 from vector<1xf32>
      %slice3A_2440 = vector.extract_strided_slice %get3A_996 {offsets = [12], sizes = [1], strides = [1]} : vector<16xf32> to vector<1xf32>
      %squeeze3A_2441 = vector.extract %slice3A_2440[0] : f32 from vector<1xf32>
      %get3A_2442 = arith.index_cast %squeeze3A_2435 : i32 to index
      %get3A_2443 = arith.constant 0 : index
      %get3A_2444 = tpu.vector_load %arg11[%get3A_2442, %get3A_2443] {strides = array<i32>} : memref<1024x16xf32, #tpu.memory_space<vmem>>, vector<1x16xf32>,
      %get3A_2445 = vector.shape_cast %get3A_2444 : vector<1x16xf32> to vector<16xf32>
      %get3A_2446 = arith.index_cast %squeeze3A_2437 : i32 to index
      %get3A_2447 = arith.constant 0 : index
      %get3A_2448 = tpu.vector_load %arg11[%get3A_2446, %get3A_2447] {strides = array<i32>} : memref<1024x16xf32, #tpu.memory_space<vmem>>, vector<1x16xf32>,
      %get3A_2449 = vector.shape_cast %get3A_2448 : vector<1x16xf32> to vector<16xf32>
      %mul3A_2450 = vector.broadcast %squeeze3A_2439 : f32 to vector<16xf32>
      %mul3A_2451 = arith.mulf %mul3A_2450, %get3A_2445 : vector<16xf32>
      %mul3A_2452 = vector.broadcast %squeeze3A_2441 : f32 to vector<16xf32>
      %mul3A_2453 = arith.mulf %mul3A_2452, %get3A_2449 : vector<16xf32>
      %sub3A_2454 = arith.subf %mul3A_2451, %mul3A_2453 : vector<16xf32>
      %swap3A_2455 = arith.index_cast %squeeze3A_2435 : i32 to index
      %swap3A_2456 = arith.constant 0 : index
      %swap3A_2457 = tpu.vector_load %arg11[%swap3A_2455, %swap3A_2456] {strides = array<i32>} : memref<1024x16xf32, #tpu.memory_space<vmem>>, vector<1x16xf32>,
      %swap3A_2458 = vector.shape_cast %swap3A_2457 : vector<1x16xf32> to vector<16xf32>
      %swap3A_2459 = vector.shape_cast %sub3A_2454 : vector<16xf32> to vector<1x16xf32>
      tpu.vector_store %arg11[%swap3A_2455, %swap3A_2456], %swap3A_2459 {strides = array<i32>} : memref<1024x16xf32, #tpu.memory_space<vmem>>, vector<1x16xf32>,
      %mul3A_2460 = vector.broadcast %squeeze3A_2441 : f32 to vector<16xf32>
      %mul3A_2461 = arith.mulf %mul3A_2460, %get3A_2445 : vector<16xf32>
      %mul3A_2462 = vector.broadcast %squeeze3A_2439 : f32 to vector<16xf32>
      %mul3A_2463 = arith.mulf %mul3A_2462, %get3A_2449 : vector<16xf32>
      %add3A_2464 = arith.addf %mul3A_2461, %mul3A_2463 : vector<16xf32>
      %swap3A_2465 = arith.index_cast %squeeze3A_2437 : i32 to index
      %swap3A_2466 = arith.constant 0 : index
      %swap3A_2467 = tpu.vector_load %arg11[%swap3A_2465, %swap3A_2466] {strides = array<i32>} : memref<1024x16xf32, #tpu.memory_space<vmem>>, vector<1x16xf32>,
      %swap3A_2468 = vector.shape_cast %swap3A_2467 : vector<1x16xf32> to vector<16xf32>
      %swap3A_2469 = vector.shape_cast %add3A_2464 : vector<16xf32> to vector<1x16xf32>
      tpu.vector_store %arg11[%swap3A_2465, %swap3A_2466], %swap3A_2469 {strides = array<i32>} : memref<1024x16xf32, #tpu.memory_space<vmem>>, vector<1x16xf32>,
      %get3A_2470 = arith.index_cast %squeeze3A_2435 : i32 to index
      %get3A_2471 = arith.constant 0 : index
      %get3A_2472 = tpu.vector_load %arg12[%get3A_2470, %get3A_2471] {strides = array<i32>} : memref<1024x16xf32, #tpu.memory_space<vmem>>, vector<1x16xf32>,
      %get3A_2473 = vector.shape_cast %get3A_2472 : vector<1x16xf32> to vector<16xf32>
      %get3A_2474 = arith.index_cast %squeeze3A_2437 : i32 to index
      %get3A_2475 = arith.constant 0 : index
      %get3A_2476 = tpu.vector_load %arg12[%get3A_2474, %get3A_2475] {strides = array<i32>} : memref<1024x16xf32, #tpu.memory_space<vmem>>, vector<1x16xf32>,
      %get3A_2477 = vector.shape_cast %get3A_2476 : vector<1x16xf32> to vector<16xf32>
      %mul3A_2478 = vector.broadcast %squeeze3A_2439 : f32 to vector<16xf32>
      %mul3A_2479 = arith.mulf %mul3A_2478, %get3A_2473 : vector<16xf32>
      %mul3A_2480 = vector.broadcast %squeeze3A_2441 : f32 to vector<16xf32>
      %mul3A_2481 = arith.mulf %mul3A_2480, %get3A_2477 : vector<16xf32>
      %sub3A_2482 = arith.subf %mul3A_2479, %mul3A_2481 : vector<16xf32>
      %swap3A_2483 = arith.index_cast %squeeze3A_2435 : i32 to index
      %swap3A_2484 = arith.constant 0 : index
      %swap3A_2485 = tpu.vector_load %arg12[%swap3A_2483, %swap3A_2484] {strides = array<i32>} : memref<1024x16xf32, #tpu.memory_space<vmem>>, vector<1x16xf32>,
      %swap3A_2486 = vector.shape_cast %swap3A_2485 : vector<1x16xf32> to vector<16xf32>
      %swap3A_2487 = vector.shape_cast %sub3A_2482 : vector<16xf32> to vector<1x16xf32>
      tpu.vector_store %arg12[%swap3A_2483, %swap3A_2484], %swap3A_2487 {strides = array<i32>} : memref<1024x16xf32, #tpu.memory_space<vmem>>, vector<1x16xf32>,
      %mul3A_2488 = vector.broadcast %squeeze3A_2441 : f32 to vector<16xf32>
      %mul3A_2489 = arith.mulf %mul3A_2488, %get3A_2473 : vector<16xf32>
      %mul3A_2490 = vector.broadcast %squeeze3A_2439 : f32 to vector<16xf32>
      %mul3A_2491 = arith.mulf %mul3A_2490, %get3A_2477 : vector<16xf32>
      %add3A_2492 = arith.addf %mul3A_2489, %mul3A_2491 : vector<16xf32>
      %swap3A_2493 = arith.index_cast %squeeze3A_2437 : i32 to index
      %swap3A_2494 = arith.constant 0 : index
      %swap3A_2495 = tpu.vector_load %arg12[%swap3A_2493, %swap3A_2494] {strides = array<i32>} : memref<1024x16xf32, #tpu.memory_space<vmem>>, vector<1x16xf32>,
      %swap3A_2496 = vector.shape_cast %swap3A_2495 : vector<1x16xf32> to vector<16xf32>
      %swap3A_2497 = vector.shape_cast %add3A_2492 : vector<16xf32> to vector<1x16xf32>
      tpu.vector_store %arg12[%swap3A_2493, %swap3A_2494], %swap3A_2497 {strides = array<i32>} : memref<1024x16xf32, #tpu.memory_space<vmem>>, vector<1x16xf32>,
      %get3A_2498 = arith.index_cast %squeeze3A_2435 : i32 to index
      %get3A_2499 = arith.constant 0 : index
      %get3A_2500 = tpu.vector_load %arg13[%get3A_2498, %get3A_2499] {strides = array<i32>} : memref<1024x16xf32, #tpu.memory_space<vmem>>, vector<1x16xf32>,
      %get3A_2501 = vector.shape_cast %get3A_2500 : vector<1x16xf32> to vector<16xf32>
      %get3A_2502 = arith.index_cast %squeeze3A_2437 : i32 to index
      %get3A_2503 = arith.constant 0 : index
      %get3A_2504 = tpu.vector_load %arg13[%get3A_2502, %get3A_2503] {strides = array<i32>} : memref<1024x16xf32, #tpu.memory_space<vmem>>, vector<1x16xf32>,
      %get3A_2505 = vector.shape_cast %get3A_2504 : vector<1x16xf32> to vector<16xf32>
      %mul3A_2506 = vector.broadcast %squeeze3A_2439 : f32 to vector<16xf32>
      %mul3A_2507 = arith.mulf %mul3A_2506, %get3A_2501 : vector<16xf32>
      %mul3A_2508 = vector.broadcast %squeeze3A_2441 : f32 to vector<16xf32>
      %mul3A_2509 = arith.mulf %mul3A_2508, %get3A_2505 : vector<16xf32>
      %sub3A_2510 = arith.subf %mul3A_2507, %mul3A_2509 : vector<16xf32>
      %swap3A_2511 = arith.index_cast %squeeze3A_2435 : i32 to index
      %swap3A_2512 = arith.constant 0 : index
      %swap3A_2513 = tpu.vector_load %arg13[%swap3A_2511, %swap3A_2512] {strides = array<i32>} : memref<1024x16xf32, #tpu.memory_space<vmem>>, vector<1x16xf32>,
      %swap3A_2514 = vector.shape_cast %swap3A_2513 : vector<1x16xf32> to vector<16xf32>
      %swap3A_2515 = vector.shape_cast %sub3A_2510 : vector<16xf32> to vector<1x16xf32>
      tpu.vector_store %arg13[%swap3A_2511, %swap3A_2512], %swap3A_2515 {strides = array<i32>} : memref<1024x16xf32, #tpu.memory_space<vmem>>, vector<1x16xf32>,
      %mul3A_2516 = vector.broadcast %squeeze3A_2441 : f32 to vector<16xf32>
      %mul3A_2517 = arith.mulf %mul3A_2516, %get3A_2501 : vector<16xf32>
      %mul3A_2518 = vector.broadcast %squeeze3A_2439 : f32 to vector<16xf32>
      %mul3A_2519 = arith.mulf %mul3A_2518, %get3A_2505 : vector<16xf32>
      %add3A_2520 = arith.addf %mul3A_2517, %mul3A_2519 : vector<16xf32>
      %swap3A_2521 = arith.index_cast %squeeze3A_2437 : i32 to index
      %swap3A_2522 = arith.constant 0 : index
      %swap3A_2523 = tpu.vector_load %arg13[%swap3A_2521, %swap3A_2522] {strides = array<i32>} : memref<1024x16xf32, #tpu.memory_space<vmem>>, vector<1x16xf32>,
      %swap3A_2524 = vector.shape_cast %swap3A_2523 : vector<1x16xf32> to vector<16xf32>
      %swap3A_2525 = vector.shape_cast %add3A_2520 : vector<16xf32> to vector<1x16xf32>
      tpu.vector_store %arg13[%swap3A_2521, %swap3A_2522], %swap3A_2525 {strides = array<i32>} : memref<1024x16xf32, #tpu.memory_space<vmem>>, vector<1x16xf32>,
      %get3A_2526 = arith.index_cast %squeeze3A_2435 : i32 to index
      %get3A_2527 = arith.constant 0 : index
      %get3A_2528 = tpu.vector_load %arg14[%get3A_2526, %get3A_2527] {strides = array<i32>} : memref<1024x16xf32, #tpu.memory_space<vmem>>, vector<1x16xf32>,
      %get3A_2529 = vector.shape_cast %get3A_2528 : vector<1x16xf32> to vector<16xf32>
      %get3A_2530 = arith.index_cast %squeeze3A_2437 : i32 to index
      %get3A_2531 = arith.constant 0 : index
      %get3A_2532 = tpu.vector_load %arg14[%get3A_2530, %get3A_2531] {strides = array<i32>} : memref<1024x16xf32, #tpu.memory_space<vmem>>, vector<1x16xf32>,
      %get3A_2533 = vector.shape_cast %get3A_2532 : vector<1x16xf32> to vector<16xf32>
      %mul3A_2534 = vector.broadcast %squeeze3A_2439 : f32 to vector<16xf32>
      %mul3A_2535 = arith.mulf %mul3A_2534, %get3A_2529 : vector<16xf32>
      %mul3A_2536 = vector.broadcast %squeeze3A_2441 : f32 to vector<16xf32>
      %mul3A_2537 = arith.mulf %mul3A_2536, %get3A_2533 : vector<16xf32>
      %sub3A_2538 = arith.subf %mul3A_2535, %mul3A_2537 : vector<16xf32>
      %swap3A_2539 = arith.index_cast %squeeze3A_2435 : i32 to index
      %swap3A_2540 = arith.constant 0 : index
      %swap3A_2541 = tpu.vector_load %arg14[%swap3A_2539, %swap3A_2540] {strides = array<i32>} : memref<1024x16xf32, #tpu.memory_space<vmem>>, vector<1x16xf32>,
      %swap3A_2542 = vector.shape_cast %swap3A_2541 : vector<1x16xf32> to vector<16xf32>
      %swap3A_2543 = vector.shape_cast %sub3A_2538 : vector<16xf32> to vector<1x16xf32>
      tpu.vector_store %arg14[%swap3A_2539, %swap3A_2540], %swap3A_2543 {strides = array<i32>} : memref<1024x16xf32, #tpu.memory_space<vmem>>, vector<1x16xf32>,
      %mul3A_2544 = vector.broadcast %squeeze3A_2441 : f32 to vector<16xf32>
      %mul3A_2545 = arith.mulf %mul3A_2544, %get3A_2529 : vector<16xf32>
      %mul3A_2546 = vector.broadcast %squeeze3A_2439 : f32 to vector<16xf32>
      %mul3A_2547 = arith.mulf %mul3A_2546, %get3A_2533 : vector<16xf32>
      %add3A_2548 = arith.addf %mul3A_2545, %mul3A_2547 : vector<16xf32>
      %swap3A_2549 = arith.index_cast %squeeze3A_2437 : i32 to index
      %swap3A_2550 = arith.constant 0 : index
      %swap3A_2551 = tpu.vector_load %arg14[%swap3A_2549, %swap3A_2550] {strides = array<i32>} : memref<1024x16xf32, #tpu.memory_space<vmem>>, vector<1x16xf32>,
      %swap3A_2552 = vector.shape_cast %swap3A_2551 : vector<1x16xf32> to vector<16xf32>
      %swap3A_2553 = vector.shape_cast %add3A_2548 : vector<16xf32> to vector<1x16xf32>
      tpu.vector_store %arg14[%swap3A_2549, %swap3A_2550], %swap3A_2553 {strides = array<i32>} : memref<1024x16xf32, #tpu.memory_space<vmem>>, vector<1x16xf32>,
      %slice3A_2554 = vector.extract_strided_slice %get3A_987 {offsets = [13], sizes = [1], strides = [1]} : vector<16xi32> to vector<1xi32>
      %squeeze3A_2555 = vector.extract %slice3A_2554[0] : i32 from vector<1xi32>
      %slice3A_2556 = vector.extract_strided_slice %get3A_990 {offsets = [13], sizes = [1], strides = [1]} : vector<16xi32> to vector<1xi32>
      %squeeze3A_2557 = vector.extract %slice3A_2556[0] : i32 from vector<1xi32>
      %slice3A_2558 = vector.extract_strided_slice %get3A_993 {offsets = [13], sizes = [1], strides = [1]} : vector<16xf32> to vector<1xf32>
      %squeeze3A_2559 = vector.extract %slice3A_2558[0] : f32 from vector<1xf32>
      %slice3A_2560 = vector.extract_strided_slice %get3A_996 {offsets = [13], sizes = [1], strides = [1]} : vector<16xf32> to vector<1xf32>
      %squeeze3A_2561 = vector.extract %slice3A_2560[0] : f32 from vector<1xf32>
      %get3A_2562 = arith.index_cast %squeeze3A_2555 : i32 to index
      %get3A_2563 = arith.constant 0 : index
      %get3A_2564 = tpu.vector_load %arg11[%get3A_2562, %get3A_2563] {strides = array<i32>} : memref<1024x16xf32, #tpu.memory_space<vmem>>, vector<1x16xf32>,
      %get3A_2565 = vector.shape_cast %get3A_2564 : vector<1x16xf32> to vector<16xf32>
      %get3A_2566 = arith.index_cast %squeeze3A_2557 : i32 to index
      %get3A_2567 = arith.constant 0 : index
      %get3A_2568 = tpu.vector_load %arg11[%get3A_2566, %get3A_2567] {strides = array<i32>} : memref<1024x16xf32, #tpu.memory_space<vmem>>, vector<1x16xf32>,
      %get3A_2569 = vector.shape_cast %get3A_2568 : vector<1x16xf32> to vector<16xf32>
      %mul3A_2570 = vector.broadcast %squeeze3A_2559 : f32 to vector<16xf32>
      %mul3A_2571 = arith.mulf %mul3A_2570, %get3A_2565 : vector<16xf32>
      %mul3A_2572 = vector.broadcast %squeeze3A_2561 : f32 to vector<16xf32>
      %mul3A_2573 = arith.mulf %mul3A_2572, %get3A_2569 : vector<16xf32>
      %sub3A_2574 = arith.subf %mul3A_2571, %mul3A_2573 : vector<16xf32>
      %swap3A_2575 = arith.index_cast %squeeze3A_2555 : i32 to index
      %swap3A_2576 = arith.constant 0 : index
      %swap3A_2577 = tpu.vector_load %arg11[%swap3A_2575, %swap3A_2576] {strides = array<i32>} : memref<1024x16xf32, #tpu.memory_space<vmem>>, vector<1x16xf32>,
      %swap3A_2578 = vector.shape_cast %swap3A_2577 : vector<1x16xf32> to vector<16xf32>
      %swap3A_2579 = vector.shape_cast %sub3A_2574 : vector<16xf32> to vector<1x16xf32>
      tpu.vector_store %arg11[%swap3A_2575, %swap3A_2576], %swap3A_2579 {strides = array<i32>} : memref<1024x16xf32, #tpu.memory_space<vmem>>, vector<1x16xf32>,
      %mul3A_2580 = vector.broadcast %squeeze3A_2561 : f32 to vector<16xf32>
      %mul3A_2581 = arith.mulf %mul3A_2580, %get3A_2565 : vector<16xf32>
      %mul3A_2582 = vector.broadcast %squeeze3A_2559 : f32 to vector<16xf32>
      %mul3A_2583 = arith.mulf %mul3A_2582, %get3A_2569 : vector<16xf32>
      %add3A_2584 = arith.addf %mul3A_2581, %mul3A_2583 : vector<16xf32>
      %swap3A_2585 = arith.index_cast %squeeze3A_2557 : i32 to index
      %swap3A_2586 = arith.constant 0 : index
      %swap3A_2587 = tpu.vector_load %arg11[%swap3A_2585, %swap3A_2586] {strides = array<i32>} : memref<1024x16xf32, #tpu.memory_space<vmem>>, vector<1x16xf32>,
      %swap3A_2588 = vector.shape_cast %swap3A_2587 : vector<1x16xf32> to vector<16xf32>
      %swap3A_2589 = vector.shape_cast %add3A_2584 : vector<16xf32> to vector<1x16xf32>
      tpu.vector_store %arg11[%swap3A_2585, %swap3A_2586], %swap3A_2589 {strides = array<i32>} : memref<1024x16xf32, #tpu.memory_space<vmem>>, vector<1x16xf32>,
      %get3A_2590 = arith.index_cast %squeeze3A_2555 : i32 to index
      %get3A_2591 = arith.constant 0 : index
      %get3A_2592 = tpu.vector_load %arg12[%get3A_2590, %get3A_2591] {strides = array<i32>} : memref<1024x16xf32, #tpu.memory_space<vmem>>, vector<1x16xf32>,
      %get3A_2593 = vector.shape_cast %get3A_2592 : vector<1x16xf32> to vector<16xf32>
      %get3A_2594 = arith.index_cast %squeeze3A_2557 : i32 to index
      %get3A_2595 = arith.constant 0 : index
      %get3A_2596 = tpu.vector_load %arg12[%get3A_2594, %get3A_2595] {strides = array<i32>} : memref<1024x16xf32, #tpu.memory_space<vmem>>, vector<1x16xf32>,
      %get3A_2597 = vector.shape_cast %get3A_2596 : vector<1x16xf32> to vector<16xf32>
      %mul3A_2598 = vector.broadcast %squeeze3A_2559 : f32 to vector<16xf32>
      %mul3A_2599 = arith.mulf %mul3A_2598, %get3A_2593 : vector<16xf32>
      %mul3A_2600 = vector.broadcast %squeeze3A_2561 : f32 to vector<16xf32>
      %mul3A_2601 = arith.mulf %mul3A_2600, %get3A_2597 : vector<16xf32>
      %sub3A_2602 = arith.subf %mul3A_2599, %mul3A_2601 : vector<16xf32>
      %swap3A_2603 = arith.index_cast %squeeze3A_2555 : i32 to index
      %swap3A_2604 = arith.constant 0 : index
      %swap3A_2605 = tpu.vector_load %arg12[%swap3A_2603, %swap3A_2604] {strides = array<i32>} : memref<1024x16xf32, #tpu.memory_space<vmem>>, vector<1x16xf32>,
      %swap3A_2606 = vector.shape_cast %swap3A_2605 : vector<1x16xf32> to vector<16xf32>
      %swap3A_2607 = vector.shape_cast %sub3A_2602 : vector<16xf32> to vector<1x16xf32>
      tpu.vector_store %arg12[%swap3A_2603, %swap3A_2604], %swap3A_2607 {strides = array<i32>} : memref<1024x16xf32, #tpu.memory_space<vmem>>, vector<1x16xf32>,
      %mul3A_2608 = vector.broadcast %squeeze3A_2561 : f32 to vector<16xf32>
      %mul3A_2609 = arith.mulf %mul3A_2608, %get3A_2593 : vector<16xf32>
      %mul3A_2610 = vector.broadcast %squeeze3A_2559 : f32 to vector<16xf32>
      %mul3A_2611 = arith.mulf %mul3A_2610, %get3A_2597 : vector<16xf32>
      %add3A_2612 = arith.addf %mul3A_2609, %mul3A_2611 : vector<16xf32>
      %swap3A_2613 = arith.index_cast %squeeze3A_2557 : i32 to index
      %swap3A_2614 = arith.constant 0 : index
      %swap3A_2615 = tpu.vector_load %arg12[%swap3A_2613, %swap3A_2614] {strides = array<i32>} : memref<1024x16xf32, #tpu.memory_space<vmem>>, vector<1x16xf32>,
      %swap3A_2616 = vector.shape_cast %swap3A_2615 : vector<1x16xf32> to vector<16xf32>
      %swap3A_2617 = vector.shape_cast %add3A_2612 : vector<16xf32> to vector<1x16xf32>
      tpu.vector_store %arg12[%swap3A_2613, %swap3A_2614], %swap3A_2617 {strides = array<i32>} : memref<1024x16xf32, #tpu.memory_space<vmem>>, vector<1x16xf32>,
      %get3A_2618 = arith.index_cast %squeeze3A_2555 : i32 to index
      %get3A_2619 = arith.constant 0 : index
      %get3A_2620 = tpu.vector_load %arg13[%get3A_2618, %get3A_2619] {strides = array<i32>} : memref<1024x16xf32, #tpu.memory_space<vmem>>, vector<1x16xf32>,
      %get3A_2621 = vector.shape_cast %get3A_2620 : vector<1x16xf32> to vector<16xf32>
      %get3A_2622 = arith.index_cast %squeeze3A_2557 : i32 to index
      %get3A_2623 = arith.constant 0 : index
      %get3A_2624 = tpu.vector_load %arg13[%get3A_2622, %get3A_2623] {strides = array<i32>} : memref<1024x16xf32, #tpu.memory_space<vmem>>, vector<1x16xf32>,
      %get3A_2625 = vector.shape_cast %get3A_2624 : vector<1x16xf32> to vector<16xf32>
      %mul3A_2626 = vector.broadcast %squeeze3A_2559 : f32 to vector<16xf32>
      %mul3A_2627 = arith.mulf %mul3A_2626, %get3A_2621 : vector<16xf32>
      %mul3A_2628 = vector.broadcast %squeeze3A_2561 : f32 to vector<16xf32>
      %mul3A_2629 = arith.mulf %mul3A_2628, %get3A_2625 : vector<16xf32>
      %sub3A_2630 = arith.subf %mul3A_2627, %mul3A_2629 : vector<16xf32>
      %swap3A_2631 = arith.index_cast %squeeze3A_2555 : i32 to index
      %swap3A_2632 = arith.constant 0 : index
      %swap3A_2633 = tpu.vector_load %arg13[%swap3A_2631, %swap3A_2632] {strides = array<i32>} : memref<1024x16xf32, #tpu.memory_space<vmem>>, vector<1x16xf32>,
      %swap3A_2634 = vector.shape_cast %swap3A_2633 : vector<1x16xf32> to vector<16xf32>
      %swap3A_2635 = vector.shape_cast %sub3A_2630 : vector<16xf32> to vector<1x16xf32>
      tpu.vector_store %arg13[%swap3A_2631, %swap3A_2632], %swap3A_2635 {strides = array<i32>} : memref<1024x16xf32, #tpu.memory_space<vmem>>, vector<1x16xf32>,
      %mul3A_2636 = vector.broadcast %squeeze3A_2561 : f32 to vector<16xf32>
      %mul3A_2637 = arith.mulf %mul3A_2636, %get3A_2621 : vector<16xf32>
      %mul3A_2638 = vector.broadcast %squeeze3A_2559 : f32 to vector<16xf32>
      %mul3A_2639 = arith.mulf %mul3A_2638, %get3A_2625 : vector<16xf32>
      %add3A_2640 = arith.addf %mul3A_2637, %mul3A_2639 : vector<16xf32>
      %swap3A_2641 = arith.index_cast %squeeze3A_2557 : i32 to index
      %swap3A_2642 = arith.constant 0 : index
      %swap3A_2643 = tpu.vector_load %arg13[%swap3A_2641, %swap3A_2642] {strides = array<i32>} : memref<1024x16xf32, #tpu.memory_space<vmem>>, vector<1x16xf32>,
      %swap3A_2644 = vector.shape_cast %swap3A_2643 : vector<1x16xf32> to vector<16xf32>
      %swap3A_2645 = vector.shape_cast %add3A_2640 : vector<16xf32> to vector<1x16xf32>
      tpu.vector_store %arg13[%swap3A_2641, %swap3A_2642], %swap3A_2645 {strides = array<i32>} : memref<1024x16xf32, #tpu.memory_space<vmem>>, vector<1x16xf32>,
      %get3A_2646 = arith.index_cast %squeeze3A_2555 : i32 to index
      %get3A_2647 = arith.constant 0 : index
      %get3A_2648 = tpu.vector_load %arg14[%get3A_2646, %get3A_2647] {strides = array<i32>} : memref<1024x16xf32, #tpu.memory_space<vmem>>, vector<1x16xf32>,
      %get3A_2649 = vector.shape_cast %get3A_2648 : vector<1x16xf32> to vector<16xf32>
      %get3A_2650 = arith.index_cast %squeeze3A_2557 : i32 to index
      %get3A_2651 = arith.constant 0 : index
      %get3A_2652 = tpu.vector_load %arg14[%get3A_2650, %get3A_2651] {strides = array<i32>} : memref<1024x16xf32, #tpu.memory_space<vmem>>, vector<1x16xf32>,
      %get3A_2653 = vector.shape_cast %get3A_2652 : vector<1x16xf32> to vector<16xf32>
      %mul3A_2654 = vector.broadcast %squeeze3A_2559 : f32 to vector<16xf32>
      %mul3A_2655 = arith.mulf %mul3A_2654, %get3A_2649 : vector<16xf32>
      %mul3A_2656 = vector.broadcast %squeeze3A_2561 : f32 to vector<16xf32>
      %mul3A_2657 = arith.mulf %mul3A_2656, %get3A_2653 : vector<16xf32>
      %sub3A_2658 = arith.subf %mul3A_2655, %mul3A_2657 : vector<16xf32>
      %swap3A_2659 = arith.index_cast %squeeze3A_2555 : i32 to index
      %swap3A_2660 = arith.constant 0 : index
      %swap3A_2661 = tpu.vector_load %arg14[%swap3A_2659, %swap3A_2660] {strides = array<i32>} : memref<1024x16xf32, #tpu.memory_space<vmem>>, vector<1x16xf32>,
      %swap3A_2662 = vector.shape_cast %swap3A_2661 : vector<1x16xf32> to vector<16xf32>
      %swap3A_2663 = vector.shape_cast %sub3A_2658 : vector<16xf32> to vector<1x16xf32>
      tpu.vector_store %arg14[%swap3A_2659, %swap3A_2660], %swap3A_2663 {strides = array<i32>} : memref<1024x16xf32, #tpu.memory_space<vmem>>, vector<1x16xf32>,
      %mul3A_2664 = vector.broadcast %squeeze3A_2561 : f32 to vector<16xf32>
      %mul3A_2665 = arith.mulf %mul3A_2664, %get3A_2649 : vector<16xf32>
      %mul3A_2666 = vector.broadcast %squeeze3A_2559 : f32 to vector<16xf32>
      %mul3A_2667 = arith.mulf %mul3A_2666, %get3A_2653 : vector<16xf32>
      %add3A_2668 = arith.addf %mul3A_2665, %mul3A_2667 : vector<16xf32>
      %swap3A_2669 = arith.index_cast %squeeze3A_2557 : i32 to index
      %swap3A_2670 = arith.constant 0 : index
      %swap3A_2671 = tpu.vector_load %arg14[%swap3A_2669, %swap3A_2670] {strides = array<i32>} : memref<1024x16xf32, #tpu.memory_space<vmem>>, vector<1x16xf32>,
      %swap3A_2672 = vector.shape_cast %swap3A_2671 : vector<1x16xf32> to vector<16xf32>
      %swap3A_2673 = vector.shape_cast %add3A_2668 : vector<16xf32> to vector<1x16xf32>
      tpu.vector_store %arg14[%swap3A_2669, %swap3A_2670], %swap3A_2673 {strides = array<i32>} : memref<1024x16xf32, #tpu.memory_space<vmem>>, vector<1x16xf32>,
      %slice3A_2674 = vector.extract_strided_slice %get3A_987 {offsets = [14], sizes = [1], strides = [1]} : vector<16xi32> to vector<1xi32>
      %squeeze3A_2675 = vector.extract %slice3A_2674[0] : i32 from vector<1xi32>
      %slice3A_2676 = vector.extract_strided_slice %get3A_990 {offsets = [14], sizes = [1], strides = [1]} : vector<16xi32> to vector<1xi32>
      %squeeze3A_2677 = vector.extract %slice3A_2676[0] : i32 from vector<1xi32>
      %slice3A_2678 = vector.extract_strided_slice %get3A_993 {offsets = [14], sizes = [1], strides = [1]} : vector<16xf32> to vector<1xf32>
      %squeeze3A_2679 = vector.extract %slice3A_2678[0] : f32 from vector<1xf32>
      %slice3A_2680 = vector.extract_strided_slice %get3A_996 {offsets = [14], sizes = [1], strides = [1]} : vector<16xf32> to vector<1xf32>
      %squeeze3A_2681 = vector.extract %slice3A_2680[0] : f32 from vector<1xf32>
      %get3A_2682 = arith.index_cast %squeeze3A_2675 : i32 to index
      %get3A_2683 = arith.constant 0 : index
      %get3A_2684 = tpu.vector_load %arg11[%get3A_2682, %get3A_2683] {strides = array<i32>} : memref<1024x16xf32, #tpu.memory_space<vmem>>, vector<1x16xf32>,
      %get3A_2685 = vector.shape_cast %get3A_2684 : vector<1x16xf32> to vector<16xf32>
      %get3A_2686 = arith.index_cast %squeeze3A_2677 : i32 to index
      %get3A_2687 = arith.constant 0 : index
      %get3A_2688 = tpu.vector_load %arg11[%get3A_2686, %get3A_2687] {strides = array<i32>} : memref<1024x16xf32, #tpu.memory_space<vmem>>, vector<1x16xf32>,
      %get3A_2689 = vector.shape_cast %get3A_2688 : vector<1x16xf32> to vector<16xf32>
      %mul3A_2690 = vector.broadcast %squeeze3A_2679 : f32 to vector<16xf32>
      %mul3A_2691 = arith.mulf %mul3A_2690, %get3A_2685 : vector<16xf32>
      %mul3A_2692 = vector.broadcast %squeeze3A_2681 : f32 to vector<16xf32>
      %mul3A_2693 = arith.mulf %mul3A_2692, %get3A_2689 : vector<16xf32>
      %sub3A_2694 = arith.subf %mul3A_2691, %mul3A_2693 : vector<16xf32>
      %swap3A_2695 = arith.index_cast %squeeze3A_2675 : i32 to index
      %swap3A_2696 = arith.constant 0 : index
      %swap3A_2697 = tpu.vector_load %arg11[%swap3A_2695, %swap3A_2696] {strides = array<i32>} : memref<1024x16xf32, #tpu.memory_space<vmem>>, vector<1x16xf32>,
      %swap3A_2698 = vector.shape_cast %swap3A_2697 : vector<1x16xf32> to vector<16xf32>
      %swap3A_2699 = vector.shape_cast %sub3A_2694 : vector<16xf32> to vector<1x16xf32>
      tpu.vector_store %arg11[%swap3A_2695, %swap3A_2696], %swap3A_2699 {strides = array<i32>} : memref<1024x16xf32, #tpu.memory_space<vmem>>, vector<1x16xf32>,
      %mul3A_2700 = vector.broadcast %squeeze3A_2681 : f32 to vector<16xf32>
      %mul3A_2701 = arith.mulf %mul3A_2700, %get3A_2685 : vector<16xf32>
      %mul3A_2702 = vector.broadcast %squeeze3A_2679 : f32 to vector<16xf32>
      %mul3A_2703 = arith.mulf %mul3A_2702, %get3A_2689 : vector<16xf32>
      %add3A_2704 = arith.addf %mul3A_2701, %mul3A_2703 : vector<16xf32>
      %swap3A_2705 = arith.index_cast %squeeze3A_2677 : i32 to index
      %swap3A_2706 = arith.constant 0 : index
      %swap3A_2707 = tpu.vector_load %arg11[%swap3A_2705, %swap3A_2706] {strides = array<i32>} : memref<1024x16xf32, #tpu.memory_space<vmem>>, vector<1x16xf32>,
      %swap3A_2708 = vector.shape_cast %swap3A_2707 : vector<1x16xf32> to vector<16xf32>
      %swap3A_2709 = vector.shape_cast %add3A_2704 : vector<16xf32> to vector<1x16xf32>
      tpu.vector_store %arg11[%swap3A_2705, %swap3A_2706], %swap3A_2709 {strides = array<i32>} : memref<1024x16xf32, #tpu.memory_space<vmem>>, vector<1x16xf32>,
      %get3A_2710 = arith.index_cast %squeeze3A_2675 : i32 to index
      %get3A_2711 = arith.constant 0 : index
      %get3A_2712 = tpu.vector_load %arg12[%get3A_2710, %get3A_2711] {strides = array<i32>} : memref<1024x16xf32, #tpu.memory_space<vmem>>, vector<1x16xf32>,
      %get3A_2713 = vector.shape_cast %get3A_2712 : vector<1x16xf32> to vector<16xf32>
      %get3A_2714 = arith.index_cast %squeeze3A_2677 : i32 to index
      %get3A_2715 = arith.constant 0 : index
      %get3A_2716 = tpu.vector_load %arg12[%get3A_2714, %get3A_2715] {strides = array<i32>} : memref<1024x16xf32, #tpu.memory_space<vmem>>, vector<1x16xf32>,
      %get3A_2717 = vector.shape_cast %get3A_2716 : vector<1x16xf32> to vector<16xf32>
      %mul3A_2718 = vector.broadcast %squeeze3A_2679 : f32 to vector<16xf32>
      %mul3A_2719 = arith.mulf %mul3A_2718, %get3A_2713 : vector<16xf32>
      %mul3A_2720 = vector.broadcast %squeeze3A_2681 : f32 to vector<16xf32>
      %mul3A_2721 = arith.mulf %mul3A_2720, %get3A_2717 : vector<16xf32>
      %sub3A_2722 = arith.subf %mul3A_2719, %mul3A_2721 : vector<16xf32>
      %swap3A_2723 = arith.index_cast %squeeze3A_2675 : i32 to index
      %swap3A_2724 = arith.constant 0 : index
      %swap3A_2725 = tpu.vector_load %arg12[%swap3A_2723, %swap3A_2724] {strides = array<i32>} : memref<1024x16xf32, #tpu.memory_space<vmem>>, vector<1x16xf32>,
      %swap3A_2726 = vector.shape_cast %swap3A_2725 : vector<1x16xf32> to vector<16xf32>
      %swap3A_2727 = vector.shape_cast %sub3A_2722 : vector<16xf32> to vector<1x16xf32>
      tpu.vector_store %arg12[%swap3A_2723, %swap3A_2724], %swap3A_2727 {strides = array<i32>} : memref<1024x16xf32, #tpu.memory_space<vmem>>, vector<1x16xf32>,
      %mul3A_2728 = vector.broadcast %squeeze3A_2681 : f32 to vector<16xf32>
      %mul3A_2729 = arith.mulf %mul3A_2728, %get3A_2713 : vector<16xf32>
      %mul3A_2730 = vector.broadcast %squeeze3A_2679 : f32 to vector<16xf32>
      %mul3A_2731 = arith.mulf %mul3A_2730, %get3A_2717 : vector<16xf32>
      %add3A_2732 = arith.addf %mul3A_2729, %mul3A_2731 : vector<16xf32>
      %swap3A_2733 = arith.index_cast %squeeze3A_2677 : i32 to index
      %swap3A_2734 = arith.constant 0 : index
      %swap3A_2735 = tpu.vector_load %arg12[%swap3A_2733, %swap3A_2734] {strides = array<i32>} : memref<1024x16xf32, #tpu.memory_space<vmem>>, vector<1x16xf32>,
      %swap3A_2736 = vector.shape_cast %swap3A_2735 : vector<1x16xf32> to vector<16xf32>
      %swap3A_2737 = vector.shape_cast %add3A_2732 : vector<16xf32> to vector<1x16xf32>
      tpu.vector_store %arg12[%swap3A_2733, %swap3A_2734], %swap3A_2737 {strides = array<i32>} : memref<1024x16xf32, #tpu.memory_space<vmem>>, vector<1x16xf32>,
      %get3A_2738 = arith.index_cast %squeeze3A_2675 : i32 to index
      %get3A_2739 = arith.constant 0 : index
      %get3A_2740 = tpu.vector_load %arg13[%get3A_2738, %get3A_2739] {strides = array<i32>} : memref<1024x16xf32, #tpu.memory_space<vmem>>, vector<1x16xf32>,
      %get3A_2741 = vector.shape_cast %get3A_2740 : vector<1x16xf32> to vector<16xf32>
      %get3A_2742 = arith.index_cast %squeeze3A_2677 : i32 to index
      %get3A_2743 = arith.constant 0 : index
      %get3A_2744 = tpu.vector_load %arg13[%get3A_2742, %get3A_2743] {strides = array<i32>} : memref<1024x16xf32, #tpu.memory_space<vmem>>, vector<1x16xf32>,
      %get3A_2745 = vector.shape_cast %get3A_2744 : vector<1x16xf32> to vector<16xf32>
      %mul3A_2746 = vector.broadcast %squeeze3A_2679 : f32 to vector<16xf32>
      %mul3A_2747 = arith.mulf %mul3A_2746, %get3A_2741 : vector<16xf32>
      %mul3A_2748 = vector.broadcast %squeeze3A_2681 : f32 to vector<16xf32>
      %mul3A_2749 = arith.mulf %mul3A_2748, %get3A_2745 : vector<16xf32>
      %sub3A_2750 = arith.subf %mul3A_2747, %mul3A_2749 : vector<16xf32>
      %swap3A_2751 = arith.index_cast %squeeze3A_2675 : i32 to index
      %swap3A_2752 = arith.constant 0 : index
      %swap3A_2753 = tpu.vector_load %arg13[%swap3A_2751, %swap3A_2752] {strides = array<i32>} : memref<1024x16xf32, #tpu.memory_space<vmem>>, vector<1x16xf32>,
      %swap3A_2754 = vector.shape_cast %swap3A_2753 : vector<1x16xf32> to vector<16xf32>
      %swap3A_2755 = vector.shape_cast %sub3A_2750 : vector<16xf32> to vector<1x16xf32>
      tpu.vector_store %arg13[%swap3A_2751, %swap3A_2752], %swap3A_2755 {strides = array<i32>} : memref<1024x16xf32, #tpu.memory_space<vmem>>, vector<1x16xf32>,
      %mul3A_2756 = vector.broadcast %squeeze3A_2681 : f32 to vector<16xf32>
      %mul3A_2757 = arith.mulf %mul3A_2756, %get3A_2741 : vector<16xf32>
      %mul3A_2758 = vector.broadcast %squeeze3A_2679 : f32 to vector<16xf32>
      %mul3A_2759 = arith.mulf %mul3A_2758, %get3A_2745 : vector<16xf32>
      %add3A_2760 = arith.addf %mul3A_2757, %mul3A_2759 : vector<16xf32>
      %swap3A_2761 = arith.index_cast %squeeze3A_2677 : i32 to index
      %swap3A_2762 = arith.constant 0 : index
      %swap3A_2763 = tpu.vector_load %arg13[%swap3A_2761, %swap3A_2762] {strides = array<i32>} : memref<1024x16xf32, #tpu.memory_space<vmem>>, vector<1x16xf32>,
      %swap3A_2764 = vector.shape_cast %swap3A_2763 : vector<1x16xf32> to vector<16xf32>
      %swap3A_2765 = vector.shape_cast %add3A_2760 : vector<16xf32> to vector<1x16xf32>
      tpu.vector_store %arg13[%swap3A_2761, %swap3A_2762], %swap3A_2765 {strides = array<i32>} : memref<1024x16xf32, #tpu.memory_space<vmem>>, vector<1x16xf32>,
      %get3A_2766 = arith.index_cast %squeeze3A_2675 : i32 to index
      %get3A_2767 = arith.constant 0 : index
      %get3A_2768 = tpu.vector_load %arg14[%get3A_2766, %get3A_2767] {strides = array<i32>} : memref<1024x16xf32, #tpu.memory_space<vmem>>, vector<1x16xf32>,
      %get3A_2769 = vector.shape_cast %get3A_2768 : vector<1x16xf32> to vector<16xf32>
      %get3A_2770 = arith.index_cast %squeeze3A_2677 : i32 to index
      %get3A_2771 = arith.constant 0 : index
      %get3A_2772 = tpu.vector_load %arg14[%get3A_2770, %get3A_2771] {strides = array<i32>} : memref<1024x16xf32, #tpu.memory_space<vmem>>, vector<1x16xf32>,
      %get3A_2773 = vector.shape_cast %get3A_2772 : vector<1x16xf32> to vector<16xf32>
      %mul3A_2774 = vector.broadcast %squeeze3A_2679 : f32 to vector<16xf32>
      %mul3A_2775 = arith.mulf %mul3A_2774, %get3A_2769 : vector<16xf32>
      %mul3A_2776 = vector.broadcast %squeeze3A_2681 : f32 to vector<16xf32>
      %mul3A_2777 = arith.mulf %mul3A_2776, %get3A_2773 : vector<16xf32>
      %sub3A_2778 = arith.subf %mul3A_2775, %mul3A_2777 : vector<16xf32>
      %swap3A_2779 = arith.index_cast %squeeze3A_2675 : i32 to index
      %swap3A_2780 = arith.constant 0 : index
      %swap3A_2781 = tpu.vector_load %arg14[%swap3A_2779, %swap3A_2780] {strides = array<i32>} : memref<1024x16xf32, #tpu.memory_space<vmem>>, vector<1x16xf32>,
      %swap3A_2782 = vector.shape_cast %swap3A_2781 : vector<1x16xf32> to vector<16xf32>
      %swap3A_2783 = vector.shape_cast %sub3A_2778 : vector<16xf32> to vector<1x16xf32>
      tpu.vector_store %arg14[%swap3A_2779, %swap3A_2780], %swap3A_2783 {strides = array<i32>} : memref<1024x16xf32, #tpu.memory_space<vmem>>, vector<1x16xf32>,
      %mul3A_2784 = vector.broadcast %squeeze3A_2681 : f32 to vector<16xf32>
      %mul3A_2785 = arith.mulf %mul3A_2784, %get3A_2769 : vector<16xf32>
      %mul3A_2786 = vector.broadcast %squeeze3A_2679 : f32 to vector<16xf32>
      %mul3A_2787 = arith.mulf %mul3A_2786, %get3A_2773 : vector<16xf32>
      %add3A_2788 = arith.addf %mul3A_2785, %mul3A_2787 : vector<16xf32>
      %swap3A_2789 = arith.index_cast %squeeze3A_2677 : i32 to index
      %swap3A_2790 = arith.constant 0 : index
      %swap3A_2791 = tpu.vector_load %arg14[%swap3A_2789, %swap3A_2790] {strides = array<i32>} : memref<1024x16xf32, #tpu.memory_space<vmem>>, vector<1x16xf32>,
      %swap3A_2792 = vector.shape_cast %swap3A_2791 : vector<1x16xf32> to vector<16xf32>
      %swap3A_2793 = vector.shape_cast %add3A_2788 : vector<16xf32> to vector<1x16xf32>
      tpu.vector_store %arg14[%swap3A_2789, %swap3A_2790], %swap3A_2793 {strides = array<i32>} : memref<1024x16xf32, #tpu.memory_space<vmem>>, vector<1x16xf32>,
      %slice3A_2794 = vector.extract_strided_slice %get3A_987 {offsets = [15], sizes = [1], strides = [1]} : vector<16xi32> to vector<1xi32>
      %squeeze3A_2795 = vector.extract %slice3A_2794[0] : i32 from vector<1xi32>
      %slice3A_2796 = vector.extract_strided_slice %get3A_990 {offsets = [15], sizes = [1], strides = [1]} : vector<16xi32> to vector<1xi32>
      %squeeze3A_2797 = vector.extract %slice3A_2796[0] : i32 from vector<1xi32>
      %slice3A_2798 = vector.extract_strided_slice %get3A_993 {offsets = [15], sizes = [1], strides = [1]} : vector<16xf32> to vector<1xf32>
      %squeeze3A_2799 = vector.extract %slice3A_2798[0] : f32 from vector<1xf32>
      %slice3A_2800 = vector.extract_strided_slice %get3A_996 {offsets = [15], sizes = [1], strides = [1]} : vector<16xf32> to vector<1xf32>
      %squeeze3A_2801 = vector.extract %slice3A_2800[0] : f32 from vector<1xf32>
      %get3A_2802 = arith.index_cast %squeeze3A_2795 : i32 to index
      %get3A_2803 = arith.constant 0 : index
      %get3A_2804 = tpu.vector_load %arg11[%get3A_2802, %get3A_2803] {strides = array<i32>} : memref<1024x16xf32, #tpu.memory_space<vmem>>, vector<1x16xf32>,
      %get3A_2805 = vector.shape_cast %get3A_2804 : vector<1x16xf32> to vector<16xf32>
      %get3A_2806 = arith.index_cast %squeeze3A_2797 : i32 to index
      %get3A_2807 = arith.constant 0 : index
      %get3A_2808 = tpu.vector_load %arg11[%get3A_2806, %get3A_2807] {strides = array<i32>} : memref<1024x16xf32, #tpu.memory_space<vmem>>, vector<1x16xf32>,
      %get3A_2809 = vector.shape_cast %get3A_2808 : vector<1x16xf32> to vector<16xf32>
      %mul3A_2810 = vector.broadcast %squeeze3A_2799 : f32 to vector<16xf32>
      %mul3A_2811 = arith.mulf %mul3A_2810, %get3A_2805 : vector<16xf32>
      %mul3A_2812 = vector.broadcast %squeeze3A_2801 : f32 to vector<16xf32>
      %mul3A_2813 = arith.mulf %mul3A_2812, %get3A_2809 : vector<16xf32>
      %sub3A_2814 = arith.subf %mul3A_2811, %mul3A_2813 : vector<16xf32>
      %swap3A_2815 = arith.index_cast %squeeze3A_2795 : i32 to index
      %swap3A_2816 = arith.constant 0 : index
      %swap3A_2817 = tpu.vector_load %arg11[%swap3A_2815, %swap3A_2816] {strides = array<i32>} : memref<1024x16xf32, #tpu.memory_space<vmem>>, vector<1x16xf32>,
      %swap3A_2818 = vector.shape_cast %swap3A_2817 : vector<1x16xf32> to vector<16xf32>
      %swap3A_2819 = vector.shape_cast %sub3A_2814 : vector<16xf32> to vector<1x16xf32>
      tpu.vector_store %arg11[%swap3A_2815, %swap3A_2816], %swap3A_2819 {strides = array<i32>} : memref<1024x16xf32, #tpu.memory_space<vmem>>, vector<1x16xf32>,
      %mul3A_2820 = vector.broadcast %squeeze3A_2801 : f32 to vector<16xf32>
      %mul3A_2821 = arith.mulf %mul3A_2820, %get3A_2805 : vector<16xf32>
      %mul3A_2822 = vector.broadcast %squeeze3A_2799 : f32 to vector<16xf32>
      %mul3A_2823 = arith.mulf %mul3A_2822, %get3A_2809 : vector<16xf32>
      %add3A_2824 = arith.addf %mul3A_2821, %mul3A_2823 : vector<16xf32>
      %swap3A_2825 = arith.index_cast %squeeze3A_2797 : i32 to index
      %swap3A_2826 = arith.constant 0 : index
      %swap3A_2827 = tpu.vector_load %arg11[%swap3A_2825, %swap3A_2826] {strides = array<i32>} : memref<1024x16xf32, #tpu.memory_space<vmem>>, vector<1x16xf32>,
      %swap3A_2828 = vector.shape_cast %swap3A_2827 : vector<1x16xf32> to vector<16xf32>
      %swap3A_2829 = vector.shape_cast %add3A_2824 : vector<16xf32> to vector<1x16xf32>
      tpu.vector_store %arg11[%swap3A_2825, %swap3A_2826], %swap3A_2829 {strides = array<i32>} : memref<1024x16xf32, #tpu.memory_space<vmem>>, vector<1x16xf32>,
      %get3A_2830 = arith.index_cast %squeeze3A_2795 : i32 to index
      %get3A_2831 = arith.constant 0 : index
      %get3A_2832 = tpu.vector_load %arg12[%get3A_2830, %get3A_2831] {strides = array<i32>} : memref<1024x16xf32, #tpu.memory_space<vmem>>, vector<1x16xf32>,
      %get3A_2833 = vector.shape_cast %get3A_2832 : vector<1x16xf32> to vector<16xf32>
      %get3A_2834 = arith.index_cast %squeeze3A_2797 : i32 to index
      %get3A_2835 = arith.constant 0 : index
      %get3A_2836 = tpu.vector_load %arg12[%get3A_2834, %get3A_2835] {strides = array<i32>} : memref<1024x16xf32, #tpu.memory_space<vmem>>, vector<1x16xf32>,
      %get3A_2837 = vector.shape_cast %get3A_2836 : vector<1x16xf32> to vector<16xf32>
      %mul3A_2838 = vector.broadcast %squeeze3A_2799 : f32 to vector<16xf32>
      %mul3A_2839 = arith.mulf %mul3A_2838, %get3A_2833 : vector<16xf32>
      %mul3A_2840 = vector.broadcast %squeeze3A_2801 : f32 to vector<16xf32>
      %mul3A_2841 = arith.mulf %mul3A_2840, %get3A_2837 : vector<16xf32>
      %sub3A_2842 = arith.subf %mul3A_2839, %mul3A_2841 : vector<16xf32>
      %swap3A_2843 = arith.index_cast %squeeze3A_2795 : i32 to index
      %swap3A_2844 = arith.constant 0 : index
      %swap3A_2845 = tpu.vector_load %arg12[%swap3A_2843, %swap3A_2844] {strides = array<i32>} : memref<1024x16xf32, #tpu.memory_space<vmem>>, vector<1x16xf32>,
      %swap3A_2846 = vector.shape_cast %swap3A_2845 : vector<1x16xf32> to vector<16xf32>
      %swap3A_2847 = vector.shape_cast %sub3A_2842 : vector<16xf32> to vector<1x16xf32>
      tpu.vector_store %arg12[%swap3A_2843, %swap3A_2844], %swap3A_2847 {strides = array<i32>} : memref<1024x16xf32, #tpu.memory_space<vmem>>, vector<1x16xf32>,
      %mul3A_2848 = vector.broadcast %squeeze3A_2801 : f32 to vector<16xf32>
      %mul3A_2849 = arith.mulf %mul3A_2848, %get3A_2833 : vector<16xf32>
      %mul3A_2850 = vector.broadcast %squeeze3A_2799 : f32 to vector<16xf32>
      %mul3A_2851 = arith.mulf %mul3A_2850, %get3A_2837 : vector<16xf32>
      %add3A_2852 = arith.addf %mul3A_2849, %mul3A_2851 : vector<16xf32>
      %swap3A_2853 = arith.index_cast %squeeze3A_2797 : i32 to index
      %swap3A_2854 = arith.constant 0 : index
      %swap3A_2855 = tpu.vector_load %arg12[%swap3A_2853, %swap3A_2854] {strides = array<i32>} : memref<1024x16xf32, #tpu.memory_space<vmem>>, vector<1x16xf32>,
      %swap3A_2856 = vector.shape_cast %swap3A_2855 : vector<1x16xf32> to vector<16xf32>
      %swap3A_2857 = vector.shape_cast %add3A_2852 : vector<16xf32> to vector<1x16xf32>
      tpu.vector_store %arg12[%swap3A_2853, %swap3A_2854], %swap3A_2857 {strides = array<i32>} : memref<1024x16xf32, #tpu.memory_space<vmem>>, vector<1x16xf32>,
      %get3A_2858 = arith.index_cast %squeeze3A_2795 : i32 to index
      %get3A_2859 = arith.constant 0 : index
      %get3A_2860 = tpu.vector_load %arg13[%get3A_2858, %get3A_2859] {strides = array<i32>} : memref<1024x16xf32, #tpu.memory_space<vmem>>, vector<1x16xf32>,
      %get3A_2861 = vector.shape_cast %get3A_2860 : vector<1x16xf32> to vector<16xf32>
      %get3A_2862 = arith.index_cast %squeeze3A_2797 : i32 to index
      %get3A_2863 = arith.constant 0 : index
      %get3A_2864 = tpu.vector_load %arg13[%get3A_2862, %get3A_2863] {strides = array<i32>} : memref<1024x16xf32, #tpu.memory_space<vmem>>, vector<1x16xf32>,
      %get3A_2865 = vector.shape_cast %get3A_2864 : vector<1x16xf32> to vector<16xf32>
      %mul3A_2866 = vector.broadcast %squeeze3A_2799 : f32 to vector<16xf32>
      %mul3A_2867 = arith.mulf %mul3A_2866, %get3A_2861 : vector<16xf32>
      %mul3A_2868 = vector.broadcast %squeeze3A_2801 : f32 to vector<16xf32>
      %mul3A_2869 = arith.mulf %mul3A_2868, %get3A_2865 : vector<16xf32>
      %sub3A_2870 = arith.subf %mul3A_2867, %mul3A_2869 : vector<16xf32>
      %swap3A_2871 = arith.index_cast %squeeze3A_2795 : i32 to index
      %swap3A_2872 = arith.constant 0 : index
      %swap3A_2873 = tpu.vector_load %arg13[%swap3A_2871, %swap3A_2872] {strides = array<i32>} : memref<1024x16xf32, #tpu.memory_space<vmem>>, vector<1x16xf32>,
      %swap3A_2874 = vector.shape_cast %swap3A_2873 : vector<1x16xf32> to vector<16xf32>
      %swap3A_2875 = vector.shape_cast %sub3A_2870 : vector<16xf32> to vector<1x16xf32>
      tpu.vector_store %arg13[%swap3A_2871, %swap3A_2872], %swap3A_2875 {strides = array<i32>} : memref<1024x16xf32, #tpu.memory_space<vmem>>, vector<1x16xf32>,
      %mul3A_2876 = vector.broadcast %squeeze3A_2801 : f32 to vector<16xf32>
      %mul3A_2877 = arith.mulf %mul3A_2876, %get3A_2861 : vector<16xf32>
      %mul3A_2878 = vector.broadcast %squeeze3A_2799 : f32 to vector<16xf32>
      %mul3A_2879 = arith.mulf %mul3A_2878, %get3A_2865 : vector<16xf32>
      %add3A_2880 = arith.addf %mul3A_2877, %mul3A_2879 : vector<16xf32>
      %swap3A_2881 = arith.index_cast %squeeze3A_2797 : i32 to index
      %swap3A_2882 = arith.constant 0 : index
      %swap3A_2883 = tpu.vector_load %arg13[%swap3A_2881, %swap3A_2882] {strides = array<i32>} : memref<1024x16xf32, #tpu.memory_space<vmem>>, vector<1x16xf32>,
      %swap3A_2884 = vector.shape_cast %swap3A_2883 : vector<1x16xf32> to vector<16xf32>
      %swap3A_2885 = vector.shape_cast %add3A_2880 : vector<16xf32> to vector<1x16xf32>
      tpu.vector_store %arg13[%swap3A_2881, %swap3A_2882], %swap3A_2885 {strides = array<i32>} : memref<1024x16xf32, #tpu.memory_space<vmem>>, vector<1x16xf32>,
      %get3A_2886 = arith.index_cast %squeeze3A_2795 : i32 to index
      %get3A_2887 = arith.constant 0 : index
      %get3A_2888 = tpu.vector_load %arg14[%get3A_2886, %get3A_2887] {strides = array<i32>} : memref<1024x16xf32, #tpu.memory_space<vmem>>, vector<1x16xf32>,
      %get3A_2889 = vector.shape_cast %get3A_2888 : vector<1x16xf32> to vector<16xf32>
      %get3A_2890 = arith.index_cast %squeeze3A_2797 : i32 to index
      %get3A_2891 = arith.constant 0 : index
      %get3A_2892 = tpu.vector_load %arg14[%get3A_2890, %get3A_2891] {strides = array<i32>} : memref<1024x16xf32, #tpu.memory_space<vmem>>, vector<1x16xf32>,
      %get3A_2893 = vector.shape_cast %get3A_2892 : vector<1x16xf32> to vector<16xf32>
      %mul3A_2894 = vector.broadcast %squeeze3A_2799 : f32 to vector<16xf32>
      %mul3A_2895 = arith.mulf %mul3A_2894, %get3A_2889 : vector<16xf32>
      %mul3A_2896 = vector.broadcast %squeeze3A_2801 : f32 to vector<16xf32>
      %mul3A_2897 = arith.mulf %mul3A_2896, %get3A_2893 : vector<16xf32>
      %sub3A_2898 = arith.subf %mul3A_2895, %mul3A_2897 : vector<16xf32>
      %swap3A_2899 = arith.index_cast %squeeze3A_2795 : i32 to index
      %swap3A_2900 = arith.constant 0 : index
      %swap3A_2901 = tpu.vector_load %arg14[%swap3A_2899, %swap3A_2900] {strides = array<i32>} : memref<1024x16xf32, #tpu.memory_space<vmem>>, vector<1x16xf32>,
      %swap3A_2902 = vector.shape_cast %swap3A_2901 : vector<1x16xf32> to vector<16xf32>
      %swap3A_2903 = vector.shape_cast %sub3A_2898 : vector<16xf32> to vector<1x16xf32>
      tpu.vector_store %arg14[%swap3A_2899, %swap3A_2900], %swap3A_2903 {strides = array<i32>} : memref<1024x16xf32, #tpu.memory_space<vmem>>, vector<1x16xf32>,
      %mul3A_2904 = vector.broadcast %squeeze3A_2801 : f32 to vector<16xf32>
      %mul3A_2905 = arith.mulf %mul3A_2904, %get3A_2889 : vector<16xf32>
      %mul3A_2906 = vector.broadcast %squeeze3A_2799 : f32 to vector<16xf32>
      %mul3A_2907 = arith.mulf %mul3A_2906, %get3A_2893 : vector<16xf32>
      %add3A_2908 = arith.addf %mul3A_2905, %mul3A_2907 : vector<16xf32>
      %swap3A_2909 = arith.index_cast %squeeze3A_2797 : i32 to index
      %swap3A_2910 = arith.constant 0 : index
      %swap3A_2911 = tpu.vector_load %arg14[%swap3A_2909, %swap3A_2910] {strides = array<i32>} : memref<1024x16xf32, #tpu.memory_space<vmem>>, vector<1x16xf32>,
      %swap3A_2912 = vector.shape_cast %swap3A_2911 : vector<1x16xf32> to vector<16xf32>
      %swap3A_2913 = vector.shape_cast %add3A_2908 : vector<16xf32> to vector<1x16xf32>
      tpu.vector_store %arg14[%swap3A_2909, %swap3A_2910], %swap3A_2913 {strides = array<i32>} : memref<1024x16xf32, #tpu.memory_space<vmem>>, vector<1x16xf32>,
      %scan3A_2914 = arith.constant 0 : i32
      scf.yield %scan3A_2914 : i32
    }
    %scan3A_971 = arith.constant 96 : i32
    %add3A_972 = arith.constant 0 : i32
    %add3A_973 = arith.addi %mul3A_2, %add3A_972 : i32
    "tpu.region"() ({
      %run_scoped3A = tpu.sem_alloc : memref<!tpu.dma_semaphore, #tpu.memory_space<semaphore_mem>>
      %dma_start3A = arith.constant 0 : i32
      %dma_start3A_980 = tpu.memref_slice %arg6[%arg0, %dma_start3A, %add3A_973] : memref<2x1024x1024xf32, #tpu.memory_space<hbm>> -> memref<1x1024x16xf32, #tpu.memory_space<hbm>>
      %dma_start3A_981 = tpu.memref_squeeze %dma_start3A_980 : memref<1x1024x16xf32, #tpu.memory_space<hbm>> -> memref<1024x16xf32, #tpu.memory_space<hbm>>
      %dma_start3A_982 = arith.constant 0 : i32
      %dma_start3A_983 = tpu.memref_slice %arg6[%arg0, %dma_start3A_982, %add3A_973] : memref<2x1024x1024xf32, #tpu.memory_space<hbm>> -> memref<1x1024x16xf32, #tpu.memory_space<hbm>>
      %dma_start3A_984 = tpu.memref_squeeze %dma_start3A_983 : memref<1x1024x16xf32, #tpu.memory_space<hbm>> -> memref<1024x16xf32, #tpu.memory_space<hbm>>
      tpu.enqueue_dma source(%arg11 : memref<1024x16xf32, #tpu.memory_space<vmem>>) target(%dma_start3A_984 : memref<1024x16xf32, #tpu.memory_space<hbm>>) target_semaphore(%run_scoped3A : memref<!tpu.dma_semaphore, #tpu.memory_space<semaphore_mem>>)
      %dma_wait3A = arith.constant 0 : i32
      %dma_wait3A_985 = tpu.memref_slice %arg6[%arg0, %dma_wait3A, %add3A_973] : memref<2x1024x1024xf32, #tpu.memory_space<hbm>> -> memref<1x1024x16xf32, #tpu.memory_space<hbm>>
      %dma_wait3A_986 = tpu.memref_squeeze %dma_wait3A_985 : memref<1x1024x16xf32, #tpu.memory_space<hbm>> -> memref<1024x16xf32, #tpu.memory_space<hbm>>
      %dma_wait3A_987 = arith.constant 0 : i32
      %dma_wait3A_988 = tpu.memref_slice %arg6[%arg0, %dma_wait3A_987, %add3A_973] : memref<2x1024x1024xf32, #tpu.memory_space<hbm>> -> memref<1x1024x16xf32, #tpu.memory_space<hbm>>
      %dma_wait3A_989 = tpu.memref_squeeze %dma_wait3A_988 : memref<1x1024x16xf32, #tpu.memory_space<hbm>> -> memref<1024x16xf32, #tpu.memory_space<hbm>>
      tpu.wait_dma2 semaphore(%run_scoped3A : memref<!tpu.dma_semaphore, #tpu.memory_space<semaphore_mem>>) src(%arg11 : memref<1024x16xf32, #tpu.memory_space<vmem>>) dst(%dma_wait3A_989 : memref<1024x16xf32, #tpu.memory_space<hbm>>)
      tpu.yield
    }) : () -> ()
    %add3A_974 = arith.constant 16 : i32
    %add3A_975 = arith.addi %mul3A_2, %add3A_974 : i32
    "tpu.region"() ({
      %run_scoped3A = tpu.sem_alloc : memref<!tpu.dma_semaphore, #tpu.memory_space<semaphore_mem>>
      %dma_start3A = arith.constant 0 : i32
      %dma_start3A_980 = tpu.memref_slice %arg6[%arg0, %dma_start3A, %add3A_975] : memref<2x1024x1024xf32, #tpu.memory_space<hbm>> -> memref<1x1024x16xf32, #tpu.memory_space<hbm>>
      %dma_start3A_981 = tpu.memref_squeeze %dma_start3A_980 : memref<1x1024x16xf32, #tpu.memory_space<hbm>> -> memref<1024x16xf32, #tpu.memory_space<hbm>>
      %dma_start3A_982 = arith.constant 0 : i32
      %dma_start3A_983 = tpu.memref_slice %arg6[%arg0, %dma_start3A_982, %add3A_975] : memref<2x1024x1024xf32, #tpu.memory_space<hbm>> -> memref<1x1024x16xf32, #tpu.memory_space<hbm>>
      %dma_start3A_984 = tpu.memref_squeeze %dma_start3A_983 : memref<1x1024x16xf32, #tpu.memory_space<hbm>> -> memref<1024x16xf32, #tpu.memory_space<hbm>>
      tpu.enqueue_dma source(%arg12 : memref<1024x16xf32, #tpu.memory_space<vmem>>) target(%dma_start3A_984 : memref<1024x16xf32, #tpu.memory_space<hbm>>) target_semaphore(%run_scoped3A : memref<!tpu.dma_semaphore, #tpu.memory_space<semaphore_mem>>)
      %dma_wait3A = arith.constant 0 : i32
      %dma_wait3A_985 = tpu.memref_slice %arg6[%arg0, %dma_wait3A, %add3A_975] : memref<2x1024x1024xf32, #tpu.memory_space<hbm>> -> memref<1x1024x16xf32, #tpu.memory_space<hbm>>
      %dma_wait3A_986 = tpu.memref_squeeze %dma_wait3A_985 : memref<1x1024x16xf32, #tpu.memory_space<hbm>> -> memref<1024x16xf32, #tpu.memory_space<hbm>>
      %dma_wait3A_987 = arith.constant 0 : i32
      %dma_wait3A_988 = tpu.memref_slice %arg6[%arg0, %dma_wait3A_987, %add3A_975] : memref<2x1024x1024xf32, #tpu.memory_space<hbm>> -> memref<1x1024x16xf32, #tpu.memory_space<hbm>>
      %dma_wait3A_989 = tpu.memref_squeeze %dma_wait3A_988 : memref<1x1024x16xf32, #tpu.memory_space<hbm>> -> memref<1024x16xf32, #tpu.memory_space<hbm>>
      tpu.wait_dma2 semaphore(%run_scoped3A : memref<!tpu.dma_semaphore, #tpu.memory_space<semaphore_mem>>) src(%arg12 : memref<1024x16xf32, #tpu.memory_space<vmem>>) dst(%dma_wait3A_989 : memref<1024x16xf32, #tpu.memory_space<hbm>>)
      tpu.yield
    }) : () -> ()
    %add3A_976 = arith.constant 32 : i32
    %add3A_977 = arith.addi %mul3A_2, %add3A_976 : i32
    "tpu.region"() ({
      %run_scoped3A = tpu.sem_alloc : memref<!tpu.dma_semaphore, #tpu.memory_space<semaphore_mem>>
      %dma_start3A = arith.constant 0 : i32
      %dma_start3A_980 = tpu.memref_slice %arg6[%arg0, %dma_start3A, %add3A_977] : memref<2x1024x1024xf32, #tpu.memory_space<hbm>> -> memref<1x1024x16xf32, #tpu.memory_space<hbm>>
      %dma_start3A_981 = tpu.memref_squeeze %dma_start3A_980 : memref<1x1024x16xf32, #tpu.memory_space<hbm>> -> memref<1024x16xf32, #tpu.memory_space<hbm>>
      %dma_start3A_982 = arith.constant 0 : i32
      %dma_start3A_983 = tpu.memref_slice %arg6[%arg0, %dma_start3A_982, %add3A_977] : memref<2x1024x1024xf32, #tpu.memory_space<hbm>> -> memref<1x1024x16xf32, #tpu.memory_space<hbm>>
      %dma_start3A_984 = tpu.memref_squeeze %dma_start3A_983 : memref<1x1024x16xf32, #tpu.memory_space<hbm>> -> memref<1024x16xf32, #tpu.memory_space<hbm>>
      tpu.enqueue_dma source(%arg13 : memref<1024x16xf32, #tpu.memory_space<vmem>>) target(%dma_start3A_984 : memref<1024x16xf32, #tpu.memory_space<hbm>>) target_semaphore(%run_scoped3A : memref<!tpu.dma_semaphore, #tpu.memory_space<semaphore_mem>>)
      %dma_wait3A = arith.constant 0 : i32
      %dma_wait3A_985 = tpu.memref_slice %arg6[%arg0, %dma_wait3A, %add3A_977] : memref<2x1024x1024xf32, #tpu.memory_space<hbm>> -> memref<1x1024x16xf32, #tpu.memory_space<hbm>>
      %dma_wait3A_986 = tpu.memref_squeeze %dma_wait3A_985 : memref<1x1024x16xf32, #tpu.memory_space<hbm>> -> memref<1024x16xf32, #tpu.memory_space<hbm>>
      %dma_wait3A_987 = arith.constant 0 : i32
      %dma_wait3A_988 = tpu.memref_slice %arg6[%arg0, %dma_wait3A_987, %add3A_977] : memref<2x1024x1024xf32, #tpu.memory_space<hbm>> -> memref<1x1024x16xf32, #tpu.memory_space<hbm>>
      %dma_wait3A_989 = tpu.memref_squeeze %dma_wait3A_988 : memref<1x1024x16xf32, #tpu.memory_space<hbm>> -> memref<1024x16xf32, #tpu.memory_space<hbm>>
      tpu.wait_dma2 semaphore(%run_scoped3A : memref<!tpu.dma_semaphore, #tpu.memory_space<semaphore_mem>>) src(%arg13 : memref<1024x16xf32, #tpu.memory_space<vmem>>) dst(%dma_wait3A_989 : memref<1024x16xf32, #tpu.memory_space<hbm>>)
      tpu.yield
    }) : () -> ()
    %add3A_978 = arith.constant 48 : i32
    %add3A_979 = arith.addi %mul3A_2, %add3A_978 : i32
    "tpu.region"() ({
      %run_scoped3A = tpu.sem_alloc : memref<!tpu.dma_semaphore, #tpu.memory_space<semaphore_mem>>
      %dma_start3A = arith.constant 0 : i32
      %dma_start3A_980 = tpu.memref_slice %arg6[%arg0, %dma_start3A, %add3A_979] : memref<2x1024x1024xf32, #tpu.memory_space<hbm>> -> memref<1x1024x16xf32, #tpu.memory_space<hbm>>
      %dma_start3A_981 = tpu.memref_squeeze %dma_start3A_980 : memref<1x1024x16xf32, #tpu.memory_space<hbm>> -> memref<1024x16xf32, #tpu.memory_space<hbm>>
      %dma_start3A_982 = arith.constant 0 : i32
      %dma_start3A_983 = tpu.memref_slice %arg6[%arg0, %dma_start3A_982, %add3A_979] : memref<2x1024x1024xf32, #tpu.memory_space<hbm>> -> memref<1x1024x16xf32, #tpu.memory_space<hbm>>
      %dma_start3A_984 = tpu.memref_squeeze %dma_start3A_983 : memref<1x1024x16xf32, #tpu.memory_space<hbm>> -> memref<1024x16xf32, #tpu.memory_space<hbm>>
      tpu.enqueue_dma source(%arg14 : memref<1024x16xf32, #tpu.memory_space<vmem>>) target(%dma_start3A_984 : memref<1024x16xf32, #tpu.memory_space<hbm>>) target_semaphore(%run_scoped3A : memref<!tpu.dma_semaphore, #tpu.memory_space<semaphore_mem>>)
      %dma_wait3A = arith.constant 0 : i32
      %dma_wait3A_985 = tpu.memref_slice %arg6[%arg0, %dma_wait3A, %add3A_979] : memref<2x1024x1024xf32, #tpu.memory_space<hbm>> -> memref<1x1024x16xf32, #tpu.memory_space<hbm>>
      %dma_wait3A_986 = tpu.memref_squeeze %dma_wait3A_985 : memref<1x1024x16xf32, #tpu.memory_space<hbm>> -> memref<1024x16xf32, #tpu.memory_space<hbm>>
      %dma_wait3A_987 = arith.constant 0 : i32
      %dma_wait3A_988 = tpu.memref_slice %arg6[%arg0, %dma_wait3A_987, %add3A_979] : memref<2x1024x1024xf32, #tpu.memory_space<hbm>> -> memref<1x1024x16xf32, #tpu.memory_space<hbm>>
      %dma_wait3A_989 = tpu.memref_squeeze %dma_wait3A_988 : memref<1x1024x16xf32, #tpu.memory_space<hbm>> -> memref<1024x16xf32, #tpu.memory_space<hbm>>
      tpu.wait_dma2 semaphore(%run_scoped3A : memref<!tpu.dma_semaphore, #tpu.memory_space<semaphore_mem>>) src(%arg14 : memref<1024x16xf32, #tpu.memory_space<vmem>>) dst(%dma_wait3A_989 : memref<1024x16xf32, #tpu.memory_space<hbm>>)
      tpu.yield
    }) : () -> ()
    return
  }
}

module attributes {stable_mosaic.version = 14 : i64} {
  func.func @_cs_kernel(%arg0: memref<8x128xf32, #tpu.memory_space<vmem>>, %arg1: memref<2x8x128xf32, #tpu.memory_space<vmem>>) attributes {dimension_semantics = [], scalar_prefetch = 0 : i64, scratch_operands = 0 : i64, tpu.core_type = #tpu.core_type<tc>} {
    %get3A = arith.constant 0 : index
    %get3A_0 = arith.constant 0 : index
    %get3A_1 = vector.load %arg0[%get3A, %get3A_0] : memref<8x128xf32, #tpu.memory_space<vmem>>, vector<8x128xf32>
    %cos3A = math.cos %get3A_1 : vector<8x128xf32>
    %swap3A = arith.constant 0 : index
    %swap3A_2 = arith.constant 0 : index
    %swap3A_3 = arith.constant 0 : index
    %swap3A_4 = vector.load %arg1[%swap3A, %swap3A_2, %swap3A_3] : memref<2x8x128xf32, #tpu.memory_space<vmem>>, vector<1x8x128xf32>
    %swap3A_5 = vector.shape_cast %swap3A_4 : vector<1x8x128xf32> to vector<8x128xf32>
    %swap3A_6 = vector.shape_cast %cos3A : vector<8x128xf32> to vector<1x8x128xf32>
    tpu.vector_store %arg1[%swap3A, %swap3A_2, %swap3A_3], %swap3A_6 {strides = array<i32>} : memref<2x8x128xf32, #tpu.memory_space<vmem>>, vector<1x8x128xf32>,
    %sin3A = math.sin %get3A_1 : vector<8x128xf32>
    %swap3A_7 = arith.constant 1 : index
    %swap3A_8 = arith.constant 0 : index
    %swap3A_9 = arith.constant 0 : index
    %swap3A_10 = vector.load %arg1[%swap3A_7, %swap3A_8, %swap3A_9] : memref<2x8x128xf32, #tpu.memory_space<vmem>>, vector<1x8x128xf32>
    %swap3A_11 = vector.shape_cast %swap3A_10 : vector<1x8x128xf32> to vector<8x128xf32>
    %swap3A_12 = vector.shape_cast %sin3A : vector<8x128xf32> to vector<1x8x128xf32>
    tpu.vector_store %arg1[%swap3A_7, %swap3A_8, %swap3A_9], %swap3A_12 {strides = array<i32>} : memref<2x8x128xf32, #tpu.memory_space<vmem>>, vector<1x8x128xf32>,
    return
  }
}

module attributes {stable_mosaic.version = 14 : i64} {
  func.func @_combine_kernel(%arg0: memref<1024x1024xf32, #tpu.memory_space<vmem>>, %arg1: memref<1024x1024xf32, #tpu.memory_space<vmem>>, %arg2: memref<1024x1024xf32, #tpu.memory_space<vmem>>) attributes {dimension_semantics = [], scalar_prefetch = 0 : i64, scratch_operands = 0 : i64, tpu.core_type = #tpu.core_type<tc>} {
    %get3A = arith.constant 0 : index
    %get3A_0 = arith.constant 0 : index
    %get3A_1 = vector.load %arg1[%get3A, %get3A_0] : memref<1024x1024xf32, #tpu.memory_space<vmem>>, vector<1024x1024xf32>
    %get3A_2 = arith.constant 0 : index
    %get3A_3 = arith.constant 0 : index
    %get3A_4 = vector.load %arg0[%get3A_2, %get3A_3] : memref<1024x1024xf32, #tpu.memory_space<vmem>>, vector<1024x1024xf32>
    %dot_general3A = arith.constant dense<0.000000e+00> : vector<1024x1024xf32>
    %dot_general3A_5 = tpu.matmul %get3A_1, %get3A_4, %dot_general3A {dimension_numbers = #tpu.dot_dimension_numbers<[1], [0], [0], [1], [0, 0, 1, 1], [], []>, transpose_lhs_hint = false} : vector<1024x1024xf32>, vector<1024x1024xf32>, vector<1024x1024xf32> -> vector<1024x1024xf32>
    %swap3A = arith.constant 0 : index
    %swap3A_6 = arith.constant 0 : index
    %swap3A_7 = vector.load %arg2[%swap3A, %swap3A_6] : memref<1024x1024xf32, #tpu.memory_space<vmem>>, vector<1024x1024xf32>
    tpu.vector_store %arg2[%swap3A, %swap3A_6], %dot_general3A_5 {strides = array<i32>} : memref<1024x1024xf32, #tpu.memory_space<vmem>>, vector<1024x1024xf32>,
    return
  }
}

module attributes {stable_mosaic.version = 14 : i64} {
  func.func @_matmul_kernel(%arg0: i32, %arg1: memref<512x1024xf32, #tpu.memory_space<vmem>>, %arg2: memref<1024x1024xf32, #tpu.memory_space<vmem>>, %arg3: memref<512x1024xf32, #tpu.memory_space<vmem>>) attributes {dimension_semantics = [#tpu.dimension_semantics<arbitrary>], iteration_bounds = array<i64: 16>, scalar_prefetch = 0 : i64, scratch_operands = 0 : i64, tpu.core_type = #tpu.core_type<tc>, window_params = [{transform_indices = @transform_0, window_bounds = array<i64: 512, 1024>}, {pipeline_mode = #tpu.pipeline_mode<synchronous>, transform_indices = @transform_1, window_bounds = array<i64: 1024, 1024>}, {transform_indices = @transform_2, window_bounds = array<i64: 512, 1024>}]} {
    %get3A = arith.constant 0 : index
    %get3A_0 = arith.constant 0 : index
    %get3A_1 = vector.load %arg1[%get3A, %get3A_0] : memref<512x1024xf32, #tpu.memory_space<vmem>>, vector<512x1024xf32>
    %get3A_2 = arith.constant 0 : index
    %get3A_3 = arith.constant 0 : index
    %get3A_4 = vector.load %arg2[%get3A_2, %get3A_3] : memref<1024x1024xf32, #tpu.memory_space<vmem>>, vector<1024x1024xf32>
    %dot_general3A = arith.constant dense<0.000000e+00> : vector<512x1024xf32>
    %dot_general3A_5 = tpu.matmul %get3A_1, %get3A_4, %dot_general3A {dimension_numbers = #tpu.dot_dimension_numbers<[1], [1], [0], [0], [0, 0, 1, 0], [], []>, transpose_lhs_hint = false} : vector<512x1024xf32>, vector<1024x1024xf32>, vector<512x1024xf32> -> vector<512x1024xf32>
    %swap3A = arith.constant 0 : index
    %swap3A_6 = arith.constant 0 : index
    %swap3A_7 = vector.load %arg3[%swap3A, %swap3A_6] : memref<512x1024xf32, #tpu.memory_space<vmem>>, vector<512x1024xf32>
    tpu.vector_store %arg3[%swap3A, %swap3A_6], %dot_general3A_5 {strides = array<i32>} : memref<512x1024xf32, #tpu.memory_space<vmem>>, vector<512x1024xf32>,
    return
  }
  func.func @transform_0(%arg0: i32) -> (i32, i32) {
    %c0_i32 = arith.constant 0 : i32
    %c0_i32_0 = arith.constant 0 : i32
    return %arg0, %c0_i32 : i32, i32
  }
  func.func @transform_1(%arg0: i32) -> (i32, i32) {
    %c0_i32 = arith.constant 0 : i32
    %c0_i32_0 = arith.constant 0 : i32
    %c0_i32_1 = arith.constant 0 : i32
    return %c0_i32, %c0_i32_0 : i32, i32
  }
  func.func @transform_2(%arg0: i32) -> (i32, i32) {
    %c0_i32 = arith.constant 0 : i32
    %c0_i32_0 = arith.constant 0 : i32
    return %arg0, %c0_i32 : i32, i32
  }
}

</mosaic_0001>

<sc_bundles>
// kernel: kernel.6.cloned.1.call-start
scs
__scs_entry_jumppad:
0x0: {  	(pc) =	sbr.rel $0x88, $3  }
0x1: {  	(tag) =	ssettag $0x0;
	lr =	simm.s32 $0x1  }
0x2: {  	[smem:$0x3F9D] =	sst lr;
	_ =	strace $0xD0000000  }
0x3: {  	_ = 	snop  }
0x4: {  	_ = 	snop  }
0x5: {  	_ = 	snop  }
0x6: {  	_ = 	snop  }
0x7: {  	_ = 	snop  }
__scs_overlays_trampoline_lowered:
0x8: {  	[smem:$0x3FAC] =	sst s0  }
0x9: {  	[smem:$0x3FAD] =	sst s1  }
0xa: {  	[smem:$0x3FAE] =	sst s2  }
0xb: {  	[smem:$0x3FAF] =	sst s3  }
0xc: {  	[smem:$0x3FB0] =	sst s4  }
0xd: {  	[smem:$0x3FB1] =	sst s5  }
0xe: {  	[smem:$0x3FB2] =	sst s6  }
0xf: {  	[smem:$0x3FB3] =	sst s7  }
0x10: {  	[smem:$0x3FB4] =	sst s8  }
0x11: {  	[smem:$0x3FB5] =	sst s9;
	s0 =	simm.s32 @!p0 $0x0  }
0x12: {  	s1 =	sld [smem:$0x3F9B];
	s0 =	simm.s32 @p0 $0x1  }
0x13: {  	[smem:$0x3FB6] =	sst s0;
	s0 =	simm.s32 @!p1 $0x0  }
0x14: {  	s2 =	sld [smem:$0x3F9A];
	s0 =	simm.s32 @p1 $0x1  }
0x15: {  	[smem:$0x3FB7] =	sst s0;
	s0 =	simm.s32 @!p2 $0x0  }
0x16: {  	s3 =	sld [smem:$0x3FDB];
	s0 =	simm.s32 @p2 $0x1  }
0x17: {  	s4 =	simm.s32 $0x1BF5;
	[smem:$0x3FB9] =	sst s0  }
0x18: {  	s0 =	sld [smem:$0x3F9C];
	_ =	swait.ge [sflag:s4], $0x0  }
0x19: {  	s7 =	sld [smem:$0x3F9D]  }
0x1a: {  	s8 =	sadd.s32 $0xFFFFE003, lr  }
0x1b: {  	s9 =	sadd.s32 $0xFFFFFEF7, lr;
	s5 =	simm.s32 $0xFFFFFFFF;
	p2 =	slt.u32 s8, $0xFFFFF086  }
0x1c: {  	p1 =	slt.u32 s9, $0xF7A;
	s5 =	simm.s32 @!p2 $0x0  }
0x1d: {  	s5 =	simm.s32 @p1 $0x1;
	p0 =	seq.s32 s7, s2  }
0x1e: {  	s7 =	smul.u32 @!p0 $0xF7A, s2;
	p2 =	seq.s32 @!p0 s5, $0x0  }
0x1f: {  	s9 =	smul.u32 $0xF7A, s1;
	s8 =	simm.s32 @!p0 $0x1BF5;
	p2 =	por !p2, p0  }
0x20: {  	[sflag:s8] =	ssyncset.s32 @!p0 $0xFFFFF086;
	s6 =	sadd.s32 @!p0 s3, s7;
	s7 =	simm.s32 @!p0 $0x108  }
0x21: {  	s3 =	sadd.s32 s3, s9;
	s6 =	sadd.s32 @!p0 $0x88, s6;
	s7 =	simm.s32 @p2 $0x1082  }
0x22: {  	[simem:s7], [sflag:s8] =	dma.local @!p0 [hbm:s6], $0xF7A  }
0x23: {  	s9 =	sor.u32 $0xD0000000, s2;
	s6 =	simm.s32 $0x108;
	_ =	swait.ge @!p0 [sflag:s8], $0x0  }
0x24: {  	s3 =	sadd.s32 $0x88, s3;
	s6 =	simm.s32 @!p1 $0x1082;
	[sflag:s4] =	ssyncset.s32 $0xFFFFF086  }
0x25: {  	[simem:s6], [sflag:s4] =	dma.local [hbm:s3], $0xF7A  }
0x26: {  	[smem:$0x3F9D] =	sst s1;
	(tag) =	ssettag s2;
	_ =	strace s9  }
0x27: {  	s1 =	sld [smem:$0x3FAD]  }
0x28: {  	s2 =	sld [smem:$0x3FAE]  }
0x29: {  	s4 =	sld [smem:$0x3FB0]  }
0x2a: {  	p0 =	seq.s32 s5, $0x0;
	s5 =	sld [smem:$0x3FB1]  }
0x2b: {  	s6 =	sld [smem:$0x3FB2]  }
0x2c: {  	s7 =	sld [smem:$0x3FB3]  }
0x2d: {  	s3 =	simm.s32 $0x108;
	s8 =	sld [smem:$0x3FB4]  }
0x2e: {  	s3 =	simm.s32 @!p0 $0x1082;
	s9 =	sld [smem:$0x3FB5]  }
0x2f: {  	lr =	sadd.s32 s0, s3;
	s0 =	sld [smem:$0x3FAC]  }
0x30: {  	s3 =	sld [smem:$0x3FAF]  }
0x31: {  	[smem:$0x3FB8] =	sst s10  }
0x32: {  	s10 =	sld [smem:$0x3FB6];
	_ =	sdelay $0x3  }
0x33: {  	p0 =	seq.s32 s10, $0x1;
	s10 =	sld [smem:$0x3FB8];
	_ =	sdelay $0x3  }
0x34: {  	[smem:$0x3FB8] =	sst s10  }
0x35: {  	s10 =	sld [smem:$0x3FB7];
	_ =	sdelay $0x3  }
0x36: {  	p1 =	seq.s32 s10, $0x1;
	s10 =	sld [smem:$0x3FB8];
	_ =	sdelay $0x3  }
0x37: {  	[smem:$0x3FB8] =	sst s10  }
0x38: {  	s10 =	sld [smem:$0x3FB9]  }
0x39: {  	_ = 	snop;
	(pc) =	sbr.ind lr, $3  }
0x3a: {  	_ = 	snop  }
0x3b: {  	_ = 	snop  }
0x3c: {  	p2 =	seq.s32 s10, $0x1;
	s10 =	sld [smem:$0x3FB8]  }
0x3d: {  	_ =	shalt  }
0x3e: {  	_ =	shalt  }
0x3f: {  	_ =	shalt  }
0x40: {  	_ =	shalt  }
0x41: {  	_ =	shalt  }
0x42: {  	_ =	shalt  }
0x43: {  	_ =	shalt  }
0x44: {  	_ =	shalt  }
0x45: {  	_ =	shalt  }
0x46: {  	_ =	shalt  }
0x47: {  	_ =	shalt  }
0x48: {  	_ =	shalt  }
0x49: {  	_ =	shalt  }
0x4a: {  	_ =	shalt  }
0x4b: {  	_ =	shalt  }
0x4c: {  	_ =	shalt  }
0x4d: {  	_ =	shalt  }
0x4e: {  	_ =	shalt  }
0x4f: {  	_ =	shalt  }
0x50: {  	_ =	shalt  }
0x51: {  	_ =	shalt  }
0x52: {  	_ =	shalt  }
0x53: {  	_ =	shalt  }
0x54: {  	_ =	shalt  }
0x55: {  	_ =	shalt  }
0x56: {  	_ =	shalt  }
0x57: {  	_ =	shalt  }
0x58: {  	_ =	shalt  }
0x59: {  	_ =	shalt  }
0x5a: {  	_ =	shalt  }
0x5b: {  	_ =	shalt  }
0x5c: {  	_ =	shalt  }
0x5d: {  	_ =	shalt  }
0x5e: {  	_ =	shalt  }
0x5f: {  	_ =	shalt  }
0x60: {  	_ =	shalt  }
0x61: {  	_ =	shalt  }
0x62: {  	_ =	shalt  }
0x63: {  	_ =	shalt  }
0x64: {  	_ =	shalt  }
0x65: {  	_ =	shalt  }
0x66: {  	_ =	shalt  }
0x67: {  	_ =	shalt  }
0x68: {  	_ =	shalt  }
0x69: {  	_ =	shalt  }
0x6a: {  	_ =	shalt  }
0x6b: {  	_ =	shalt  }
0x6c: {  	_ =	shalt  }
0x6d: {  	_ =	shalt  }
0x6e: {  	_ =	shalt  }
0x6f: {  	_ =	shalt  }
0x70: {  	_ =	shalt  }
0x71: {  	_ =	shalt  }
0x72: {  	_ =	shalt  }
0x73: {  	_ =	shalt  }
0x74: {  	_ =	shalt  }
0x75: {  	_ =	shalt  }
0x76: {  	_ =	shalt  }
0x77: {  	_ =	shalt  }
0x78: {  	_ =	shalt  }
0x79: {  	_ =	shalt  }
0x7a: {  	_ =	shalt  }
0x7b: {  	_ =	shalt  }
0x7c: {  	_ =	shalt  }
0x7d: {  	_ =	shalt  }
0x7e: {  	_ =	shalt  }
0x7f: {  	_ =	shalt  }
0x80: {  	_ =	shalt  }
0x81: {  	_ =	shalt  }
0x82: {  	_ =	shalt  }
0x83: {  	_ =	shalt  }
0x84: {  	_ =	shalt  }
0x85: {  	_ =	shalt  }
0x86: {  	_ =	shalt  }
0x87: {  	_ =	shalt  }
.Lfunc_end0:
.L_simem_size_0:
called_computation_lowered:
.L_overlay_start_0:
0x88: {  	s2 =	sld [smem:$0x3FD9]  }
0x89: {  	s3 =	sld [smem:$0x3FFE];
	_ =	sdelay $0x1  }
0x8a: {  	s1 =	srdreg.scid  }
0x8b: {  	s0 =	sand.u32 $0x1, s1  }
0x8c: {  	s17 =	sshll.u32 s0, $0xA;
	s2 =	sadd.s32 s3, s2  }
0x8d: {  	s2 =	sadd.s32 s2, s17  }
0x8e: {  	[smem:$0x3FC4] =	sst s2  }
0x8f: {  	_ = 	snop  }
0x90: {  	s2 =	sld [smem:$0x3FC7]  }
0x91: {  	s18 =	sld [smem:$0x3FC6]  }
0x92: {  	s4 =	sld [smem:$0x3FD0];
	(tm) =	ssettm $0x1  }
0x93: {  	s5 =	sld [smem:$0x3FFB];
	_ =	sdelay $0x3  }
0x94: {  	_ =	strace s5  }
0x95: {  	s5 =	sld [smem:$0x3FFC];
	_ =	sdelay $0x3  }
0x96: {  	_ =	strace s5  }
0x97: {  	s5 =	sld [smem:$0x3FFD];
	_ =	sdelay $0x3  }
0x98: {  	_ =	strace s5  }
0x99: {  	_ =	strace $0x8FFFFFFF  }
0x9a: {  	s19 =	sld [smem:$0x3FDB];
	_ =	sdelay $0x1  }
0x9b: {  	s6 =	simm.s32 $_scs_section_size  }
0x9c: {  	s7 =	simm.s32 $_size__tile_overlayer_lowered;
	s8 =	simm.s32 $_tile_overlayer_lowered  }
0x9d: {  	s22 =	simm.s32 $0x1BFF;
	s21 =	sshll.u32 s8, $0x1;
	s5 =	sadd.s32 s6, s19  }
0x9e: {  	s9 =	simm.s32 $0x0;
	s20 =	sshll.u32 s7, $0x1;
	s7 =	sadd.s32 s21, s5  }
0x9f: {  	[timem:s9], [sflag:s22] =	dma.local [hbm:s7], s20  }
0xa0: {  	_ =	swait.ge [sflag:s22], s20  }
0xa1: {  	s6 =	ssub.s32 $0x0, s20;
	[sflag:s22] =	ssyncset.done $0x0  }
0xa2: {  	[sflag:s22] =	ssyncadd.s32 s6;
	_ =	sdelay $0x1  }
0xa3: {  	s23 =	simm.s32 $0x1B8B  }
0xa4: {  	_ =	swait.ge [sflag:s23], $0x1  }
0xa5: {  	[sflag:s23] =	ssyncset.done $0x0  }
0xa6: {  	s25 =	simm.s32 $0x1B8E;
	s24 =	sld [smem:$0x3FFE];
	[sflag:s23] =	ssyncadd.s32 $0xFFFFFFFF  }
0xa7: {  	s26 =	simm.s32 $execute0_lowered;
	[smem:$0x3FD2] =	sst s25  }
0xa8: {  	s7 =	sshll.u32 s26, $0x1;
	_ =	strace $0x80000046;
	[dreg:$0x1] =	wrdreg $0xFFFFFFFF  }
0xa9: {  	s28 =	simm.s32 $_size_execute0_lowered;
	s5 =	sadd.s32 s5, s7;
	[dreg:$0x0] =	wrdreg $0x0  }
0xaa: {  	s7 =	sshll.u32 s28, $0x1;
	[dreg:$0x2] =	wrdreg s5  }
0xab: {  	[dreg:$0x3] =	wrdreg s7  }
0xac: {  	[dreg:$0x4] =	wrdreg $0xC0  }
0xad: {  	_ =	task [dreg:s9], $0x5FFFF  }
0xae: {  	[dreg:$0x1] =	wrdreg $0xFFFFFFFF  }
0xaf: {  	[dreg:$0x0] =	wrdreg $0x60  }
0xb0: {  	[dreg:$0x2] =	wrdreg s2  }
0xb1: {  	[dreg:$0x3] =	wrdreg s18  }
0xb2: {  	[dreg:$0x4] =	wrdreg s24  }
0xb3: {  	[dreg:$0x5] =	wrdreg s4  }
0xb4: {  	[dreg:$0x6] =	wrdreg $0x9  }
0xb5: {  	_ =	task.clear_ibuf [dreg:s9], $0x7FFFF;
	_ =	strace $0x90000046  }
0xb6: {  	s29 =	simm.s32 $0x9;
	_ =	strace $0x80000048  }
0xb7: {  	_ =	swait.ge [sflag:s29], $0x1  }
0xb8: {  	[sflag:s29] =	ssyncadd.s32 $0xFFFFFFFF  }
0xb9: {  	_ =	strace $0x90000048  }
0xba: {  	_ =	sfence  }
0xbb: {  	s30 =	sld [smem:$0x0];
	_ =	sdelay $0x2  }
0xbc: {  	s31 =	sshll.u32 s1, $0xD;
	s1 =	sshrl.u32 s1, $0x2  }
0xbd: {  	s3 =	sand.u32 $0x4000, s31;
	s1 =	sadd.s32 s1, s30  }
0xbe: {  	s0 =	sor.u32 s3, s0;
	s1 =	sshll.u32 s1, $0x11  }
0xbf: {  	s0 =	sor.u32 s1, s0  }
0xc0: {  	s0 =	sadd.s32 $0x8F2B, s0  }
0xc1: {  	[sflag:s0] =	ssyncadd.remote.s32 $0x1  }
0xc2: {  	_ =	sfence.sel $0xFFFF  }
0xc3: {  	[dreg:$0x0] =	wrdreg $0xFFFFFFFF;
	(pc) =	sbr.abs _section_cstart, $3  }
0xc4: {  	[dreg:$0x1] =	wrdreg $0xFFFFFFFF  }
0xc5: {  	_ =	task.clear_ibuf [dreg:s9], $0x2FFFF;
	_ =	strace $0x9FFFFFFF  }
0xc6: {  	(tm) =	ssettm $0x7FFFFFFF  }
0xc7: {  	_ =	shalt  }
tec
execute0_lowered:
.L_overlay_start_1:
0x0: {  	(tag) =	ssettag $0x1  }
0x1: {  	s6 =	rddreg [dreg:$0x0]  }
0x2: {  	s7 =	rddreg [dreg:$0x1]  }
0x3: {  	s2 =	rddreg [dreg:$0x2]  }
0x4: {  	s12 =	rddreg [dreg:$0x3]  }
0x5: {  	s1 =	simm.s32 $0x0;
	s3 =	srdreg.scid;
	s17 =	simm.s32 $0x1000  }
0x6: {  	s21 =	simm.s32 $0x10;
	s22 =	simm.s32 $0x400;
	s23 =	simm.s32 $0x1400  }
0x7: {  	s28 =	simm.s32 $0x0;
	[smem:$0x7FF] =	sst s1;
	s8 =	sand.u32 $0x1, s3  }
0x8: {  	s4 =	sadd.s32 $0x800, s2;
	s5 =	sadd.s32 $0xA00, s2;
	s2 =	stileid.u32  }
0x9: {  	_ =	strace $0x80000047;
	s3 =	smul.u32 $0x600, s8;
	s9 =	ssub.s32 $0x2, s8  }
0xa: {  	v0 =	vimm.f32 $0.0e+00;
	s24 =	sshll.u32 s2, $0x6;
	s26 =	sshll.u32 s8, $0x14;
	s8 =	sshll.u32 s2, $0xA  }
0xb: {  	vm0 =	vcmask $0x300;
	vm15 =	vcmask $0x704;
	vm4 =	vcmask $0xB08;
	s10 =	sshrl.u32 s9, $0x1;
	s25 =	sor.u32 $0x10, s24;
	s14 =	sor.u32 s24, s26  }
0xc: {  	vm1 =	vcmask $0xF0C;
	vm5 =	vcmask $0x1310;
	vm6 =	vcmask $0x1714;
	s15 =	sor.u32 $0x20, s24;
	s16 =	sor.u32 $0x30, s24;
	s24 =	simm.s32 $0x5400  }
0xd: {  	vm7 =	vcmask $0x1B18;
	vm8 =	vcmask $0x1F1C;
	vm9 =	vcmask $0x2320;
	s11 =	sshrl.u32 s3, $0x3;
	s13 =	ssub.s32 s9, s10;
	s18 =	sshll.u32 s25, $0x6  }
0xe: {  	vm10 =	vcmask $0x2724;
	vm11 =	vcmask $0x2B28;
	vm12 =	vcmask $0x2F2C;
	s29 =	sshrl.u32 s14, $0x3;
	s19 =	sshll.u32 s15, $0x6;
	s20 =	sshll.u32 s16, $0x6  }
0xf: {  	vm13 =	vcmask $0x3330;
	vm14 =	vcmask $0x3734;
	v16 =	vimm.f32 $1.000000000e+00;
	s10 =	sor.u32 s26, s25;
	s30 =	sor.u32 s26, s15;
	s15 =	simm.s32 $0x600  }
0x10: {  	vm2 =	vcmask $0x3B00;
	v1 =	vsel vm0, $0x3F800000, v0;
	v2 =	vsel vm15, $0x3F800000, v0;
	s25 =	simm.s32 $0x9400;
	s6 =	sadd.s32 s6, s11;
	s7 =	sadd.s32 s7, s11  }
0x11: {  	v3 =	vsel vm4, $0x3F800000, v0;
	v4 =	vsel vm1, $0x3F800000, v0;
	v5 =	vsel vm5, $0x3F800000, v0;
	s9 =	sadd.s32 s12, s29;
	s11 =	sor.u32 s26, s16;
	s10 =	sshrl.u32 s10, $0x3  }
0x12: {  	v6 =	vsel vm6, $0x3F800000, v0;
	v7 =	vsel vm7, $0x3F800000, v0;
	v8 =	vsel vm8, $0x3F800000, v0;
	s14 =	sshrl.u32 s30, $0x3;
	s13 =	smax.u32 s13, $0x1;
	s16 =	simm.s32 $0xC00  }
0x13: {  	v9 =	vsel vm9, $0x3F800000, v0;
	v10 =	vsel vm10, $0x3F800000, v0;
	v11 =	vsel vm11, $0x3F800000, v0;
	s18 =	sshrl.u32 s18, $0x2;
	s19 =	sshrl.u32 s19, $0x2;
	s20 =	sshrl.u32 s20, $0x2  }
0x14: {  	v12 =	vsel vm12, $0x3F800000, v0;
	v13 =	vsel vm13, $0x3F800000, v0;
	vm15 =	vcmask $0x3B38;
	s26 =	simm.s32 $0xD400;
	s31 =	sshrl.u32 s11, $0x3;
	s10 =	sadd.s32 s12, s10  }
0x15: {  	v14 =	vsel vm14, $0x3F800000, v0;
	v16 =	vsel vm2, $0x0, v16;
	v15 =	vsel vm15, $0x3F800000, v0;
	s11 =	sadd.s32 s12, s14;
	s14 =	simm.s32 $0x1;
	s12 =	sadd.s32 s12, s31  }
.LBB2_1:
0x16: {  	[tilespmem:s1], [sflag:$0x1] =	stream.linear.gather [hbm4b:s6+s1], $0x600, $0x38;
	[tilespmem:$0x11400] =	vst v63  }
0x17: {  	_ =	swait.ge [sflag:s14], $0x600  }
0x18: {  	[sflag:s14] =	ssyncset.done $0x0  }
0x19: {  	[sflag:s14] =	ssyncadd.s32 $0xFFFFFA00  }
0x1a: {  	[tilespmem:s15], [sflag:$0x1] =	stream.linear.gather [hbm4b:s7+s1], $0x600, $0x38;
	[tilespmem:$0x11400] =	vst v63  }
0x1b: {  	_ =	swait.ge [sflag:s14], $0x600  }
0x1c: {  	[sflag:s14] =	ssyncset.done $0x0  }
0x1d: {  	[sflag:s14] =	ssyncadd.s32 $0xFFFFFA00  }
0x1e: {  	[tilespmem:s16], [sflag:$0x1] =	stream.linear.gather [hbm4b:s4+s1], $0x400, $0x38;
	[tilespmem:$0x11400] =	vst v63  }
0x1f: {  	_ =	swait.ge [sflag:s14], $0x400  }
0x20: {  	[sflag:s14] =	ssyncset.done $0x0  }
0x21: {  	[sflag:s14] =	ssyncadd.s32 $0xFFFFFC00  }
0x22: {  	[tilespmem:s17], [sflag:$0x1] =	stream.linear.gather [hbm4b:s5+s1], $0x400, $0x38;
	[tilespmem:$0x11400] =	vst v63  }
0x23: {  	_ =	swait.ge [sflag:s14], $0x400  }
0x24: {  	[sflag:s14] =	ssyncset.done $0x0  }
0x25: {  	s30 =	simm.s32 $0x40;
	s29 =	simm.s32 $0x0;
	[sflag:s14] =	ssyncadd.s32 $0xFFFFFC00  }
.LBB2_2:
0x26: {  	p0 =	sne.s32 s30, $0xFFC0;
	[tilespmem:s29+$0xD400] =	vst v0;
	s31 =	smov.u32 s30;
	s30 =	sadd.s32 $0x40, s30  }
.Ltmp0:
0x27: {  	[tilespmem:s29+$0x9400] =	vst v0;
	(pc) =	sbr.rel @p0 .LBB2_2-.Ltmp0, $3  }
0x28: {  	[tilespmem:s29+$0x1400] =	vst v0  }
0x29: {  	[tilespmem:s29+$0x5400] =	vst v0;
	_ =	sdelay $0x1  }
0x2a: {  	s29 =	sshra.s32 s31, $0x2  }
0x2b: {  	[tilespmem:s29+$0xD400] =	vst v0  }
0x2c: {  	[tilespmem:s29+$0x9400] =	vst v0  }
0x2d: {  	[tilespmem:s29+$0x1400] =	vst v0  }
0x2e: {  	[tilespmem:s29+$0x5400] =	vst v0  }
0x2f: {  	[tilespmem:s8+$0x1400] =	vst v1  }
0x30: {  	[tilespmem:s8+$0x1410] =	vst v2  }
0x31: {  	[tilespmem:s8+$0x1420] =	vst v3  }
0x32: {  	[tilespmem:s8+$0x1430] =	vst v4  }
0x33: {  	[tilespmem:s8+$0x1440] =	vst v5  }
0x34: {  	[tilespmem:s8+$0x1450] =	vst v6  }
0x35: {  	[tilespmem:s8+$0x1460] =	vst v7  }
0x36: {  	[tilespmem:s8+$0x1470] =	vst v8  }
0x37: {  	[tilespmem:s8+$0x1480] =	vst v9  }
0x38: {  	[tilespmem:s8+$0x1490] =	vst v10  }
0x39: {  	[tilespmem:s8+$0x14A0] =	vst v11  }
0x3a: {  	[tilespmem:s8+$0x14B0] =	vst v12  }
0x3b: {  	[tilespmem:s8+$0x14C0] =	vst v13  }
0x3c: {  	[tilespmem:s8+$0x14D0] =	vst v14  }
0x3d: {  	[tilespmem:s8+$0x14E0] =	vst v15  }
0x3e: {  	[tilespmem:s8+$0x14F0] =	vst v16  }
0x3f: {  	[tilespmem:s18+$0x5400] =	vst v1  }
0x40: {  	[tilespmem:s8+$0x5510] =	vst v2  }
0x41: {  	[tilespmem:s8+$0x5520] =	vst v3  }
0x42: {  	[tilespmem:s8+$0x5530] =	vst v4  }
0x43: {  	[tilespmem:s8+$0x5540] =	vst v5  }
0x44: {  	[tilespmem:s8+$0x5550] =	vst v6  }
0x45: {  	[tilespmem:s8+$0x5560] =	vst v7  }
0x46: {  	[tilespmem:s8+$0x5570] =	vst v8  }
0x47: {  	[tilespmem:s8+$0x5580] =	vst v9  }
0x48: {  	[tilespmem:s8+$0x5590] =	vst v10  }
0x49: {  	[tilespmem:s8+$0x55A0] =	vst v11  }
0x4a: {  	[tilespmem:s8+$0x55B0] =	vst v12  }
0x4b: {  	[tilespmem:s8+$0x55C0] =	vst v13  }
0x4c: {  	[tilespmem:s8+$0x55D0] =	vst v14  }
0x4d: {  	[tilespmem:s8+$0x55E0] =	vst v15  }
0x4e: {  	[tilespmem:s8+$0x55F0] =	vst v16  }
0x4f: {  	[tilespmem:s19+$0x9400] =	vst v1  }
0x50: {  	[tilespmem:s8+$0x9610] =	vst v2  }
0x51: {  	[tilespmem:s8+$0x9620] =	vst v3  }
0x52: {  	[tilespmem:s8+$0x9630] =	vst v4  }
0x53: {  	[tilespmem:s8+$0x9640] =	vst v5  }
0x54: {  	[tilespmem:s8+$0x9650] =	vst v6  }
0x55: {  	[tilespmem:s8+$0x9660] =	vst v7  }
0x56: {  	[tilespmem:s8+$0x9670] =	vst v8  }
0x57: {  	[tilespmem:s8+$0x9680] =	vst v9  }
0x58: {  	[tilespmem:s8+$0x9690] =	vst v10  }
0x59: {  	[tilespmem:s8+$0x96A0] =	vst v11  }
0x5a: {  	[tilespmem:s8+$0x96B0] =	vst v12  }
0x5b: {  	[tilespmem:s8+$0x96C0] =	vst v13  }
0x5c: {  	[tilespmem:s8+$0x96D0] =	vst v14  }
0x5d: {  	[tilespmem:s8+$0x96E0] =	vst v15  }
0x5e: {  	[tilespmem:s8+$0x96F0] =	vst v16  }
0x5f: {  	[tilespmem:s20+$0xD400] =	vst v1  }
0x60: {  	[tilespmem:s8+$0xD710] =	vst v2  }
0x61: {  	[tilespmem:s8+$0xD720] =	vst v3  }
0x62: {  	[tilespmem:s8+$0xD730] =	vst v4  }
0x63: {  	[tilespmem:s8+$0xD740] =	vst v5  }
0x64: {  	[tilespmem:s8+$0xD750] =	vst v6  }
0x65: {  	[tilespmem:s8+$0xD760] =	vst v7  }
0x66: {  	[tilespmem:s8+$0xD770] =	vst v8  }
0x67: {  	[tilespmem:s8+$0xD780] =	vst v9  }
0x68: {  	[tilespmem:s8+$0xD790] =	vst v10  }
0x69: {  	[tilespmem:s8+$0xD7A0] =	vst v11  }
0x6a: {  	[tilespmem:s8+$0xD7B0] =	vst v12  }
0x6b: {  	[tilespmem:s8+$0xD7C0] =	vst v13  }
0x6c: {  	[tilespmem:s8+$0xD7D0] =	vst v14  }
0x6d: {  	[tilespmem:s8+$0xD7E0] =	vst v15  }
0x6e: {  	s29 =	simm.s32 $0x0;
	s30 =	smov.u32 s3;
	[tilespmem:s8+$0xD7F0] =	vst v16  }
.LBB2_4:
0x6f: {  	s31 =	sshra.s32 s29, $0x2  }
0x70: {  	v17 =	vld [tilespmem:s31+$0x0]  }
0x71: {  	v18 =	vld [tilespmem:s31+$0x600];
	_ =	sdelay $0x3  }
0x72: {  	v19 =	vshll.u32 v17, $0x4  }
0x73: {  	v20 =	vshll.u32 v18, $0x4;
	(v2sf) =	vpush v19, $0x0  }
0x74: {  	(v2sf) =	vpush v20, $0x0;
	_ =	sdelay $0xb  }
0x75: {  	s0 =	sand.u32 $0x3F0, s30  }
0x76: {  	v17 =	vld [tilespmem:s0+$0xC00]  }
0x77: {  	v18 =	vld [tilespmem:s0+$0x1000];
	s31 =	spop (v2sf)  }
0x78: {  	v21 =	vld [tilespmem:s31+$0x1400];
	s0 =	spop (v2sf)  }
0x79: {  	v22 =	vld [tilespmem:s0+$0x1400];
	_ =	sdelay $0x2  }
0x7a: {  	v23 =	vbroadcast v17, $0x0;
	v24 =	vbroadcast v18, $0x0;
	_ =	sdelay $0x1  }
0x7b: {  	v25 =	vmul.f32 v21, v23;
	v26 =	vmul.f32 v22, v24  }
0x7c: {  	v21 =	vmul.f32 v21, v24;
	v22 =	vmul.f32 v22, v23  }
0x7d: {  	v25 =	vsub.f32 v25, v26  }
0x7e: {  	v21 =	vadd.f32 v22, v21  }
0x7f: {  	[tilespmem:s31+$0x1400] =	vst v25  }
0x80: {  	[tilespmem:s0+$0x1400] =	vst v21;
	v49 =	vld [tilespmem:s0+$0x5400]  }
0x81: {  	v21 =	vld [tilespmem:s31+$0x5400];
	_ =	sdelay $0x4  }
0x82: {  	v51 =	vmul.f32 v49, v24;
	v50 =	vmul.f32 v21, v23  }
0x83: {  	v22 =	vmul.f32 v49, v23;
	v21 =	vmul.f32 v21, v24  }
0x84: {  	v25 =	vsub.f32 v50, v51  }
0x85: {  	v21 =	vadd.f32 v22, v21  }
0x86: {  	[tilespmem:s31+$0x5400] =	vst v25  }
0x87: {  	[tilespmem:s0+$0x5400] =	vst v21;
	v52 =	vld [tilespmem:s0+$0x9400]  }
0x88: {  	v21 =	vld [tilespmem:s31+$0x9400];
	_ =	sdelay $0x4  }
0x89: {  	v54 =	vmul.f32 v52, v24;
	v53 =	vmul.f32 v21, v23  }
0x8a: {  	(v2sf) =	vpush v19, $0x1;
	v22 =	vmul.f32 v52, v23;
	v21 =	vmul.f32 v21, v24  }
0x8b: {  	(v2sf) =	vpush v20, $0x1;
	v25 =	vsub.f32 v53, v54  }
0x8c: {  	v21 =	vadd.f32 v22, v21  }
0x8d: {  	[tilespmem:s31+$0x9400] =	vst v25  }
0x8e: {  	[tilespmem:s0+$0x9400] =	vst v21;
	v55 =	vld [tilespmem:s0+$0xD400]  }
0x8f: {  	v21 =	vld [tilespmem:s31+$0xD400];
	_ =	sdelay $0x4  }
0x90: {  	v57 =	vmul.f32 v55, v24;
	v56 =	vmul.f32 v21, v23  }
0x91: {  	v22 =	vmul.f32 v55, v23;
	v21 =	vmul.f32 v21, v24  }
0x92: {  	v58 =	vsub.f32 v56, v57  }
0x93: {  	v21 =	vadd.f32 v22, v21  }
0x94: {  	[tilespmem:s31+$0xD400] =	vst v58  }
0x95: {  	[tilespmem:s0+$0xD400] =	vst v21;
	s0 =	spop (v2sf)  }
0x96: {  	v21 =	vld [tilespmem:s0+$0x1400];
	s31 =	spop (v2sf)  }
0x97: {  	v59 =	vld [tilespmem:s31+$0x1400];
	_ =	sdelay $0x2  }
0x98: {  	v60 =	vbroadcast v17, $0x1;
	v61 =	vbroadcast v18, $0x1;
	_ =	sdelay $0x1  }
0x99: {  	v62 =	vmul.f32 v21, v60;
	v63 =	vmul.f32 v59, v61  }
0x9a: {  	v21 =	vmul.f32 v21, v61;
	v22 =	vmul.f32 v59, v60  }
0x9b: {  	v25 =	vsub.f32 v62, v63  }
0x9c: {  	v21 =	vadd.f32 v22, v21  }
0x9d: {  	[tilespmem:s0+$0x1400] =	vst v25  }
0x9e: {  	[tilespmem:s31+$0x1400] =	vst v21;
	v28 =	vld [tilespmem:s31+$0x5400]  }
0x9f: {  	v21 =	vld [tilespmem:s0+$0x5400];
	_ =	sdelay $0x4  }
0xa0: {  	v30 =	vmul.f32 v28, v61;
	v29 =	vmul.f32 v21, v60  }
0xa1: {  	v22 =	vmul.f32 v28, v60;
	v21 =	vmul.f32 v21, v61  }
0xa2: {  	v25 =	vsub.f32 v29, v30  }
0xa3: {  	v21 =	vadd.f32 v22, v21  }
0xa4: {  	[tilespmem:s0+$0x5400] =	vst v25  }
0xa5: {  	[tilespmem:s31+$0x5400] =	vst v21;
	v31 =	vld [tilespmem:s31+$0x9400]  }
0xa6: {  	v21 =	vld [tilespmem:s0+$0x9400];
	_ =	sdelay $0x4  }
0xa7: {  	v33 =	vmul.f32 v31, v61;
	v32 =	vmul.f32 v21, v60  }
0xa8: {  	(v2sf) =	vpush v19, $0x2;
	v22 =	vmul.f32 v31, v60;
	v21 =	vmul.f32 v21, v61  }
0xa9: {  	(v2sf) =	vpush v20, $0x2;
	v25 =	vsub.f32 v32, v33  }
0xaa: {  	v21 =	vadd.f32 v22, v21  }
0xab: {  	[tilespmem:s0+$0x9400] =	vst v25  }
0xac: {  	[tilespmem:s31+$0x9400] =	vst v21;
	v34 =	vld [tilespmem:s31+$0xD400]  }
0xad: {  	v21 =	vld [tilespmem:s0+$0xD400];
	_ =	sdelay $0x4  }
0xae: {  	v36 =	vmul.f32 v34, v61;
	v35 =	vmul.f32 v21, v60  }
0xaf: {  	v22 =	vmul.f32 v34, v60;
	v21 =	vmul.f32 v21, v61  }
0xb0: {  	v37 =	vsub.f32 v35, v36  }
0xb1: {  	v21 =	vadd.f32 v22, v21  }
0xb2: {  	[tilespmem:s0+$0xD400] =	vst v37  }
0xb3: {  	s0 =	spop (v2sf);
	[tilespmem:s31+$0xD400] =	vst v21  }
0xb4: {  	s31 =	spop (v2sf);
	v21 =	vld [tilespmem:s0+$0x1400]  }
0xb5: {  	v38 =	vld [tilespmem:s31+$0x1400];
	_ =	sdelay $0x2  }
0xb6: {  	v39 =	vbroadcast v17, $0x2;
	v40 =	vbroadcast v18, $0x2;
	_ =	sdelay $0x1  }
0xb7: {  	v41 =	vmul.f32 v21, v39;
	v42 =	vmul.f32 v38, v40  }
0xb8: {  	v21 =	vmul.f32 v21, v40;
	v22 =	vmul.f32 v38, v39  }
0xb9: {  	v25 =	vsub.f32 v41, v42  }
0xba: {  	v21 =	vadd.f32 v22, v21  }
0xbb: {  	[tilespmem:s0+$0x1400] =	vst v25  }
0xbc: {  	[tilespmem:s31+$0x1400] =	vst v21;
	v43 =	vld [tilespmem:s31+$0x5400]  }
0xbd: {  	v21 =	vld [tilespmem:s0+$0x5400];
	_ =	sdelay $0x4  }
0xbe: {  	v45 =	vmul.f32 v43, v40;
	v44 =	vmul.f32 v21, v39  }
0xbf: {  	v22 =	vmul.f32 v43, v39;
	v21 =	vmul.f32 v21, v40  }
0xc0: {  	v25 =	vsub.f32 v44, v45  }
0xc1: {  	v21 =	vadd.f32 v22, v21  }
0xc2: {  	[tilespmem:s0+$0x5400] =	vst v25  }
0xc3: {  	[tilespmem:s31+$0x5400] =	vst v21;
	v46 =	vld [tilespmem:s31+$0x9400]  }
0xc4: {  	v21 =	vld [tilespmem:s0+$0x9400];
	_ =	sdelay $0x4  }
0xc5: {  	v48 =	vmul.f32 v46, v40;
	v47 =	vmul.f32 v21, v39  }
0xc6: {  	(v2sf) =	vpush v19, $0x3;
	v22 =	vmul.f32 v46, v39;
	v21 =	vmul.f32 v21, v40  }
0xc7: {  	(v2sf) =	vpush v20, $0x3;
	v25 =	vsub.f32 v47, v48  }
0xc8: {  	v21 =	vadd.f32 v22, v21  }
0xc9: {  	[tilespmem:s0+$0x9400] =	vst v25  }
0xca: {  	[tilespmem:s31+$0x9400] =	vst v21;
	v49 =	vld [tilespmem:s31+$0xD400]  }
0xcb: {  	v21 =	vld [tilespmem:s0+$0xD400];
	_ =	sdelay $0x4  }
0xcc: {  	v51 =	vmul.f32 v49, v40;
	v50 =	vmul.f32 v21, v39  }
0xcd: {  	v22 =	vmul.f32 v49, v39;
	v21 =	vmul.f32 v21, v40  }
0xce: {  	v52 =	vsub.f32 v50, v51  }
0xcf: {  	v21 =	vadd.f32 v22, v21  }
0xd0: {  	[tilespmem:s0+$0xD400] =	vst v52  }
0xd1: {  	s0 =	spop (v2sf);
	[tilespmem:s31+$0xD400] =	vst v21  }
0xd2: {  	s31 =	spop (v2sf);
	v21 =	vld [tilespmem:s0+$0x1400]  }
0xd3: {  	v53 =	vld [tilespmem:s31+$0x1400];
	_ =	sdelay $0x2  }
0xd4: {  	v54 =	vbroadcast v17, $0x3;
	v55 =	vbroadcast v18, $0x3;
	_ =	sdelay $0x1  }
0xd5: {  	v56 =	vmul.f32 v21, v54;
	v57 =	vmul.f32 v53, v55  }
0xd6: {  	v21 =	vmul.f32 v21, v55;
	v22 =	vmul.f32 v53, v54  }
0xd7: {  	v25 =	vsub.f32 v56, v57  }
0xd8: {  	v21 =	vadd.f32 v22, v21  }
0xd9: {  	[tilespmem:s0+$0x1400] =	vst v25  }
0xda: {  	[tilespmem:s31+$0x1400] =	vst v21;
	v58 =	vld [tilespmem:s31+$0x5400]  }
0xdb: {  	v21 =	vld [tilespmem:s0+$0x5400];
	_ =	sdelay $0x4  }
0xdc: {  	v60 =	vmul.f32 v58, v55;
	v59 =	vmul.f32 v21, v54  }
0xdd: {  	v22 =	vmul.f32 v58, v54;
	v21 =	vmul.f32 v21, v55  }
0xde: {  	v25 =	vsub.f32 v59, v60  }
0xdf: {  	v21 =	vadd.f32 v22, v21  }
0xe0: {  	[tilespmem:s0+$0x5400] =	vst v25  }
0xe1: {  	[tilespmem:s31+$0x5400] =	vst v21;
	v61 =	vld [tilespmem:s31+$0x9400]  }
0xe2: {  	v21 =	vld [tilespmem:s0+$0x9400];
	_ =	sdelay $0x4  }
0xe3: {  	v63 =	vmul.f32 v61, v55;
	v62 =	vmul.f32 v21, v54  }
0xe4: {  	(v2sf) =	vpush v19, $0x4;
	v22 =	vmul.f32 v61, v54;
	v21 =	vmul.f32 v21, v55  }
0xe5: {  	(v2sf) =	vpush v20, $0x4;
	v25 =	vsub.f32 v62, v63  }
0xe6: {  	v21 =	vadd.f32 v22, v21  }
0xe7: {  	[tilespmem:s0+$0x9400] =	vst v25  }
0xe8: {  	[tilespmem:s31+$0x9400] =	vst v21;
	v28 =	vld [tilespmem:s31+$0xD400]  }
0xe9: {  	v21 =	vld [tilespmem:s0+$0xD400];
	_ =	sdelay $0x4  }
0xea: {  	v30 =	vmul.f32 v28, v55;
	v29 =	vmul.f32 v21, v54  }
0xeb: {  	v22 =	vmul.f32 v28, v54;
	v21 =	vmul.f32 v21, v55  }
0xec: {  	v31 =	vsub.f32 v29, v30  }
0xed: {  	v21 =	vadd.f32 v22, v21  }
0xee: {  	[tilespmem:s0+$0xD400] =	vst v31  }
0xef: {  	s0 =	spop (v2sf);
	[tilespmem:s31+$0xD400] =	vst v21  }
0xf0: {  	s31 =	spop (v2sf);
	v21 =	vld [tilespmem:s0+$0x1400]  }
0xf1: {  	v32 =	vld [tilespmem:s31+$0x1400];
	_ =	sdelay $0x2  }
0xf2: {  	v33 =	vbroadcast v17, $0x4;
	v34 =	vbroadcast v18, $0x4;
	_ =	sdelay $0x1  }
0xf3: {  	v35 =	vmul.f32 v21, v33;
	v36 =	vmul.f32 v32, v34  }
0xf4: {  	v21 =	vmul.f32 v21, v34;
	v22 =	vmul.f32 v32, v33  }
0xf5: {  	v25 =	vsub.f32 v35, v36  }
0xf6: {  	v21 =	vadd.f32 v22, v21  }
0xf7: {  	[tilespmem:s0+$0x1400] =	vst v25  }
0xf8: {  	[tilespmem:s31+$0x1400] =	vst v21;
	v37 =	vld [tilespmem:s31+$0x5400]  }
0xf9: {  	v21 =	vld [tilespmem:s0+$0x5400];
	_ =	sdelay $0x4  }
0xfa: {  	v39 =	vmul.f32 v37, v34;
	v38 =	vmul.f32 v21, v33  }
0xfb: {  	v22 =	vmul.f32 v37, v33;
	v21 =	vmul.f32 v21, v34  }
0xfc: {  	v25 =	vsub.f32 v38, v39  }
0xfd: {  	v21 =	vadd.f32 v22, v21  }
0xfe: {  	[tilespmem:s0+$0x5400] =	vst v25  }
0xff: {  	[tilespmem:s31+$0x5400] =	vst v21;
	v40 =	vld [tilespmem:s31+$0x9400]  }
0x100: {  	v21 =	vld [tilespmem:s0+$0x9400];
	_ =	sdelay $0x4  }
0x101: {  	v42 =	vmul.f32 v40, v34;
	v41 =	vmul.f32 v21, v33  }
0x102: {  	(v2sf) =	vpush v19, $0x5;
	v22 =	vmul.f32 v40, v33;
	v21 =	vmul.f32 v21, v34  }
0x103: {  	(v2sf) =	vpush v20, $0x5;
	v25 =	vsub.f32 v41, v42  }
0x104: {  	v21 =	vadd.f32 v22, v21  }
0x105: {  	[tilespmem:s0+$0x9400] =	vst v25  }
0x106: {  	[tilespmem:s31+$0x9400] =	vst v21;
	v43 =	vld [tilespmem:s31+$0xD400]  }
0x107: {  	v21 =	vld [tilespmem:s0+$0xD400];
	_ =	sdelay $0x4  }
0x108: {  	v45 =	vmul.f32 v43, v34;
	v44 =	vmul.f32 v21, v33  }
0x109: {  	v22 =	vmul.f32 v43, v33;
	v21 =	vmul.f32 v21, v34  }
0x10a: {  	v46 =	vsub.f32 v44, v45  }
0x10b: {  	v21 =	vadd.f32 v22, v21  }
0x10c: {  	[tilespmem:s0+$0xD400] =	vst v46  }
0x10d: {  	s0 =	spop (v2sf);
	[tilespmem:s31+$0xD400] =	vst v21  }
0x10e: {  	s31 =	spop (v2sf);
	v21 =	vld [tilespmem:s0+$0x1400]  }
0x10f: {  	v47 =	vld [tilespmem:s31+$0x1400];
	_ =	sdelay $0x2  }
0x110: {  	v48 =	vbroadcast v17, $0x5;
	v49 =	vbroadcast v18, $0x5;
	_ =	sdelay $0x1  }
0x111: {  	v50 =	vmul.f32 v21, v48;
	v51 =	vmul.f32 v47, v49  }
0x112: {  	v21 =	vmul.f32 v21, v49;
	v22 =	vmul.f32 v47, v48  }
0x113: {  	v25 =	vsub.f32 v50, v51  }
0x114: {  	v21 =	vadd.f32 v22, v21  }
0x115: {  	[tilespmem:s0+$0x1400] =	vst v25  }
0x116: {  	[tilespmem:s31+$0x1400] =	vst v21;
	v52 =	vld [tilespmem:s31+$0x5400]  }
0x117: {  	v21 =	vld [tilespmem:s0+$0x5400];
	_ =	sdelay $0x4  }
0x118: {  	v54 =	vmul.f32 v52, v49;
	v53 =	vmul.f32 v21, v48  }
0x119: {  	v22 =	vmul.f32 v52, v48;
	v21 =	vmul.f32 v21, v49  }
0x11a: {  	v25 =	vsub.f32 v53, v54  }
0x11b: {  	v21 =	vadd.f32 v22, v21  }
0x11c: {  	[tilespmem:s0+$0x5400] =	vst v25  }
0x11d: {  	[tilespmem:s31+$0x5400] =	vst v21;
	v55 =	vld [tilespmem:s31+$0x9400]  }
0x11e: {  	v21 =	vld [tilespmem:s0+$0x9400];
	_ =	sdelay $0x4  }
0x11f: {  	v57 =	vmul.f32 v55, v49;
	v56 =	vmul.f32 v21, v48  }
0x120: {  	(v2sf) =	vpush v19, $0x6;
	v22 =	vmul.f32 v55, v48;
	v21 =	vmul.f32 v21, v49  }
0x121: {  	(v2sf) =	vpush v20, $0x6;
	v25 =	vsub.f32 v56, v57  }
0x122: {  	v21 =	vadd.f32 v22, v21  }
0x123: {  	[tilespmem:s0+$0x9400] =	vst v25  }
0x124: {  	[tilespmem:s31+$0x9400] =	vst v21;
	v58 =	vld [tilespmem:s31+$0xD400]  }
0x125: {  	v21 =	vld [tilespmem:s0+$0xD400];
	_ =	sdelay $0x4  }
0x126: {  	v60 =	vmul.f32 v58, v49;
	v59 =	vmul.f32 v21, v48  }
0x127: {  	v22 =	vmul.f32 v58, v48;
	v21 =	vmul.f32 v21, v49  }
0x128: {  	v61 =	vsub.f32 v59, v60  }
0x129: {  	v21 =	vadd.f32 v22, v21  }
0x12a: {  	[tilespmem:s0+$0xD400] =	vst v61  }
0x12b: {  	s0 =	spop (v2sf);
	[tilespmem:s31+$0xD400] =	vst v21  }
0x12c: {  	s31 =	spop (v2sf);
	v21 =	vld [tilespmem:s0+$0x1400]  }
0x12d: {  	v62 =	vld [tilespmem:s31+$0x1400];
	_ =	sdelay $0x2  }
0x12e: {  	v63 =	vbroadcast v17, $0x6;
	v28 =	vbroadcast v18, $0x6;
	_ =	sdelay $0x1  }
0x12f: {  	v29 =	vmul.f32 v21, v63;
	v30 =	vmul.f32 v62, v28  }
0x130: {  	v21 =	vmul.f32 v21, v28;
	v22 =	vmul.f32 v62, v63  }
0x131: {  	v25 =	vsub.f32 v29, v30  }
0x132: {  	v21 =	vadd.f32 v22, v21  }
0x133: {  	[tilespmem:s0+$0x1400] =	vst v25  }
0x134: {  	[tilespmem:s31+$0x1400] =	vst v21;
	v31 =	vld [tilespmem:s31+$0x5400]  }
0x135: {  	v21 =	vld [tilespmem:s0+$0x5400];
	_ =	sdelay $0x4  }
0x136: {  	v33 =	vmul.f32 v31, v28;
	v32 =	vmul.f32 v21, v63  }
0x137: {  	v22 =	vmul.f32 v31, v63;
	v21 =	vmul.f32 v21, v28  }
0x138: {  	v25 =	vsub.f32 v32, v33  }
0x139: {  	v21 =	vadd.f32 v22, v21  }
0x13a: {  	[tilespmem:s0+$0x5400] =	vst v25  }
0x13b: {  	[tilespmem:s31+$0x5400] =	vst v21;
	v34 =	vld [tilespmem:s31+$0x9400]  }
0x13c: {  	v21 =	vld [tilespmem:s0+$0x9400];
	_ =	sdelay $0x4  }
0x13d: {  	v36 =	vmul.f32 v34, v28;
	v35 =	vmul.f32 v21, v63  }
0x13e: {  	(v2sf) =	vpush v19, $0x7;
	v22 =	vmul.f32 v34, v63;
	v21 =	vmul.f32 v21, v28  }
0x13f: {  	(v2sf) =	vpush v20, $0x7;
	v25 =	vsub.f32 v35, v36  }
0x140: {  	v21 =	vadd.f32 v22, v21  }
0x141: {  	[tilespmem:s0+$0x9400] =	vst v25  }
0x142: {  	[tilespmem:s31+$0x9400] =	vst v21;
	v37 =	vld [tilespmem:s31+$0xD400]  }
0x143: {  	v21 =	vld [tilespmem:s0+$0xD400];
	_ =	sdelay $0x4  }
0x144: {  	v39 =	vmul.f32 v37, v28;
	v38 =	vmul.f32 v21, v63  }
0x145: {  	v22 =	vmul.f32 v37, v63;
	v21 =	vmul.f32 v21, v28  }
0x146: {  	v40 =	vsub.f32 v38, v39  }
0x147: {  	v21 =	vadd.f32 v22, v21  }
0x148: {  	[tilespmem:s0+$0xD400] =	vst v40  }
0x149: {  	s0 =	spop (v2sf);
	[tilespmem:s31+$0xD400] =	vst v21  }
0x14a: {  	s31 =	spop (v2sf);
	v21 =	vld [tilespmem:s0+$0x1400]  }
0x14b: {  	v41 =	vld [tilespmem:s31+$0x1400];
	_ =	sdelay $0x2  }
0x14c: {  	v42 =	vbroadcast v17, $0x7;
	v43 =	vbroadcast v18, $0x7;
	_ =	sdelay $0x1  }
0x14d: {  	v44 =	vmul.f32 v21, v42;
	v45 =	vmul.f32 v41, v43  }
0x14e: {  	v21 =	vmul.f32 v21, v43;
	v22 =	vmul.f32 v41, v42  }
0x14f: {  	v25 =	vsub.f32 v44, v45  }
0x150: {  	v21 =	vadd.f32 v22, v21  }
0x151: {  	[tilespmem:s0+$0x1400] =	vst v25  }
0x152: {  	[tilespmem:s31+$0x1400] =	vst v21;
	v46 =	vld [tilespmem:s31+$0x5400]  }
0x153: {  	v21 =	vld [tilespmem:s0+$0x5400];
	_ =	sdelay $0x4  }
0x154: {  	v48 =	vmul.f32 v46, v43;
	v47 =	vmul.f32 v21, v42  }
0x155: {  	v22 =	vmul.f32 v46, v42;
	v21 =	vmul.f32 v21, v43  }
0x156: {  	v25 =	vsub.f32 v47, v48  }
0x157: {  	v21 =	vadd.f32 v22, v21  }
0x158: {  	[tilespmem:s0+$0x5400] =	vst v25  }
0x159: {  	[tilespmem:s31+$0x5400] =	vst v21;
	v49 =	vld [tilespmem:s31+$0x9400]  }
0x15a: {  	v21 =	vld [tilespmem:s0+$0x9400];
	_ =	sdelay $0x4  }
0x15b: {  	v51 =	vmul.f32 v49, v43;
	v50 =	vmul.f32 v21, v42  }
0x15c: {  	(v2sf) =	vpush v19, $0x8;
	v22 =	vmul.f32 v49, v42;
	v21 =	vmul.f32 v21, v43  }
0x15d: {  	(v2sf) =	vpush v20, $0x8;
	v25 =	vsub.f32 v50, v51  }
0x15e: {  	v21 =	vadd.f32 v22, v21  }
0x15f: {  	[tilespmem:s0+$0x9400] =	vst v25  }
0x160: {  	[tilespmem:s31+$0x9400] =	vst v21;
	v52 =	vld [tilespmem:s31+$0xD400]  }
0x161: {  	v21 =	vld [tilespmem:s0+$0xD400];
	_ =	sdelay $0x4  }
0x162: {  	v54 =	vmul.f32 v52, v43;
	v53 =	vmul.f32 v21, v42  }
0x163: {  	v22 =	vmul.f32 v52, v42;
	v21 =	vmul.f32 v21, v43  }
0x164: {  	v55 =	vsub.f32 v53, v54  }
0x165: {  	v21 =	vadd.f32 v22, v21  }
0x166: {  	[tilespmem:s0+$0xD400] =	vst v55  }
0x167: {  	s0 =	spop (v2sf);
	[tilespmem:s31+$0xD400] =	vst v21  }
0x168: {  	s31 =	spop (v2sf);
	v21 =	vld [tilespmem:s0+$0x1400]  }
0x169: {  	v56 =	vld [tilespmem:s31+$0x1400];
	_ =	sdelay $0x2  }
0x16a: {  	v57 =	vbroadcast v17, $0x8;
	v58 =	vbroadcast v18, $0x8;
	_ =	sdelay $0x1  }
0x16b: {  	v59 =	vmul.f32 v21, v57;
	v60 =	vmul.f32 v56, v58  }
0x16c: {  	v21 =	vmul.f32 v21, v58;
	v22 =	vmul.f32 v56, v57  }
0x16d: {  	v25 =	vsub.f32 v59, v60  }
0x16e: {  	v21 =	vadd.f32 v22, v21  }
0x16f: {  	[tilespmem:s0+$0x1400] =	vst v25  }
0x170: {  	[tilespmem:s31+$0x1400] =	vst v21;
	v61 =	vld [tilespmem:s31+$0x5400]  }
0x171: {  	v21 =	vld [tilespmem:s0+$0x5400];
	_ =	sdelay $0x4  }
0x172: {  	v63 =	vmul.f32 v61, v58;
	v62 =	vmul.f32 v21, v57  }
0x173: {  	v22 =	vmul.f32 v61, v57;
	v21 =	vmul.f32 v21, v58  }
0x174: {  	v25 =	vsub.f32 v62, v63  }
0x175: {  	v21 =	vadd.f32 v22, v21  }
0x176: {  	[tilespmem:s0+$0x5400] =	vst v25  }
0x177: {  	[tilespmem:s31+$0x5400] =	vst v21;
	v28 =	vld [tilespmem:s31+$0x9400]  }
0x178: {  	v21 =	vld [tilespmem:s0+$0x9400];
	_ =	sdelay $0x4  }
0x179: {  	v30 =	vmul.f32 v28, v58;
	v29 =	vmul.f32 v21, v57  }
0x17a: {  	(v2sf) =	vpush v19, $0x9;
	v22 =	vmul.f32 v28, v57;
	v21 =	vmul.f32 v21, v58  }
0x17b: {  	(v2sf) =	vpush v20, $0x9;
	v25 =	vsub.f32 v29, v30  }
0x17c: {  	v21 =	vadd.f32 v22, v21  }
0x17d: {  	[tilespmem:s0+$0x9400] =	vst v25  }
0x17e: {  	[tilespmem:s31+$0x9400] =	vst v21;
	v31 =	vld [tilespmem:s31+$0xD400]  }
0x17f: {  	v21 =	vld [tilespmem:s0+$0xD400];
	_ =	sdelay $0x4  }
0x180: {  	v33 =	vmul.f32 v31, v58;
	v32 =	vmul.f32 v21, v57  }
0x181: {  	v22 =	vmul.f32 v31, v57;
	v21 =	vmul.f32 v21, v58  }
0x182: {  	v34 =	vsub.f32 v32, v33  }
0x183: {  	v21 =	vadd.f32 v22, v21  }
0x184: {  	[tilespmem:s0+$0xD400] =	vst v34  }
0x185: {  	s0 =	spop (v2sf);
	[tilespmem:s31+$0xD400] =	vst v21  }
0x186: {  	s31 =	spop (v2sf);
	v21 =	vld [tilespmem:s0+$0x1400]  }
0x187: {  	v35 =	vld [tilespmem:s31+$0x1400];
	_ =	sdelay $0x2  }
0x188: {  	v36 =	vbroadcast v17, $0x9;
	v37 =	vbroadcast v18, $0x9;
	_ =	sdelay $0x1  }
0x189: {  	v38 =	vmul.f32 v21, v36;
	v39 =	vmul.f32 v35, v37  }
0x18a: {  	v21 =	vmul.f32 v21, v37;
	v22 =	vmul.f32 v35, v36  }
0x18b: {  	v25 =	vsub.f32 v38, v39  }
0x18c: {  	v21 =	vadd.f32 v22, v21  }
0x18d: {  	[tilespmem:s0+$0x1400] =	vst v25  }
0x18e: {  	[tilespmem:s31+$0x1400] =	vst v21;
	v40 =	vld [tilespmem:s31+$0x5400]  }
0x18f: {  	v21 =	vld [tilespmem:s0+$0x5400];
	_ =	sdelay $0x4  }
0x190: {  	v42 =	vmul.f32 v40, v37;
	v41 =	vmul.f32 v21, v36  }
0x191: {  	v22 =	vmul.f32 v40, v36;
	v21 =	vmul.f32 v21, v37  }
0x192: {  	v25 =	vsub.f32 v41, v42  }
0x193: {  	v21 =	vadd.f32 v22, v21  }
0x194: {  	[tilespmem:s0+$0x5400] =	vst v25  }
0x195: {  	[tilespmem:s31+$0x5400] =	vst v21;
	v43 =	vld [tilespmem:s31+$0x9400]  }
0x196: {  	v21 =	vld [tilespmem:s0+$0x9400];
	_ =	sdelay $0x4  }
0x197: {  	v45 =	vmul.f32 v43, v37;
	v44 =	vmul.f32 v21, v36  }
0x198: {  	(v2sf) =	vpush v19, $0xA;
	v22 =	vmul.f32 v43, v36;
	v21 =	vmul.f32 v21, v37  }
0x199: {  	(v2sf) =	vpush v20, $0xA;
	v25 =	vsub.f32 v44, v45  }
0x19a: {  	v21 =	vadd.f32 v22, v21  }
0x19b: {  	[tilespmem:s0+$0x9400] =	vst v25  }
0x19c: {  	[tilespmem:s31+$0x9400] =	vst v21;
	v46 =	vld [tilespmem:s31+$0xD400]  }
0x19d: {  	v21 =	vld [tilespmem:s0+$0xD400];
	_ =	sdelay $0x4  }
0x19e: {  	v48 =	vmul.f32 v46, v37;
	v47 =	vmul.f32 v21, v36  }
0x19f: {  	v22 =	vmul.f32 v46, v36;
	v21 =	vmul.f32 v21, v37  }
0x1a0: {  	v49 =	vsub.f32 v47, v48  }
0x1a1: {  	v21 =	vadd.f32 v22, v21  }
0x1a2: {  	[tilespmem:s0+$0xD400] =	vst v49  }
0x1a3: {  	s0 =	spop (v2sf);
	[tilespmem:s31+$0xD400] =	vst v21  }
0x1a4: {  	s31 =	spop (v2sf);
	v21 =	vld [tilespmem:s0+$0x1400]  }
0x1a5: {  	v50 =	vld [tilespmem:s31+$0x1400];
	_ =	sdelay $0x2  }
0x1a6: {  	v51 =	vbroadcast v17, $0xA;
	v52 =	vbroadcast v18, $0xA;
	_ =	sdelay $0x1  }
0x1a7: {  	v53 =	vmul.f32 v21, v51;
	v54 =	vmul.f32 v50, v52  }
0x1a8: {  	v21 =	vmul.f32 v21, v52;
	v22 =	vmul.f32 v50, v51  }
0x1a9: {  	v25 =	vsub.f32 v53, v54  }
0x1aa: {  	v21 =	vadd.f32 v22, v21  }
0x1ab: {  	[tilespmem:s0+$0x1400] =	vst v25  }
0x1ac: {  	[tilespmem:s31+$0x1400] =	vst v21;
	v55 =	vld [tilespmem:s31+$0x5400]  }
0x1ad: {  	v21 =	vld [tilespmem:s0+$0x5400];
	_ =	sdelay $0x4  }
0x1ae: {  	v57 =	vmul.f32 v55, v52;
	v56 =	vmul.f32 v21, v51  }
0x1af: {  	v22 =	vmul.f32 v55, v51;
	v21 =	vmul.f32 v21, v52  }
0x1b0: {  	v25 =	vsub.f32 v56, v57  }
0x1b1: {  	v21 =	vadd.f32 v22, v21  }
0x1b2: {  	[tilespmem:s0+$0x5400] =	vst v25  }
0x1b3: {  	[tilespmem:s31+$0x5400] =	vst v21;
	v58 =	vld [tilespmem:s31+$0x9400]  }
0x1b4: {  	v21 =	vld [tilespmem:s0+$0x9400];
	_ =	sdelay $0x4  }
0x1b5: {  	v60 =	vmul.f32 v58, v52;
	v59 =	vmul.f32 v21, v51  }
0x1b6: {  	(v2sf) =	vpush v19, $0xB;
	v22 =	vmul.f32 v58, v51;
	v21 =	vmul.f32 v21, v52  }
0x1b7: {  	(v2sf) =	vpush v20, $0xB;
	v25 =	vsub.f32 v59, v60  }
0x1b8: {  	v21 =	vadd.f32 v22, v21  }
0x1b9: {  	[tilespmem:s0+$0x9400] =	vst v25  }
0x1ba: {  	[tilespmem:s31+$0x9400] =	vst v21;
	v61 =	vld [tilespmem:s31+$0xD400]  }
0x1bb: {  	v21 =	vld [tilespmem:s0+$0xD400];
	_ =	sdelay $0x4  }
0x1bc: {  	v63 =	vmul.f32 v61, v52;
	v62 =	vmul.f32 v21, v51  }
0x1bd: {  	v22 =	vmul.f32 v61, v51;
	v21 =	vmul.f32 v21, v52  }
0x1be: {  	v28 =	vsub.f32 v62, v63  }
0x1bf: {  	v21 =	vadd.f32 v22, v21  }
0x1c0: {  	[tilespmem:s0+$0xD400] =	vst v28  }
0x1c1: {  	s0 =	spop (v2sf);
	[tilespmem:s31+$0xD400] =	vst v21  }
0x1c2: {  	s31 =	spop (v2sf);
	v21 =	vld [tilespmem:s0+$0x1400]  }
0x1c3: {  	v29 =	vld [tilespmem:s31+$0x1400];
	_ =	sdelay $0x2  }
0x1c4: {  	v30 =	vbroadcast v17, $0xB;
	v31 =	vbroadcast v18, $0xB;
	_ =	sdelay $0x1  }
0x1c5: {  	v32 =	vmul.f32 v21, v30;
	v33 =	vmul.f32 v29, v31  }
0x1c6: {  	v21 =	vmul.f32 v21, v31;
	v22 =	vmul.f32 v29, v30  }
0x1c7: {  	v25 =	vsub.f32 v32, v33  }
0x1c8: {  	v21 =	vadd.f32 v22, v21  }
0x1c9: {  	[tilespmem:s0+$0x1400] =	vst v25  }
0x1ca: {  	[tilespmem:s31+$0x1400] =	vst v21;
	v34 =	vld [tilespmem:s31+$0x5400]  }
0x1cb: {  	v21 =	vld [tilespmem:s0+$0x5400];
	_ =	sdelay $0x4  }
0x1cc: {  	v36 =	vmul.f32 v34, v31;
	v35 =	vmul.f32 v21, v30  }
0x1cd: {  	v22 =	vmul.f32 v34, v30;
	v21 =	vmul.f32 v21, v31  }
0x1ce: {  	v25 =	vsub.f32 v35, v36  }
0x1cf: {  	v21 =	vadd.f32 v22, v21  }
0x1d0: {  	[tilespmem:s0+$0x5400] =	vst v25  }
0x1d1: {  	[tilespmem:s31+$0x5400] =	vst v21;
	v37 =	vld [tilespmem:s31+$0x9400]  }
0x1d2: {  	v21 =	vld [tilespmem:s0+$0x9400];
	_ =	sdelay $0x4  }
0x1d3: {  	v39 =	vmul.f32 v37, v31;
	v38 =	vmul.f32 v21, v30  }
0x1d4: {  	(v2sf) =	vpush v19, $0xC;
	v22 =	vmul.f32 v37, v30;
	v21 =	vmul.f32 v21, v31  }
0x1d5: {  	(v2sf) =	vpush v20, $0xC;
	v25 =	vsub.f32 v38, v39  }
0x1d6: {  	v21 =	vadd.f32 v22, v21  }
0x1d7: {  	[tilespmem:s0+$0x9400] =	vst v25  }
0x1d8: {  	[tilespmem:s31+$0x9400] =	vst v21;
	v40 =	vld [tilespmem:s31+$0xD400]  }
0x1d9: {  	v21 =	vld [tilespmem:s0+$0xD400];
	_ =	sdelay $0x4  }
0x1da: {  	v42 =	vmul.f32 v40, v31;
	v41 =	vmul.f32 v21, v30  }
0x1db: {  	v22 =	vmul.f32 v40, v30;
	v21 =	vmul.f32 v21, v31  }
0x1dc: {  	v43 =	vsub.f32 v41, v42  }
0x1dd: {  	v21 =	vadd.f32 v22, v21  }
0x1de: {  	[tilespmem:s0+$0xD400] =	vst v43  }
0x1df: {  	s0 =	spop (v2sf);
	[tilespmem:s31+$0xD400] =	vst v21  }
0x1e0: {  	s31 =	spop (v2sf);
	v21 =	vld [tilespmem:s0+$0x1400]  }
0x1e1: {  	v44 =	vld [tilespmem:s31+$0x1400];
	_ =	sdelay $0x2  }
0x1e2: {  	v45 =	vbroadcast v17, $0xC;
	v46 =	vbroadcast v18, $0xC;
	_ =	sdelay $0x1  }
0x1e3: {  	v47 =	vmul.f32 v21, v45;
	v48 =	vmul.f32 v44, v46  }
0x1e4: {  	v21 =	vmul.f32 v21, v46;
	v22 =	vmul.f32 v44, v45  }
0x1e5: {  	v25 =	vsub.f32 v47, v48  }
0x1e6: {  	v21 =	vadd.f32 v22, v21  }
0x1e7: {  	[tilespmem:s0+$0x1400] =	vst v25  }
0x1e8: {  	[tilespmem:s31+$0x1400] =	vst v21;
	v49 =	vld [tilespmem:s31+$0x5400]  }
0x1e9: {  	v21 =	vld [tilespmem:s0+$0x5400];
	_ =	sdelay $0x4  }
0x1ea: {  	v51 =	vmul.f32 v49, v46;
	v50 =	vmul.f32 v21, v45  }
0x1eb: {  	v22 =	vmul.f32 v49, v45;
	v21 =	vmul.f32 v21, v46  }
0x1ec: {  	v25 =	vsub.f32 v50, v51  }
0x1ed: {  	v21 =	vadd.f32 v22, v21  }
0x1ee: {  	[tilespmem:s0+$0x5400] =	vst v25  }
0x1ef: {  	[tilespmem:s31+$0x5400] =	vst v21;
	v52 =	vld [tilespmem:s31+$0x9400]  }
0x1f0: {  	v21 =	vld [tilespmem:s0+$0x9400];
	_ =	sdelay $0x4  }
0x1f1: {  	v54 =	vmul.f32 v52, v46;
	v53 =	vmul.f32 v21, v45  }
0x1f2: {  	(v2sf) =	vpush v19, $0xD;
	v22 =	vmul.f32 v52, v45;
	v21 =	vmul.f32 v21, v46  }
0x1f3: {  	(v2sf) =	vpush v20, $0xD;
	v25 =	vsub.f32 v53, v54  }
0x1f4: {  	v21 =	vadd.f32 v22, v21  }
0x1f5: {  	[tilespmem:s0+$0x9400] =	vst v25  }
0x1f6: {  	[tilespmem:s31+$0x9400] =	vst v21;
	v55 =	vld [tilespmem:s31+$0xD400]  }
0x1f7: {  	v21 =	vld [tilespmem:s0+$0xD400];
	_ =	sdelay $0x4  }
0x1f8: {  	v57 =	vmul.f32 v55, v46;
	v56 =	vmul.f32 v21, v45  }
0x1f9: {  	v22 =	vmul.f32 v55, v45;
	v21 =	vmul.f32 v21, v46  }
0x1fa: {  	v58 =	vsub.f32 v56, v57  }
0x1fb: {  	v21 =	vadd.f32 v22, v21  }
0x1fc: {  	[tilespmem:s0+$0xD400] =	vst v58  }
0x1fd: {  	s0 =	spop (v2sf);
	[tilespmem:s31+$0xD400] =	vst v21  }
0x1fe: {  	s31 =	spop (v2sf);
	v21 =	vld [tilespmem:s0+$0x1400]  }
0x1ff: {  	v59 =	vld [tilespmem:s31+$0x1400];
	_ =	sdelay $0x2  }
0x200: {  	v60 =	vbroadcast v17, $0xD;
	v61 =	vbroadcast v18, $0xD;
	_ =	sdelay $0x1  }
0x201: {  	v62 =	vmul.f32 v21, v60;
	v63 =	vmul.f32 v59, v61  }
0x202: {  	v21 =	vmul.f32 v21, v61;
	v22 =	vmul.f32 v59, v60  }
0x203: {  	v25 =	vsub.f32 v62, v63  }
0x204: {  	v21 =	vadd.f32 v22, v21  }
0x205: {  	[tilespmem:s0+$0x1400] =	vst v25  }
0x206: {  	[tilespmem:s31+$0x1400] =	vst v21;
	v28 =	vld [tilespmem:s31+$0x5400]  }
0x207: {  	v21 =	vld [tilespmem:s0+$0x5400];
	_ =	sdelay $0x4  }
0x208: {  	v30 =	vmul.f32 v28, v61;
	v29 =	vmul.f32 v21, v60  }
0x209: {  	v22 =	vmul.f32 v28, v60;
	v21 =	vmul.f32 v21, v61  }
0x20a: {  	v25 =	vsub.f32 v29, v30  }
0x20b: {  	v21 =	vadd.f32 v22, v21  }
0x20c: {  	[tilespmem:s0+$0x5400] =	vst v25  }
0x20d: {  	[tilespmem:s31+$0x5400] =	vst v21;
	v31 =	vld [tilespmem:s31+$0x9400]  }
0x20e: {  	v21 =	vld [tilespmem:s0+$0x9400];
	_ =	sdelay $0x4  }
0x20f: {  	v33 =	vmul.f32 v31, v61;
	v32 =	vmul.f32 v21, v60  }
0x210: {  	(v2sf) =	vpush v19, $0xE;
	v22 =	vmul.f32 v31, v60;
	v21 =	vmul.f32 v21, v61  }
0x211: {  	(v2sf) =	vpush v20, $0xE;
	v25 =	vsub.f32 v32, v33  }
0x212: {  	v21 =	vadd.f32 v22, v21  }
0x213: {  	[tilespmem:s0+$0x9400] =	vst v25  }
0x214: {  	[tilespmem:s31+$0x9400] =	vst v21;
	v34 =	vld [tilespmem:s31+$0xD400]  }
0x215: {  	v21 =	vld [tilespmem:s0+$0xD400];
	_ =	sdelay $0x4  }
0x216: {  	v36 =	vmul.f32 v34, v61;
	v35 =	vmul.f32 v21, v60  }
0x217: {  	v22 =	vmul.f32 v34, v60;
	v21 =	vmul.f32 v21, v61  }
0x218: {  	v37 =	vsub.f32 v35, v36  }
0x219: {  	v21 =	vadd.f32 v22, v21  }
0x21a: {  	[tilespmem:s0+$0xD400] =	vst v37  }
0x21b: {  	s0 =	spop (v2sf);
	[tilespmem:s31+$0xD400] =	vst v21  }
0x21c: {  	s31 =	spop (v2sf);
	v21 =	vld [tilespmem:s0+$0x1400]  }
0x21d: {  	v38 =	vld [tilespmem:s31+$0x1400];
	_ =	sdelay $0x2  }
0x21e: {  	v39 =	vbroadcast v17, $0xE;
	v40 =	vbroadcast v18, $0xE;
	_ =	sdelay $0x1  }
0x21f: {  	v41 =	vmul.f32 v21, v39;
	v42 =	vmul.f32 v38, v40  }
0x220: {  	v21 =	vmul.f32 v21, v40;
	v22 =	vmul.f32 v38, v39  }
0x221: {  	v25 =	vsub.f32 v41, v42  }
0x222: {  	v21 =	vadd.f32 v22, v21  }
0x223: {  	[tilespmem:s0+$0x1400] =	vst v25  }
0x224: {  	[tilespmem:s31+$0x1400] =	vst v21;
	v43 =	vld [tilespmem:s31+$0x5400]  }
0x225: {  	v21 =	vld [tilespmem:s0+$0x5400];
	_ =	sdelay $0x4  }
0x226: {  	v45 =	vmul.f32 v43, v40;
	v44 =	vmul.f32 v21, v39  }
0x227: {  	v22 =	vmul.f32 v43, v39;
	v21 =	vmul.f32 v21, v40  }
0x228: {  	v25 =	vsub.f32 v44, v45  }
0x229: {  	v21 =	vadd.f32 v22, v21  }
0x22a: {  	[tilespmem:s0+$0x5400] =	vst v25  }
0x22b: {  	[tilespmem:s31+$0x5400] =	vst v21;
	v46 =	vld [tilespmem:s31+$0x9400]  }
0x22c: {  	v21 =	vld [tilespmem:s0+$0x9400];
	_ =	sdelay $0x4  }
0x22d: {  	v48 =	vmul.f32 v46, v40;
	v47 =	vmul.f32 v21, v39  }
0x22e: {  	(v2sf) =	vpush v19, $0xF;
	v22 =	vmul.f32 v46, v39;
	v21 =	vmul.f32 v21, v40  }
0x22f: {  	(v2sf) =	vpush v20, $0xF;
	v25 =	vsub.f32 v47, v48  }
0x230: {  	v19 =	vadd.f32 v22, v21  }
0x231: {  	[tilespmem:s0+$0x9400] =	vst v25  }
0x232: {  	[tilespmem:s31+$0x9400] =	vst v19;
	v49 =	vld [tilespmem:s31+$0xD400]  }
0x233: {  	v19 =	vld [tilespmem:s0+$0xD400];
	_ =	sdelay $0x4  }
0x234: {  	v51 =	vmul.f32 v49, v40;
	v50 =	vmul.f32 v19, v39  }
0x235: {  	v20 =	vmul.f32 v49, v39;
	v19 =	vmul.f32 v19, v40  }
0x236: {  	v21 =	vsub.f32 v50, v51  }
0x237: {  	v19 =	vadd.f32 v20, v19  }
0x238: {  	[tilespmem:s0+$0xD400] =	vst v21  }
0x239: {  	s0 =	spop (v2sf);
	[tilespmem:s31+$0xD400] =	vst v19  }
0x23a: {  	s31 =	spop (v2sf);
	v19 =	vld [tilespmem:s0+$0x1400]  }
0x23b: {  	v52 =	vld [tilespmem:s31+$0x1400];
	_ =	sdelay $0x2  }
0x23c: {  	v17 =	vbroadcast v17, $0xF;
	v18 =	vbroadcast v18, $0xF;
	_ =	sdelay $0x1  }
0x23d: {  	v53 =	vmul.f32 v19, v17;
	v54 =	vmul.f32 v52, v18  }
0x23e: {  	v19 =	vmul.f32 v19, v18;
	v20 =	vmul.f32 v52, v17  }
0x23f: {  	v21 =	vsub.f32 v53, v54  }
0x240: {  	v19 =	vadd.f32 v20, v19  }
0x241: {  	[tilespmem:s0+$0x1400] =	vst v21  }
0x242: {  	[tilespmem:s31+$0x1400] =	vst v19;
	v55 =	vld [tilespmem:s31+$0x5400]  }
0x243: {  	v19 =	vld [tilespmem:s0+$0x5400];
	_ =	sdelay $0x4  }
0x244: {  	v57 =	vmul.f32 v55, v18;
	v56 =	vmul.f32 v19, v17  }
0x245: {  	v20 =	vmul.f32 v55, v17;
	v19 =	vmul.f32 v19, v18  }
0x246: {  	v21 =	vsub.f32 v56, v57  }
0x247: {  	v19 =	vadd.f32 v20, v19  }
0x248: {  	[tilespmem:s0+$0x5400] =	vst v21  }
0x249: {  	[tilespmem:s31+$0x5400] =	vst v19;
	v58 =	vld [tilespmem:s31+$0x9400]  }
0x24a: {  	v19 =	vld [tilespmem:s0+$0x9400];
	_ =	sdelay $0x4  }
0x24b: {  	v60 =	vmul.f32 v58, v18;
	v59 =	vmul.f32 v19, v17  }
0x24c: {  	v20 =	vmul.f32 v58, v17;
	v19 =	vmul.f32 v19, v18  }
0x24d: {  	v21 =	vsub.f32 v59, v60  }
0x24e: {  	v19 =	vadd.f32 v20, v19  }
0x24f: {  	[tilespmem:s0+$0x9400] =	vst v21  }
0x250: {  	[tilespmem:s31+$0x9400] =	vst v19;
	v61 =	vld [tilespmem:s31+$0xD400]  }
0x251: {  	v19 =	vld [tilespmem:s0+$0xD400];
	_ =	sdelay $0x4  }
0x252: {  	p0 =	sne.s32 s29, $0x17C0;
	v63 =	vmul.f32 v61, v18;
	v62 =	vmul.f32 v19, v17  }
.Ltmp1:
0x253: {  	v18 =	vmul.f32 v19, v18;
	v17 =	vmul.f32 v61, v17;
	(pc) =	sbr.rel @p0 .LBB2_4-.Ltmp1, $4  }
0x254: {  	v19 =	vsub.f32 v62, v63  }
0x255: {  	v17 =	vadd.f32 v17, v18  }
0x256: {  	[tilespmem:s0+$0xD400] =	vst v19  }
0x257: {  	s30 =	sadd.s32 $0x10, s30;
	s29 =	sadd.s32 $0x40, s29;
	[tilespmem:s31+$0xD400] =	vst v17  }
0x258: {  	[hbm4b:s9+s21] =	stream.strided.scatter [tilespmem:s23], [sflag:$0x1], $0x4000, s22, s21, $0x38;
	[tilespmem:$0x11400] =	vst v63  }
0x259: {  	_ =	swait.ge [sflag:s14], $0x4000  }
0x25a: {  	[sflag:s14] =	ssyncset.done $0x0  }
0x25b: {  	[sflag:s14] =	ssyncadd.s32 $0xFFFFC000  }
0x25c: {  	[hbm4b:s10+s21] =	stream.strided.scatter [tilespmem:s24], [sflag:$0x1], $0x4000, s22, s21, $0x38;
	[tilespmem:$0x11400] =	vst v63  }
0x25d: {  	_ =	swait.ge [sflag:s14], $0x4000  }
0x25e: {  	[sflag:s14] =	ssyncset.done $0x0  }
0x25f: {  	[sflag:s14] =	ssyncadd.s32 $0xFFFFC000  }
0x260: {  	[hbm4b:s11+s21] =	stream.strided.scatter [tilespmem:s25], [sflag:$0x1], $0x4000, s22, s21, $0x38;
	[tilespmem:$0x11400] =	vst v63  }
0x261: {  	s28 =	sadd.s32 $0x1, s28;
	_ =	swait.ge [sflag:s14], $0x4000  }
0x262: {  	p0 =	sne.s32 s28, s13;
	[sflag:s14] =	ssyncset.done $0x0  }
.Ltmp2:
0x263: {  	[sflag:s14] =	ssyncadd.s32 $0xFFFFC000;
	(pc) =	sbr.rel @p0 .LBB2_1-.Ltmp2, $4  }
0x264: {  	[hbm4b:s12+s21] =	stream.strided.scatter [tilespmem:s26], [sflag:$0x1], $0x4000, s22, s21, $0x38;
	[tilespmem:$0x11400] =	vst v63  }
0x265: {  	_ =	swait.ge [sflag:s14], $0x4000  }
0x266: {  	[sflag:s14] =	ssyncset.done $0x0  }
0x267: {  	[sflag:s14] =	ssyncadd.s32 $0xFFFFC000  }
0x268: {  	_ =	sfence.sel $0x180000  }
0x269: {  	[bflag:$0x0] =	sbarrier.arrive $0xFFFF  }
0x26a: {  	_ =	strace $0x90000047  }
0x26b: {  	[bflag:$0x2] =	sbarrier.arrive $0xFFFF  }
0x26c: {  	p0 =	sne.s32 s2, $0x0;
	s0 =	rddreg [dreg:$0x4]  }
0x26d: {  	s0 =	sadd.s32 @!p0 $0x100000, s0  }
0x26e: {  	[sflag:s0] =	ssyncadd.tile.s32 @!p0 $0x1;
	_ =	shalt  }
.Lfunc_end2:
_tile_overlayer_lowered:
.L_overlay_start_2:
0x26f: {  	(tag) =	ssettag $0x2  }
0x270: {  	s0 =	rddreg [dreg:$0x0];
	s2 =	stileid.u32  }
0x271: {  	s1 =	rddreg [dreg:$0x1];
	p0 =	sne.s32 s2, $0x0  }
0x272: {  	s3 =	rddreg [dreg:$0x2];
	[bflag:$0x3] =	sbarrier.arrive $0xFFFF;
	s2 =	simm.s32 @!p0 $0x1C01  }
0x273: {  	[timem:s3], [sflag:s2] =	dma.local @!p0 [hbm:s0], s1  }
0x274: {  	s0 =	simm.s32 @!p0 $0x1  }
0x275: {  	_ =	swait.ge @!p0 [sflag:s0], s1  }
0x276: {  	s1 =	ssub.s32 @!p0 $0x0, s1;
	[sflag:s0] =	ssyncset.done @!p0 $0x0  }
0x277: {  	[sflag:s0] =	ssyncadd.s32 @!p0 s1  }
0x278: {  	[bflag:$0x3] =	sbarrier.arrive $0xFFFF  }
0x279: {  	_ =	shalt  }

</sc_bundles>
